<compile_context>
chip_gen: v7x
topology: tpu7x:2x2x1
jax: 0.10.2.dev20260603
libtpu: 0.0.44.dev20260713+nightly
codegen_flags: <defaults>
</compile_context>

<pallas_src>
import functools
import jax
import jax.numpy as jnp
from jax import lax
from jax.experimental import pallas as pl
from jax.experimental.pallas import tpu as pltpu
from jax.experimental.pallas import tpu_sc as plsc

_NW = 32
_R = 4096
_C = 1024
_RPW = _R // _NW
_RB = 4
_NB = _RPW // _RB
_BR = 512


@functools.partial(
    pl.kernel,
    mesh=plsc.VectorSubcoreMesh(core_axis_name="c", subcore_axis_name="s"),
    out_type=jax.ShapeDtypeStruct((3, _R, _C), jnp.float32),
    scratch_types=[
        pltpu.VMEM((1, _RB, _C), jnp.float32),
        pltpu.SemaphoreType.DMA,
    ],
)
def _sc_memset(out_hbm, cbuf, sem):
    wid = lax.axis_index("s") * 2 + lax.axis_index("c")
    for r in range(_RB):
        for c in range(_C // 16):
            cbuf[0, r, pl.ds(c * 16, 16)] = jnp.full((16,), 2.0, jnp.float32)
    row0 = wid * _RPW
    hs = []
    for b in range(_NB):
        dst = out_hbm.at[pl.ds(0, 1), pl.ds(row0 + b * _RB, _RB), :]
        hs.append(pltpu.async_copy(cbuf, dst, sem))
    for h in hs:
        h.wait()


def _tc_body(x_ref, scaf_ref, o1_ref, o2_ref):
    del scaf_ref
    s = pl.program_id(1)
    v = x_ref[...]
    o1_ref[...] = v

    @pl.when(s >= 1)
    def _():
        o2_ref[...] = v


def kernel(x):
    scaffold = _sc_memset()
    blk = (1, _BR, _C)
    out1, out2 = pl.pallas_call(
        _tc_body,
        grid=(_R // _BR, 3),
        in_specs=[
            pl.BlockSpec(blk, lambda i, s: (s, i, 0)),
            pl.BlockSpec(memory_space=pl.ANY),
        ],
        out_specs=[
            pl.BlockSpec(blk, lambda i, s: (s, i, 0)),
            pl.BlockSpec(blk, lambda i, s: (jnp.maximum(s, 1), i, 0)),
        ],
        out_shape=[
            jax.ShapeDtypeStruct(x.shape, x.dtype),
            jax.ShapeDtypeStruct(x.shape, x.dtype),
        ],
        input_output_aliases={1: 1},
    )(x, scaffold)
    return (out1, out2)

# --- scband reference (transcript-rebuilt; emitter-appended) ---
"""Pipeline reference for scband-my-model-61933428415558 (READ-ONLY COPY).

The authoritative reference and input builder live on the scoring server;
editing this copy changes nothing except your own understanding.
"""

import jax, jax.numpy as jnp
import numpy as np


def setup_inputs(seed: int = 0) -> dict:
    key = jax.random.key(seed)
    x = jax.random.normal(key, (3, 4096, 1024), dtype=jnp.float32)
    return {"x": x}


def reference(x):
    # correct_x: clone then masked overwrite with combined_mask=[True, False, False]
    combined_mask = jnp.array([True, False, False])
    correct_x = jnp.where(combined_mask[:, None, None], jnp.float32(2.0), x)
    # incorrect_x: in torch, `temp = incorrect_x[mask1]` produces a COPY (advanced
    # indexing), so the subsequent masked write `temp[...] = 2.0` never propagates
    # back to incorrect_x. incorrect_x therefore equals the original x.
    incorrect_x = x
    return (incorrect_x, correct_x)

if __name__ == "__main__":
    import jax
    _d = setup_inputs()
    print(jax.jit(kernel)(*tuple(_d.values())))

</pallas_src>

<mosaic_0001>
#map = affine_map<(d0, d1) -> (0, 0, 0)>
module attributes {stable_mosaic.version = 14 : i64} {
  func.func @_sc_memset(%arg0: i32, %arg1: i32, %arg2: memref<3x4096x1024xf32, #tpu.memory_space<hbm>>, %arg3: memref<1x4x1024xf32, #tpu.memory_space<vmem>>, %arg4: memref<!tpu.dma_semaphore, #tpu.memory_space<semaphore_mem>>) attributes {dimension_semantics = [#tpu.dimension_semantics<core_parallel>, #tpu.dimension_semantics<subcore_parallel>], iteration_bounds = array<i64: 2, 16>, scalar_prefetch = 0 : i64, scratch_operands = 2 : i64, tpu.core_type = #tpu.core_type<sc_vector_subcore>, window_params = [{transform_indices = #map}]} {
    %mul3A = arith.constant 2 : i32
    %mul3A_0 = arith.muli %arg1, %mul3A : i32
    %add3A = arith.addi %mul3A_0, %arg0 : i32
    %broadcast_in_dim3A = arith.constant 2.000000e+00 : f32
    %broadcast_in_dim3A_1 = vector.broadcast %broadcast_in_dim3A : f32 to vector<16xf32>
    %swap3A = arith.constant 0 : i32
    %swap3A_2 = arith.constant 0 : i32
    %swap3A_3 = arith.index_cast %swap3A : i32 to index
    %swap3A_4 = arith.index_cast %swap3A_2 : i32 to index
    %swap3A_5 = arith.constant 0 : index
    %swap3A_6 = tpu.vector_load %arg3[%swap3A_3, %swap3A_4, %swap3A_5] {strides = array<i32>} : memref<1x4x1024xf32, #tpu.memory_space<vmem>>, vector<1x1x16xf32>,
    %swap3A_7 = vector.shape_cast %swap3A_6 : vector<1x1x16xf32> to vector<16xf32>
    %swap3A_8 = vector.shape_cast %broadcast_in_dim3A_1 : vector<16xf32> to vector<1x1x16xf32>
    tpu.vector_store %arg3[%swap3A_3, %swap3A_4, %swap3A_5], %swap3A_8 {strides = array<i32>} : memref<1x4x1024xf32, #tpu.memory_space<vmem>>, vector<1x1x16xf32>,
    %broadcast_in_dim3A_9 = arith.constant 2.000000e+00 : f32
    %broadcast_in_dim3A_10 = vector.broadcast %broadcast_in_dim3A_9 : f32 to vector<16xf32>
    %swap3A_11 = arith.constant 0 : i32
    %swap3A_12 = arith.constant 0 : i32
    %swap3A_13 = arith.index_cast %swap3A_11 : i32 to index
    %swap3A_14 = arith.index_cast %swap3A_12 : i32 to index
    %swap3A_15 = arith.constant 16 : index
    %swap3A_16 = tpu.vector_load %arg3[%swap3A_13, %swap3A_14, %swap3A_15] {strides = array<i32>} : memref<1x4x1024xf32, #tpu.memory_space<vmem>>, vector<1x1x16xf32>,
    %swap3A_17 = vector.shape_cast %swap3A_16 : vector<1x1x16xf32> to vector<16xf32>
    %swap3A_18 = vector.shape_cast %broadcast_in_dim3A_10 : vector<16xf32> to vector<1x1x16xf32>
    tpu.vector_store %arg3[%swap3A_13, %swap3A_14, %swap3A_15], %swap3A_18 {strides = array<i32>} : memref<1x4x1024xf32, #tpu.memory_space<vmem>>, vector<1x1x16xf32>,
    %broadcast_in_dim3A_19 = arith.constant 2.000000e+00 : f32
    %broadcast_in_dim3A_20 = vector.broadcast %broadcast_in_dim3A_19 : f32 to vector<16xf32>
    %swap3A_21 = arith.constant 0 : i32
    %swap3A_22 = arith.constant 0 : i32
    %swap3A_23 = arith.index_cast %swap3A_21 : i32 to index
    %swap3A_24 = arith.index_cast %swap3A_22 : i32 to index
    %swap3A_25 = arith.constant 32 : index
    %swap3A_26 = tpu.vector_load %arg3[%swap3A_23, %swap3A_24, %swap3A_25] {strides = array<i32>} : memref<1x4x1024xf32, #tpu.memory_space<vmem>>, vector<1x1x16xf32>,
    %swap3A_27 = vector.shape_cast %swap3A_26 : vector<1x1x16xf32> to vector<16xf32>
    %swap3A_28 = vector.shape_cast %broadcast_in_dim3A_20 : vector<16xf32> to vector<1x1x16xf32>
    tpu.vector_store %arg3[%swap3A_23, %swap3A_24, %swap3A_25], %swap3A_28 {strides = array<i32>} : memref<1x4x1024xf32, #tpu.memory_space<vmem>>, vector<1x1x16xf32>,
    %broadcast_in_dim3A_29 = arith.constant 2.000000e+00 : f32
    %broadcast_in_dim3A_30 = vector.broadcast %broadcast_in_dim3A_29 : f32 to vector<16xf32>
    %swap3A_31 = arith.constant 0 : i32
    %swap3A_32 = arith.constant 0 : i32
    %swap3A_33 = arith.index_cast %swap3A_31 : i32 to index
    %swap3A_34 = arith.index_cast %swap3A_32 : i32 to index
    %swap3A_35 = arith.constant 48 : index
    %swap3A_36 = tpu.vector_load %arg3[%swap3A_33, %swap3A_34, %swap3A_35] {strides = array<i32>} : memref<1x4x1024xf32, #tpu.memory_space<vmem>>, vector<1x1x16xf32>,
    %swap3A_37 = vector.shape_cast %swap3A_36 : vector<1x1x16xf32> to vector<16xf32>
    %swap3A_38 = vector.shape_cast %broadcast_in_dim3A_30 : vector<16xf32> to vector<1x1x16xf32>
    tpu.vector_store %arg3[%swap3A_33, %swap3A_34, %swap3A_35], %swap3A_38 {strides = array<i32>} : memref<1x4x1024xf32, #tpu.memory_space<vmem>>, vector<1x1x16xf32>,
    %broadcast_in_dim3A_39 = arith.constant 2.000000e+00 : f32
    %broadcast_in_dim3A_40 = vector.broadcast %broadcast_in_dim3A_39 : f32 to vector<16xf32>
    %swap3A_41 = arith.constant 0 : i32
    %swap3A_42 = arith.constant 0 : i32
    %swap3A_43 = arith.index_cast %swap3A_41 : i32 to index
    %swap3A_44 = arith.index_cast %swap3A_42 : i32 to index
    %swap3A_45 = arith.constant 64 : index
    %swap3A_46 = tpu.vector_load %arg3[%swap3A_43, %swap3A_44, %swap3A_45] {strides = array<i32>} : memref<1x4x1024xf32, #tpu.memory_space<vmem>>, vector<1x1x16xf32>,
    %swap3A_47 = vector.shape_cast %swap3A_46 : vector<1x1x16xf32> to vector<16xf32>
    %swap3A_48 = vector.shape_cast %broadcast_in_dim3A_40 : vector<16xf32> to vector<1x1x16xf32>
    tpu.vector_store %arg3[%swap3A_43, %swap3A_44, %swap3A_45], %swap3A_48 {strides = array<i32>} : memref<1x4x1024xf32, #tpu.memory_space<vmem>>, vector<1x1x16xf32>,
    %broadcast_in_dim3A_49 = arith.constant 2.000000e+00 : f32
    %broadcast_in_dim3A_50 = vector.broadcast %broadcast_in_dim3A_49 : f32 to vector<16xf32>
    %swap3A_51 = arith.constant 0 : i32
    %swap3A_52 = arith.constant 0 : i32
    %swap3A_53 = arith.index_cast %swap3A_51 : i32 to index
    %swap3A_54 = arith.index_cast %swap3A_52 : i32 to index
    %swap3A_55 = arith.constant 80 : index
    %swap3A_56 = tpu.vector_load %arg3[%swap3A_53, %swap3A_54, %swap3A_55] {strides = array<i32>} : memref<1x4x1024xf32, #tpu.memory_space<vmem>>, vector<1x1x16xf32>,
    %swap3A_57 = vector.shape_cast %swap3A_56 : vector<1x1x16xf32> to vector<16xf32>
    %swap3A_58 = vector.shape_cast %broadcast_in_dim3A_50 : vector<16xf32> to vector<1x1x16xf32>
    tpu.vector_store %arg3[%swap3A_53, %swap3A_54, %swap3A_55], %swap3A_58 {strides = array<i32>} : memref<1x4x1024xf32, #tpu.memory_space<vmem>>, vector<1x1x16xf32>,
    %broadcast_in_dim3A_59 = arith.constant 2.000000e+00 : f32
    %broadcast_in_dim3A_60 = vector.broadcast %broadcast_in_dim3A_59 : f32 to vector<16xf32>
    %swap3A_61 = arith.constant 0 : i32
    %swap3A_62 = arith.constant 0 : i32
    %swap3A_63 = arith.index_cast %swap3A_61 : i32 to index
    %swap3A_64 = arith.index_cast %swap3A_62 : i32 to index
    %swap3A_65 = arith.constant 96 : index
    %swap3A_66 = tpu.vector_load %arg3[%swap3A_63, %swap3A_64, %swap3A_65] {strides = array<i32>} : memref<1x4x1024xf32, #tpu.memory_space<vmem>>, vector<1x1x16xf32>,
    %swap3A_67 = vector.shape_cast %swap3A_66 : vector<1x1x16xf32> to vector<16xf32>
    %swap3A_68 = vector.shape_cast %broadcast_in_dim3A_60 : vector<16xf32> to vector<1x1x16xf32>
    tpu.vector_store %arg3[%swap3A_63, %swap3A_64, %swap3A_65], %swap3A_68 {strides = array<i32>} : memref<1x4x1024xf32, #tpu.memory_space<vmem>>, vector<1x1x16xf32>,
    %broadcast_in_dim3A_69 = arith.constant 2.000000e+00 : f32
    %broadcast_in_dim3A_70 = vector.broadcast %broadcast_in_dim3A_69 : f32 to vector<16xf32>
    %swap3A_71 = arith.constant 0 : i32
    %swap3A_72 = arith.constant 0 : i32
    %swap3A_73 = arith.index_cast %swap3A_71 : i32 to index
    %swap3A_74 = arith.index_cast %swap3A_72 : i32 to index
    %swap3A_75 = arith.constant 112 : index
    %swap3A_76 = tpu.vector_load %arg3[%swap3A_73, %swap3A_74, %swap3A_75] {strides = array<i32>} : memref<1x4x1024xf32, #tpu.memory_space<vmem>>, vector<1x1x16xf32>,
    %swap3A_77 = vector.shape_cast %swap3A_76 : vector<1x1x16xf32> to vector<16xf32>
    %swap3A_78 = vector.shape_cast %broadcast_in_dim3A_70 : vector<16xf32> to vector<1x1x16xf32>
    tpu.vector_store %arg3[%swap3A_73, %swap3A_74, %swap3A_75], %swap3A_78 {strides = array<i32>} : memref<1x4x1024xf32, #tpu.memory_space<vmem>>, vector<1x1x16xf32>,
    %broadcast_in_dim3A_79 = arith.constant 2.000000e+00 : f32
    %broadcast_in_dim3A_80 = vector.broadcast %broadcast_in_dim3A_79 : f32 to vector<16xf32>
    %swap3A_81 = arith.constant 0 : i32
    %swap3A_82 = arith.constant 0 : i32
    %swap3A_83 = arith.index_cast %swap3A_81 : i32 to index
    %swap3A_84 = arith.index_cast %swap3A_82 : i32 to index
    %swap3A_85 = arith.constant 128 : index
    %swap3A_86 = tpu.vector_load %arg3[%swap3A_83, %swap3A_84, %swap3A_85] {strides = array<i32>} : memref<1x4x1024xf32, #tpu.memory_space<vmem>>, vector<1x1x16xf32>,
    %swap3A_87 = vector.shape_cast %swap3A_86 : vector<1x1x16xf32> to vector<16xf32>
    %swap3A_88 = vector.shape_cast %broadcast_in_dim3A_80 : vector<16xf32> to vector<1x1x16xf32>
    tpu.vector_store %arg3[%swap3A_83, %swap3A_84, %swap3A_85], %swap3A_88 {strides = array<i32>} : memref<1x4x1024xf32, #tpu.memory_space<vmem>>, vector<1x1x16xf32>,
    %broadcast_in_dim3A_89 = arith.constant 2.000000e+00 : f32
    %broadcast_in_dim3A_90 = vector.broadcast %broadcast_in_dim3A_89 : f32 to vector<16xf32>
    %swap3A_91 = arith.constant 0 : i32
    %swap3A_92 = arith.constant 0 : i32
    %swap3A_93 = arith.index_cast %swap3A_91 : i32 to index
    %swap3A_94 = arith.index_cast %swap3A_92 : i32 to index
    %swap3A_95 = arith.constant 144 : index
    %swap3A_96 = tpu.vector_load %arg3[%swap3A_93, %swap3A_94, %swap3A_95] {strides = array<i32>} : memref<1x4x1024xf32, #tpu.memory_space<vmem>>, vector<1x1x16xf32>,
    %swap3A_97 = vector.shape_cast %swap3A_96 : vector<1x1x16xf32> to vector<16xf32>
    %swap3A_98 = vector.shape_cast %broadcast_in_dim3A_90 : vector<16xf32> to vector<1x1x16xf32>
    tpu.vector_store %arg3[%swap3A_93, %swap3A_94, %swap3A_95], %swap3A_98 {strides = array<i32>} : memref<1x4x1024xf32, #tpu.memory_space<vmem>>, vector<1x1x16xf32>,
    %broadcast_in_dim3A_99 = arith.constant 2.000000e+00 : f32
    %broadcast_in_dim3A_100 = vector.broadcast %broadcast_in_dim3A_99 : f32 to vector<16xf32>
    %swap3A_101 = arith.constant 0 : i32
    %swap3A_102 = arith.constant 0 : i32
    %swap3A_103 = arith.index_cast %swap3A_101 : i32 to index
    %swap3A_104 = arith.index_cast %swap3A_102 : i32 to index
    %swap3A_105 = arith.constant 160 : index
    %swap3A_106 = tpu.vector_load %arg3[%swap3A_103, %swap3A_104, %swap3A_105] {strides = array<i32>} : memref<1x4x1024xf32, #tpu.memory_space<vmem>>, vector<1x1x16xf32>,
    %swap3A_107 = vector.shape_cast %swap3A_106 : vector<1x1x16xf32> to vector<16xf32>
    %swap3A_108 = vector.shape_cast %broadcast_in_dim3A_100 : vector<16xf32> to vector<1x1x16xf32>
    tpu.vector_store %arg3[%swap3A_103, %swap3A_104, %swap3A_105], %swap3A_108 {strides = array<i32>} : memref<1x4x1024xf32, #tpu.memory_space<vmem>>, vector<1x1x16xf32>,
    %broadcast_in_dim3A_109 = arith.constant 2.000000e+00 : f32
    %broadcast_in_dim3A_110 = vector.broadcast %broadcast_in_dim3A_109 : f32 to vector<16xf32>
    %swap3A_111 = arith.constant 0 : i32
    %swap3A_112 = arith.constant 0 : i32
    %swap3A_113 = arith.index_cast %swap3A_111 : i32 to index
    %swap3A_114 = arith.index_cast %swap3A_112 : i32 to index
    %swap3A_115 = arith.constant 176 : index
    %swap3A_116 = tpu.vector_load %arg3[%swap3A_113, %swap3A_114, %swap3A_115] {strides = array<i32>} : memref<1x4x1024xf32, #tpu.memory_space<vmem>>, vector<1x1x16xf32>,
    %swap3A_117 = vector.shape_cast %swap3A_116 : vector<1x1x16xf32> to vector<16xf32>
    %swap3A_118 = vector.shape_cast %broadcast_in_dim3A_110 : vector<16xf32> to vector<1x1x16xf32>
    tpu.vector_store %arg3[%swap3A_113, %swap3A_114, %swap3A_115], %swap3A_118 {strides = array<i32>} : memref<1x4x1024xf32, #tpu.memory_space<vmem>>, vector<1x1x16xf32>,
    %broadcast_in_dim3A_119 = arith.constant 2.000000e+00 : f32
    %broadcast_in_dim3A_120 = vector.broadcast %broadcast_in_dim3A_119 : f32 to vector<16xf32>
    %swap3A_121 = arith.constant 0 : i32
    %swap3A_122 = arith.constant 0 : i32
    %swap3A_123 = arith.index_cast %swap3A_121 : i32 to index
    %swap3A_124 = arith.index_cast %swap3A_122 : i32 to index
    %swap3A_125 = arith.constant 192 : index
    %swap3A_126 = tpu.vector_load %arg3[%swap3A_123, %swap3A_124, %swap3A_125] {strides = array<i32>} : memref<1x4x1024xf32, #tpu.memory_space<vmem>>, vector<1x1x16xf32>,
    %swap3A_127 = vector.shape_cast %swap3A_126 : vector<1x1x16xf32> to vector<16xf32>
    %swap3A_128 = vector.shape_cast %broadcast_in_dim3A_120 : vector<16xf32> to vector<1x1x16xf32>
    tpu.vector_store %arg3[%swap3A_123, %swap3A_124, %swap3A_125], %swap3A_128 {strides = array<i32>} : memref<1x4x1024xf32, #tpu.memory_space<vmem>>, vector<1x1x16xf32>,
    %broadcast_in_dim3A_129 = arith.constant 2.000000e+00 : f32
    %broadcast_in_dim3A_130 = vector.broadcast %broadcast_in_dim3A_129 : f32 to vector<16xf32>
    %swap3A_131 = arith.constant 0 : i32
    %swap3A_132 = arith.constant 0 : i32
    %swap3A_133 = arith.index_cast %swap3A_131 : i32 to index
    %swap3A_134 = arith.index_cast %swap3A_132 : i32 to index
    %swap3A_135 = arith.constant 208 : index
    %swap3A_136 = tpu.vector_load %arg3[%swap3A_133, %swap3A_134, %swap3A_135] {strides = array<i32>} : memref<1x4x1024xf32, #tpu.memory_space<vmem>>, vector<1x1x16xf32>,
    %swap3A_137 = vector.shape_cast %swap3A_136 : vector<1x1x16xf32> to vector<16xf32>
    %swap3A_138 = vector.shape_cast %broadcast_in_dim3A_130 : vector<16xf32> to vector<1x1x16xf32>
    tpu.vector_store %arg3[%swap3A_133, %swap3A_134, %swap3A_135], %swap3A_138 {strides = array<i32>} : memref<1x4x1024xf32, #tpu.memory_space<vmem>>, vector<1x1x16xf32>,
    %broadcast_in_dim3A_139 = arith.constant 2.000000e+00 : f32
    %broadcast_in_dim3A_140 = vector.broadcast %broadcast_in_dim3A_139 : f32 to vector<16xf32>
    %swap3A_141 = arith.constant 0 : i32
    %swap3A_142 = arith.constant 0 : i32
    %swap3A_143 = arith.index_cast %swap3A_141 : i32 to index
    %swap3A_144 = arith.index_cast %swap3A_142 : i32 to index
    %swap3A_145 = arith.constant 224 : index
    %swap3A_146 = tpu.vector_load %arg3[%swap3A_143, %swap3A_144, %swap3A_145] {strides = array<i32>} : memref<1x4x1024xf32, #tpu.memory_space<vmem>>, vector<1x1x16xf32>,
    %swap3A_147 = vector.shape_cast %swap3A_146 : vector<1x1x16xf32> to vector<16xf32>
    %swap3A_148 = vector.shape_cast %broadcast_in_dim3A_140 : vector<16xf32> to vector<1x1x16xf32>
    tpu.vector_store %arg3[%swap3A_143, %swap3A_144, %swap3A_145], %swap3A_148 {strides = array<i32>} : memref<1x4x1024xf32, #tpu.memory_space<vmem>>, vector<1x1x16xf32>,
    %broadcast_in_dim3A_149 = arith.constant 2.000000e+00 : f32
    %broadcast_in_dim3A_150 = vector.broadcast %broadcast_in_dim3A_149 : f32 to vector<16xf32>
    %swap3A_151 = arith.constant 0 : i32
    %swap3A_152 = arith.constant 0 : i32
    %swap3A_153 = arith.index_cast %swap3A_151 : i32 to index
    %swap3A_154 = arith.index_cast %swap3A_152 : i32 to index
    %swap3A_155 = arith.constant 240 : index
    %swap3A_156 = tpu.vector_load %arg3[%swap3A_153, %swap3A_154, %swap3A_155] {strides = array<i32>} : memref<1x4x1024xf32, #tpu.memory_space<vmem>>, vector<1x1x16xf32>,
    %swap3A_157 = vector.shape_cast %swap3A_156 : vector<1x1x16xf32> to vector<16xf32>
    %swap3A_158 = vector.shape_cast %broadcast_in_dim3A_150 : vector<16xf32> to vector<1x1x16xf32>
    tpu.vector_store %arg3[%swap3A_153, %swap3A_154, %swap3A_155], %swap3A_158 {strides = array<i32>} : memref<1x4x1024xf32, #tpu.memory_space<vmem>>, vector<1x1x16xf32>,
    %broadcast_in_dim3A_159 = arith.constant 2.000000e+00 : f32
    %broadcast_in_dim3A_160 = vector.broadcast %broadcast_in_dim3A_159 : f32 to vector<16xf32>
    %swap3A_161 = arith.constant 0 : i32
    %swap3A_162 = arith.constant 0 : i32
    %swap3A_163 = arith.index_cast %swap3A_161 : i32 to index
    %swap3A_164 = arith.index_cast %swap3A_162 : i32 to index
    %swap3A_165 = arith.constant 256 : index
    %swap3A_166 = tpu.vector_load %arg3[%swap3A_163, %swap3A_164, %swap3A_165] {strides = array<i32>} : memref<1x4x1024xf32, #tpu.memory_space<vmem>>, vector<1x1x16xf32>,
    %swap3A_167 = vector.shape_cast %swap3A_166 : vector<1x1x16xf32> to vector<16xf32>
    %swap3A_168 = vector.shape_cast %broadcast_in_dim3A_160 : vector<16xf32> to vector<1x1x16xf32>
    tpu.vector_store %arg3[%swap3A_163, %swap3A_164, %swap3A_165], %swap3A_168 {strides = array<i32>} : memref<1x4x1024xf32, #tpu.memory_space<vmem>>, vector<1x1x16xf32>,
    %broadcast_in_dim3A_169 = arith.constant 2.000000e+00 : f32
    %broadcast_in_dim3A_170 = vector.broadcast %broadcast_in_dim3A_169 : f32 to vector<16xf32>
    %swap3A_171 = arith.constant 0 : i32
    %swap3A_172 = arith.constant 0 : i32
    %swap3A_173 = arith.index_cast %swap3A_171 : i32 to index
    %swap3A_174 = arith.index_cast %swap3A_172 : i32 to index
    %swap3A_175 = arith.constant 272 : index
    %swap3A_176 = tpu.vector_load %arg3[%swap3A_173, %swap3A_174, %swap3A_175] {strides = array<i32>} : memref<1x4x1024xf32, #tpu.memory_space<vmem>>, vector<1x1x16xf32>,
    %swap3A_177 = vector.shape_cast %swap3A_176 : vector<1x1x16xf32> to vector<16xf32>
    %swap3A_178 = vector.shape_cast %broadcast_in_dim3A_170 : vector<16xf32> to vector<1x1x16xf32>
    tpu.vector_store %arg3[%swap3A_173, %swap3A_174, %swap3A_175], %swap3A_178 {strides = array<i32>} : memref<1x4x1024xf32, #tpu.memory_space<vmem>>, vector<1x1x16xf32>,
    %broadcast_in_dim3A_179 = arith.constant 2.000000e+00 : f32
    %broadcast_in_dim3A_180 = vector.broadcast %broadcast_in_dim3A_179 : f32 to vector<16xf32>
    %swap3A_181 = arith.constant 0 : i32
    %swap3A_182 = arith.constant 0 : i32
    %swap3A_183 = arith.index_cast %swap3A_181 : i32 to index
    %swap3A_184 = arith.index_cast %swap3A_182 : i32 to index
    %swap3A_185 = arith.constant 288 : index
    %swap3A_186 = tpu.vector_load %arg3[%swap3A_183, %swap3A_184, %swap3A_185] {strides = array<i32>} : memref<1x4x1024xf32, #tpu.memory_space<vmem>>, vector<1x1x16xf32>,
    %swap3A_187 = vector.shape_cast %swap3A_186 : vector<1x1x16xf32> to vector<16xf32>
    %swap3A_188 = vector.shape_cast %broadcast_in_dim3A_180 : vector<16xf32> to vector<1x1x16xf32>
    tpu.vector_store %arg3[%swap3A_183, %swap3A_184, %swap3A_185], %swap3A_188 {strides = array<i32>} : memref<1x4x1024xf32, #tpu.memory_space<vmem>>, vector<1x1x16xf32>,
    %broadcast_in_dim3A_189 = arith.constant 2.000000e+00 : f32
    %broadcast_in_dim3A_190 = vector.broadcast %broadcast_in_dim3A_189 : f32 to vector<16xf32>
    %swap3A_191 = arith.constant 0 : i32
    %swap3A_192 = arith.constant 0 : i32
    %swap3A_193 = arith.index_cast %swap3A_191 : i32 to index
    %swap3A_194 = arith.index_cast %swap3A_192 : i32 to index
    %swap3A_195 = arith.constant 304 : index
    %swap3A_196 = tpu.vector_load %arg3[%swap3A_193, %swap3A_194, %swap3A_195] {strides = array<i32>} : memref<1x4x1024xf32, #tpu.memory_space<vmem>>, vector<1x1x16xf32>,
    %swap3A_197 = vector.shape_cast %swap3A_196 : vector<1x1x16xf32> to vector<16xf32>
    %swap3A_198 = vector.shape_cast %broadcast_in_dim3A_190 : vector<16xf32> to vector<1x1x16xf32>
    tpu.vector_store %arg3[%swap3A_193, %swap3A_194, %swap3A_195], %swap3A_198 {strides = array<i32>} : memref<1x4x1024xf32, #tpu.memory_space<vmem>>, vector<1x1x16xf32>,
    %broadcast_in_dim3A_199 = arith.constant 2.000000e+00 : f32
    %broadcast_in_dim3A_200 = vector.broadcast %broadcast_in_dim3A_199 : f32 to vector<16xf32>
    %swap3A_201 = arith.constant 0 : i32
    %swap3A_202 = arith.constant 0 : i32
    %swap3A_203 = arith.index_cast %swap3A_201 : i32 to index
    %swap3A_204 = arith.index_cast %swap3A_202 : i32 to index
    %swap3A_205 = arith.constant 320 : index
    %swap3A_206 = tpu.vector_load %arg3[%swap3A_203, %swap3A_204, %swap3A_205] {strides = array<i32>} : memref<1x4x1024xf32, #tpu.memory_space<vmem>>, vector<1x1x16xf32>,
    %swap3A_207 = vector.shape_cast %swap3A_206 : vector<1x1x16xf32> to vector<16xf32>
    %swap3A_208 = vector.shape_cast %broadcast_in_dim3A_200 : vector<16xf32> to vector<1x1x16xf32>
    tpu.vector_store %arg3[%swap3A_203, %swap3A_204, %swap3A_205], %swap3A_208 {strides = array<i32>} : memref<1x4x1024xf32, #tpu.memory_space<vmem>>, vector<1x1x16xf32>,
    %broadcast_in_dim3A_209 = arith.constant 2.000000e+00 : f32
    %broadcast_in_dim3A_210 = vector.broadcast %broadcast_in_dim3A_209 : f32 to vector<16xf32>
    %swap3A_211 = arith.constant 0 : i32
    %swap3A_212 = arith.constant 0 : i32
    %swap3A_213 = arith.index_cast %swap3A_211 : i32 to index
    %swap3A_214 = arith.index_cast %swap3A_212 : i32 to index
    %swap3A_215 = arith.constant 336 : index
    %swap3A_216 = tpu.vector_load %arg3[%swap3A_213, %swap3A_214, %swap3A_215] {strides = array<i32>} : memref<1x4x1024xf32, #tpu.memory_space<vmem>>, vector<1x1x16xf32>,
    %swap3A_217 = vector.shape_cast %swap3A_216 : vector<1x1x16xf32> to vector<16xf32>
    %swap3A_218 = vector.shape_cast %broadcast_in_dim3A_210 : vector<16xf32> to vector<1x1x16xf32>
    tpu.vector_store %arg3[%swap3A_213, %swap3A_214, %swap3A_215], %swap3A_218 {strides = array<i32>} : memref<1x4x1024xf32, #tpu.memory_space<vmem>>, vector<1x1x16xf32>,
    %broadcast_in_dim3A_219 = arith.constant 2.000000e+00 : f32
    %broadcast_in_dim3A_220 = vector.broadcast %broadcast_in_dim3A_219 : f32 to vector<16xf32>
    %swap3A_221 = arith.constant 0 : i32
    %swap3A_222 = arith.constant 0 : i32
    %swap3A_223 = arith.index_cast %swap3A_221 : i32 to index
    %swap3A_224 = arith.index_cast %swap3A_222 : i32 to index
    %swap3A_225 = arith.constant 352 : index
    %swap3A_226 = tpu.vector_load %arg3[%swap3A_223, %swap3A_224, %swap3A_225] {strides = array<i32>} : memref<1x4x1024xf32, #tpu.memory_space<vmem>>, vector<1x1x16xf32>,
    %swap3A_227 = vector.shape_cast %swap3A_226 : vector<1x1x16xf32> to vector<16xf32>
    %swap3A_228 = vector.shape_cast %broadcast_in_dim3A_220 : vector<16xf32> to vector<1x1x16xf32>
    tpu.vector_store %arg3[%swap3A_223, %swap3A_224, %swap3A_225], %swap3A_228 {strides = array<i32>} : memref<1x4x1024xf32, #tpu.memory_space<vmem>>, vector<1x1x16xf32>,
    %broadcast_in_dim3A_229 = arith.constant 2.000000e+00 : f32
    %broadcast_in_dim3A_230 = vector.broadcast %broadcast_in_dim3A_229 : f32 to vector<16xf32>
    %swap3A_231 = arith.constant 0 : i32
    %swap3A_232 = arith.constant 0 : i32
    %swap3A_233 = arith.index_cast %swap3A_231 : i32 to index
    %swap3A_234 = arith.index_cast %swap3A_232 : i32 to index
    %swap3A_235 = arith.constant 368 : index
    %swap3A_236 = tpu.vector_load %arg3[%swap3A_233, %swap3A_234, %swap3A_235] {strides = array<i32>} : memref<1x4x1024xf32, #tpu.memory_space<vmem>>, vector<1x1x16xf32>,
    %swap3A_237 = vector.shape_cast %swap3A_236 : vector<1x1x16xf32> to vector<16xf32>
    %swap3A_238 = vector.shape_cast %broadcast_in_dim3A_230 : vector<16xf32> to vector<1x1x16xf32>
    tpu.vector_store %arg3[%swap3A_233, %swap3A_234, %swap3A_235], %swap3A_238 {strides = array<i32>} : memref<1x4x1024xf32, #tpu.memory_space<vmem>>, vector<1x1x16xf32>,
    %broadcast_in_dim3A_239 = arith.constant 2.000000e+00 : f32
    %broadcast_in_dim3A_240 = vector.broadcast %broadcast_in_dim3A_239 : f32 to vector<16xf32>
    %swap3A_241 = arith.constant 0 : i32
    %swap3A_242 = arith.constant 0 : i32
    %swap3A_243 = arith.index_cast %swap3A_241 : i32 to index
    %swap3A_244 = arith.index_cast %swap3A_242 : i32 to index
    %swap3A_245 = arith.constant 384 : index
    %swap3A_246 = tpu.vector_load %arg3[%swap3A_243, %swap3A_244, %swap3A_245] {strides = array<i32>} : memref<1x4x1024xf32, #tpu.memory_space<vmem>>, vector<1x1x16xf32>,
    %swap3A_247 = vector.shape_cast %swap3A_246 : vector<1x1x16xf32> to vector<16xf32>
    %swap3A_248 = vector.shape_cast %broadcast_in_dim3A_240 : vector<16xf32> to vector<1x1x16xf32>
    tpu.vector_store %arg3[%swap3A_243, %swap3A_244, %swap3A_245], %swap3A_248 {strides = array<i32>} : memref<1x4x1024xf32, #tpu.memory_space<vmem>>, vector<1x1x16xf32>,
    %broadcast_in_dim3A_249 = arith.constant 2.000000e+00 : f32
    %broadcast_in_dim3A_250 = vector.broadcast %broadcast_in_dim3A_249 : f32 to vector<16xf32>
    %swap3A_251 = arith.constant 0 : i32
    %swap3A_252 = arith.constant 0 : i32
    %swap3A_253 = arith.index_cast %swap3A_251 : i32 to index
    %swap3A_254 = arith.index_cast %swap3A_252 : i32 to index
    %swap3A_255 = arith.constant 400 : index
    %swap3A_256 = tpu.vector_load %arg3[%swap3A_253, %swap3A_254, %swap3A_255] {strides = array<i32>} : memref<1x4x1024xf32, #tpu.memory_space<vmem>>, vector<1x1x16xf32>,
    %swap3A_257 = vector.shape_cast %swap3A_256 : vector<1x1x16xf32> to vector<16xf32>
    %swap3A_258 = vector.shape_cast %broadcast_in_dim3A_250 : vector<16xf32> to vector<1x1x16xf32>
    tpu.vector_store %arg3[%swap3A_253, %swap3A_254, %swap3A_255], %swap3A_258 {strides = array<i32>} : memref<1x4x1024xf32, #tpu.memory_space<vmem>>, vector<1x1x16xf32>,
    %broadcast_in_dim3A_259 = arith.constant 2.000000e+00 : f32
    %broadcast_in_dim3A_260 = vector.broadcast %broadcast_in_dim3A_259 : f32 to vector<16xf32>
    %swap3A_261 = arith.constant 0 : i32
    %swap3A_262 = arith.constant 0 : i32
    %swap3A_263 = arith.index_cast %swap3A_261 : i32 to index
    %swap3A_264 = arith.index_cast %swap3A_262 : i32 to index
    %swap3A_265 = arith.constant 416 : index
    %swap3A_266 = tpu.vector_load %arg3[%swap3A_263, %swap3A_264, %swap3A_265] {strides = array<i32>} : memref<1x4x1024xf32, #tpu.memory_space<vmem>>, vector<1x1x16xf32>,
    %swap3A_267 = vector.shape_cast %swap3A_266 : vector<1x1x16xf32> to vector<16xf32>
    %swap3A_268 = vector.shape_cast %broadcast_in_dim3A_260 : vector<16xf32> to vector<1x1x16xf32>
    tpu.vector_store %arg3[%swap3A_263, %swap3A_264, %swap3A_265], %swap3A_268 {strides = array<i32>} : memref<1x4x1024xf32, #tpu.memory_space<vmem>>, vector<1x1x16xf32>,
    %broadcast_in_dim3A_269 = arith.constant 2.000000e+00 : f32
    %broadcast_in_dim3A_270 = vector.broadcast %broadcast_in_dim3A_269 : f32 to vector<16xf32>
    %swap3A_271 = arith.constant 0 : i32
    %swap3A_272 = arith.constant 0 : i32
    %swap3A_273 = arith.index_cast %swap3A_271 : i32 to index
    %swap3A_274 = arith.index_cast %swap3A_272 : i32 to index
    %swap3A_275 = arith.constant 432 : index
    %swap3A_276 = tpu.vector_load %arg3[%swap3A_273, %swap3A_274, %swap3A_275] {strides = array<i32>} : memref<1x4x1024xf32, #tpu.memory_space<vmem>>, vector<1x1x16xf32>,
    %swap3A_277 = vector.shape_cast %swap3A_276 : vector<1x1x16xf32> to vector<16xf32>
    %swap3A_278 = vector.shape_cast %broadcast_in_dim3A_270 : vector<16xf32> to vector<1x1x16xf32>
    tpu.vector_store %arg3[%swap3A_273, %swap3A_274, %swap3A_275], %swap3A_278 {strides = array<i32>} : memref<1x4x1024xf32, #tpu.memory_space<vmem>>, vector<1x1x16xf32>,
    %broadcast_in_dim3A_279 = arith.constant 2.000000e+00 : f32
    %broadcast_in_dim3A_280 = vector.broadcast %broadcast_in_dim3A_279 : f32 to vector<16xf32>
    %swap3A_281 = arith.constant 0 : i32
    %swap3A_282 = arith.constant 0 : i32
    %swap3A_283 = arith.index_cast %swap3A_281 : i32 to index
    %swap3A_284 = arith.index_cast %swap3A_282 : i32 to index
    %swap3A_285 = arith.constant 448 : index
    %swap3A_286 = tpu.vector_load %arg3[%swap3A_283, %swap3A_284, %swap3A_285] {strides = array<i32>} : memref<1x4x1024xf32, #tpu.memory_space<vmem>>, vector<1x1x16xf32>,
    %swap3A_287 = vector.shape_cast %swap3A_286 : vector<1x1x16xf32> to vector<16xf32>
    %swap3A_288 = vector.shape_cast %broadcast_in_dim3A_280 : vector<16xf32> to vector<1x1x16xf32>
    tpu.vector_store %arg3[%swap3A_283, %swap3A_284, %swap3A_285], %swap3A_288 {strides = array<i32>} : memref<1x4x1024xf32, #tpu.memory_space<vmem>>, vector<1x1x16xf32>,
    %broadcast_in_dim3A_289 = arith.constant 2.000000e+00 : f32
    %broadcast_in_dim3A_290 = vector.broadcast %broadcast_in_dim3A_289 : f32 to vector<16xf32>
    %swap3A_291 = arith.constant 0 : i32
    %swap3A_292 = arith.constant 0 : i32
    %swap3A_293 = arith.index_cast %swap3A_291 : i32 to index
    %swap3A_294 = arith.index_cast %swap3A_292 : i32 to index
    %swap3A_295 = arith.constant 464 : index
    %swap3A_296 = tpu.vector_load %arg3[%swap3A_293, %swap3A_294, %swap3A_295] {strides = array<i32>} : memref<1x4x1024xf32, #tpu.memory_space<vmem>>, vector<1x1x16xf32>,
    %swap3A_297 = vector.shape_cast %swap3A_296 : vector<1x1x16xf32> to vector<16xf32>
    %swap3A_298 = vector.shape_cast %broadcast_in_dim3A_290 : vector<16xf32> to vector<1x1x16xf32>
    tpu.vector_store %arg3[%swap3A_293, %swap3A_294, %swap3A_295], %swap3A_298 {strides = array<i32>} : memref<1x4x1024xf32, #tpu.memory_space<vmem>>, vector<1x1x16xf32>,
    %broadcast_in_dim3A_299 = arith.constant 2.000000e+00 : f32
    %broadcast_in_dim3A_300 = vector.broadcast %broadcast_in_dim3A_299 : f32 to vector<16xf32>
    %swap3A_301 = arith.constant 0 : i32
    %swap3A_302 = arith.constant 0 : i32
    %swap3A_303 = arith.index_cast %swap3A_301 : i32 to index
    %swap3A_304 = arith.index_cast %swap3A_302 : i32 to index
    %swap3A_305 = arith.constant 480 : index
    %swap3A_306 = tpu.vector_load %arg3[%swap3A_303, %swap3A_304, %swap3A_305] {strides = array<i32>} : memref<1x4x1024xf32, #tpu.memory_space<vmem>>, vector<1x1x16xf32>,
    %swap3A_307 = vector.shape_cast %swap3A_306 : vector<1x1x16xf32> to vector<16xf32>
    %swap3A_308 = vector.shape_cast %broadcast_in_dim3A_300 : vector<16xf32> to vector<1x1x16xf32>
    tpu.vector_store %arg3[%swap3A_303, %swap3A_304, %swap3A_305], %swap3A_308 {strides = array<i32>} : memref<1x4x1024xf32, #tpu.memory_space<vmem>>, vector<1x1x16xf32>,
    %broadcast_in_dim3A_309 = arith.constant 2.000000e+00 : f32
    %broadcast_in_dim3A_310 = vector.broadcast %broadcast_in_dim3A_309 : f32 to vector<16xf32>
    %swap3A_311 = arith.constant 0 : i32
    %swap3A_312 = arith.constant 0 : i32
    %swap3A_313 = arith.index_cast %swap3A_311 : i32 to index
    %swap3A_314 = arith.index_cast %swap3A_312 : i32 to index
    %swap3A_315 = arith.constant 496 : index
    %swap3A_316 = tpu.vector_load %arg3[%swap3A_313, %swap3A_314, %swap3A_315] {strides = array<i32>} : memref<1x4x1024xf32, #tpu.memory_space<vmem>>, vector<1x1x16xf32>,
    %swap3A_317 = vector.shape_cast %swap3A_316 : vector<1x1x16xf32> to vector<16xf32>
    %swap3A_318 = vector.shape_cast %broadcast_in_dim3A_310 : vector<16xf32> to vector<1x1x16xf32>
    tpu.vector_store %arg3[%swap3A_313, %swap3A_314, %swap3A_315], %swap3A_318 {strides = array<i32>} : memref<1x4x1024xf32, #tpu.memory_space<vmem>>, vector<1x1x16xf32>,
    %broadcast_in_dim3A_319 = arith.constant 2.000000e+00 : f32
    %broadcast_in_dim3A_320 = vector.broadcast %broadcast_in_dim3A_319 : f32 to vector<16xf32>
    %swap3A_321 = arith.constant 0 : i32
    %swap3A_322 = arith.constant 0 : i32
    %swap3A_323 = arith.index_cast %swap3A_321 : i32 to index
    %swap3A_324 = arith.index_cast %swap3A_322 : i32 to index
    %swap3A_325 = arith.constant 512 : index
    %swap3A_326 = tpu.vector_load %arg3[%swap3A_323, %swap3A_324, %swap3A_325] {strides = array<i32>} : memref<1x4x1024xf32, #tpu.memory_space<vmem>>, vector<1x1x16xf32>,
    %swap3A_327 = vector.shape_cast %swap3A_326 : vector<1x1x16xf32> to vector<16xf32>
    %swap3A_328 = vector.shape_cast %broadcast_in_dim3A_320 : vector<16xf32> to vector<1x1x16xf32>
    tpu.vector_store %arg3[%swap3A_323, %swap3A_324, %swap3A_325], %swap3A_328 {strides = array<i32>} : memref<1x4x1024xf32, #tpu.memory_space<vmem>>, vector<1x1x16xf32>,
    %broadcast_in_dim3A_329 = arith.constant 2.000000e+00 : f32
    %broadcast_in_dim3A_330 = vector.broadcast %broadcast_in_dim3A_329 : f32 to vector<16xf32>
    %swap3A_331 = arith.constant 0 : i32
    %swap3A_332 = arith.constant 0 : i32
    %swap3A_333 = arith.index_cast %swap3A_331 : i32 to index
    %swap3A_334 = arith.index_cast %swap3A_332 : i32 to index
    %swap3A_335 = arith.constant 528 : index
    %swap3A_336 = tpu.vector_load %arg3[%swap3A_333, %swap3A_334, %swap3A_335] {strides = array<i32>} : memref<1x4x1024xf32, #tpu.memory_space<vmem>>, vector<1x1x16xf32>,
    %swap3A_337 = vector.shape_cast %swap3A_336 : vector<1x1x16xf32> to vector<16xf32>
    %swap3A_338 = vector.shape_cast %broadcast_in_dim3A_330 : vector<16xf32> to vector<1x1x16xf32>
    tpu.vector_store %arg3[%swap3A_333, %swap3A_334, %swap3A_335], %swap3A_338 {strides = array<i32>} : memref<1x4x1024xf32, #tpu.memory_space<vmem>>, vector<1x1x16xf32>,
    %broadcast_in_dim3A_339 = arith.constant 2.000000e+00 : f32
    %broadcast_in_dim3A_340 = vector.broadcast %broadcast_in_dim3A_339 : f32 to vector<16xf32>
    %swap3A_341 = arith.constant 0 : i32
    %swap3A_342 = arith.constant 0 : i32
    %swap3A_343 = arith.index_cast %swap3A_341 : i32 to index
    %swap3A_344 = arith.index_cast %swap3A_342 : i32 to index
    %swap3A_345 = arith.constant 544 : index
    %swap3A_346 = tpu.vector_load %arg3[%swap3A_343, %swap3A_344, %swap3A_345] {strides = array<i32>} : memref<1x4x1024xf32, #tpu.memory_space<vmem>>, vector<1x1x16xf32>,
    %swap3A_347 = vector.shape_cast %swap3A_346 : vector<1x1x16xf32> to vector<16xf32>
    %swap3A_348 = vector.shape_cast %broadcast_in_dim3A_340 : vector<16xf32> to vector<1x1x16xf32>
    tpu.vector_store %arg3[%swap3A_343, %swap3A_344, %swap3A_345], %swap3A_348 {strides = array<i32>} : memref<1x4x1024xf32, #tpu.memory_space<vmem>>, vector<1x1x16xf32>,
    %broadcast_in_dim3A_349 = arith.constant 2.000000e+00 : f32
    %broadcast_in_dim3A_350 = vector.broadcast %broadcast_in_dim3A_349 : f32 to vector<16xf32>
    %swap3A_351 = arith.constant 0 : i32
    %swap3A_352 = arith.constant 0 : i32
    %swap3A_353 = arith.index_cast %swap3A_351 : i32 to index
    %swap3A_354 = arith.index_cast %swap3A_352 : i32 to index
    %swap3A_355 = arith.constant 560 : index
    %swap3A_356 = tpu.vector_load %arg3[%swap3A_353, %swap3A_354, %swap3A_355] {strides = array<i32>} : memref<1x4x1024xf32, #tpu.memory_space<vmem>>, vector<1x1x16xf32>,
    %swap3A_357 = vector.shape_cast %swap3A_356 : vector<1x1x16xf32> to vector<16xf32>
    %swap3A_358 = vector.shape_cast %broadcast_in_dim3A_350 : vector<16xf32> to vector<1x1x16xf32>
    tpu.vector_store %arg3[%swap3A_353, %swap3A_354, %swap3A_355], %swap3A_358 {strides = array<i32>} : memref<1x4x1024xf32, #tpu.memory_space<vmem>>, vector<1x1x16xf32>,
    %broadcast_in_dim3A_359 = arith.constant 2.000000e+00 : f32
    %broadcast_in_dim3A_360 = vector.broadcast %broadcast_in_dim3A_359 : f32 to vector<16xf32>
    %swap3A_361 = arith.constant 0 : i32
    %swap3A_362 = arith.constant 0 : i32
    %swap3A_363 = arith.index_cast %swap3A_361 : i32 to index
    %swap3A_364 = arith.index_cast %swap3A_362 : i32 to index
    %swap3A_365 = arith.constant 576 : index
    %swap3A_366 = tpu.vector_load %arg3[%swap3A_363, %swap3A_364, %swap3A_365] {strides = array<i32>} : memref<1x4x1024xf32, #tpu.memory_space<vmem>>, vector<1x1x16xf32>,
    %swap3A_367 = vector.shape_cast %swap3A_366 : vector<1x1x16xf32> to vector<16xf32>
    %swap3A_368 = vector.shape_cast %broadcast_in_dim3A_360 : vector<16xf32> to vector<1x1x16xf32>
    tpu.vector_store %arg3[%swap3A_363, %swap3A_364, %swap3A_365], %swap3A_368 {strides = array<i32>} : memref<1x4x1024xf32, #tpu.memory_space<vmem>>, vector<1x1x16xf32>,
    %broadcast_in_dim3A_369 = arith.constant 2.000000e+00 : f32
    %broadcast_in_dim3A_370 = vector.broadcast %broadcast_in_dim3A_369 : f32 to vector<16xf32>
    %swap3A_371 = arith.constant 0 : i32
    %swap3A_372 = arith.constant 0 : i32
    %swap3A_373 = arith.index_cast %swap3A_371 : i32 to index
    %swap3A_374 = arith.index_cast %swap3A_372 : i32 to index
    %swap3A_375 = arith.constant 592 : index
    %swap3A_376 = tpu.vector_load %arg3[%swap3A_373, %swap3A_374, %swap3A_375] {strides = array<i32>} : memref<1x4x1024xf32, #tpu.memory_space<vmem>>, vector<1x1x16xf32>,
    %swap3A_377 = vector.shape_cast %swap3A_376 : vector<1x1x16xf32> to vector<16xf32>
    %swap3A_378 = vector.shape_cast %broadcast_in_dim3A_370 : vector<16xf32> to vector<1x1x16xf32>
    tpu.vector_store %arg3[%swap3A_373, %swap3A_374, %swap3A_375], %swap3A_378 {strides = array<i32>} : memref<1x4x1024xf32, #tpu.memory_space<vmem>>, vector<1x1x16xf32>,
    %broadcast_in_dim3A_379 = arith.constant 2.000000e+00 : f32
    %broadcast_in_dim3A_380 = vector.broadcast %broadcast_in_dim3A_379 : f32 to vector<16xf32>
    %swap3A_381 = arith.constant 0 : i32
    %swap3A_382 = arith.constant 0 : i32
    %swap3A_383 = arith.index_cast %swap3A_381 : i32 to index
    %swap3A_384 = arith.index_cast %swap3A_382 : i32 to index
    %swap3A_385 = arith.constant 608 : index
    %swap3A_386 = tpu.vector_load %arg3[%swap3A_383, %swap3A_384, %swap3A_385] {strides = array<i32>} : memref<1x4x1024xf32, #tpu.memory_space<vmem>>, vector<1x1x16xf32>,
    %swap3A_387 = vector.shape_cast %swap3A_386 : vector<1x1x16xf32> to vector<16xf32>
    %swap3A_388 = vector.shape_cast %broadcast_in_dim3A_380 : vector<16xf32> to vector<1x1x16xf32>
    tpu.vector_store %arg3[%swap3A_383, %swap3A_384, %swap3A_385], %swap3A_388 {strides = array<i32>} : memref<1x4x1024xf32, #tpu.memory_space<vmem>>, vector<1x1x16xf32>,
    %broadcast_in_dim3A_389 = arith.constant 2.000000e+00 : f32
    %broadcast_in_dim3A_390 = vector.broadcast %broadcast_in_dim3A_389 : f32 to vector<16xf32>
    %swap3A_391 = arith.constant 0 : i32
    %swap3A_392 = arith.constant 0 : i32
    %swap3A_393 = arith.index_cast %swap3A_391 : i32 to index
    %swap3A_394 = arith.index_cast %swap3A_392 : i32 to index
    %swap3A_395 = arith.constant 624 : index
    %swap3A_396 = tpu.vector_load %arg3[%swap3A_393, %swap3A_394, %swap3A_395] {strides = array<i32>} : memref<1x4x1024xf32, #tpu.memory_space<vmem>>, vector<1x1x16xf32>,
    %swap3A_397 = vector.shape_cast %swap3A_396 : vector<1x1x16xf32> to vector<16xf32>
    %swap3A_398 = vector.shape_cast %broadcast_in_dim3A_390 : vector<16xf32> to vector<1x1x16xf32>
    tpu.vector_store %arg3[%swap3A_393, %swap3A_394, %swap3A_395], %swap3A_398 {strides = array<i32>} : memref<1x4x1024xf32, #tpu.memory_space<vmem>>, vector<1x1x16xf32>,
    %broadcast_in_dim3A_399 = arith.constant 2.000000e+00 : f32
    %broadcast_in_dim3A_400 = vector.broadcast %broadcast_in_dim3A_399 : f32 to vector<16xf32>
    %swap3A_401 = arith.constant 0 : i32
    %swap3A_402 = arith.constant 0 : i32
    %swap3A_403 = arith.index_cast %swap3A_401 : i32 to index
    %swap3A_404 = arith.index_cast %swap3A_402 : i32 to index
    %swap3A_405 = arith.constant 640 : index
    %swap3A_406 = tpu.vector_load %arg3[%swap3A_403, %swap3A_404, %swap3A_405] {strides = array<i32>} : memref<1x4x1024xf32, #tpu.memory_space<vmem>>, vector<1x1x16xf32>,
    %swap3A_407 = vector.shape_cast %swap3A_406 : vector<1x1x16xf32> to vector<16xf32>
    %swap3A_408 = vector.shape_cast %broadcast_in_dim3A_400 : vector<16xf32> to vector<1x1x16xf32>
    tpu.vector_store %arg3[%swap3A_403, %swap3A_404, %swap3A_405], %swap3A_408 {strides = array<i32>} : memref<1x4x1024xf32, #tpu.memory_space<vmem>>, vector<1x1x16xf32>,
    %broadcast_in_dim3A_409 = arith.constant 2.000000e+00 : f32
    %broadcast_in_dim3A_410 = vector.broadcast %broadcast_in_dim3A_409 : f32 to vector<16xf32>
    %swap3A_411 = arith.constant 0 : i32
    %swap3A_412 = arith.constant 0 : i32
    %swap3A_413 = arith.index_cast %swap3A_411 : i32 to index
    %swap3A_414 = arith.index_cast %swap3A_412 : i32 to index
    %swap3A_415 = arith.constant 656 : index
    %swap3A_416 = tpu.vector_load %arg3[%swap3A_413, %swap3A_414, %swap3A_415] {strides = array<i32>} : memref<1x4x1024xf32, #tpu.memory_space<vmem>>, vector<1x1x16xf32>,
    %swap3A_417 = vector.shape_cast %swap3A_416 : vector<1x1x16xf32> to vector<16xf32>
    %swap3A_418 = vector.shape_cast %broadcast_in_dim3A_410 : vector<16xf32> to vector<1x1x16xf32>
    tpu.vector_store %arg3[%swap3A_413, %swap3A_414, %swap3A_415], %swap3A_418 {strides = array<i32>} : memref<1x4x1024xf32, #tpu.memory_space<vmem>>, vector<1x1x16xf32>,
    %broadcast_in_dim3A_419 = arith.constant 2.000000e+00 : f32
    %broadcast_in_dim3A_420 = vector.broadcast %broadcast_in_dim3A_419 : f32 to vector<16xf32>
    %swap3A_421 = arith.constant 0 : i32
    %swap3A_422 = arith.constant 0 : i32
    %swap3A_423 = arith.index_cast %swap3A_421 : i32 to index
    %swap3A_424 = arith.index_cast %swap3A_422 : i32 to index
    %swap3A_425 = arith.constant 672 : index
    %swap3A_426 = tpu.vector_load %arg3[%swap3A_423, %swap3A_424, %swap3A_425] {strides = array<i32>} : memref<1x4x1024xf32, #tpu.memory_space<vmem>>, vector<1x1x16xf32>,
    %swap3A_427 = vector.shape_cast %swap3A_426 : vector<1x1x16xf32> to vector<16xf32>
    %swap3A_428 = vector.shape_cast %broadcast_in_dim3A_420 : vector<16xf32> to vector<1x1x16xf32>
    tpu.vector_store %arg3[%swap3A_423, %swap3A_424, %swap3A_425], %swap3A_428 {strides = array<i32>} : memref<1x4x1024xf32, #tpu.memory_space<vmem>>, vector<1x1x16xf32>,
    %broadcast_in_dim3A_429 = arith.constant 2.000000e+00 : f32
    %broadcast_in_dim3A_430 = vector.broadcast %broadcast_in_dim3A_429 : f32 to vector<16xf32>
    %swap3A_431 = arith.constant 0 : i32
    %swap3A_432 = arith.constant 0 : i32
    %swap3A_433 = arith.index_cast %swap3A_431 : i32 to index
    %swap3A_434 = arith.index_cast %swap3A_432 : i32 to index
    %swap3A_435 = arith.constant 688 : index
    %swap3A_436 = tpu.vector_load %arg3[%swap3A_433, %swap3A_434, %swap3A_435] {strides = array<i32>} : memref<1x4x1024xf32, #tpu.memory_space<vmem>>, vector<1x1x16xf32>,
    %swap3A_437 = vector.shape_cast %swap3A_436 : vector<1x1x16xf32> to vector<16xf32>
    %swap3A_438 = vector.shape_cast %broadcast_in_dim3A_430 : vector<16xf32> to vector<1x1x16xf32>
    tpu.vector_store %arg3[%swap3A_433, %swap3A_434, %swap3A_435], %swap3A_438 {strides = array<i32>} : memref<1x4x1024xf32, #tpu.memory_space<vmem>>, vector<1x1x16xf32>,
    %broadcast_in_dim3A_439 = arith.constant 2.000000e+00 : f32
    %broadcast_in_dim3A_440 = vector.broadcast %broadcast_in_dim3A_439 : f32 to vector<16xf32>
    %swap3A_441 = arith.constant 0 : i32
    %swap3A_442 = arith.constant 0 : i32
    %swap3A_443 = arith.index_cast %swap3A_441 : i32 to index
    %swap3A_444 = arith.index_cast %swap3A_442 : i32 to index
    %swap3A_445 = arith.constant 704 : index
    %swap3A_446 = tpu.vector_load %arg3[%swap3A_443, %swap3A_444, %swap3A_445] {strides = array<i32>} : memref<1x4x1024xf32, #tpu.memory_space<vmem>>, vector<1x1x16xf32>,
    %swap3A_447 = vector.shape_cast %swap3A_446 : vector<1x1x16xf32> to vector<16xf32>
    %swap3A_448 = vector.shape_cast %broadcast_in_dim3A_440 : vector<16xf32> to vector<1x1x16xf32>
    tpu.vector_store %arg3[%swap3A_443, %swap3A_444, %swap3A_445], %swap3A_448 {strides = array<i32>} : memref<1x4x1024xf32, #tpu.memory_space<vmem>>, vector<1x1x16xf32>,
    %broadcast_in_dim3A_449 = arith.constant 2.000000e+00 : f32
    %broadcast_in_dim3A_450 = vector.broadcast %broadcast_in_dim3A_449 : f32 to vector<16xf32>
    %swap3A_451 = arith.constant 0 : i32
    %swap3A_452 = arith.constant 0 : i32
    %swap3A_453 = arith.index_cast %swap3A_451 : i32 to index
    %swap3A_454 = arith.index_cast %swap3A_452 : i32 to index
    %swap3A_455 = arith.constant 720 : index
    %swap3A_456 = tpu.vector_load %arg3[%swap3A_453, %swap3A_454, %swap3A_455] {strides = array<i32>} : memref<1x4x1024xf32, #tpu.memory_space<vmem>>, vector<1x1x16xf32>,
    %swap3A_457 = vector.shape_cast %swap3A_456 : vector<1x1x16xf32> to vector<16xf32>
    %swap3A_458 = vector.shape_cast %broadcast_in_dim3A_450 : vector<16xf32> to vector<1x1x16xf32>
    tpu.vector_store %arg3[%swap3A_453, %swap3A_454, %swap3A_455], %swap3A_458 {strides = array<i32>} : memref<1x4x1024xf32, #tpu.memory_space<vmem>>, vector<1x1x16xf32>,
    %broadcast_in_dim3A_459 = arith.constant 2.000000e+00 : f32
    %broadcast_in_dim3A_460 = vector.broadcast %broadcast_in_dim3A_459 : f32 to vector<16xf32>
    %swap3A_461 = arith.constant 0 : i32
    %swap3A_462 = arith.constant 0 : i32
    %swap3A_463 = arith.index_cast %swap3A_461 : i32 to index
    %swap3A_464 = arith.index_cast %swap3A_462 : i32 to index
    %swap3A_465 = arith.constant 736 : index
    %swap3A_466 = tpu.vector_load %arg3[%swap3A_463, %swap3A_464, %swap3A_465] {strides = array<i32>} : memref<1x4x1024xf32, #tpu.memory_space<vmem>>, vector<1x1x16xf32>,
    %swap3A_467 = vector.shape_cast %swap3A_466 : vector<1x1x16xf32> to vector<16xf32>
    %swap3A_468 = vector.shape_cast %broadcast_in_dim3A_460 : vector<16xf32> to vector<1x1x16xf32>
    tpu.vector_store %arg3[%swap3A_463, %swap3A_464, %swap3A_465], %swap3A_468 {strides = array<i32>} : memref<1x4x1024xf32, #tpu.memory_space<vmem>>, vector<1x1x16xf32>,
    %broadcast_in_dim3A_469 = arith.constant 2.000000e+00 : f32
    %broadcast_in_dim3A_470 = vector.broadcast %broadcast_in_dim3A_469 : f32 to vector<16xf32>
    %swap3A_471 = arith.constant 0 : i32
    %swap3A_472 = arith.constant 0 : i32
    %swap3A_473 = arith.index_cast %swap3A_471 : i32 to index
    %swap3A_474 = arith.index_cast %swap3A_472 : i32 to index
    %swap3A_475 = arith.constant 752 : index
    %swap3A_476 = tpu.vector_load %arg3[%swap3A_473, %swap3A_474, %swap3A_475] {strides = array<i32>} : memref<1x4x1024xf32, #tpu.memory_space<vmem>>, vector<1x1x16xf32>,
    %swap3A_477 = vector.shape_cast %swap3A_476 : vector<1x1x16xf32> to vector<16xf32>
    %swap3A_478 = vector.shape_cast %broadcast_in_dim3A_470 : vector<16xf32> to vector<1x1x16xf32>
    tpu.vector_store %arg3[%swap3A_473, %swap3A_474, %swap3A_475], %swap3A_478 {strides = array<i32>} : memref<1x4x1024xf32, #tpu.memory_space<vmem>>, vector<1x1x16xf32>,
    %broadcast_in_dim3A_479 = arith.constant 2.000000e+00 : f32
    %broadcast_in_dim3A_480 = vector.broadcast %broadcast_in_dim3A_479 : f32 to vector<16xf32>
    %swap3A_481 = arith.constant 0 : i32
    %swap3A_482 = arith.constant 0 : i32
    %swap3A_483 = arith.index_cast %swap3A_481 : i32 to index
    %swap3A_484 = arith.index_cast %swap3A_482 : i32 to index
    %swap3A_485 = arith.constant 768 : index
    %swap3A_486 = tpu.vector_load %arg3[%swap3A_483, %swap3A_484, %swap3A_485] {strides = array<i32>} : memref<1x4x1024xf32, #tpu.memory_space<vmem>>, vector<1x1x16xf32>,
    %swap3A_487 = vector.shape_cast %swap3A_486 : vector<1x1x16xf32> to vector<16xf32>
    %swap3A_488 = vector.shape_cast %broadcast_in_dim3A_480 : vector<16xf32> to vector<1x1x16xf32>
    tpu.vector_store %arg3[%swap3A_483, %swap3A_484, %swap3A_485], %swap3A_488 {strides = array<i32>} : memref<1x4x1024xf32, #tpu.memory_space<vmem>>, vector<1x1x16xf32>,
    %broadcast_in_dim3A_489 = arith.constant 2.000000e+00 : f32
    %broadcast_in_dim3A_490 = vector.broadcast %broadcast_in_dim3A_489 : f32 to vector<16xf32>
    %swap3A_491 = arith.constant 0 : i32
    %swap3A_492 = arith.constant 0 : i32
    %swap3A_493 = arith.index_cast %swap3A_491 : i32 to index
    %swap3A_494 = arith.index_cast %swap3A_492 : i32 to index
    %swap3A_495 = arith.constant 784 : index
    %swap3A_496 = tpu.vector_load %arg3[%swap3A_493, %swap3A_494, %swap3A_495] {strides = array<i32>} : memref<1x4x1024xf32, #tpu.memory_space<vmem>>, vector<1x1x16xf32>,
    %swap3A_497 = vector.shape_cast %swap3A_496 : vector<1x1x16xf32> to vector<16xf32>
    %swap3A_498 = vector.shape_cast %broadcast_in_dim3A_490 : vector<16xf32> to vector<1x1x16xf32>
    tpu.vector_store %arg3[%swap3A_493, %swap3A_494, %swap3A_495], %swap3A_498 {strides = array<i32>} : memref<1x4x1024xf32, #tpu.memory_space<vmem>>, vector<1x1x16xf32>,
    %broadcast_in_dim3A_499 = arith.constant 2.000000e+00 : f32
    %broadcast_in_dim3A_500 = vector.broadcast %broadcast_in_dim3A_499 : f32 to vector<16xf32>
    %swap3A_501 = arith.constant 0 : i32
    %swap3A_502 = arith.constant 0 : i32
    %swap3A_503 = arith.index_cast %swap3A_501 : i32 to index
    %swap3A_504 = arith.index_cast %swap3A_502 : i32 to index
    %swap3A_505 = arith.constant 800 : index
    %swap3A_506 = tpu.vector_load %arg3[%swap3A_503, %swap3A_504, %swap3A_505] {strides = array<i32>} : memref<1x4x1024xf32, #tpu.memory_space<vmem>>, vector<1x1x16xf32>,
    %swap3A_507 = vector.shape_cast %swap3A_506 : vector<1x1x16xf32> to vector<16xf32>
    %swap3A_508 = vector.shape_cast %broadcast_in_dim3A_500 : vector<16xf32> to vector<1x1x16xf32>
    tpu.vector_store %arg3[%swap3A_503, %swap3A_504, %swap3A_505], %swap3A_508 {strides = array<i32>} : memref<1x4x1024xf32, #tpu.memory_space<vmem>>, vector<1x1x16xf32>,
    %broadcast_in_dim3A_509 = arith.constant 2.000000e+00 : f32
    %broadcast_in_dim3A_510 = vector.broadcast %broadcast_in_dim3A_509 : f32 to vector<16xf32>
    %swap3A_511 = arith.constant 0 : i32
    %swap3A_512 = arith.constant 0 : i32
    %swap3A_513 = arith.index_cast %swap3A_511 : i32 to index
    %swap3A_514 = arith.index_cast %swap3A_512 : i32 to index
    %swap3A_515 = arith.constant 816 : index
    %swap3A_516 = tpu.vector_load %arg3[%swap3A_513, %swap3A_514, %swap3A_515] {strides = array<i32>} : memref<1x4x1024xf32, #tpu.memory_space<vmem>>, vector<1x1x16xf32>,
    %swap3A_517 = vector.shape_cast %swap3A_516 : vector<1x1x16xf32> to vector<16xf32>
    %swap3A_518 = vector.shape_cast %broadcast_in_dim3A_510 : vector<16xf32> to vector<1x1x16xf32>
    tpu.vector_store %arg3[%swap3A_513, %swap3A_514, %swap3A_515], %swap3A_518 {strides = array<i32>} : memref<1x4x1024xf32, #tpu.memory_space<vmem>>, vector<1x1x16xf32>,
    %broadcast_in_dim3A_519 = arith.constant 2.000000e+00 : f32
    %broadcast_in_dim3A_520 = vector.broadcast %broadcast_in_dim3A_519 : f32 to vector<16xf32>
    %swap3A_521 = arith.constant 0 : i32
    %swap3A_522 = arith.constant 0 : i32
    %swap3A_523 = arith.index_cast %swap3A_521 : i32 to index
    %swap3A_524 = arith.index_cast %swap3A_522 : i32 to index
    %swap3A_525 = arith.constant 832 : index
    %swap3A_526 = tpu.vector_load %arg3[%swap3A_523, %swap3A_524, %swap3A_525] {strides = array<i32>} : memref<1x4x1024xf32, #tpu.memory_space<vmem>>, vector<1x1x16xf32>,
    %swap3A_527 = vector.shape_cast %swap3A_526 : vector<1x1x16xf32> to vector<16xf32>
    %swap3A_528 = vector.shape_cast %broadcast_in_dim3A_520 : vector<16xf32> to vector<1x1x16xf32>
    tpu.vector_store %arg3[%swap3A_523, %swap3A_524, %swap3A_525], %swap3A_528 {strides = array<i32>} : memref<1x4x1024xf32, #tpu.memory_space<vmem>>, vector<1x1x16xf32>,
    %broadcast_in_dim3A_529 = arith.constant 2.000000e+00 : f32
    %broadcast_in_dim3A_530 = vector.broadcast %broadcast_in_dim3A_529 : f32 to vector<16xf32>
    %swap3A_531 = arith.constant 0 : i32
    %swap3A_532 = arith.constant 0 : i32
    %swap3A_533 = arith.index_cast %swap3A_531 : i32 to index
    %swap3A_534 = arith.index_cast %swap3A_532 : i32 to index
    %swap3A_535 = arith.constant 848 : index
    %swap3A_536 = tpu.vector_load %arg3[%swap3A_533, %swap3A_534, %swap3A_535] {strides = array<i32>} : memref<1x4x1024xf32, #tpu.memory_space<vmem>>, vector<1x1x16xf32>,
    %swap3A_537 = vector.shape_cast %swap3A_536 : vector<1x1x16xf32> to vector<16xf32>
    %swap3A_538 = vector.shape_cast %broadcast_in_dim3A_530 : vector<16xf32> to vector<1x1x16xf32>
    tpu.vector_store %arg3[%swap3A_533, %swap3A_534, %swap3A_535], %swap3A_538 {strides = array<i32>} : memref<1x4x1024xf32, #tpu.memory_space<vmem>>, vector<1x1x16xf32>,
    %broadcast_in_dim3A_539 = arith.constant 2.000000e+00 : f32
    %broadcast_in_dim3A_540 = vector.broadcast %broadcast_in_dim3A_539 : f32 to vector<16xf32>
    %swap3A_541 = arith.constant 0 : i32
    %swap3A_542 = arith.constant 0 : i32
    %swap3A_543 = arith.index_cast %swap3A_541 : i32 to index
    %swap3A_544 = arith.index_cast %swap3A_542 : i32 to index
    %swap3A_545 = arith.constant 864 : index
    %swap3A_546 = tpu.vector_load %arg3[%swap3A_543, %swap3A_544, %swap3A_545] {strides = array<i32>} : memref<1x4x1024xf32, #tpu.memory_space<vmem>>, vector<1x1x16xf32>,
    %swap3A_547 = vector.shape_cast %swap3A_546 : vector<1x1x16xf32> to vector<16xf32>
    %swap3A_548 = vector.shape_cast %broadcast_in_dim3A_540 : vector<16xf32> to vector<1x1x16xf32>
    tpu.vector_store %arg3[%swap3A_543, %swap3A_544, %swap3A_545], %swap3A_548 {strides = array<i32>} : memref<1x4x1024xf32, #tpu.memory_space<vmem>>, vector<1x1x16xf32>,
    %broadcast_in_dim3A_549 = arith.constant 2.000000e+00 : f32
    %broadcast_in_dim3A_550 = vector.broadcast %broadcast_in_dim3A_549 : f32 to vector<16xf32>
    %swap3A_551 = arith.constant 0 : i32
    %swap3A_552 = arith.constant 0 : i32
    %swap3A_553 = arith.index_cast %swap3A_551 : i32 to index
    %swap3A_554 = arith.index_cast %swap3A_552 : i32 to index
    %swap3A_555 = arith.constant 880 : index
    %swap3A_556 = tpu.vector_load %arg3[%swap3A_553, %swap3A_554, %swap3A_555] {strides = array<i32>} : memref<1x4x1024xf32, #tpu.memory_space<vmem>>, vector<1x1x16xf32>,
    %swap3A_557 = vector.shape_cast %swap3A_556 : vector<1x1x16xf32> to vector<16xf32>
    %swap3A_558 = vector.shape_cast %broadcast_in_dim3A_550 : vector<16xf32> to vector<1x1x16xf32>
    tpu.vector_store %arg3[%swap3A_553, %swap3A_554, %swap3A_555], %swap3A_558 {strides = array<i32>} : memref<1x4x1024xf32, #tpu.memory_space<vmem>>, vector<1x1x16xf32>,
    %broadcast_in_dim3A_559 = arith.constant 2.000000e+00 : f32
    %broadcast_in_dim3A_560 = vector.broadcast %broadcast_in_dim3A_559 : f32 to vector<16xf32>
    %swap3A_561 = arith.constant 0 : i32
    %swap3A_562 = arith.constant 0 : i32
    %swap3A_563 = arith.index_cast %swap3A_561 : i32 to index
    %swap3A_564 = arith.index_cast %swap3A_562 : i32 to index
    %swap3A_565 = arith.constant 896 : index
    %swap3A_566 = tpu.vector_load %arg3[%swap3A_563, %swap3A_564, %swap3A_565] {strides = array<i32>} : memref<1x4x1024xf32, #tpu.memory_space<vmem>>, vector<1x1x16xf32>,
    %swap3A_567 = vector.shape_cast %swap3A_566 : vector<1x1x16xf32> to vector<16xf32>
    %swap3A_568 = vector.shape_cast %broadcast_in_dim3A_560 : vector<16xf32> to vector<1x1x16xf32>
    tpu.vector_store %arg3[%swap3A_563, %swap3A_564, %swap3A_565], %swap3A_568 {strides = array<i32>} : memref<1x4x1024xf32, #tpu.memory_space<vmem>>, vector<1x1x16xf32>,
    %broadcast_in_dim3A_569 = arith.constant 2.000000e+00 : f32
    %broadcast_in_dim3A_570 = vector.broadcast %broadcast_in_dim3A_569 : f32 to vector<16xf32>
    %swap3A_571 = arith.constant 0 : i32
    %swap3A_572 = arith.constant 0 : i32
    %swap3A_573 = arith.index_cast %swap3A_571 : i32 to index
    %swap3A_574 = arith.index_cast %swap3A_572 : i32 to index
    %swap3A_575 = arith.constant 912 : index
    %swap3A_576 = tpu.vector_load %arg3[%swap3A_573, %swap3A_574, %swap3A_575] {strides = array<i32>} : memref<1x4x1024xf32, #tpu.memory_space<vmem>>, vector<1x1x16xf32>,
    %swap3A_577 = vector.shape_cast %swap3A_576 : vector<1x1x16xf32> to vector<16xf32>
    %swap3A_578 = vector.shape_cast %broadcast_in_dim3A_570 : vector<16xf32> to vector<1x1x16xf32>
    tpu.vector_store %arg3[%swap3A_573, %swap3A_574, %swap3A_575], %swap3A_578 {strides = array<i32>} : memref<1x4x1024xf32, #tpu.memory_space<vmem>>, vector<1x1x16xf32>,
    %broadcast_in_dim3A_579 = arith.constant 2.000000e+00 : f32
    %broadcast_in_dim3A_580 = vector.broadcast %broadcast_in_dim3A_579 : f32 to vector<16xf32>
    %swap3A_581 = arith.constant 0 : i32
    %swap3A_582 = arith.constant 0 : i32
    %swap3A_583 = arith.index_cast %swap3A_581 : i32 to index
    %swap3A_584 = arith.index_cast %swap3A_582 : i32 to index
    %swap3A_585 = arith.constant 928 : index
    %swap3A_586 = tpu.vector_load %arg3[%swap3A_583, %swap3A_584, %swap3A_585] {strides = array<i32>} : memref<1x4x1024xf32, #tpu.memory_space<vmem>>, vector<1x1x16xf32>,
    %swap3A_587 = vector.shape_cast %swap3A_586 : vector<1x1x16xf32> to vector<16xf32>
    %swap3A_588 = vector.shape_cast %broadcast_in_dim3A_580 : vector<16xf32> to vector<1x1x16xf32>
    tpu.vector_store %arg3[%swap3A_583, %swap3A_584, %swap3A_585], %swap3A_588 {strides = array<i32>} : memref<1x4x1024xf32, #tpu.memory_space<vmem>>, vector<1x1x16xf32>,
    %broadcast_in_dim3A_589 = arith.constant 2.000000e+00 : f32
    %broadcast_in_dim3A_590 = vector.broadcast %broadcast_in_dim3A_589 : f32 to vector<16xf32>
    %swap3A_591 = arith.constant 0 : i32
    %swap3A_592 = arith.constant 0 : i32
    %swap3A_593 = arith.index_cast %swap3A_591 : i32 to index
    %swap3A_594 = arith.index_cast %swap3A_592 : i32 to index
    %swap3A_595 = arith.constant 944 : index
    %swap3A_596 = tpu.vector_load %arg3[%swap3A_593, %swap3A_594, %swap3A_595] {strides = array<i32>} : memref<1x4x1024xf32, #tpu.memory_space<vmem>>, vector<1x1x16xf32>,
    %swap3A_597 = vector.shape_cast %swap3A_596 : vector<1x1x16xf32> to vector<16xf32>
    %swap3A_598 = vector.shape_cast %broadcast_in_dim3A_590 : vector<16xf32> to vector<1x1x16xf32>
    tpu.vector_store %arg3[%swap3A_593, %swap3A_594, %swap3A_595], %swap3A_598 {strides = array<i32>} : memref<1x4x1024xf32, #tpu.memory_space<vmem>>, vector<1x1x16xf32>,
    %broadcast_in_dim3A_599 = arith.constant 2.000000e+00 : f32
    %broadcast_in_dim3A_600 = vector.broadcast %broadcast_in_dim3A_599 : f32 to vector<16xf32>
    %swap3A_601 = arith.constant 0 : i32
    %swap3A_602 = arith.constant 0 : i32
    %swap3A_603 = arith.index_cast %swap3A_601 : i32 to index
    %swap3A_604 = arith.index_cast %swap3A_602 : i32 to index
    %swap3A_605 = arith.constant 960 : index
    %swap3A_606 = tpu.vector_load %arg3[%swap3A_603, %swap3A_604, %swap3A_605] {strides = array<i32>} : memref<1x4x1024xf32, #tpu.memory_space<vmem>>, vector<1x1x16xf32>,
    %swap3A_607 = vector.shape_cast %swap3A_606 : vector<1x1x16xf32> to vector<16xf32>
    %swap3A_608 = vector.shape_cast %broadcast_in_dim3A_600 : vector<16xf32> to vector<1x1x16xf32>
    tpu.vector_store %arg3[%swap3A_603, %swap3A_604, %swap3A_605], %swap3A_608 {strides = array<i32>} : memref<1x4x1024xf32, #tpu.memory_space<vmem>>, vector<1x1x16xf32>,
    %broadcast_in_dim3A_609 = arith.constant 2.000000e+00 : f32
    %broadcast_in_dim3A_610 = vector.broadcast %broadcast_in_dim3A_609 : f32 to vector<16xf32>
    %swap3A_611 = arith.constant 0 : i32
    %swap3A_612 = arith.constant 0 : i32
    %swap3A_613 = arith.index_cast %swap3A_611 : i32 to index
    %swap3A_614 = arith.index_cast %swap3A_612 : i32 to index
    %swap3A_615 = arith.constant 976 : index
    %swap3A_616 = tpu.vector_load %arg3[%swap3A_613, %swap3A_614, %swap3A_615] {strides = array<i32>} : memref<1x4x1024xf32, #tpu.memory_space<vmem>>, vector<1x1x16xf32>,
    %swap3A_617 = vector.shape_cast %swap3A_616 : vector<1x1x16xf32> to vector<16xf32>
    %swap3A_618 = vector.shape_cast %broadcast_in_dim3A_610 : vector<16xf32> to vector<1x1x16xf32>
    tpu.vector_store %arg3[%swap3A_613, %swap3A_614, %swap3A_615], %swap3A_618 {strides = array<i32>} : memref<1x4x1024xf32, #tpu.memory_space<vmem>>, vector<1x1x16xf32>,
    %broadcast_in_dim3A_619 = arith.constant 2.000000e+00 : f32
    %broadcast_in_dim3A_620 = vector.broadcast %broadcast_in_dim3A_619 : f32 to vector<16xf32>
    %swap3A_621 = arith.constant 0 : i32
    %swap3A_622 = arith.constant 0 : i32
    %swap3A_623 = arith.index_cast %swap3A_621 : i32 to index
    %swap3A_624 = arith.index_cast %swap3A_622 : i32 to index
    %swap3A_625 = arith.constant 992 : index
    %swap3A_626 = tpu.vector_load %arg3[%swap3A_623, %swap3A_624, %swap3A_625] {strides = array<i32>} : memref<1x4x1024xf32, #tpu.memory_space<vmem>>, vector<1x1x16xf32>,
    %swap3A_627 = vector.shape_cast %swap3A_626 : vector<1x1x16xf32> to vector<16xf32>
    %swap3A_628 = vector.shape_cast %broadcast_in_dim3A_620 : vector<16xf32> to vector<1x1x16xf32>
    tpu.vector_store %arg3[%swap3A_623, %swap3A_624, %swap3A_625], %swap3A_628 {strides = array<i32>} : memref<1x4x1024xf32, #tpu.memory_space<vmem>>, vector<1x1x16xf32>,
    %broadcast_in_dim3A_629 = arith.constant 2.000000e+00 : f32
    %broadcast_in_dim3A_630 = vector.broadcast %broadcast_in_dim3A_629 : f32 to vector<16xf32>
    %swap3A_631 = arith.constant 0 : i32
    %swap3A_632 = arith.constant 0 : i32
    %swap3A_633 = arith.index_cast %swap3A_631 : i32 to index
    %swap3A_634 = arith.index_cast %swap3A_632 : i32 to index
    %swap3A_635 = arith.constant 1008 : index
    %swap3A_636 = tpu.vector_load %arg3[%swap3A_633, %swap3A_634, %swap3A_635] {strides = array<i32>} : memref<1x4x1024xf32, #tpu.memory_space<vmem>>, vector<1x1x16xf32>,
    %swap3A_637 = vector.shape_cast %swap3A_636 : vector<1x1x16xf32> to vector<16xf32>
    %swap3A_638 = vector.shape_cast %broadcast_in_dim3A_630 : vector<16xf32> to vector<1x1x16xf32>
    tpu.vector_store %arg3[%swap3A_633, %swap3A_634, %swap3A_635], %swap3A_638 {strides = array<i32>} : memref<1x4x1024xf32, #tpu.memory_space<vmem>>, vector<1x1x16xf32>,
    %broadcast_in_dim3A_639 = arith.constant 2.000000e+00 : f32
    %broadcast_in_dim3A_640 = vector.broadcast %broadcast_in_dim3A_639 : f32 to vector<16xf32>
    %swap3A_641 = arith.constant 0 : i32
    %swap3A_642 = arith.constant 1 : i32
    %swap3A_643 = arith.index_cast %swap3A_641 : i32 to index
    %swap3A_644 = arith.index_cast %swap3A_642 : i32 to index
    %swap3A_645 = arith.constant 0 : index
    %swap3A_646 = tpu.vector_load %arg3[%swap3A_643, %swap3A_644, %swap3A_645] {strides = array<i32>} : memref<1x4x1024xf32, #tpu.memory_space<vmem>>, vector<1x1x16xf32>,
    %swap3A_647 = vector.shape_cast %swap3A_646 : vector<1x1x16xf32> to vector<16xf32>
    %swap3A_648 = vector.shape_cast %broadcast_in_dim3A_640 : vector<16xf32> to vector<1x1x16xf32>
    tpu.vector_store %arg3[%swap3A_643, %swap3A_644, %swap3A_645], %swap3A_648 {strides = array<i32>} : memref<1x4x1024xf32, #tpu.memory_space<vmem>>, vector<1x1x16xf32>,
    %broadcast_in_dim3A_649 = arith.constant 2.000000e+00 : f32
    %broadcast_in_dim3A_650 = vector.broadcast %broadcast_in_dim3A_649 : f32 to vector<16xf32>
    %swap3A_651 = arith.constant 0 : i32
    %swap3A_652 = arith.constant 1 : i32
    %swap3A_653 = arith.index_cast %swap3A_651 : i32 to index
    %swap3A_654 = arith.index_cast %swap3A_652 : i32 to index
    %swap3A_655 = arith.constant 16 : index
    %swap3A_656 = tpu.vector_load %arg3[%swap3A_653, %swap3A_654, %swap3A_655] {strides = array<i32>} : memref<1x4x1024xf32, #tpu.memory_space<vmem>>, vector<1x1x16xf32>,
    %swap3A_657 = vector.shape_cast %swap3A_656 : vector<1x1x16xf32> to vector<16xf32>
    %swap3A_658 = vector.shape_cast %broadcast_in_dim3A_650 : vector<16xf32> to vector<1x1x16xf32>
    tpu.vector_store %arg3[%swap3A_653, %swap3A_654, %swap3A_655], %swap3A_658 {strides = array<i32>} : memref<1x4x1024xf32, #tpu.memory_space<vmem>>, vector<1x1x16xf32>,
    %broadcast_in_dim3A_659 = arith.constant 2.000000e+00 : f32
    %broadcast_in_dim3A_660 = vector.broadcast %broadcast_in_dim3A_659 : f32 to vector<16xf32>
    %swap3A_661 = arith.constant 0 : i32
    %swap3A_662 = arith.constant 1 : i32
    %swap3A_663 = arith.index_cast %swap3A_661 : i32 to index
    %swap3A_664 = arith.index_cast %swap3A_662 : i32 to index
    %swap3A_665 = arith.constant 32 : index
    %swap3A_666 = tpu.vector_load %arg3[%swap3A_663, %swap3A_664, %swap3A_665] {strides = array<i32>} : memref<1x4x1024xf32, #tpu.memory_space<vmem>>, vector<1x1x16xf32>,
    %swap3A_667 = vector.shape_cast %swap3A_666 : vector<1x1x16xf32> to vector<16xf32>
    %swap3A_668 = vector.shape_cast %broadcast_in_dim3A_660 : vector<16xf32> to vector<1x1x16xf32>
    tpu.vector_store %arg3[%swap3A_663, %swap3A_664, %swap3A_665], %swap3A_668 {strides = array<i32>} : memref<1x4x1024xf32, #tpu.memory_space<vmem>>, vector<1x1x16xf32>,
    %broadcast_in_dim3A_669 = arith.constant 2.000000e+00 : f32
    %broadcast_in_dim3A_670 = vector.broadcast %broadcast_in_dim3A_669 : f32 to vector<16xf32>
    %swap3A_671 = arith.constant 0 : i32
    %swap3A_672 = arith.constant 1 : i32
    %swap3A_673 = arith.index_cast %swap3A_671 : i32 to index
    %swap3A_674 = arith.index_cast %swap3A_672 : i32 to index
    %swap3A_675 = arith.constant 48 : index
    %swap3A_676 = tpu.vector_load %arg3[%swap3A_673, %swap3A_674, %swap3A_675] {strides = array<i32>} : memref<1x4x1024xf32, #tpu.memory_space<vmem>>, vector<1x1x16xf32>,
    %swap3A_677 = vector.shape_cast %swap3A_676 : vector<1x1x16xf32> to vector<16xf32>
    %swap3A_678 = vector.shape_cast %broadcast_in_dim3A_670 : vector<16xf32> to vector<1x1x16xf32>
    tpu.vector_store %arg3[%swap3A_673, %swap3A_674, %swap3A_675], %swap3A_678 {strides = array<i32>} : memref<1x4x1024xf32, #tpu.memory_space<vmem>>, vector<1x1x16xf32>,
    %broadcast_in_dim3A_679 = arith.constant 2.000000e+00 : f32
    %broadcast_in_dim3A_680 = vector.broadcast %broadcast_in_dim3A_679 : f32 to vector<16xf32>
    %swap3A_681 = arith.constant 0 : i32
    %swap3A_682 = arith.constant 1 : i32
    %swap3A_683 = arith.index_cast %swap3A_681 : i32 to index
    %swap3A_684 = arith.index_cast %swap3A_682 : i32 to index
    %swap3A_685 = arith.constant 64 : index
    %swap3A_686 = tpu.vector_load %arg3[%swap3A_683, %swap3A_684, %swap3A_685] {strides = array<i32>} : memref<1x4x1024xf32, #tpu.memory_space<vmem>>, vector<1x1x16xf32>,
    %swap3A_687 = vector.shape_cast %swap3A_686 : vector<1x1x16xf32> to vector<16xf32>
    %swap3A_688 = vector.shape_cast %broadcast_in_dim3A_680 : vector<16xf32> to vector<1x1x16xf32>
    tpu.vector_store %arg3[%swap3A_683, %swap3A_684, %swap3A_685], %swap3A_688 {strides = array<i32>} : memref<1x4x1024xf32, #tpu.memory_space<vmem>>, vector<1x1x16xf32>,
    %broadcast_in_dim3A_689 = arith.constant 2.000000e+00 : f32
    %broadcast_in_dim3A_690 = vector.broadcast %broadcast_in_dim3A_689 : f32 to vector<16xf32>
    %swap3A_691 = arith.constant 0 : i32
    %swap3A_692 = arith.constant 1 : i32
    %swap3A_693 = arith.index_cast %swap3A_691 : i32 to index
    %swap3A_694 = arith.index_cast %swap3A_692 : i32 to index
    %swap3A_695 = arith.constant 80 : index
    %swap3A_696 = tpu.vector_load %arg3[%swap3A_693, %swap3A_694, %swap3A_695] {strides = array<i32>} : memref<1x4x1024xf32, #tpu.memory_space<vmem>>, vector<1x1x16xf32>,
    %swap3A_697 = vector.shape_cast %swap3A_696 : vector<1x1x16xf32> to vector<16xf32>
    %swap3A_698 = vector.shape_cast %broadcast_in_dim3A_690 : vector<16xf32> to vector<1x1x16xf32>
    tpu.vector_store %arg3[%swap3A_693, %swap3A_694, %swap3A_695], %swap3A_698 {strides = array<i32>} : memref<1x4x1024xf32, #tpu.memory_space<vmem>>, vector<1x1x16xf32>,
    %broadcast_in_dim3A_699 = arith.constant 2.000000e+00 : f32
    %broadcast_in_dim3A_700 = vector.broadcast %broadcast_in_dim3A_699 : f32 to vector<16xf32>
    %swap3A_701 = arith.constant 0 : i32
    %swap3A_702 = arith.constant 1 : i32
    %swap3A_703 = arith.index_cast %swap3A_701 : i32 to index
    %swap3A_704 = arith.index_cast %swap3A_702 : i32 to index
    %swap3A_705 = arith.constant 96 : index
    %swap3A_706 = tpu.vector_load %arg3[%swap3A_703, %swap3A_704, %swap3A_705] {strides = array<i32>} : memref<1x4x1024xf32, #tpu.memory_space<vmem>>, vector<1x1x16xf32>,
    %swap3A_707 = vector.shape_cast %swap3A_706 : vector<1x1x16xf32> to vector<16xf32>
    %swap3A_708 = vector.shape_cast %broadcast_in_dim3A_700 : vector<16xf32> to vector<1x1x16xf32>
    tpu.vector_store %arg3[%swap3A_703, %swap3A_704, %swap3A_705], %swap3A_708 {strides = array<i32>} : memref<1x4x1024xf32, #tpu.memory_space<vmem>>, vector<1x1x16xf32>,
    %broadcast_in_dim3A_709 = arith.constant 2.000000e+00 : f32
    %broadcast_in_dim3A_710 = vector.broadcast %broadcast_in_dim3A_709 : f32 to vector<16xf32>
    %swap3A_711 = arith.constant 0 : i32
    %swap3A_712 = arith.constant 1 : i32
    %swap3A_713 = arith.index_cast %swap3A_711 : i32 to index
    %swap3A_714 = arith.index_cast %swap3A_712 : i32 to index
    %swap3A_715 = arith.constant 112 : index
    %swap3A_716 = tpu.vector_load %arg3[%swap3A_713, %swap3A_714, %swap3A_715] {strides = array<i32>} : memref<1x4x1024xf32, #tpu.memory_space<vmem>>, vector<1x1x16xf32>,
    %swap3A_717 = vector.shape_cast %swap3A_716 : vector<1x1x16xf32> to vector<16xf32>
    %swap3A_718 = vector.shape_cast %broadcast_in_dim3A_710 : vector<16xf32> to vector<1x1x16xf32>
    tpu.vector_store %arg3[%swap3A_713, %swap3A_714, %swap3A_715], %swap3A_718 {strides = array<i32>} : memref<1x4x1024xf32, #tpu.memory_space<vmem>>, vector<1x1x16xf32>,
    %broadcast_in_dim3A_719 = arith.constant 2.000000e+00 : f32
    %broadcast_in_dim3A_720 = vector.broadcast %broadcast_in_dim3A_719 : f32 to vector<16xf32>
    %swap3A_721 = arith.constant 0 : i32
    %swap3A_722 = arith.constant 1 : i32
    %swap3A_723 = arith.index_cast %swap3A_721 : i32 to index
    %swap3A_724 = arith.index_cast %swap3A_722 : i32 to index
    %swap3A_725 = arith.constant 128 : index
    %swap3A_726 = tpu.vector_load %arg3[%swap3A_723, %swap3A_724, %swap3A_725] {strides = array<i32>} : memref<1x4x1024xf32, #tpu.memory_space<vmem>>, vector<1x1x16xf32>,
    %swap3A_727 = vector.shape_cast %swap3A_726 : vector<1x1x16xf32> to vector<16xf32>
    %swap3A_728 = vector.shape_cast %broadcast_in_dim3A_720 : vector<16xf32> to vector<1x1x16xf32>
    tpu.vector_store %arg3[%swap3A_723, %swap3A_724, %swap3A_725], %swap3A_728 {strides = array<i32>} : memref<1x4x1024xf32, #tpu.memory_space<vmem>>, vector<1x1x16xf32>,
    %broadcast_in_dim3A_729 = arith.constant 2.000000e+00 : f32
    %broadcast_in_dim3A_730 = vector.broadcast %broadcast_in_dim3A_729 : f32 to vector<16xf32>
    %swap3A_731 = arith.constant 0 : i32
    %swap3A_732 = arith.constant 1 : i32
    %swap3A_733 = arith.index_cast %swap3A_731 : i32 to index
    %swap3A_734 = arith.index_cast %swap3A_732 : i32 to index
    %swap3A_735 = arith.constant 144 : index
    %swap3A_736 = tpu.vector_load %arg3[%swap3A_733, %swap3A_734, %swap3A_735] {strides = array<i32>} : memref<1x4x1024xf32, #tpu.memory_space<vmem>>, vector<1x1x16xf32>,
    %swap3A_737 = vector.shape_cast %swap3A_736 : vector<1x1x16xf32> to vector<16xf32>
    %swap3A_738 = vector.shape_cast %broadcast_in_dim3A_730 : vector<16xf32> to vector<1x1x16xf32>
    tpu.vector_store %arg3[%swap3A_733, %swap3A_734, %swap3A_735], %swap3A_738 {strides = array<i32>} : memref<1x4x1024xf32, #tpu.memory_space<vmem>>, vector<1x1x16xf32>,
    %broadcast_in_dim3A_739 = arith.constant 2.000000e+00 : f32
    %broadcast_in_dim3A_740 = vector.broadcast %broadcast_in_dim3A_739 : f32 to vector<16xf32>
    %swap3A_741 = arith.constant 0 : i32
    %swap3A_742 = arith.constant 1 : i32
    %swap3A_743 = arith.index_cast %swap3A_741 : i32 to index
    %swap3A_744 = arith.index_cast %swap3A_742 : i32 to index
    %swap3A_745 = arith.constant 160 : index
    %swap3A_746 = tpu.vector_load %arg3[%swap3A_743, %swap3A_744, %swap3A_745] {strides = array<i32>} : memref<1x4x1024xf32, #tpu.memory_space<vmem>>, vector<1x1x16xf32>,
    %swap3A_747 = vector.shape_cast %swap3A_746 : vector<1x1x16xf32> to vector<16xf32>
    %swap3A_748 = vector.shape_cast %broadcast_in_dim3A_740 : vector<16xf32> to vector<1x1x16xf32>
    tpu.vector_store %arg3[%swap3A_743, %swap3A_744, %swap3A_745], %swap3A_748 {strides = array<i32>} : memref<1x4x1024xf32, #tpu.memory_space<vmem>>, vector<1x1x16xf32>,
    %broadcast_in_dim3A_749 = arith.constant 2.000000e+00 : f32
    %broadcast_in_dim3A_750 = vector.broadcast %broadcast_in_dim3A_749 : f32 to vector<16xf32>
    %swap3A_751 = arith.constant 0 : i32
    %swap3A_752 = arith.constant 1 : i32
    %swap3A_753 = arith.index_cast %swap3A_751 : i32 to index
    %swap3A_754 = arith.index_cast %swap3A_752 : i32 to index
    %swap3A_755 = arith.constant 176 : index
    %swap3A_756 = tpu.vector_load %arg3[%swap3A_753, %swap3A_754, %swap3A_755] {strides = array<i32>} : memref<1x4x1024xf32, #tpu.memory_space<vmem>>, vector<1x1x16xf32>,
    %swap3A_757 = vector.shape_cast %swap3A_756 : vector<1x1x16xf32> to vector<16xf32>
    %swap3A_758 = vector.shape_cast %broadcast_in_dim3A_750 : vector<16xf32> to vector<1x1x16xf32>
    tpu.vector_store %arg3[%swap3A_753, %swap3A_754, %swap3A_755], %swap3A_758 {strides = array<i32>} : memref<1x4x1024xf32, #tpu.memory_space<vmem>>, vector<1x1x16xf32>,
    %broadcast_in_dim3A_759 = arith.constant 2.000000e+00 : f32
    %broadcast_in_dim3A_760 = vector.broadcast %broadcast_in_dim3A_759 : f32 to vector<16xf32>
    %swap3A_761 = arith.constant 0 : i32
    %swap3A_762 = arith.constant 1 : i32
    %swap3A_763 = arith.index_cast %swap3A_761 : i32 to index
    %swap3A_764 = arith.index_cast %swap3A_762 : i32 to index
    %swap3A_765 = arith.constant 192 : index
    %swap3A_766 = tpu.vector_load %arg3[%swap3A_763, %swap3A_764, %swap3A_765] {strides = array<i32>} : memref<1x4x1024xf32, #tpu.memory_space<vmem>>, vector<1x1x16xf32>,
    %swap3A_767 = vector.shape_cast %swap3A_766 : vector<1x1x16xf32> to vector<16xf32>
    %swap3A_768 = vector.shape_cast %broadcast_in_dim3A_760 : vector<16xf32> to vector<1x1x16xf32>
    tpu.vector_store %arg3[%swap3A_763, %swap3A_764, %swap3A_765], %swap3A_768 {strides = array<i32>} : memref<1x4x1024xf32, #tpu.memory_space<vmem>>, vector<1x1x16xf32>,
    %broadcast_in_dim3A_769 = arith.constant 2.000000e+00 : f32
    %broadcast_in_dim3A_770 = vector.broadcast %broadcast_in_dim3A_769 : f32 to vector<16xf32>
    %swap3A_771 = arith.constant 0 : i32
    %swap3A_772 = arith.constant 1 : i32
    %swap3A_773 = arith.index_cast %swap3A_771 : i32 to index
    %swap3A_774 = arith.index_cast %swap3A_772 : i32 to index
    %swap3A_775 = arith.constant 208 : index
    %swap3A_776 = tpu.vector_load %arg3[%swap3A_773, %swap3A_774, %swap3A_775] {strides = array<i32>} : memref<1x4x1024xf32, #tpu.memory_space<vmem>>, vector<1x1x16xf32>,
    %swap3A_777 = vector.shape_cast %swap3A_776 : vector<1x1x16xf32> to vector<16xf32>
    %swap3A_778 = vector.shape_cast %broadcast_in_dim3A_770 : vector<16xf32> to vector<1x1x16xf32>
    tpu.vector_store %arg3[%swap3A_773, %swap3A_774, %swap3A_775], %swap3A_778 {strides = array<i32>} : memref<1x4x1024xf32, #tpu.memory_space<vmem>>, vector<1x1x16xf32>,
    %broadcast_in_dim3A_779 = arith.constant 2.000000e+00 : f32
    %broadcast_in_dim3A_780 = vector.broadcast %broadcast_in_dim3A_779 : f32 to vector<16xf32>
    %swap3A_781 = arith.constant 0 : i32
    %swap3A_782 = arith.constant 1 : i32
    %swap3A_783 = arith.index_cast %swap3A_781 : i32 to index
    %swap3A_784 = arith.index_cast %swap3A_782 : i32 to index
    %swap3A_785 = arith.constant 224 : index
    %swap3A_786 = tpu.vector_load %arg3[%swap3A_783, %swap3A_784, %swap3A_785] {strides = array<i32>} : memref<1x4x1024xf32, #tpu.memory_space<vmem>>, vector<1x1x16xf32>,
    %swap3A_787 = vector.shape_cast %swap3A_786 : vector<1x1x16xf32> to vector<16xf32>
    %swap3A_788 = vector.shape_cast %broadcast_in_dim3A_780 : vector<16xf32> to vector<1x1x16xf32>
    tpu.vector_store %arg3[%swap3A_783, %swap3A_784, %swap3A_785], %swap3A_788 {strides = array<i32>} : memref<1x4x1024xf32, #tpu.memory_space<vmem>>, vector<1x1x16xf32>,
    %broadcast_in_dim3A_789 = arith.constant 2.000000e+00 : f32
    %broadcast_in_dim3A_790 = vector.broadcast %broadcast_in_dim3A_789 : f32 to vector<16xf32>
    %swap3A_791 = arith.constant 0 : i32
    %swap3A_792 = arith.constant 1 : i32
    %swap3A_793 = arith.index_cast %swap3A_791 : i32 to index
    %swap3A_794 = arith.index_cast %swap3A_792 : i32 to index
    %swap3A_795 = arith.constant 240 : index
    %swap3A_796 = tpu.vector_load %arg3[%swap3A_793, %swap3A_794, %swap3A_795] {strides = array<i32>} : memref<1x4x1024xf32, #tpu.memory_space<vmem>>, vector<1x1x16xf32>,
    %swap3A_797 = vector.shape_cast %swap3A_796 : vector<1x1x16xf32> to vector<16xf32>
    %swap3A_798 = vector.shape_cast %broadcast_in_dim3A_790 : vector<16xf32> to vector<1x1x16xf32>
    tpu.vector_store %arg3[%swap3A_793, %swap3A_794, %swap3A_795], %swap3A_798 {strides = array<i32>} : memref<1x4x1024xf32, #tpu.memory_space<vmem>>, vector<1x1x16xf32>,
    %broadcast_in_dim3A_799 = arith.constant 2.000000e+00 : f32
    %broadcast_in_dim3A_800 = vector.broadcast %broadcast_in_dim3A_799 : f32 to vector<16xf32>
    %swap3A_801 = arith.constant 0 : i32
    %swap3A_802 = arith.constant 1 : i32
    %swap3A_803 = arith.index_cast %swap3A_801 : i32 to index
    %swap3A_804 = arith.index_cast %swap3A_802 : i32 to index
    %swap3A_805 = arith.constant 256 : index
    %swap3A_806 = tpu.vector_load %arg3[%swap3A_803, %swap3A_804, %swap3A_805] {strides = array<i32>} : memref<1x4x1024xf32, #tpu.memory_space<vmem>>, vector<1x1x16xf32>,
    %swap3A_807 = vector.shape_cast %swap3A_806 : vector<1x1x16xf32> to vector<16xf32>
    %swap3A_808 = vector.shape_cast %broadcast_in_dim3A_800 : vector<16xf32> to vector<1x1x16xf32>
    tpu.vector_store %arg3[%swap3A_803, %swap3A_804, %swap3A_805], %swap3A_808 {strides = array<i32>} : memref<1x4x1024xf32, #tpu.memory_space<vmem>>, vector<1x1x16xf32>,
    %broadcast_in_dim3A_809 = arith.constant 2.000000e+00 : f32
    %broadcast_in_dim3A_810 = vector.broadcast %broadcast_in_dim3A_809 : f32 to vector<16xf32>
    %swap3A_811 = arith.constant 0 : i32
    %swap3A_812 = arith.constant 1 : i32
    %swap3A_813 = arith.index_cast %swap3A_811 : i32 to index
    %swap3A_814 = arith.index_cast %swap3A_812 : i32 to index
    %swap3A_815 = arith.constant 272 : index
    %swap3A_816 = tpu.vector_load %arg3[%swap3A_813, %swap3A_814, %swap3A_815] {strides = array<i32>} : memref<1x4x1024xf32, #tpu.memory_space<vmem>>, vector<1x1x16xf32>,
    %swap3A_817 = vector.shape_cast %swap3A_816 : vector<1x1x16xf32> to vector<16xf32>
    %swap3A_818 = vector.shape_cast %broadcast_in_dim3A_810 : vector<16xf32> to vector<1x1x16xf32>
    tpu.vector_store %arg3[%swap3A_813, %swap3A_814, %swap3A_815], %swap3A_818 {strides = array<i32>} : memref<1x4x1024xf32, #tpu.memory_space<vmem>>, vector<1x1x16xf32>,
    %broadcast_in_dim3A_819 = arith.constant 2.000000e+00 : f32
    %broadcast_in_dim3A_820 = vector.broadcast %broadcast_in_dim3A_819 : f32 to vector<16xf32>
    %swap3A_821 = arith.constant 0 : i32
    %swap3A_822 = arith.constant 1 : i32
    %swap3A_823 = arith.index_cast %swap3A_821 : i32 to index
    %swap3A_824 = arith.index_cast %swap3A_822 : i32 to index
    %swap3A_825 = arith.constant 288 : index
    %swap3A_826 = tpu.vector_load %arg3[%swap3A_823, %swap3A_824, %swap3A_825] {strides = array<i32>} : memref<1x4x1024xf32, #tpu.memory_space<vmem>>, vector<1x1x16xf32>,
    %swap3A_827 = vector.shape_cast %swap3A_826 : vector<1x1x16xf32> to vector<16xf32>
    %swap3A_828 = vector.shape_cast %broadcast_in_dim3A_820 : vector<16xf32> to vector<1x1x16xf32>
    tpu.vector_store %arg3[%swap3A_823, %swap3A_824, %swap3A_825], %swap3A_828 {strides = array<i32>} : memref<1x4x1024xf32, #tpu.memory_space<vmem>>, vector<1x1x16xf32>,
    %broadcast_in_dim3A_829 = arith.constant 2.000000e+00 : f32
    %broadcast_in_dim3A_830 = vector.broadcast %broadcast_in_dim3A_829 : f32 to vector<16xf32>
    %swap3A_831 = arith.constant 0 : i32
    %swap3A_832 = arith.constant 1 : i32
    %swap3A_833 = arith.index_cast %swap3A_831 : i32 to index
    %swap3A_834 = arith.index_cast %swap3A_832 : i32 to index
    %swap3A_835 = arith.constant 304 : index
    %swap3A_836 = tpu.vector_load %arg3[%swap3A_833, %swap3A_834, %swap3A_835] {strides = array<i32>} : memref<1x4x1024xf32, #tpu.memory_space<vmem>>, vector<1x1x16xf32>,
    %swap3A_837 = vector.shape_cast %swap3A_836 : vector<1x1x16xf32> to vector<16xf32>
    %swap3A_838 = vector.shape_cast %broadcast_in_dim3A_830 : vector<16xf32> to vector<1x1x16xf32>
    tpu.vector_store %arg3[%swap3A_833, %swap3A_834, %swap3A_835], %swap3A_838 {strides = array<i32>} : memref<1x4x1024xf32, #tpu.memory_space<vmem>>, vector<1x1x16xf32>,
    %broadcast_in_dim3A_839 = arith.constant 2.000000e+00 : f32
    %broadcast_in_dim3A_840 = vector.broadcast %broadcast_in_dim3A_839 : f32 to vector<16xf32>
    %swap3A_841 = arith.constant 0 : i32
    %swap3A_842 = arith.constant 1 : i32
    %swap3A_843 = arith.index_cast %swap3A_841 : i32 to index
    %swap3A_844 = arith.index_cast %swap3A_842 : i32 to index
    %swap3A_845 = arith.constant 320 : index
    %swap3A_846 = tpu.vector_load %arg3[%swap3A_843, %swap3A_844, %swap3A_845] {strides = array<i32>} : memref<1x4x1024xf32, #tpu.memory_space<vmem>>, vector<1x1x16xf32>,
    %swap3A_847 = vector.shape_cast %swap3A_846 : vector<1x1x16xf32> to vector<16xf32>
    %swap3A_848 = vector.shape_cast %broadcast_in_dim3A_840 : vector<16xf32> to vector<1x1x16xf32>
    tpu.vector_store %arg3[%swap3A_843, %swap3A_844, %swap3A_845], %swap3A_848 {strides = array<i32>} : memref<1x4x1024xf32, #tpu.memory_space<vmem>>, vector<1x1x16xf32>,
    %broadcast_in_dim3A_849 = arith.constant 2.000000e+00 : f32
    %broadcast_in_dim3A_850 = vector.broadcast %broadcast_in_dim3A_849 : f32 to vector<16xf32>
    %swap3A_851 = arith.constant 0 : i32
    %swap3A_852 = arith.constant 1 : i32
    %swap3A_853 = arith.index_cast %swap3A_851 : i32 to index
    %swap3A_854 = arith.index_cast %swap3A_852 : i32 to index
    %swap3A_855 = arith.constant 336 : index
    %swap3A_856 = tpu.vector_load %arg3[%swap3A_853, %swap3A_854, %swap3A_855] {strides = array<i32>} : memref<1x4x1024xf32, #tpu.memory_space<vmem>>, vector<1x1x16xf32>,
    %swap3A_857 = vector.shape_cast %swap3A_856 : vector<1x1x16xf32> to vector<16xf32>
    %swap3A_858 = vector.shape_cast %broadcast_in_dim3A_850 : vector<16xf32> to vector<1x1x16xf32>
    tpu.vector_store %arg3[%swap3A_853, %swap3A_854, %swap3A_855], %swap3A_858 {strides = array<i32>} : memref<1x4x1024xf32, #tpu.memory_space<vmem>>, vector<1x1x16xf32>,
    %broadcast_in_dim3A_859 = arith.constant 2.000000e+00 : f32
    %broadcast_in_dim3A_860 = vector.broadcast %broadcast_in_dim3A_859 : f32 to vector<16xf32>
    %swap3A_861 = arith.constant 0 : i32
    %swap3A_862 = arith.constant 1 : i32
    %swap3A_863 = arith.index_cast %swap3A_861 : i32 to index
    %swap3A_864 = arith.index_cast %swap3A_862 : i32 to index
    %swap3A_865 = arith.constant 352 : index
    %swap3A_866 = tpu.vector_load %arg3[%swap3A_863, %swap3A_864, %swap3A_865] {strides = array<i32>} : memref<1x4x1024xf32, #tpu.memory_space<vmem>>, vector<1x1x16xf32>,
    %swap3A_867 = vector.shape_cast %swap3A_866 : vector<1x1x16xf32> to vector<16xf32>
    %swap3A_868 = vector.shape_cast %broadcast_in_dim3A_860 : vector<16xf32> to vector<1x1x16xf32>
    tpu.vector_store %arg3[%swap3A_863, %swap3A_864, %swap3A_865], %swap3A_868 {strides = array<i32>} : memref<1x4x1024xf32, #tpu.memory_space<vmem>>, vector<1x1x16xf32>,
    %broadcast_in_dim3A_869 = arith.constant 2.000000e+00 : f32
    %broadcast_in_dim3A_870 = vector.broadcast %broadcast_in_dim3A_869 : f32 to vector<16xf32>
    %swap3A_871 = arith.constant 0 : i32
    %swap3A_872 = arith.constant 1 : i32
    %swap3A_873 = arith.index_cast %swap3A_871 : i32 to index
    %swap3A_874 = arith.index_cast %swap3A_872 : i32 to index
    %swap3A_875 = arith.constant 368 : index
    %swap3A_876 = tpu.vector_load %arg3[%swap3A_873, %swap3A_874, %swap3A_875] {strides = array<i32>} : memref<1x4x1024xf32, #tpu.memory_space<vmem>>, vector<1x1x16xf32>,
    %swap3A_877 = vector.shape_cast %swap3A_876 : vector<1x1x16xf32> to vector<16xf32>
    %swap3A_878 = vector.shape_cast %broadcast_in_dim3A_870 : vector<16xf32> to vector<1x1x16xf32>
    tpu.vector_store %arg3[%swap3A_873, %swap3A_874, %swap3A_875], %swap3A_878 {strides = array<i32>} : memref<1x4x1024xf32, #tpu.memory_space<vmem>>, vector<1x1x16xf32>,
    %broadcast_in_dim3A_879 = arith.constant 2.000000e+00 : f32
    %broadcast_in_dim3A_880 = vector.broadcast %broadcast_in_dim3A_879 : f32 to vector<16xf32>
    %swap3A_881 = arith.constant 0 : i32
    %swap3A_882 = arith.constant 1 : i32
    %swap3A_883 = arith.index_cast %swap3A_881 : i32 to index
    %swap3A_884 = arith.index_cast %swap3A_882 : i32 to index
    %swap3A_885 = arith.constant 384 : index
    %swap3A_886 = tpu.vector_load %arg3[%swap3A_883, %swap3A_884, %swap3A_885] {strides = array<i32>} : memref<1x4x1024xf32, #tpu.memory_space<vmem>>, vector<1x1x16xf32>,
    %swap3A_887 = vector.shape_cast %swap3A_886 : vector<1x1x16xf32> to vector<16xf32>
    %swap3A_888 = vector.shape_cast %broadcast_in_dim3A_880 : vector<16xf32> to vector<1x1x16xf32>
    tpu.vector_store %arg3[%swap3A_883, %swap3A_884, %swap3A_885], %swap3A_888 {strides = array<i32>} : memref<1x4x1024xf32, #tpu.memory_space<vmem>>, vector<1x1x16xf32>,
    %broadcast_in_dim3A_889 = arith.constant 2.000000e+00 : f32
    %broadcast_in_dim3A_890 = vector.broadcast %broadcast_in_dim3A_889 : f32 to vector<16xf32>
    %swap3A_891 = arith.constant 0 : i32
    %swap3A_892 = arith.constant 1 : i32
    %swap3A_893 = arith.index_cast %swap3A_891 : i32 to index
    %swap3A_894 = arith.index_cast %swap3A_892 : i32 to index
    %swap3A_895 = arith.constant 400 : index
    %swap3A_896 = tpu.vector_load %arg3[%swap3A_893, %swap3A_894, %swap3A_895] {strides = array<i32>} : memref<1x4x1024xf32, #tpu.memory_space<vmem>>, vector<1x1x16xf32>,
    %swap3A_897 = vector.shape_cast %swap3A_896 : vector<1x1x16xf32> to vector<16xf32>
    %swap3A_898 = vector.shape_cast %broadcast_in_dim3A_890 : vector<16xf32> to vector<1x1x16xf32>
    tpu.vector_store %arg3[%swap3A_893, %swap3A_894, %swap3A_895], %swap3A_898 {strides = array<i32>} : memref<1x4x1024xf32, #tpu.memory_space<vmem>>, vector<1x1x16xf32>,
    %broadcast_in_dim3A_899 = arith.constant 2.000000e+00 : f32
    %broadcast_in_dim3A_900 = vector.broadcast %broadcast_in_dim3A_899 : f32 to vector<16xf32>
    %swap3A_901 = arith.constant 0 : i32
    %swap3A_902 = arith.constant 1 : i32
    %swap3A_903 = arith.index_cast %swap3A_901 : i32 to index
    %swap3A_904 = arith.index_cast %swap3A_902 : i32 to index
    %swap3A_905 = arith.constant 416 : index
    %swap3A_906 = tpu.vector_load %arg3[%swap3A_903, %swap3A_904, %swap3A_905] {strides = array<i32>} : memref<1x4x1024xf32, #tpu.memory_space<vmem>>, vector<1x1x16xf32>,
    %swap3A_907 = vector.shape_cast %swap3A_906 : vector<1x1x16xf32> to vector<16xf32>
    %swap3A_908 = vector.shape_cast %broadcast_in_dim3A_900 : vector<16xf32> to vector<1x1x16xf32>
    tpu.vector_store %arg3[%swap3A_903, %swap3A_904, %swap3A_905], %swap3A_908 {strides = array<i32>} : memref<1x4x1024xf32, #tpu.memory_space<vmem>>, vector<1x1x16xf32>,
    %broadcast_in_dim3A_909 = arith.constant 2.000000e+00 : f32
    %broadcast_in_dim3A_910 = vector.broadcast %broadcast_in_dim3A_909 : f32 to vector<16xf32>
    %swap3A_911 = arith.constant 0 : i32
    %swap3A_912 = arith.constant 1 : i32
    %swap3A_913 = arith.index_cast %swap3A_911 : i32 to index
    %swap3A_914 = arith.index_cast %swap3A_912 : i32 to index
    %swap3A_915 = arith.constant 432 : index
    %swap3A_916 = tpu.vector_load %arg3[%swap3A_913, %swap3A_914, %swap3A_915] {strides = array<i32>} : memref<1x4x1024xf32, #tpu.memory_space<vmem>>, vector<1x1x16xf32>,
    %swap3A_917 = vector.shape_cast %swap3A_916 : vector<1x1x16xf32> to vector<16xf32>
    %swap3A_918 = vector.shape_cast %broadcast_in_dim3A_910 : vector<16xf32> to vector<1x1x16xf32>
    tpu.vector_store %arg3[%swap3A_913, %swap3A_914, %swap3A_915], %swap3A_918 {strides = array<i32>} : memref<1x4x1024xf32, #tpu.memory_space<vmem>>, vector<1x1x16xf32>,
    %broadcast_in_dim3A_919 = arith.constant 2.000000e+00 : f32
    %broadcast_in_dim3A_920 = vector.broadcast %broadcast_in_dim3A_919 : f32 to vector<16xf32>
    %swap3A_921 = arith.constant 0 : i32
    %swap3A_922 = arith.constant 1 : i32
    %swap3A_923 = arith.index_cast %swap3A_921 : i32 to index
    %swap3A_924 = arith.index_cast %swap3A_922 : i32 to index
    %swap3A_925 = arith.constant 448 : index
    %swap3A_926 = tpu.vector_load %arg3[%swap3A_923, %swap3A_924, %swap3A_925] {strides = array<i32>} : memref<1x4x1024xf32, #tpu.memory_space<vmem>>, vector<1x1x16xf32>,
    %swap3A_927 = vector.shape_cast %swap3A_926 : vector<1x1x16xf32> to vector<16xf32>
    %swap3A_928 = vector.shape_cast %broadcast_in_dim3A_920 : vector<16xf32> to vector<1x1x16xf32>
    tpu.vector_store %arg3[%swap3A_923, %swap3A_924, %swap3A_925], %swap3A_928 {strides = array<i32>} : memref<1x4x1024xf32, #tpu.memory_space<vmem>>, vector<1x1x16xf32>,
    %broadcast_in_dim3A_929 = arith.constant 2.000000e+00 : f32
    %broadcast_in_dim3A_930 = vector.broadcast %broadcast_in_dim3A_929 : f32 to vector<16xf32>
    %swap3A_931 = arith.constant 0 : i32
    %swap3A_932 = arith.constant 1 : i32
    %swap3A_933 = arith.index_cast %swap3A_931 : i32 to index
    %swap3A_934 = arith.index_cast %swap3A_932 : i32 to index
    %swap3A_935 = arith.constant 464 : index
    %swap3A_936 = tpu.vector_load %arg3[%swap3A_933, %swap3A_934, %swap3A_935] {strides = array<i32>} : memref<1x4x1024xf32, #tpu.memory_space<vmem>>, vector<1x1x16xf32>,
    %swap3A_937 = vector.shape_cast %swap3A_936 : vector<1x1x16xf32> to vector<16xf32>
    %swap3A_938 = vector.shape_cast %broadcast_in_dim3A_930 : vector<16xf32> to vector<1x1x16xf32>
    tpu.vector_store %arg3[%swap3A_933, %swap3A_934, %swap3A_935], %swap3A_938 {strides = array<i32>} : memref<1x4x1024xf32, #tpu.memory_space<vmem>>, vector<1x1x16xf32>,
    %broadcast_in_dim3A_939 = arith.constant 2.000000e+00 : f32
    %broadcast_in_dim3A_940 = vector.broadcast %broadcast_in_dim3A_939 : f32 to vector<16xf32>
    %swap3A_941 = arith.constant 0 : i32
    %swap3A_942 = arith.constant 1 : i32
    %swap3A_943 = arith.index_cast %swap3A_941 : i32 to index
    %swap3A_944 = arith.index_cast %swap3A_942 : i32 to index
    %swap3A_945 = arith.constant 480 : index
    %swap3A_946 = tpu.vector_load %arg3[%swap3A_943, %swap3A_944, %swap3A_945] {strides = array<i32>} : memref<1x4x1024xf32, #tpu.memory_space<vmem>>, vector<1x1x16xf32>,
    %swap3A_947 = vector.shape_cast %swap3A_946 : vector<1x1x16xf32> to vector<16xf32>
    %swap3A_948 = vector.shape_cast %broadcast_in_dim3A_940 : vector<16xf32> to vector<1x1x16xf32>
    tpu.vector_store %arg3[%swap3A_943, %swap3A_944, %swap3A_945], %swap3A_948 {strides = array<i32>} : memref<1x4x1024xf32, #tpu.memory_space<vmem>>, vector<1x1x16xf32>,
    %broadcast_in_dim3A_949 = arith.constant 2.000000e+00 : f32
    %broadcast_in_dim3A_950 = vector.broadcast %broadcast_in_dim3A_949 : f32 to vector<16xf32>
    %swap3A_951 = arith.constant 0 : i32
    %swap3A_952 = arith.constant 1 : i32
    %swap3A_953 = arith.index_cast %swap3A_951 : i32 to index
    %swap3A_954 = arith.index_cast %swap3A_952 : i32 to index
    %swap3A_955 = arith.constant 496 : index
    %swap3A_956 = tpu.vector_load %arg3[%swap3A_953, %swap3A_954, %swap3A_955] {strides = array<i32>} : memref<1x4x1024xf32, #tpu.memory_space<vmem>>, vector<1x1x16xf32>,
    %swap3A_957 = vector.shape_cast %swap3A_956 : vector<1x1x16xf32> to vector<16xf32>
    %swap3A_958 = vector.shape_cast %broadcast_in_dim3A_950 : vector<16xf32> to vector<1x1x16xf32>
    tpu.vector_store %arg3[%swap3A_953, %swap3A_954, %swap3A_955], %swap3A_958 {strides = array<i32>} : memref<1x4x1024xf32, #tpu.memory_space<vmem>>, vector<1x1x16xf32>,
    %broadcast_in_dim3A_959 = arith.constant 2.000000e+00 : f32
    %broadcast_in_dim3A_960 = vector.broadcast %broadcast_in_dim3A_959 : f32 to vector<16xf32>
    %swap3A_961 = arith.constant 0 : i32
    %swap3A_962 = arith.constant 1 : i32
    %swap3A_963 = arith.index_cast %swap3A_961 : i32 to index
    %swap3A_964 = arith.index_cast %swap3A_962 : i32 to index
    %swap3A_965 = arith.constant 512 : index
    %swap3A_966 = tpu.vector_load %arg3[%swap3A_963, %swap3A_964, %swap3A_965] {strides = array<i32>} : memref<1x4x1024xf32, #tpu.memory_space<vmem>>, vector<1x1x16xf32>,
    %swap3A_967 = vector.shape_cast %swap3A_966 : vector<1x1x16xf32> to vector<16xf32>
    %swap3A_968 = vector.shape_cast %broadcast_in_dim3A_960 : vector<16xf32> to vector<1x1x16xf32>
    tpu.vector_store %arg3[%swap3A_963, %swap3A_964, %swap3A_965], %swap3A_968 {strides = array<i32>} : memref<1x4x1024xf32, #tpu.memory_space<vmem>>, vector<1x1x16xf32>,
    %broadcast_in_dim3A_969 = arith.constant 2.000000e+00 : f32
    %broadcast_in_dim3A_970 = vector.broadcast %broadcast_in_dim3A_969 : f32 to vector<16xf32>
    %swap3A_971 = arith.constant 0 : i32
    %swap3A_972 = arith.constant 1 : i32
    %swap3A_973 = arith.index_cast %swap3A_971 : i32 to index
    %swap3A_974 = arith.index_cast %swap3A_972 : i32 to index
    %swap3A_975 = arith.constant 528 : index
    %swap3A_976 = tpu.vector_load %arg3[%swap3A_973, %swap3A_974, %swap3A_975] {strides = array<i32>} : memref<1x4x1024xf32, #tpu.memory_space<vmem>>, vector<1x1x16xf32>,
    %swap3A_977 = vector.shape_cast %swap3A_976 : vector<1x1x16xf32> to vector<16xf32>
    %swap3A_978 = vector.shape_cast %broadcast_in_dim3A_970 : vector<16xf32> to vector<1x1x16xf32>
    tpu.vector_store %arg3[%swap3A_973, %swap3A_974, %swap3A_975], %swap3A_978 {strides = array<i32>} : memref<1x4x1024xf32, #tpu.memory_space<vmem>>, vector<1x1x16xf32>,
    %broadcast_in_dim3A_979 = arith.constant 2.000000e+00 : f32
    %broadcast_in_dim3A_980 = vector.broadcast %broadcast_in_dim3A_979 : f32 to vector<16xf32>
    %swap3A_981 = arith.constant 0 : i32
    %swap3A_982 = arith.constant 1 : i32
    %swap3A_983 = arith.index_cast %swap3A_981 : i32 to index
    %swap3A_984 = arith.index_cast %swap3A_982 : i32 to index
    %swap3A_985 = arith.constant 544 : index
    %swap3A_986 = tpu.vector_load %arg3[%swap3A_983, %swap3A_984, %swap3A_985] {strides = array<i32>} : memref<1x4x1024xf32, #tpu.memory_space<vmem>>, vector<1x1x16xf32>,
    %swap3A_987 = vector.shape_cast %swap3A_986 : vector<1x1x16xf32> to vector<16xf32>
    %swap3A_988 = vector.shape_cast %broadcast_in_dim3A_980 : vector<16xf32> to vector<1x1x16xf32>
    tpu.vector_store %arg3[%swap3A_983, %swap3A_984, %swap3A_985], %swap3A_988 {strides = array<i32>} : memref<1x4x1024xf32, #tpu.memory_space<vmem>>, vector<1x1x16xf32>,
    %broadcast_in_dim3A_989 = arith.constant 2.000000e+00 : f32
    %broadcast_in_dim3A_990 = vector.broadcast %broadcast_in_dim3A_989 : f32 to vector<16xf32>
    %swap3A_991 = arith.constant 0 : i32
    %swap3A_992 = arith.constant 1 : i32
    %swap3A_993 = arith.index_cast %swap3A_991 : i32 to index
    %swap3A_994 = arith.index_cast %swap3A_992 : i32 to index
    %swap3A_995 = arith.constant 560 : index
    %swap3A_996 = tpu.vector_load %arg3[%swap3A_993, %swap3A_994, %swap3A_995] {strides = array<i32>} : memref<1x4x1024xf32, #tpu.memory_space<vmem>>, vector<1x1x16xf32>,
    %swap3A_997 = vector.shape_cast %swap3A_996 : vector<1x1x16xf32> to vector<16xf32>
    %swap3A_998 = vector.shape_cast %broadcast_in_dim3A_990 : vector<16xf32> to vector<1x1x16xf32>
    tpu.vector_store %arg3[%swap3A_993, %swap3A_994, %swap3A_995], %swap3A_998 {strides = array<i32>} : memref<1x4x1024xf32, #tpu.memory_space<vmem>>, vector<1x1x16xf32>,
    %broadcast_in_dim3A_999 = arith.constant 2.000000e+00 : f32
    %broadcast_in_dim3A_1000 = vector.broadcast %broadcast_in_dim3A_999 : f32 to vector<16xf32>
    %swap3A_1001 = arith.constant 0 : i32
    %swap3A_1002 = arith.constant 1 : i32
    %swap3A_1003 = arith.index_cast %swap3A_1001 : i32 to index
    %swap3A_1004 = arith.index_cast %swap3A_1002 : i32 to index
    %swap3A_1005 = arith.constant 576 : index
    %swap3A_1006 = tpu.vector_load %arg3[%swap3A_1003, %swap3A_1004, %swap3A_1005] {strides = array<i32>} : memref<1x4x1024xf32, #tpu.memory_space<vmem>>, vector<1x1x16xf32>,
    %swap3A_1007 = vector.shape_cast %swap3A_1006 : vector<1x1x16xf32> to vector<16xf32>
    %swap3A_1008 = vector.shape_cast %broadcast_in_dim3A_1000 : vector<16xf32> to vector<1x1x16xf32>
    tpu.vector_store %arg3[%swap3A_1003, %swap3A_1004, %swap3A_1005], %swap3A_1008 {strides = array<i32>} : memref<1x4x1024xf32, #tpu.memory_space<vmem>>, vector<1x1x16xf32>,
    %broadcast_in_dim3A_1009 = arith.constant 2.000000e+00 : f32
    %broadcast_in_dim3A_1010 = vector.broadcast %broadcast_in_dim3A_1009 : f32 to vector<16xf32>
    %swap3A_1011 = arith.constant 0 : i32
    %swap3A_1012 = arith.constant 1 : i32
    %swap3A_1013 = arith.index_cast %swap3A_1011 : i32 to index
    %swap3A_1014 = arith.index_cast %swap3A_1012 : i32 to index
    %swap3A_1015 = arith.constant 592 : index
    %swap3A_1016 = tpu.vector_load %arg3[%swap3A_1013, %swap3A_1014, %swap3A_1015] {strides = array<i32>} : memref<1x4x1024xf32, #tpu.memory_space<vmem>>, vector<1x1x16xf32>,
    %swap3A_1017 = vector.shape_cast %swap3A_1016 : vector<1x1x16xf32> to vector<16xf32>
    %swap3A_1018 = vector.shape_cast %broadcast_in_dim3A_1010 : vector<16xf32> to vector<1x1x16xf32>
    tpu.vector_store %arg3[%swap3A_1013, %swap3A_1014, %swap3A_1015], %swap3A_1018 {strides = array<i32>} : memref<1x4x1024xf32, #tpu.memory_space<vmem>>, vector<1x1x16xf32>,
    %broadcast_in_dim3A_1019 = arith.constant 2.000000e+00 : f32
    %broadcast_in_dim3A_1020 = vector.broadcast %broadcast_in_dim3A_1019 : f32 to vector<16xf32>
    %swap3A_1021 = arith.constant 0 : i32
    %swap3A_1022 = arith.constant 1 : i32
    %swap3A_1023 = arith.index_cast %swap3A_1021 : i32 to index
    %swap3A_1024 = arith.index_cast %swap3A_1022 : i32 to index
    %swap3A_1025 = arith.constant 608 : index
    %swap3A_1026 = tpu.vector_load %arg3[%swap3A_1023, %swap3A_1024, %swap3A_1025] {strides = array<i32>} : memref<1x4x1024xf32, #tpu.memory_space<vmem>>, vector<1x1x16xf32>,
    %swap3A_1027 = vector.shape_cast %swap3A_1026 : vector<1x1x16xf32> to vector<16xf32>
    %swap3A_1028 = vector.shape_cast %broadcast_in_dim3A_1020 : vector<16xf32> to vector<1x1x16xf32>
    tpu.vector_store %arg3[%swap3A_1023, %swap3A_1024, %swap3A_1025], %swap3A_1028 {strides = array<i32>} : memref<1x4x1024xf32, #tpu.memory_space<vmem>>, vector<1x1x16xf32>,
    %broadcast_in_dim3A_1029 = arith.constant 2.000000e+00 : f32
    %broadcast_in_dim3A_1030 = vector.broadcast %broadcast_in_dim3A_1029 : f32 to vector<16xf32>
    %swap3A_1031 = arith.constant 0 : i32
    %swap3A_1032 = arith.constant 1 : i32
    %swap3A_1033 = arith.index_cast %swap3A_1031 : i32 to index
    %swap3A_1034 = arith.index_cast %swap3A_1032 : i32 to index
    %swap3A_1035 = arith.constant 624 : index
    %swap3A_1036 = tpu.vector_load %arg3[%swap3A_1033, %swap3A_1034, %swap3A_1035] {strides = array<i32>} : memref<1x4x1024xf32, #tpu.memory_space<vmem>>, vector<1x1x16xf32>,
    %swap3A_1037 = vector.shape_cast %swap3A_1036 : vector<1x1x16xf32> to vector<16xf32>
    %swap3A_1038 = vector.shape_cast %broadcast_in_dim3A_1030 : vector<16xf32> to vector<1x1x16xf32>
    tpu.vector_store %arg3[%swap3A_1033, %swap3A_1034, %swap3A_1035], %swap3A_1038 {strides = array<i32>} : memref<1x4x1024xf32, #tpu.memory_space<vmem>>, vector<1x1x16xf32>,
    %broadcast_in_dim3A_1039 = arith.constant 2.000000e+00 : f32
    %broadcast_in_dim3A_1040 = vector.broadcast %broadcast_in_dim3A_1039 : f32 to vector<16xf32>
    %swap3A_1041 = arith.constant 0 : i32
    %swap3A_1042 = arith.constant 1 : i32
    %swap3A_1043 = arith.index_cast %swap3A_1041 : i32 to index
    %swap3A_1044 = arith.index_cast %swap3A_1042 : i32 to index
    %swap3A_1045 = arith.constant 640 : index
    %swap3A_1046 = tpu.vector_load %arg3[%swap3A_1043, %swap3A_1044, %swap3A_1045] {strides = array<i32>} : memref<1x4x1024xf32, #tpu.memory_space<vmem>>, vector<1x1x16xf32>,
    %swap3A_1047 = vector.shape_cast %swap3A_1046 : vector<1x1x16xf32> to vector<16xf32>
    %swap3A_1048 = vector.shape_cast %broadcast_in_dim3A_1040 : vector<16xf32> to vector<1x1x16xf32>
    tpu.vector_store %arg3[%swap3A_1043, %swap3A_1044, %swap3A_1045], %swap3A_1048 {strides = array<i32>} : memref<1x4x1024xf32, #tpu.memory_space<vmem>>, vector<1x1x16xf32>,
    %broadcast_in_dim3A_1049 = arith.constant 2.000000e+00 : f32
    %broadcast_in_dim3A_1050 = vector.broadcast %broadcast_in_dim3A_1049 : f32 to vector<16xf32>
    %swap3A_1051 = arith.constant 0 : i32
    %swap3A_1052 = arith.constant 1 : i32
    %swap3A_1053 = arith.index_cast %swap3A_1051 : i32 to index
    %swap3A_1054 = arith.index_cast %swap3A_1052 : i32 to index
    %swap3A_1055 = arith.constant 656 : index
    %swap3A_1056 = tpu.vector_load %arg3[%swap3A_1053, %swap3A_1054, %swap3A_1055] {strides = array<i32>} : memref<1x4x1024xf32, #tpu.memory_space<vmem>>, vector<1x1x16xf32>,
    %swap3A_1057 = vector.shape_cast %swap3A_1056 : vector<1x1x16xf32> to vector<16xf32>
    %swap3A_1058 = vector.shape_cast %broadcast_in_dim3A_1050 : vector<16xf32> to vector<1x1x16xf32>
    tpu.vector_store %arg3[%swap3A_1053, %swap3A_1054, %swap3A_1055], %swap3A_1058 {strides = array<i32>} : memref<1x4x1024xf32, #tpu.memory_space<vmem>>, vector<1x1x16xf32>,
    %broadcast_in_dim3A_1059 = arith.constant 2.000000e+00 : f32
    %broadcast_in_dim3A_1060 = vector.broadcast %broadcast_in_dim3A_1059 : f32 to vector<16xf32>
    %swap3A_1061 = arith.constant 0 : i32
    %swap3A_1062 = arith.constant 1 : i32
    %swap3A_1063 = arith.index_cast %swap3A_1061 : i32 to index
    %swap3A_1064 = arith.index_cast %swap3A_1062 : i32 to index
    %swap3A_1065 = arith.constant 672 : index
    %swap3A_1066 = tpu.vector_load %arg3[%swap3A_1063, %swap3A_1064, %swap3A_1065] {strides = array<i32>} : memref<1x4x1024xf32, #tpu.memory_space<vmem>>, vector<1x1x16xf32>,
    %swap3A_1067 = vector.shape_cast %swap3A_1066 : vector<1x1x16xf32> to vector<16xf32>
    %swap3A_1068 = vector.shape_cast %broadcast_in_dim3A_1060 : vector<16xf32> to vector<1x1x16xf32>
    tpu.vector_store %arg3[%swap3A_1063, %swap3A_1064, %swap3A_1065], %swap3A_1068 {strides = array<i32>} : memref<1x4x1024xf32, #tpu.memory_space<vmem>>, vector<1x1x16xf32>,
    %broadcast_in_dim3A_1069 = arith.constant 2.000000e+00 : f32
    %broadcast_in_dim3A_1070 = vector.broadcast %broadcast_in_dim3A_1069 : f32 to vector<16xf32>
    %swap3A_1071 = arith.constant 0 : i32
    %swap3A_1072 = arith.constant 1 : i32
    %swap3A_1073 = arith.index_cast %swap3A_1071 : i32 to index
    %swap3A_1074 = arith.index_cast %swap3A_1072 : i32 to index
    %swap3A_1075 = arith.constant 688 : index
    %swap3A_1076 = tpu.vector_load %arg3[%swap3A_1073, %swap3A_1074, %swap3A_1075] {strides = array<i32>} : memref<1x4x1024xf32, #tpu.memory_space<vmem>>, vector<1x1x16xf32>,
    %swap3A_1077 = vector.shape_cast %swap3A_1076 : vector<1x1x16xf32> to vector<16xf32>
    %swap3A_1078 = vector.shape_cast %broadcast_in_dim3A_1070 : vector<16xf32> to vector<1x1x16xf32>
    tpu.vector_store %arg3[%swap3A_1073, %swap3A_1074, %swap3A_1075], %swap3A_1078 {strides = array<i32>} : memref<1x4x1024xf32, #tpu.memory_space<vmem>>, vector<1x1x16xf32>,
    %broadcast_in_dim3A_1079 = arith.constant 2.000000e+00 : f32
    %broadcast_in_dim3A_1080 = vector.broadcast %broadcast_in_dim3A_1079 : f32 to vector<16xf32>
    %swap3A_1081 = arith.constant 0 : i32
    %swap3A_1082 = arith.constant 1 : i32
    %swap3A_1083 = arith.index_cast %swap3A_1081 : i32 to index
    %swap3A_1084 = arith.index_cast %swap3A_1082 : i32 to index
    %swap3A_1085 = arith.constant 704 : index
    %swap3A_1086 = tpu.vector_load %arg3[%swap3A_1083, %swap3A_1084, %swap3A_1085] {strides = array<i32>} : memref<1x4x1024xf32, #tpu.memory_space<vmem>>, vector<1x1x16xf32>,
    %swap3A_1087 = vector.shape_cast %swap3A_1086 : vector<1x1x16xf32> to vector<16xf32>
    %swap3A_1088 = vector.shape_cast %broadcast_in_dim3A_1080 : vector<16xf32> to vector<1x1x16xf32>
    tpu.vector_store %arg3[%swap3A_1083, %swap3A_1084, %swap3A_1085], %swap3A_1088 {strides = array<i32>} : memref<1x4x1024xf32, #tpu.memory_space<vmem>>, vector<1x1x16xf32>,
    %broadcast_in_dim3A_1089 = arith.constant 2.000000e+00 : f32
    %broadcast_in_dim3A_1090 = vector.broadcast %broadcast_in_dim3A_1089 : f32 to vector<16xf32>
    %swap3A_1091 = arith.constant 0 : i32
    %swap3A_1092 = arith.constant 1 : i32
    %swap3A_1093 = arith.index_cast %swap3A_1091 : i32 to index
    %swap3A_1094 = arith.index_cast %swap3A_1092 : i32 to index
    %swap3A_1095 = arith.constant 720 : index
    %swap3A_1096 = tpu.vector_load %arg3[%swap3A_1093, %swap3A_1094, %swap3A_1095] {strides = array<i32>} : memref<1x4x1024xf32, #tpu.memory_space<vmem>>, vector<1x1x16xf32>,
    %swap3A_1097 = vector.shape_cast %swap3A_1096 : vector<1x1x16xf32> to vector<16xf32>
    %swap3A_1098 = vector.shape_cast %broadcast_in_dim3A_1090 : vector<16xf32> to vector<1x1x16xf32>
    tpu.vector_store %arg3[%swap3A_1093, %swap3A_1094, %swap3A_1095], %swap3A_1098 {strides = array<i32>} : memref<1x4x1024xf32, #tpu.memory_space<vmem>>, vector<1x1x16xf32>,
    %broadcast_in_dim3A_1099 = arith.constant 2.000000e+00 : f32
    %broadcast_in_dim3A_1100 = vector.broadcast %broadcast_in_dim3A_1099 : f32 to vector<16xf32>
    %swap3A_1101 = arith.constant 0 : i32
    %swap3A_1102 = arith.constant 1 : i32
    %swap3A_1103 = arith.index_cast %swap3A_1101 : i32 to index
    %swap3A_1104 = arith.index_cast %swap3A_1102 : i32 to index
    %swap3A_1105 = arith.constant 736 : index
    %swap3A_1106 = tpu.vector_load %arg3[%swap3A_1103, %swap3A_1104, %swap3A_1105] {strides = array<i32>} : memref<1x4x1024xf32, #tpu.memory_space<vmem>>, vector<1x1x16xf32>,
    %swap3A_1107 = vector.shape_cast %swap3A_1106 : vector<1x1x16xf32> to vector<16xf32>
    %swap3A_1108 = vector.shape_cast %broadcast_in_dim3A_1100 : vector<16xf32> to vector<1x1x16xf32>
    tpu.vector_store %arg3[%swap3A_1103, %swap3A_1104, %swap3A_1105], %swap3A_1108 {strides = array<i32>} : memref<1x4x1024xf32, #tpu.memory_space<vmem>>, vector<1x1x16xf32>,
    %broadcast_in_dim3A_1109 = arith.constant 2.000000e+00 : f32
    %broadcast_in_dim3A_1110 = vector.broadcast %broadcast_in_dim3A_1109 : f32 to vector<16xf32>
    %swap3A_1111 = arith.constant 0 : i32
    %swap3A_1112 = arith.constant 1 : i32
    %swap3A_1113 = arith.index_cast %swap3A_1111 : i32 to index
    %swap3A_1114 = arith.index_cast %swap3A_1112 : i32 to index
    %swap3A_1115 = arith.constant 752 : index
    %swap3A_1116 = tpu.vector_load %arg3[%swap3A_1113, %swap3A_1114, %swap3A_1115] {strides = array<i32>} : memref<1x4x1024xf32, #tpu.memory_space<vmem>>, vector<1x1x16xf32>,
    %swap3A_1117 = vector.shape_cast %swap3A_1116 : vector<1x1x16xf32> to vector<16xf32>
    %swap3A_1118 = vector.shape_cast %broadcast_in_dim3A_1110 : vector<16xf32> to vector<1x1x16xf32>
    tpu.vector_store %arg3[%swap3A_1113, %swap3A_1114, %swap3A_1115], %swap3A_1118 {strides = array<i32>} : memref<1x4x1024xf32, #tpu.memory_space<vmem>>, vector<1x1x16xf32>,
    %broadcast_in_dim3A_1119 = arith.constant 2.000000e+00 : f32
    %broadcast_in_dim3A_1120 = vector.broadcast %broadcast_in_dim3A_1119 : f32 to vector<16xf32>
    %swap3A_1121 = arith.constant 0 : i32
    %swap3A_1122 = arith.constant 1 : i32
    %swap3A_1123 = arith.index_cast %swap3A_1121 : i32 to index
    %swap3A_1124 = arith.index_cast %swap3A_1122 : i32 to index
    %swap3A_1125 = arith.constant 768 : index
    %swap3A_1126 = tpu.vector_load %arg3[%swap3A_1123, %swap3A_1124, %swap3A_1125] {strides = array<i32>} : memref<1x4x1024xf32, #tpu.memory_space<vmem>>, vector<1x1x16xf32>,
    %swap3A_1127 = vector.shape_cast %swap3A_1126 : vector<1x1x16xf32> to vector<16xf32>
    %swap3A_1128 = vector.shape_cast %broadcast_in_dim3A_1120 : vector<16xf32> to vector<1x1x16xf32>
    tpu.vector_store %arg3[%swap3A_1123, %swap3A_1124, %swap3A_1125], %swap3A_1128 {strides = array<i32>} : memref<1x4x1024xf32, #tpu.memory_space<vmem>>, vector<1x1x16xf32>,
    %broadcast_in_dim3A_1129 = arith.constant 2.000000e+00 : f32
    %broadcast_in_dim3A_1130 = vector.broadcast %broadcast_in_dim3A_1129 : f32 to vector<16xf32>
    %swap3A_1131 = arith.constant 0 : i32
    %swap3A_1132 = arith.constant 1 : i32
    %swap3A_1133 = arith.index_cast %swap3A_1131 : i32 to index
    %swap3A_1134 = arith.index_cast %swap3A_1132 : i32 to index
    %swap3A_1135 = arith.constant 784 : index
    %swap3A_1136 = tpu.vector_load %arg3[%swap3A_1133, %swap3A_1134, %swap3A_1135] {strides = array<i32>} : memref<1x4x1024xf32, #tpu.memory_space<vmem>>, vector<1x1x16xf32>,
    %swap3A_1137 = vector.shape_cast %swap3A_1136 : vector<1x1x16xf32> to vector<16xf32>
    %swap3A_1138 = vector.shape_cast %broadcast_in_dim3A_1130 : vector<16xf32> to vector<1x1x16xf32>
    tpu.vector_store %arg3[%swap3A_1133, %swap3A_1134, %swap3A_1135], %swap3A_1138 {strides = array<i32>} : memref<1x4x1024xf32, #tpu.memory_space<vmem>>, vector<1x1x16xf32>,
    %broadcast_in_dim3A_1139 = arith.constant 2.000000e+00 : f32
    %broadcast_in_dim3A_1140 = vector.broadcast %broadcast_in_dim3A_1139 : f32 to vector<16xf32>
    %swap3A_1141 = arith.constant 0 : i32
    %swap3A_1142 = arith.constant 1 : i32
    %swap3A_1143 = arith.index_cast %swap3A_1141 : i32 to index
    %swap3A_1144 = arith.index_cast %swap3A_1142 : i32 to index
    %swap3A_1145 = arith.constant 800 : index
    %swap3A_1146 = tpu.vector_load %arg3[%swap3A_1143, %swap3A_1144, %swap3A_1145] {strides = array<i32>} : memref<1x4x1024xf32, #tpu.memory_space<vmem>>, vector<1x1x16xf32>,
    %swap3A_1147 = vector.shape_cast %swap3A_1146 : vector<1x1x16xf32> to vector<16xf32>
    %swap3A_1148 = vector.shape_cast %broadcast_in_dim3A_1140 : vector<16xf32> to vector<1x1x16xf32>
    tpu.vector_store %arg3[%swap3A_1143, %swap3A_1144, %swap3A_1145], %swap3A_1148 {strides = array<i32>} : memref<1x4x1024xf32, #tpu.memory_space<vmem>>, vector<1x1x16xf32>,
    %broadcast_in_dim3A_1149 = arith.constant 2.000000e+00 : f32
    %broadcast_in_dim3A_1150 = vector.broadcast %broadcast_in_dim3A_1149 : f32 to vector<16xf32>
    %swap3A_1151 = arith.constant 0 : i32
    %swap3A_1152 = arith.constant 1 : i32
    %swap3A_1153 = arith.index_cast %swap3A_1151 : i32 to index
    %swap3A_1154 = arith.index_cast %swap3A_1152 : i32 to index
    %swap3A_1155 = arith.constant 816 : index
    %swap3A_1156 = tpu.vector_load %arg3[%swap3A_1153, %swap3A_1154, %swap3A_1155] {strides = array<i32>} : memref<1x4x1024xf32, #tpu.memory_space<vmem>>, vector<1x1x16xf32>,
    %swap3A_1157 = vector.shape_cast %swap3A_1156 : vector<1x1x16xf32> to vector<16xf32>
    %swap3A_1158 = vector.shape_cast %broadcast_in_dim3A_1150 : vector<16xf32> to vector<1x1x16xf32>
    tpu.vector_store %arg3[%swap3A_1153, %swap3A_1154, %swap3A_1155], %swap3A_1158 {strides = array<i32>} : memref<1x4x1024xf32, #tpu.memory_space<vmem>>, vector<1x1x16xf32>,
    %broadcast_in_dim3A_1159 = arith.constant 2.000000e+00 : f32
    %broadcast_in_dim3A_1160 = vector.broadcast %broadcast_in_dim3A_1159 : f32 to vector<16xf32>
    %swap3A_1161 = arith.constant 0 : i32
    %swap3A_1162 = arith.constant 1 : i32
    %swap3A_1163 = arith.index_cast %swap3A_1161 : i32 to index
    %swap3A_1164 = arith.index_cast %swap3A_1162 : i32 to index
    %swap3A_1165 = arith.constant 832 : index
    %swap3A_1166 = tpu.vector_load %arg3[%swap3A_1163, %swap3A_1164, %swap3A_1165] {strides = array<i32>} : memref<1x4x1024xf32, #tpu.memory_space<vmem>>, vector<1x1x16xf32>,
    %swap3A_1167 = vector.shape_cast %swap3A_1166 : vector<1x1x16xf32> to vector<16xf32>
    %swap3A_1168 = vector.shape_cast %broadcast_in_dim3A_1160 : vector<16xf32> to vector<1x1x16xf32>
    tpu.vector_store %arg3[%swap3A_1163, %swap3A_1164, %swap3A_1165], %swap3A_1168 {strides = array<i32>} : memref<1x4x1024xf32, #tpu.memory_space<vmem>>, vector<1x1x16xf32>,
    %broadcast_in_dim3A_1169 = arith.constant 2.000000e+00 : f32
    %broadcast_in_dim3A_1170 = vector.broadcast %broadcast_in_dim3A_1169 : f32 to vector<16xf32>
    %swap3A_1171 = arith.constant 0 : i32
    %swap3A_1172 = arith.constant 1 : i32
    %swap3A_1173 = arith.index_cast %swap3A_1171 : i32 to index
    %swap3A_1174 = arith.index_cast %swap3A_1172 : i32 to index
    %swap3A_1175 = arith.constant 848 : index
    %swap3A_1176 = tpu.vector_load %arg3[%swap3A_1173, %swap3A_1174, %swap3A_1175] {strides = array<i32>} : memref<1x4x1024xf32, #tpu.memory_space<vmem>>, vector<1x1x16xf32>,
    %swap3A_1177 = vector.shape_cast %swap3A_1176 : vector<1x1x16xf32> to vector<16xf32>
    %swap3A_1178 = vector.shape_cast %broadcast_in_dim3A_1170 : vector<16xf32> to vector<1x1x16xf32>
    tpu.vector_store %arg3[%swap3A_1173, %swap3A_1174, %swap3A_1175], %swap3A_1178 {strides = array<i32>} : memref<1x4x1024xf32, #tpu.memory_space<vmem>>, vector<1x1x16xf32>,
    %broadcast_in_dim3A_1179 = arith.constant 2.000000e+00 : f32
    %broadcast_in_dim3A_1180 = vector.broadcast %broadcast_in_dim3A_1179 : f32 to vector<16xf32>
    %swap3A_1181 = arith.constant 0 : i32
    %swap3A_1182 = arith.constant 1 : i32
    %swap3A_1183 = arith.index_cast %swap3A_1181 : i32 to index
    %swap3A_1184 = arith.index_cast %swap3A_1182 : i32 to index
    %swap3A_1185 = arith.constant 864 : index
    %swap3A_1186 = tpu.vector_load %arg3[%swap3A_1183, %swap3A_1184, %swap3A_1185] {strides = array<i32>} : memref<1x4x1024xf32, #tpu.memory_space<vmem>>, vector<1x1x16xf32>,
    %swap3A_1187 = vector.shape_cast %swap3A_1186 : vector<1x1x16xf32> to vector<16xf32>
    %swap3A_1188 = vector.shape_cast %broadcast_in_dim3A_1180 : vector<16xf32> to vector<1x1x16xf32>
    tpu.vector_store %arg3[%swap3A_1183, %swap3A_1184, %swap3A_1185], %swap3A_1188 {strides = array<i32>} : memref<1x4x1024xf32, #tpu.memory_space<vmem>>, vector<1x1x16xf32>,
    %broadcast_in_dim3A_1189 = arith.constant 2.000000e+00 : f32
    %broadcast_in_dim3A_1190 = vector.broadcast %broadcast_in_dim3A_1189 : f32 to vector<16xf32>
    %swap3A_1191 = arith.constant 0 : i32
    %swap3A_1192 = arith.constant 1 : i32
    %swap3A_1193 = arith.index_cast %swap3A_1191 : i32 to index
    %swap3A_1194 = arith.index_cast %swap3A_1192 : i32 to index
    %swap3A_1195 = arith.constant 880 : index
    %swap3A_1196 = tpu.vector_load %arg3[%swap3A_1193, %swap3A_1194, %swap3A_1195] {strides = array<i32>} : memref<1x4x1024xf32, #tpu.memory_space<vmem>>, vector<1x1x16xf32>,
    %swap3A_1197 = vector.shape_cast %swap3A_1196 : vector<1x1x16xf32> to vector<16xf32>
    %swap3A_1198 = vector.shape_cast %broadcast_in_dim3A_1190 : vector<16xf32> to vector<1x1x16xf32>
    tpu.vector_store %arg3[%swap3A_1193, %swap3A_1194, %swap3A_1195], %swap3A_1198 {strides = array<i32>} : memref<1x4x1024xf32, #tpu.memory_space<vmem>>, vector<1x1x16xf32>,
    %broadcast_in_dim3A_1199 = arith.constant 2.000000e+00 : f32
    %broadcast_in_dim3A_1200 = vector.broadcast %broadcast_in_dim3A_1199 : f32 to vector<16xf32>
    %swap3A_1201 = arith.constant 0 : i32
    %swap3A_1202 = arith.constant 1 : i32
    %swap3A_1203 = arith.index_cast %swap3A_1201 : i32 to index
    %swap3A_1204 = arith.index_cast %swap3A_1202 : i32 to index
    %swap3A_1205 = arith.constant 896 : index
    %swap3A_1206 = tpu.vector_load %arg3[%swap3A_1203, %swap3A_1204, %swap3A_1205] {strides = array<i32>} : memref<1x4x1024xf32, #tpu.memory_space<vmem>>, vector<1x1x16xf32>,
    %swap3A_1207 = vector.shape_cast %swap3A_1206 : vector<1x1x16xf32> to vector<16xf32>
    %swap3A_1208 = vector.shape_cast %broadcast_in_dim3A_1200 : vector<16xf32> to vector<1x1x16xf32>
    tpu.vector_store %arg3[%swap3A_1203, %swap3A_1204, %swap3A_1205], %swap3A_1208 {strides = array<i32>} : memref<1x4x1024xf32, #tpu.memory_space<vmem>>, vector<1x1x16xf32>,
    %broadcast_in_dim3A_1209 = arith.constant 2.000000e+00 : f32
    %broadcast_in_dim3A_1210 = vector.broadcast %broadcast_in_dim3A_1209 : f32 to vector<16xf32>
    %swap3A_1211 = arith.constant 0 : i32
    %swap3A_1212 = arith.constant 1 : i32
    %swap3A_1213 = arith.index_cast %swap3A_1211 : i32 to index
    %swap3A_1214 = arith.index_cast %swap3A_1212 : i32 to index
    %swap3A_1215 = arith.constant 912 : index
    %swap3A_1216 = tpu.vector_load %arg3[%swap3A_1213, %swap3A_1214, %swap3A_1215] {strides = array<i32>} : memref<1x4x1024xf32, #tpu.memory_space<vmem>>, vector<1x1x16xf32>,
    %swap3A_1217 = vector.shape_cast %swap3A_1216 : vector<1x1x16xf32> to vector<16xf32>
    %swap3A_1218 = vector.shape_cast %broadcast_in_dim3A_1210 : vector<16xf32> to vector<1x1x16xf32>
    tpu.vector_store %arg3[%swap3A_1213, %swap3A_1214, %swap3A_1215], %swap3A_1218 {strides = array<i32>} : memref<1x4x1024xf32, #tpu.memory_space<vmem>>, vector<1x1x16xf32>,
    %broadcast_in_dim3A_1219 = arith.constant 2.000000e+00 : f32
    %broadcast_in_dim3A_1220 = vector.broadcast %broadcast_in_dim3A_1219 : f32 to vector<16xf32>
    %swap3A_1221 = arith.constant 0 : i32
    %swap3A_1222 = arith.constant 1 : i32
    %swap3A_1223 = arith.index_cast %swap3A_1221 : i32 to index
    %swap3A_1224 = arith.index_cast %swap3A_1222 : i32 to index
    %swap3A_1225 = arith.constant 928 : index
    %swap3A_1226 = tpu.vector_load %arg3[%swap3A_1223, %swap3A_1224, %swap3A_1225] {strides = array<i32>} : memref<1x4x1024xf32, #tpu.memory_space<vmem>>, vector<1x1x16xf32>,
    %swap3A_1227 = vector.shape_cast %swap3A_1226 : vector<1x1x16xf32> to vector<16xf32>
    %swap3A_1228 = vector.shape_cast %broadcast_in_dim3A_1220 : vector<16xf32> to vector<1x1x16xf32>
    tpu.vector_store %arg3[%swap3A_1223, %swap3A_1224, %swap3A_1225], %swap3A_1228 {strides = array<i32>} : memref<1x4x1024xf32, #tpu.memory_space<vmem>>, vector<1x1x16xf32>,
    %broadcast_in_dim3A_1229 = arith.constant 2.000000e+00 : f32
    %broadcast_in_dim3A_1230 = vector.broadcast %broadcast_in_dim3A_1229 : f32 to vector<16xf32>
    %swap3A_1231 = arith.constant 0 : i32
    %swap3A_1232 = arith.constant 1 : i32
    %swap3A_1233 = arith.index_cast %swap3A_1231 : i32 to index
    %swap3A_1234 = arith.index_cast %swap3A_1232 : i32 to index
    %swap3A_1235 = arith.constant 944 : index
    %swap3A_1236 = tpu.vector_load %arg3[%swap3A_1233, %swap3A_1234, %swap3A_1235] {strides = array<i32>} : memref<1x4x1024xf32, #tpu.memory_space<vmem>>, vector<1x1x16xf32>,
    %swap3A_1237 = vector.shape_cast %swap3A_1236 : vector<1x1x16xf32> to vector<16xf32>
    %swap3A_1238 = vector.shape_cast %broadcast_in_dim3A_1230 : vector<16xf32> to vector<1x1x16xf32>
    tpu.vector_store %arg3[%swap3A_1233, %swap3A_1234, %swap3A_1235], %swap3A_1238 {strides = array<i32>} : memref<1x4x1024xf32, #tpu.memory_space<vmem>>, vector<1x1x16xf32>,
    %broadcast_in_dim3A_1239 = arith.constant 2.000000e+00 : f32
    %broadcast_in_dim3A_1240 = vector.broadcast %broadcast_in_dim3A_1239 : f32 to vector<16xf32>
    %swap3A_1241 = arith.constant 0 : i32
    %swap3A_1242 = arith.constant 1 : i32
    %swap3A_1243 = arith.index_cast %swap3A_1241 : i32 to index
    %swap3A_1244 = arith.index_cast %swap3A_1242 : i32 to index
    %swap3A_1245 = arith.constant 960 : index
    %swap3A_1246 = tpu.vector_load %arg3[%swap3A_1243, %swap3A_1244, %swap3A_1245] {strides = array<i32>} : memref<1x4x1024xf32, #tpu.memory_space<vmem>>, vector<1x1x16xf32>,
    %swap3A_1247 = vector.shape_cast %swap3A_1246 : vector<1x1x16xf32> to vector<16xf32>
    %swap3A_1248 = vector.shape_cast %broadcast_in_dim3A_1240 : vector<16xf32> to vector<1x1x16xf32>
    tpu.vector_store %arg3[%swap3A_1243, %swap3A_1244, %swap3A_1245], %swap3A_1248 {strides = array<i32>} : memref<1x4x1024xf32, #tpu.memory_space<vmem>>, vector<1x1x16xf32>,
    %broadcast_in_dim3A_1249 = arith.constant 2.000000e+00 : f32
    %broadcast_in_dim3A_1250 = vector.broadcast %broadcast_in_dim3A_1249 : f32 to vector<16xf32>
    %swap3A_1251 = arith.constant 0 : i32
    %swap3A_1252 = arith.constant 1 : i32
    %swap3A_1253 = arith.index_cast %swap3A_1251 : i32 to index
    %swap3A_1254 = arith.index_cast %swap3A_1252 : i32 to index
    %swap3A_1255 = arith.constant 976 : index
    %swap3A_1256 = tpu.vector_load %arg3[%swap3A_1253, %swap3A_1254, %swap3A_1255] {strides = array<i32>} : memref<1x4x1024xf32, #tpu.memory_space<vmem>>, vector<1x1x16xf32>,
    %swap3A_1257 = vector.shape_cast %swap3A_1256 : vector<1x1x16xf32> to vector<16xf32>
    %swap3A_1258 = vector.shape_cast %broadcast_in_dim3A_1250 : vector<16xf32> to vector<1x1x16xf32>
    tpu.vector_store %arg3[%swap3A_1253, %swap3A_1254, %swap3A_1255], %swap3A_1258 {strides = array<i32>} : memref<1x4x1024xf32, #tpu.memory_space<vmem>>, vector<1x1x16xf32>,
    %broadcast_in_dim3A_1259 = arith.constant 2.000000e+00 : f32
    %broadcast_in_dim3A_1260 = vector.broadcast %broadcast_in_dim3A_1259 : f32 to vector<16xf32>
    %swap3A_1261 = arith.constant 0 : i32
    %swap3A_1262 = arith.constant 1 : i32
    %swap3A_1263 = arith.index_cast %swap3A_1261 : i32 to index
    %swap3A_1264 = arith.index_cast %swap3A_1262 : i32 to index
    %swap3A_1265 = arith.constant 992 : index
    %swap3A_1266 = tpu.vector_load %arg3[%swap3A_1263, %swap3A_1264, %swap3A_1265] {strides = array<i32>} : memref<1x4x1024xf32, #tpu.memory_space<vmem>>, vector<1x1x16xf32>,
    %swap3A_1267 = vector.shape_cast %swap3A_1266 : vector<1x1x16xf32> to vector<16xf32>
    %swap3A_1268 = vector.shape_cast %broadcast_in_dim3A_1260 : vector<16xf32> to vector<1x1x16xf32>
    tpu.vector_store %arg3[%swap3A_1263, %swap3A_1264, %swap3A_1265], %swap3A_1268 {strides = array<i32>} : memref<1x4x1024xf32, #tpu.memory_space<vmem>>, vector<1x1x16xf32>,
    %broadcast_in_dim3A_1269 = arith.constant 2.000000e+00 : f32
    %broadcast_in_dim3A_1270 = vector.broadcast %broadcast_in_dim3A_1269 : f32 to vector<16xf32>
    %swap3A_1271 = arith.constant 0 : i32
    %swap3A_1272 = arith.constant 1 : i32
    %swap3A_1273 = arith.index_cast %swap3A_1271 : i32 to index
    %swap3A_1274 = arith.index_cast %swap3A_1272 : i32 to index
    %swap3A_1275 = arith.constant 1008 : index
    %swap3A_1276 = tpu.vector_load %arg3[%swap3A_1273, %swap3A_1274, %swap3A_1275] {strides = array<i32>} : memref<1x4x1024xf32, #tpu.memory_space<vmem>>, vector<1x1x16xf32>,
    %swap3A_1277 = vector.shape_cast %swap3A_1276 : vector<1x1x16xf32> to vector<16xf32>
    %swap3A_1278 = vector.shape_cast %broadcast_in_dim3A_1270 : vector<16xf32> to vector<1x1x16xf32>
    tpu.vector_store %arg3[%swap3A_1273, %swap3A_1274, %swap3A_1275], %swap3A_1278 {strides = array<i32>} : memref<1x4x1024xf32, #tpu.memory_space<vmem>>, vector<1x1x16xf32>,
    %broadcast_in_dim3A_1279 = arith.constant 2.000000e+00 : f32
    %broadcast_in_dim3A_1280 = vector.broadcast %broadcast_in_dim3A_1279 : f32 to vector<16xf32>
    %swap3A_1281 = arith.constant 0 : i32
    %swap3A_1282 = arith.constant 2 : i32
    %swap3A_1283 = arith.index_cast %swap3A_1281 : i32 to index
    %swap3A_1284 = arith.index_cast %swap3A_1282 : i32 to index
    %swap3A_1285 = arith.constant 0 : index
    %swap3A_1286 = tpu.vector_load %arg3[%swap3A_1283, %swap3A_1284, %swap3A_1285] {strides = array<i32>} : memref<1x4x1024xf32, #tpu.memory_space<vmem>>, vector<1x1x16xf32>,
    %swap3A_1287 = vector.shape_cast %swap3A_1286 : vector<1x1x16xf32> to vector<16xf32>
    %swap3A_1288 = vector.shape_cast %broadcast_in_dim3A_1280 : vector<16xf32> to vector<1x1x16xf32>
    tpu.vector_store %arg3[%swap3A_1283, %swap3A_1284, %swap3A_1285], %swap3A_1288 {strides = array<i32>} : memref<1x4x1024xf32, #tpu.memory_space<vmem>>, vector<1x1x16xf32>,
    %broadcast_in_dim3A_1289 = arith.constant 2.000000e+00 : f32
    %broadcast_in_dim3A_1290 = vector.broadcast %broadcast_in_dim3A_1289 : f32 to vector<16xf32>
    %swap3A_1291 = arith.constant 0 : i32
    %swap3A_1292 = arith.constant 2 : i32
    %swap3A_1293 = arith.index_cast %swap3A_1291 : i32 to index
    %swap3A_1294 = arith.index_cast %swap3A_1292 : i32 to index
    %swap3A_1295 = arith.constant 16 : index
    %swap3A_1296 = tpu.vector_load %arg3[%swap3A_1293, %swap3A_1294, %swap3A_1295] {strides = array<i32>} : memref<1x4x1024xf32, #tpu.memory_space<vmem>>, vector<1x1x16xf32>,
    %swap3A_1297 = vector.shape_cast %swap3A_1296 : vector<1x1x16xf32> to vector<16xf32>
    %swap3A_1298 = vector.shape_cast %broadcast_in_dim3A_1290 : vector<16xf32> to vector<1x1x16xf32>
    tpu.vector_store %arg3[%swap3A_1293, %swap3A_1294, %swap3A_1295], %swap3A_1298 {strides = array<i32>} : memref<1x4x1024xf32, #tpu.memory_space<vmem>>, vector<1x1x16xf32>,
    %broadcast_in_dim3A_1299 = arith.constant 2.000000e+00 : f32
    %broadcast_in_dim3A_1300 = vector.broadcast %broadcast_in_dim3A_1299 : f32 to vector<16xf32>
    %swap3A_1301 = arith.constant 0 : i32
    %swap3A_1302 = arith.constant 2 : i32
    %swap3A_1303 = arith.index_cast %swap3A_1301 : i32 to index
    %swap3A_1304 = arith.index_cast %swap3A_1302 : i32 to index
    %swap3A_1305 = arith.constant 32 : index
    %swap3A_1306 = tpu.vector_load %arg3[%swap3A_1303, %swap3A_1304, %swap3A_1305] {strides = array<i32>} : memref<1x4x1024xf32, #tpu.memory_space<vmem>>, vector<1x1x16xf32>,
    %swap3A_1307 = vector.shape_cast %swap3A_1306 : vector<1x1x16xf32> to vector<16xf32>
    %swap3A_1308 = vector.shape_cast %broadcast_in_dim3A_1300 : vector<16xf32> to vector<1x1x16xf32>
    tpu.vector_store %arg3[%swap3A_1303, %swap3A_1304, %swap3A_1305], %swap3A_1308 {strides = array<i32>} : memref<1x4x1024xf32, #tpu.memory_space<vmem>>, vector<1x1x16xf32>,
    %broadcast_in_dim3A_1309 = arith.constant 2.000000e+00 : f32
    %broadcast_in_dim3A_1310 = vector.broadcast %broadcast_in_dim3A_1309 : f32 to vector<16xf32>
    %swap3A_1311 = arith.constant 0 : i32
    %swap3A_1312 = arith.constant 2 : i32
    %swap3A_1313 = arith.index_cast %swap3A_1311 : i32 to index
    %swap3A_1314 = arith.index_cast %swap3A_1312 : i32 to index
    %swap3A_1315 = arith.constant 48 : index
    %swap3A_1316 = tpu.vector_load %arg3[%swap3A_1313, %swap3A_1314, %swap3A_1315] {strides = array<i32>} : memref<1x4x1024xf32, #tpu.memory_space<vmem>>, vector<1x1x16xf32>,
    %swap3A_1317 = vector.shape_cast %swap3A_1316 : vector<1x1x16xf32> to vector<16xf32>
    %swap3A_1318 = vector.shape_cast %broadcast_in_dim3A_1310 : vector<16xf32> to vector<1x1x16xf32>
    tpu.vector_store %arg3[%swap3A_1313, %swap3A_1314, %swap3A_1315], %swap3A_1318 {strides = array<i32>} : memref<1x4x1024xf32, #tpu.memory_space<vmem>>, vector<1x1x16xf32>,
    %broadcast_in_dim3A_1319 = arith.constant 2.000000e+00 : f32
    %broadcast_in_dim3A_1320 = vector.broadcast %broadcast_in_dim3A_1319 : f32 to vector<16xf32>
    %swap3A_1321 = arith.constant 0 : i32
    %swap3A_1322 = arith.constant 2 : i32
    %swap3A_1323 = arith.index_cast %swap3A_1321 : i32 to index
    %swap3A_1324 = arith.index_cast %swap3A_1322 : i32 to index
    %swap3A_1325 = arith.constant 64 : index
    %swap3A_1326 = tpu.vector_load %arg3[%swap3A_1323, %swap3A_1324, %swap3A_1325] {strides = array<i32>} : memref<1x4x1024xf32, #tpu.memory_space<vmem>>, vector<1x1x16xf32>,
    %swap3A_1327 = vector.shape_cast %swap3A_1326 : vector<1x1x16xf32> to vector<16xf32>
    %swap3A_1328 = vector.shape_cast %broadcast_in_dim3A_1320 : vector<16xf32> to vector<1x1x16xf32>
    tpu.vector_store %arg3[%swap3A_1323, %swap3A_1324, %swap3A_1325], %swap3A_1328 {strides = array<i32>} : memref<1x4x1024xf32, #tpu.memory_space<vmem>>, vector<1x1x16xf32>,
    %broadcast_in_dim3A_1329 = arith.constant 2.000000e+00 : f32
    %broadcast_in_dim3A_1330 = vector.broadcast %broadcast_in_dim3A_1329 : f32 to vector<16xf32>
    %swap3A_1331 = arith.constant 0 : i32
    %swap3A_1332 = arith.constant 2 : i32
    %swap3A_1333 = arith.index_cast %swap3A_1331 : i32 to index
    %swap3A_1334 = arith.index_cast %swap3A_1332 : i32 to index
    %swap3A_1335 = arith.constant 80 : index
    %swap3A_1336 = tpu.vector_load %arg3[%swap3A_1333, %swap3A_1334, %swap3A_1335] {strides = array<i32>} : memref<1x4x1024xf32, #tpu.memory_space<vmem>>, vector<1x1x16xf32>,
    %swap3A_1337 = vector.shape_cast %swap3A_1336 : vector<1x1x16xf32> to vector<16xf32>
    %swap3A_1338 = vector.shape_cast %broadcast_in_dim3A_1330 : vector<16xf32> to vector<1x1x16xf32>
    tpu.vector_store %arg3[%swap3A_1333, %swap3A_1334, %swap3A_1335], %swap3A_1338 {strides = array<i32>} : memref<1x4x1024xf32, #tpu.memory_space<vmem>>, vector<1x1x16xf32>,
    %broadcast_in_dim3A_1339 = arith.constant 2.000000e+00 : f32
    %broadcast_in_dim3A_1340 = vector.broadcast %broadcast_in_dim3A_1339 : f32 to vector<16xf32>
    %swap3A_1341 = arith.constant 0 : i32
    %swap3A_1342 = arith.constant 2 : i32
    %swap3A_1343 = arith.index_cast %swap3A_1341 : i32 to index
    %swap3A_1344 = arith.index_cast %swap3A_1342 : i32 to index
    %swap3A_1345 = arith.constant 96 : index
    %swap3A_1346 = tpu.vector_load %arg3[%swap3A_1343, %swap3A_1344, %swap3A_1345] {strides = array<i32>} : memref<1x4x1024xf32, #tpu.memory_space<vmem>>, vector<1x1x16xf32>,
    %swap3A_1347 = vector.shape_cast %swap3A_1346 : vector<1x1x16xf32> to vector<16xf32>
    %swap3A_1348 = vector.shape_cast %broadcast_in_dim3A_1340 : vector<16xf32> to vector<1x1x16xf32>
    tpu.vector_store %arg3[%swap3A_1343, %swap3A_1344, %swap3A_1345], %swap3A_1348 {strides = array<i32>} : memref<1x4x1024xf32, #tpu.memory_space<vmem>>, vector<1x1x16xf32>,
    %broadcast_in_dim3A_1349 = arith.constant 2.000000e+00 : f32
    %broadcast_in_dim3A_1350 = vector.broadcast %broadcast_in_dim3A_1349 : f32 to vector<16xf32>
    %swap3A_1351 = arith.constant 0 : i32
    %swap3A_1352 = arith.constant 2 : i32
    %swap3A_1353 = arith.index_cast %swap3A_1351 : i32 to index
    %swap3A_1354 = arith.index_cast %swap3A_1352 : i32 to index
    %swap3A_1355 = arith.constant 112 : index
    %swap3A_1356 = tpu.vector_load %arg3[%swap3A_1353, %swap3A_1354, %swap3A_1355] {strides = array<i32>} : memref<1x4x1024xf32, #tpu.memory_space<vmem>>, vector<1x1x16xf32>,
    %swap3A_1357 = vector.shape_cast %swap3A_1356 : vector<1x1x16xf32> to vector<16xf32>
    %swap3A_1358 = vector.shape_cast %broadcast_in_dim3A_1350 : vector<16xf32> to vector<1x1x16xf32>
    tpu.vector_store %arg3[%swap3A_1353, %swap3A_1354, %swap3A_1355], %swap3A_1358 {strides = array<i32>} : memref<1x4x1024xf32, #tpu.memory_space<vmem>>, vector<1x1x16xf32>,
    %broadcast_in_dim3A_1359 = arith.constant 2.000000e+00 : f32
    %broadcast_in_dim3A_1360 = vector.broadcast %broadcast_in_dim3A_1359 : f32 to vector<16xf32>
    %swap3A_1361 = arith.constant 0 : i32
    %swap3A_1362 = arith.constant 2 : i32
    %swap3A_1363 = arith.index_cast %swap3A_1361 : i32 to index
    %swap3A_1364 = arith.index_cast %swap3A_1362 : i32 to index
    %swap3A_1365 = arith.constant 128 : index
    %swap3A_1366 = tpu.vector_load %arg3[%swap3A_1363, %swap3A_1364, %swap3A_1365] {strides = array<i32>} : memref<1x4x1024xf32, #tpu.memory_space<vmem>>, vector<1x1x16xf32>,
    %swap3A_1367 = vector.shape_cast %swap3A_1366 : vector<1x1x16xf32> to vector<16xf32>
    %swap3A_1368 = vector.shape_cast %broadcast_in_dim3A_1360 : vector<16xf32> to vector<1x1x16xf32>
    tpu.vector_store %arg3[%swap3A_1363, %swap3A_1364, %swap3A_1365], %swap3A_1368 {strides = array<i32>} : memref<1x4x1024xf32, #tpu.memory_space<vmem>>, vector<1x1x16xf32>,
    %broadcast_in_dim3A_1369 = arith.constant 2.000000e+00 : f32
    %broadcast_in_dim3A_1370 = vector.broadcast %broadcast_in_dim3A_1369 : f32 to vector<16xf32>
    %swap3A_1371 = arith.constant 0 : i32
    %swap3A_1372 = arith.constant 2 : i32
    %swap3A_1373 = arith.index_cast %swap3A_1371 : i32 to index
    %swap3A_1374 = arith.index_cast %swap3A_1372 : i32 to index
    %swap3A_1375 = arith.constant 144 : index
    %swap3A_1376 = tpu.vector_load %arg3[%swap3A_1373, %swap3A_1374, %swap3A_1375] {strides = array<i32>} : memref<1x4x1024xf32, #tpu.memory_space<vmem>>, vector<1x1x16xf32>,
    %swap3A_1377 = vector.shape_cast %swap3A_1376 : vector<1x1x16xf32> to vector<16xf32>
    %swap3A_1378 = vector.shape_cast %broadcast_in_dim3A_1370 : vector<16xf32> to vector<1x1x16xf32>
    tpu.vector_store %arg3[%swap3A_1373, %swap3A_1374, %swap3A_1375], %swap3A_1378 {strides = array<i32>} : memref<1x4x1024xf32, #tpu.memory_space<vmem>>, vector<1x1x16xf32>,
    %broadcast_in_dim3A_1379 = arith.constant 2.000000e+00 : f32
    %broadcast_in_dim3A_1380 = vector.broadcast %broadcast_in_dim3A_1379 : f32 to vector<16xf32>
    %swap3A_1381 = arith.constant 0 : i32
    %swap3A_1382 = arith.constant 2 : i32
    %swap3A_1383 = arith.index_cast %swap3A_1381 : i32 to index
    %swap3A_1384 = arith.index_cast %swap3A_1382 : i32 to index
    %swap3A_1385 = arith.constant 160 : index
    %swap3A_1386 = tpu.vector_load %arg3[%swap3A_1383, %swap3A_1384, %swap3A_1385] {strides = array<i32>} : memref<1x4x1024xf32, #tpu.memory_space<vmem>>, vector<1x1x16xf32>,
    %swap3A_1387 = vector.shape_cast %swap3A_1386 : vector<1x1x16xf32> to vector<16xf32>
    %swap3A_1388 = vector.shape_cast %broadcast_in_dim3A_1380 : vector<16xf32> to vector<1x1x16xf32>
    tpu.vector_store %arg3[%swap3A_1383, %swap3A_1384, %swap3A_1385], %swap3A_1388 {strides = array<i32>} : memref<1x4x1024xf32, #tpu.memory_space<vmem>>, vector<1x1x16xf32>,
    %broadcast_in_dim3A_1389 = arith.constant 2.000000e+00 : f32
    %broadcast_in_dim3A_1390 = vector.broadcast %broadcast_in_dim3A_1389 : f32 to vector<16xf32>
    %swap3A_1391 = arith.constant 0 : i32
    %swap3A_1392 = arith.constant 2 : i32
    %swap3A_1393 = arith.index_cast %swap3A_1391 : i32 to index
    %swap3A_1394 = arith.index_cast %swap3A_1392 : i32 to index
    %swap3A_1395 = arith.constant 176 : index
    %swap3A_1396 = tpu.vector_load %arg3[%swap3A_1393, %swap3A_1394, %swap3A_1395] {strides = array<i32>} : memref<1x4x1024xf32, #tpu.memory_space<vmem>>, vector<1x1x16xf32>,
    %swap3A_1397 = vector.shape_cast %swap3A_1396 : vector<1x1x16xf32> to vector<16xf32>
    %swap3A_1398 = vector.shape_cast %broadcast_in_dim3A_1390 : vector<16xf32> to vector<1x1x16xf32>
    tpu.vector_store %arg3[%swap3A_1393, %swap3A_1394, %swap3A_1395], %swap3A_1398 {strides = array<i32>} : memref<1x4x1024xf32, #tpu.memory_space<vmem>>, vector<1x1x16xf32>,
    %broadcast_in_dim3A_1399 = arith.constant 2.000000e+00 : f32
    %broadcast_in_dim3A_1400 = vector.broadcast %broadcast_in_dim3A_1399 : f32 to vector<16xf32>
    %swap3A_1401 = arith.constant 0 : i32
    %swap3A_1402 = arith.constant 2 : i32
    %swap3A_1403 = arith.index_cast %swap3A_1401 : i32 to index
    %swap3A_1404 = arith.index_cast %swap3A_1402 : i32 to index
    %swap3A_1405 = arith.constant 192 : index
    %swap3A_1406 = tpu.vector_load %arg3[%swap3A_1403, %swap3A_1404, %swap3A_1405] {strides = array<i32>} : memref<1x4x1024xf32, #tpu.memory_space<vmem>>, vector<1x1x16xf32>,
    %swap3A_1407 = vector.shape_cast %swap3A_1406 : vector<1x1x16xf32> to vector<16xf32>
    %swap3A_1408 = vector.shape_cast %broadcast_in_dim3A_1400 : vector<16xf32> to vector<1x1x16xf32>
    tpu.vector_store %arg3[%swap3A_1403, %swap3A_1404, %swap3A_1405], %swap3A_1408 {strides = array<i32>} : memref<1x4x1024xf32, #tpu.memory_space<vmem>>, vector<1x1x16xf32>,
    %broadcast_in_dim3A_1409 = arith.constant 2.000000e+00 : f32
    %broadcast_in_dim3A_1410 = vector.broadcast %broadcast_in_dim3A_1409 : f32 to vector<16xf32>
    %swap3A_1411 = arith.constant 0 : i32
    %swap3A_1412 = arith.constant 2 : i32
    %swap3A_1413 = arith.index_cast %swap3A_1411 : i32 to index
    %swap3A_1414 = arith.index_cast %swap3A_1412 : i32 to index
    %swap3A_1415 = arith.constant 208 : index
    %swap3A_1416 = tpu.vector_load %arg3[%swap3A_1413, %swap3A_1414, %swap3A_1415] {strides = array<i32>} : memref<1x4x1024xf32, #tpu.memory_space<vmem>>, vector<1x1x16xf32>,
    %swap3A_1417 = vector.shape_cast %swap3A_1416 : vector<1x1x16xf32> to vector<16xf32>
    %swap3A_1418 = vector.shape_cast %broadcast_in_dim3A_1410 : vector<16xf32> to vector<1x1x16xf32>
    tpu.vector_store %arg3[%swap3A_1413, %swap3A_1414, %swap3A_1415], %swap3A_1418 {strides = array<i32>} : memref<1x4x1024xf32, #tpu.memory_space<vmem>>, vector<1x1x16xf32>,
    %broadcast_in_dim3A_1419 = arith.constant 2.000000e+00 : f32
    %broadcast_in_dim3A_1420 = vector.broadcast %broadcast_in_dim3A_1419 : f32 to vector<16xf32>
    %swap3A_1421 = arith.constant 0 : i32
    %swap3A_1422 = arith.constant 2 : i32
    %swap3A_1423 = arith.index_cast %swap3A_1421 : i32 to index
    %swap3A_1424 = arith.index_cast %swap3A_1422 : i32 to index
    %swap3A_1425 = arith.constant 224 : index
    %swap3A_1426 = tpu.vector_load %arg3[%swap3A_1423, %swap3A_1424, %swap3A_1425] {strides = array<i32>} : memref<1x4x1024xf32, #tpu.memory_space<vmem>>, vector<1x1x16xf32>,
    %swap3A_1427 = vector.shape_cast %swap3A_1426 : vector<1x1x16xf32> to vector<16xf32>
    %swap3A_1428 = vector.shape_cast %broadcast_in_dim3A_1420 : vector<16xf32> to vector<1x1x16xf32>
    tpu.vector_store %arg3[%swap3A_1423, %swap3A_1424, %swap3A_1425], %swap3A_1428 {strides = array<i32>} : memref<1x4x1024xf32, #tpu.memory_space<vmem>>, vector<1x1x16xf32>,
    %broadcast_in_dim3A_1429 = arith.constant 2.000000e+00 : f32
    %broadcast_in_dim3A_1430 = vector.broadcast %broadcast_in_dim3A_1429 : f32 to vector<16xf32>
    %swap3A_1431 = arith.constant 0 : i32
    %swap3A_1432 = arith.constant 2 : i32
    %swap3A_1433 = arith.index_cast %swap3A_1431 : i32 to index
    %swap3A_1434 = arith.index_cast %swap3A_1432 : i32 to index
    %swap3A_1435 = arith.constant 240 : index
    %swap3A_1436 = tpu.vector_load %arg3[%swap3A_1433, %swap3A_1434, %swap3A_1435] {strides = array<i32>} : memref<1x4x1024xf32, #tpu.memory_space<vmem>>, vector<1x1x16xf32>,
    %swap3A_1437 = vector.shape_cast %swap3A_1436 : vector<1x1x16xf32> to vector<16xf32>
    %swap3A_1438 = vector.shape_cast %broadcast_in_dim3A_1430 : vector<16xf32> to vector<1x1x16xf32>
    tpu.vector_store %arg3[%swap3A_1433, %swap3A_1434, %swap3A_1435], %swap3A_1438 {strides = array<i32>} : memref<1x4x1024xf32, #tpu.memory_space<vmem>>, vector<1x1x16xf32>,
    %broadcast_in_dim3A_1439 = arith.constant 2.000000e+00 : f32
    %broadcast_in_dim3A_1440 = vector.broadcast %broadcast_in_dim3A_1439 : f32 to vector<16xf32>
    %swap3A_1441 = arith.constant 0 : i32
    %swap3A_1442 = arith.constant 2 : i32
    %swap3A_1443 = arith.index_cast %swap3A_1441 : i32 to index
    %swap3A_1444 = arith.index_cast %swap3A_1442 : i32 to index
    %swap3A_1445 = arith.constant 256 : index
    %swap3A_1446 = tpu.vector_load %arg3[%swap3A_1443, %swap3A_1444, %swap3A_1445] {strides = array<i32>} : memref<1x4x1024xf32, #tpu.memory_space<vmem>>, vector<1x1x16xf32>,
    %swap3A_1447 = vector.shape_cast %swap3A_1446 : vector<1x1x16xf32> to vector<16xf32>
    %swap3A_1448 = vector.shape_cast %broadcast_in_dim3A_1440 : vector<16xf32> to vector<1x1x16xf32>
    tpu.vector_store %arg3[%swap3A_1443, %swap3A_1444, %swap3A_1445], %swap3A_1448 {strides = array<i32>} : memref<1x4x1024xf32, #tpu.memory_space<vmem>>, vector<1x1x16xf32>,
    %broadcast_in_dim3A_1449 = arith.constant 2.000000e+00 : f32
    %broadcast_in_dim3A_1450 = vector.broadcast %broadcast_in_dim3A_1449 : f32 to vector<16xf32>
    %swap3A_1451 = arith.constant 0 : i32
    %swap3A_1452 = arith.constant 2 : i32
    %swap3A_1453 = arith.index_cast %swap3A_1451 : i32 to index
    %swap3A_1454 = arith.index_cast %swap3A_1452 : i32 to index
    %swap3A_1455 = arith.constant 272 : index
    %swap3A_1456 = tpu.vector_load %arg3[%swap3A_1453, %swap3A_1454, %swap3A_1455] {strides = array<i32>} : memref<1x4x1024xf32, #tpu.memory_space<vmem>>, vector<1x1x16xf32>,
    %swap3A_1457 = vector.shape_cast %swap3A_1456 : vector<1x1x16xf32> to vector<16xf32>
    %swap3A_1458 = vector.shape_cast %broadcast_in_dim3A_1450 : vector<16xf32> to vector<1x1x16xf32>
    tpu.vector_store %arg3[%swap3A_1453, %swap3A_1454, %swap3A_1455], %swap3A_1458 {strides = array<i32>} : memref<1x4x1024xf32, #tpu.memory_space<vmem>>, vector<1x1x16xf32>,
    %broadcast_in_dim3A_1459 = arith.constant 2.000000e+00 : f32
    %broadcast_in_dim3A_1460 = vector.broadcast %broadcast_in_dim3A_1459 : f32 to vector<16xf32>
    %swap3A_1461 = arith.constant 0 : i32
    %swap3A_1462 = arith.constant 2 : i32
    %swap3A_1463 = arith.index_cast %swap3A_1461 : i32 to index
    %swap3A_1464 = arith.index_cast %swap3A_1462 : i32 to index
    %swap3A_1465 = arith.constant 288 : index
    %swap3A_1466 = tpu.vector_load %arg3[%swap3A_1463, %swap3A_1464, %swap3A_1465] {strides = array<i32>} : memref<1x4x1024xf32, #tpu.memory_space<vmem>>, vector<1x1x16xf32>,
    %swap3A_1467 = vector.shape_cast %swap3A_1466 : vector<1x1x16xf32> to vector<16xf32>
    %swap3A_1468 = vector.shape_cast %broadcast_in_dim3A_1460 : vector<16xf32> to vector<1x1x16xf32>
    tpu.vector_store %arg3[%swap3A_1463, %swap3A_1464, %swap3A_1465], %swap3A_1468 {strides = array<i32>} : memref<1x4x1024xf32, #tpu.memory_space<vmem>>, vector<1x1x16xf32>,
    %broadcast_in_dim3A_1469 = arith.constant 2.000000e+00 : f32
    %broadcast_in_dim3A_1470 = vector.broadcast %broadcast_in_dim3A_1469 : f32 to vector<16xf32>
    %swap3A_1471 = arith.constant 0 : i32
    %swap3A_1472 = arith.constant 2 : i32
    %swap3A_1473 = arith.index_cast %swap3A_1471 : i32 to index
    %swap3A_1474 = arith.index_cast %swap3A_1472 : i32 to index
    %swap3A_1475 = arith.constant 304 : index
    %swap3A_1476 = tpu.vector_load %arg3[%swap3A_1473, %swap3A_1474, %swap3A_1475] {strides = array<i32>} : memref<1x4x1024xf32, #tpu.memory_space<vmem>>, vector<1x1x16xf32>,
    %swap3A_1477 = vector.shape_cast %swap3A_1476 : vector<1x1x16xf32> to vector<16xf32>
    %swap3A_1478 = vector.shape_cast %broadcast_in_dim3A_1470 : vector<16xf32> to vector<1x1x16xf32>
    tpu.vector_store %arg3[%swap3A_1473, %swap3A_1474, %swap3A_1475], %swap3A_1478 {strides = array<i32>} : memref<1x4x1024xf32, #tpu.memory_space<vmem>>, vector<1x1x16xf32>,
    %broadcast_in_dim3A_1479 = arith.constant 2.000000e+00 : f32
    %broadcast_in_dim3A_1480 = vector.broadcast %broadcast_in_dim3A_1479 : f32 to vector<16xf32>
    %swap3A_1481 = arith.constant 0 : i32
    %swap3A_1482 = arith.constant 2 : i32
    %swap3A_1483 = arith.index_cast %swap3A_1481 : i32 to index
    %swap3A_1484 = arith.index_cast %swap3A_1482 : i32 to index
    %swap3A_1485 = arith.constant 320 : index
    %swap3A_1486 = tpu.vector_load %arg3[%swap3A_1483, %swap3A_1484, %swap3A_1485] {strides = array<i32>} : memref<1x4x1024xf32, #tpu.memory_space<vmem>>, vector<1x1x16xf32>,
    %swap3A_1487 = vector.shape_cast %swap3A_1486 : vector<1x1x16xf32> to vector<16xf32>
    %swap3A_1488 = vector.shape_cast %broadcast_in_dim3A_1480 : vector<16xf32> to vector<1x1x16xf32>
    tpu.vector_store %arg3[%swap3A_1483, %swap3A_1484, %swap3A_1485], %swap3A_1488 {strides = array<i32>} : memref<1x4x1024xf32, #tpu.memory_space<vmem>>, vector<1x1x16xf32>,
    %broadcast_in_dim3A_1489 = arith.constant 2.000000e+00 : f32
    %broadcast_in_dim3A_1490 = vector.broadcast %broadcast_in_dim3A_1489 : f32 to vector<16xf32>
    %swap3A_1491 = arith.constant 0 : i32
    %swap3A_1492 = arith.constant 2 : i32
    %swap3A_1493 = arith.index_cast %swap3A_1491 : i32 to index
    %swap3A_1494 = arith.index_cast %swap3A_1492 : i32 to index
    %swap3A_1495 = arith.constant 336 : index
    %swap3A_1496 = tpu.vector_load %arg3[%swap3A_1493, %swap3A_1494, %swap3A_1495] {strides = array<i32>} : memref<1x4x1024xf32, #tpu.memory_space<vmem>>, vector<1x1x16xf32>,
    %swap3A_1497 = vector.shape_cast %swap3A_1496 : vector<1x1x16xf32> to vector<16xf32>
    %swap3A_1498 = vector.shape_cast %broadcast_in_dim3A_1490 : vector<16xf32> to vector<1x1x16xf32>
    tpu.vector_store %arg3[%swap3A_1493, %swap3A_1494, %swap3A_1495], %swap3A_1498 {strides = array<i32>} : memref<1x4x1024xf32, #tpu.memory_space<vmem>>, vector<1x1x16xf32>,
    %broadcast_in_dim3A_1499 = arith.constant 2.000000e+00 : f32
    %broadcast_in_dim3A_1500 = vector.broadcast %broadcast_in_dim3A_1499 : f32 to vector<16xf32>
    %swap3A_1501 = arith.constant 0 : i32
    %swap3A_1502 = arith.constant 2 : i32
    %swap3A_1503 = arith.index_cast %swap3A_1501 : i32 to index
    %swap3A_1504 = arith.index_cast %swap3A_1502 : i32 to index
    %swap3A_1505 = arith.constant 352 : index
    %swap3A_1506 = tpu.vector_load %arg3[%swap3A_1503, %swap3A_1504, %swap3A_1505] {strides = array<i32>} : memref<1x4x1024xf32, #tpu.memory_space<vmem>>, vector<1x1x16xf32>,
    %swap3A_1507 = vector.shape_cast %swap3A_1506 : vector<1x1x16xf32> to vector<16xf32>
    %swap3A_1508 = vector.shape_cast %broadcast_in_dim3A_1500 : vector<16xf32> to vector<1x1x16xf32>
    tpu.vector_store %arg3[%swap3A_1503, %swap3A_1504, %swap3A_1505], %swap3A_1508 {strides = array<i32>} : memref<1x4x1024xf32, #tpu.memory_space<vmem>>, vector<1x1x16xf32>,
    %broadcast_in_dim3A_1509 = arith.constant 2.000000e+00 : f32
    %broadcast_in_dim3A_1510 = vector.broadcast %broadcast_in_dim3A_1509 : f32 to vector<16xf32>
    %swap3A_1511 = arith.constant 0 : i32
    %swap3A_1512 = arith.constant 2 : i32
    %swap3A_1513 = arith.index_cast %swap3A_1511 : i32 to index
    %swap3A_1514 = arith.index_cast %swap3A_1512 : i32 to index
    %swap3A_1515 = arith.constant 368 : index
    %swap3A_1516 = tpu.vector_load %arg3[%swap3A_1513, %swap3A_1514, %swap3A_1515] {strides = array<i32>} : memref<1x4x1024xf32, #tpu.memory_space<vmem>>, vector<1x1x16xf32>,
    %swap3A_1517 = vector.shape_cast %swap3A_1516 : vector<1x1x16xf32> to vector<16xf32>
    %swap3A_1518 = vector.shape_cast %broadcast_in_dim3A_1510 : vector<16xf32> to vector<1x1x16xf32>
    tpu.vector_store %arg3[%swap3A_1513, %swap3A_1514, %swap3A_1515], %swap3A_1518 {strides = array<i32>} : memref<1x4x1024xf32, #tpu.memory_space<vmem>>, vector<1x1x16xf32>,
    %broadcast_in_dim3A_1519 = arith.constant 2.000000e+00 : f32
    %broadcast_in_dim3A_1520 = vector.broadcast %broadcast_in_dim3A_1519 : f32 to vector<16xf32>
    %swap3A_1521 = arith.constant 0 : i32
    %swap3A_1522 = arith.constant 2 : i32
    %swap3A_1523 = arith.index_cast %swap3A_1521 : i32 to index
    %swap3A_1524 = arith.index_cast %swap3A_1522 : i32 to index
    %swap3A_1525 = arith.constant 384 : index
    %swap3A_1526 = tpu.vector_load %arg3[%swap3A_1523, %swap3A_1524, %swap3A_1525] {strides = array<i32>} : memref<1x4x1024xf32, #tpu.memory_space<vmem>>, vector<1x1x16xf32>,
    %swap3A_1527 = vector.shape_cast %swap3A_1526 : vector<1x1x16xf32> to vector<16xf32>
    %swap3A_1528 = vector.shape_cast %broadcast_in_dim3A_1520 : vector<16xf32> to vector<1x1x16xf32>
    tpu.vector_store %arg3[%swap3A_1523, %swap3A_1524, %swap3A_1525], %swap3A_1528 {strides = array<i32>} : memref<1x4x1024xf32, #tpu.memory_space<vmem>>, vector<1x1x16xf32>,
    %broadcast_in_dim3A_1529 = arith.constant 2.000000e+00 : f32
    %broadcast_in_dim3A_1530 = vector.broadcast %broadcast_in_dim3A_1529 : f32 to vector<16xf32>
    %swap3A_1531 = arith.constant 0 : i32
    %swap3A_1532 = arith.constant 2 : i32
    %swap3A_1533 = arith.index_cast %swap3A_1531 : i32 to index
    %swap3A_1534 = arith.index_cast %swap3A_1532 : i32 to index
    %swap3A_1535 = arith.constant 400 : index
    %swap3A_1536 = tpu.vector_load %arg3[%swap3A_1533, %swap3A_1534, %swap3A_1535] {strides = array<i32>} : memref<1x4x1024xf32, #tpu.memory_space<vmem>>, vector<1x1x16xf32>,
    %swap3A_1537 = vector.shape_cast %swap3A_1536 : vector<1x1x16xf32> to vector<16xf32>
    %swap3A_1538 = vector.shape_cast %broadcast_in_dim3A_1530 : vector<16xf32> to vector<1x1x16xf32>
    tpu.vector_store %arg3[%swap3A_1533, %swap3A_1534, %swap3A_1535], %swap3A_1538 {strides = array<i32>} : memref<1x4x1024xf32, #tpu.memory_space<vmem>>, vector<1x1x16xf32>,
    %broadcast_in_dim3A_1539 = arith.constant 2.000000e+00 : f32
    %broadcast_in_dim3A_1540 = vector.broadcast %broadcast_in_dim3A_1539 : f32 to vector<16xf32>
    %swap3A_1541 = arith.constant 0 : i32
    %swap3A_1542 = arith.constant 2 : i32
    %swap3A_1543 = arith.index_cast %swap3A_1541 : i32 to index
    %swap3A_1544 = arith.index_cast %swap3A_1542 : i32 to index
    %swap3A_1545 = arith.constant 416 : index
    %swap3A_1546 = tpu.vector_load %arg3[%swap3A_1543, %swap3A_1544, %swap3A_1545] {strides = array<i32>} : memref<1x4x1024xf32, #tpu.memory_space<vmem>>, vector<1x1x16xf32>,
    %swap3A_1547 = vector.shape_cast %swap3A_1546 : vector<1x1x16xf32> to vector<16xf32>
    %swap3A_1548 = vector.shape_cast %broadcast_in_dim3A_1540 : vector<16xf32> to vector<1x1x16xf32>
    tpu.vector_store %arg3[%swap3A_1543, %swap3A_1544, %swap3A_1545], %swap3A_1548 {strides = array<i32>} : memref<1x4x1024xf32, #tpu.memory_space<vmem>>, vector<1x1x16xf32>,
    %broadcast_in_dim3A_1549 = arith.constant 2.000000e+00 : f32
    %broadcast_in_dim3A_1550 = vector.broadcast %broadcast_in_dim3A_1549 : f32 to vector<16xf32>
    %swap3A_1551 = arith.constant 0 : i32
    %swap3A_1552 = arith.constant 2 : i32
    %swap3A_1553 = arith.index_cast %swap3A_1551 : i32 to index
    %swap3A_1554 = arith.index_cast %swap3A_1552 : i32 to index
    %swap3A_1555 = arith.constant 432 : index
    %swap3A_1556 = tpu.vector_load %arg3[%swap3A_1553, %swap3A_1554, %swap3A_1555] {strides = array<i32>} : memref<1x4x1024xf32, #tpu.memory_space<vmem>>, vector<1x1x16xf32>,
    %swap3A_1557 = vector.shape_cast %swap3A_1556 : vector<1x1x16xf32> to vector<16xf32>
    %swap3A_1558 = vector.shape_cast %broadcast_in_dim3A_1550 : vector<16xf32> to vector<1x1x16xf32>
    tpu.vector_store %arg3[%swap3A_1553, %swap3A_1554, %swap3A_1555], %swap3A_1558 {strides = array<i32>} : memref<1x4x1024xf32, #tpu.memory_space<vmem>>, vector<1x1x16xf32>,
    %broadcast_in_dim3A_1559 = arith.constant 2.000000e+00 : f32
    %broadcast_in_dim3A_1560 = vector.broadcast %broadcast_in_dim3A_1559 : f32 to vector<16xf32>
    %swap3A_1561 = arith.constant 0 : i32
    %swap3A_1562 = arith.constant 2 : i32
    %swap3A_1563 = arith.index_cast %swap3A_1561 : i32 to index
    %swap3A_1564 = arith.index_cast %swap3A_1562 : i32 to index
    %swap3A_1565 = arith.constant 448 : index
    %swap3A_1566 = tpu.vector_load %arg3[%swap3A_1563, %swap3A_1564, %swap3A_1565] {strides = array<i32>} : memref<1x4x1024xf32, #tpu.memory_space<vmem>>, vector<1x1x16xf32>,
    %swap3A_1567 = vector.shape_cast %swap3A_1566 : vector<1x1x16xf32> to vector<16xf32>
    %swap3A_1568 = vector.shape_cast %broadcast_in_dim3A_1560 : vector<16xf32> to vector<1x1x16xf32>
    tpu.vector_store %arg3[%swap3A_1563, %swap3A_1564, %swap3A_1565], %swap3A_1568 {strides = array<i32>} : memref<1x4x1024xf32, #tpu.memory_space<vmem>>, vector<1x1x16xf32>,
    %broadcast_in_dim3A_1569 = arith.constant 2.000000e+00 : f32
    %broadcast_in_dim3A_1570 = vector.broadcast %broadcast_in_dim3A_1569 : f32 to vector<16xf32>
    %swap3A_1571 = arith.constant 0 : i32
    %swap3A_1572 = arith.constant 2 : i32
    %swap3A_1573 = arith.index_cast %swap3A_1571 : i32 to index
    %swap3A_1574 = arith.index_cast %swap3A_1572 : i32 to index
    %swap3A_1575 = arith.constant 464 : index
    %swap3A_1576 = tpu.vector_load %arg3[%swap3A_1573, %swap3A_1574, %swap3A_1575] {strides = array<i32>} : memref<1x4x1024xf32, #tpu.memory_space<vmem>>, vector<1x1x16xf32>,
    %swap3A_1577 = vector.shape_cast %swap3A_1576 : vector<1x1x16xf32> to vector<16xf32>
    %swap3A_1578 = vector.shape_cast %broadcast_in_dim3A_1570 : vector<16xf32> to vector<1x1x16xf32>
    tpu.vector_store %arg3[%swap3A_1573, %swap3A_1574, %swap3A_1575], %swap3A_1578 {strides = array<i32>} : memref<1x4x1024xf32, #tpu.memory_space<vmem>>, vector<1x1x16xf32>,
    %broadcast_in_dim3A_1579 = arith.constant 2.000000e+00 : f32
    %broadcast_in_dim3A_1580 = vector.broadcast %broadcast_in_dim3A_1579 : f32 to vector<16xf32>
    %swap3A_1581 = arith.constant 0 : i32
    %swap3A_1582 = arith.constant 2 : i32
    %swap3A_1583 = arith.index_cast %swap3A_1581 : i32 to index
    %swap3A_1584 = arith.index_cast %swap3A_1582 : i32 to index
    %swap3A_1585 = arith.constant 480 : index
    %swap3A_1586 = tpu.vector_load %arg3[%swap3A_1583, %swap3A_1584, %swap3A_1585] {strides = array<i32>} : memref<1x4x1024xf32, #tpu.memory_space<vmem>>, vector<1x1x16xf32>,
    %swap3A_1587 = vector.shape_cast %swap3A_1586 : vector<1x1x16xf32> to vector<16xf32>
    %swap3A_1588 = vector.shape_cast %broadcast_in_dim3A_1580 : vector<16xf32> to vector<1x1x16xf32>
    tpu.vector_store %arg3[%swap3A_1583, %swap3A_1584, %swap3A_1585], %swap3A_1588 {strides = array<i32>} : memref<1x4x1024xf32, #tpu.memory_space<vmem>>, vector<1x1x16xf32>,
    %broadcast_in_dim3A_1589 = arith.constant 2.000000e+00 : f32
    %broadcast_in_dim3A_1590 = vector.broadcast %broadcast_in_dim3A_1589 : f32 to vector<16xf32>
    %swap3A_1591 = arith.constant 0 : i32
    %swap3A_1592 = arith.constant 2 : i32
    %swap3A_1593 = arith.index_cast %swap3A_1591 : i32 to index
    %swap3A_1594 = arith.index_cast %swap3A_1592 : i32 to index
    %swap3A_1595 = arith.constant 496 : index
    %swap3A_1596 = tpu.vector_load %arg3[%swap3A_1593, %swap3A_1594, %swap3A_1595] {strides = array<i32>} : memref<1x4x1024xf32, #tpu.memory_space<vmem>>, vector<1x1x16xf32>,
    %swap3A_1597 = vector.shape_cast %swap3A_1596 : vector<1x1x16xf32> to vector<16xf32>
    %swap3A_1598 = vector.shape_cast %broadcast_in_dim3A_1590 : vector<16xf32> to vector<1x1x16xf32>
    tpu.vector_store %arg3[%swap3A_1593, %swap3A_1594, %swap3A_1595], %swap3A_1598 {strides = array<i32>} : memref<1x4x1024xf32, #tpu.memory_space<vmem>>, vector<1x1x16xf32>,
    %broadcast_in_dim3A_1599 = arith.constant 2.000000e+00 : f32
    %broadcast_in_dim3A_1600 = vector.broadcast %broadcast_in_dim3A_1599 : f32 to vector<16xf32>
    %swap3A_1601 = arith.constant 0 : i32
    %swap3A_1602 = arith.constant 2 : i32
    %swap3A_1603 = arith.index_cast %swap3A_1601 : i32 to index
    %swap3A_1604 = arith.index_cast %swap3A_1602 : i32 to index
    %swap3A_1605 = arith.constant 512 : index
    %swap3A_1606 = tpu.vector_load %arg3[%swap3A_1603, %swap3A_1604, %swap3A_1605] {strides = array<i32>} : memref<1x4x1024xf32, #tpu.memory_space<vmem>>, vector<1x1x16xf32>,
    %swap3A_1607 = vector.shape_cast %swap3A_1606 : vector<1x1x16xf32> to vector<16xf32>
    %swap3A_1608 = vector.shape_cast %broadcast_in_dim3A_1600 : vector<16xf32> to vector<1x1x16xf32>
    tpu.vector_store %arg3[%swap3A_1603, %swap3A_1604, %swap3A_1605], %swap3A_1608 {strides = array<i32>} : memref<1x4x1024xf32, #tpu.memory_space<vmem>>, vector<1x1x16xf32>,
    %broadcast_in_dim3A_1609 = arith.constant 2.000000e+00 : f32
    %broadcast_in_dim3A_1610 = vector.broadcast %broadcast_in_dim3A_1609 : f32 to vector<16xf32>
    %swap3A_1611 = arith.constant 0 : i32
    %swap3A_1612 = arith.constant 2 : i32
    %swap3A_1613 = arith.index_cast %swap3A_1611 : i32 to index
    %swap3A_1614 = arith.index_cast %swap3A_1612 : i32 to index
    %swap3A_1615 = arith.constant 528 : index
    %swap3A_1616 = tpu.vector_load %arg3[%swap3A_1613, %swap3A_1614, %swap3A_1615] {strides = array<i32>} : memref<1x4x1024xf32, #tpu.memory_space<vmem>>, vector<1x1x16xf32>,
    %swap3A_1617 = vector.shape_cast %swap3A_1616 : vector<1x1x16xf32> to vector<16xf32>
    %swap3A_1618 = vector.shape_cast %broadcast_in_dim3A_1610 : vector<16xf32> to vector<1x1x16xf32>
    tpu.vector_store %arg3[%swap3A_1613, %swap3A_1614, %swap3A_1615], %swap3A_1618 {strides = array<i32>} : memref<1x4x1024xf32, #tpu.memory_space<vmem>>, vector<1x1x16xf32>,
    %broadcast_in_dim3A_1619 = arith.constant 2.000000e+00 : f32
    %broadcast_in_dim3A_1620 = vector.broadcast %broadcast_in_dim3A_1619 : f32 to vector<16xf32>
    %swap3A_1621 = arith.constant 0 : i32
    %swap3A_1622 = arith.constant 2 : i32
    %swap3A_1623 = arith.index_cast %swap3A_1621 : i32 to index
    %swap3A_1624 = arith.index_cast %swap3A_1622 : i32 to index
    %swap3A_1625 = arith.constant 544 : index
    %swap3A_1626 = tpu.vector_load %arg3[%swap3A_1623, %swap3A_1624, %swap3A_1625] {strides = array<i32>} : memref<1x4x1024xf32, #tpu.memory_space<vmem>>, vector<1x1x16xf32>,
    %swap3A_1627 = vector.shape_cast %swap3A_1626 : vector<1x1x16xf32> to vector<16xf32>
    %swap3A_1628 = vector.shape_cast %broadcast_in_dim3A_1620 : vector<16xf32> to vector<1x1x16xf32>
    tpu.vector_store %arg3[%swap3A_1623, %swap3A_1624, %swap3A_1625], %swap3A_1628 {strides = array<i32>} : memref<1x4x1024xf32, #tpu.memory_space<vmem>>, vector<1x1x16xf32>,
    %broadcast_in_dim3A_1629 = arith.constant 2.000000e+00 : f32
    %broadcast_in_dim3A_1630 = vector.broadcast %broadcast_in_dim3A_1629 : f32 to vector<16xf32>
    %swap3A_1631 = arith.constant 0 : i32
    %swap3A_1632 = arith.constant 2 : i32
    %swap3A_1633 = arith.index_cast %swap3A_1631 : i32 to index
    %swap3A_1634 = arith.index_cast %swap3A_1632 : i32 to index
    %swap3A_1635 = arith.constant 560 : index
    %swap3A_1636 = tpu.vector_load %arg3[%swap3A_1633, %swap3A_1634, %swap3A_1635] {strides = array<i32>} : memref<1x4x1024xf32, #tpu.memory_space<vmem>>, vector<1x1x16xf32>,
    %swap3A_1637 = vector.shape_cast %swap3A_1636 : vector<1x1x16xf32> to vector<16xf32>
    %swap3A_1638 = vector.shape_cast %broadcast_in_dim3A_1630 : vector<16xf32> to vector<1x1x16xf32>
    tpu.vector_store %arg3[%swap3A_1633, %swap3A_1634, %swap3A_1635], %swap3A_1638 {strides = array<i32>} : memref<1x4x1024xf32, #tpu.memory_space<vmem>>, vector<1x1x16xf32>,
    %broadcast_in_dim3A_1639 = arith.constant 2.000000e+00 : f32
    %broadcast_in_dim3A_1640 = vector.broadcast %broadcast_in_dim3A_1639 : f32 to vector<16xf32>
    %swap3A_1641 = arith.constant 0 : i32
    %swap3A_1642 = arith.constant 2 : i32
    %swap3A_1643 = arith.index_cast %swap3A_1641 : i32 to index
    %swap3A_1644 = arith.index_cast %swap3A_1642 : i32 to index
    %swap3A_1645 = arith.constant 576 : index
    %swap3A_1646 = tpu.vector_load %arg3[%swap3A_1643, %swap3A_1644, %swap3A_1645] {strides = array<i32>} : memref<1x4x1024xf32, #tpu.memory_space<vmem>>, vector<1x1x16xf32>,
    %swap3A_1647 = vector.shape_cast %swap3A_1646 : vector<1x1x16xf32> to vector<16xf32>
    %swap3A_1648 = vector.shape_cast %broadcast_in_dim3A_1640 : vector<16xf32> to vector<1x1x16xf32>
    tpu.vector_store %arg3[%swap3A_1643, %swap3A_1644, %swap3A_1645], %swap3A_1648 {strides = array<i32>} : memref<1x4x1024xf32, #tpu.memory_space<vmem>>, vector<1x1x16xf32>,
    %broadcast_in_dim3A_1649 = arith.constant 2.000000e+00 : f32
    %broadcast_in_dim3A_1650 = vector.broadcast %broadcast_in_dim3A_1649 : f32 to vector<16xf32>
    %swap3A_1651 = arith.constant 0 : i32
    %swap3A_1652 = arith.constant 2 : i32
    %swap3A_1653 = arith.index_cast %swap3A_1651 : i32 to index
    %swap3A_1654 = arith.index_cast %swap3A_1652 : i32 to index
    %swap3A_1655 = arith.constant 592 : index
    %swap3A_1656 = tpu.vector_load %arg3[%swap3A_1653, %swap3A_1654, %swap3A_1655] {strides = array<i32>} : memref<1x4x1024xf32, #tpu.memory_space<vmem>>, vector<1x1x16xf32>,
    %swap3A_1657 = vector.shape_cast %swap3A_1656 : vector<1x1x16xf32> to vector<16xf32>
    %swap3A_1658 = vector.shape_cast %broadcast_in_dim3A_1650 : vector<16xf32> to vector<1x1x16xf32>
    tpu.vector_store %arg3[%swap3A_1653, %swap3A_1654, %swap3A_1655], %swap3A_1658 {strides = array<i32>} : memref<1x4x1024xf32, #tpu.memory_space<vmem>>, vector<1x1x16xf32>,
    %broadcast_in_dim3A_1659 = arith.constant 2.000000e+00 : f32
    %broadcast_in_dim3A_1660 = vector.broadcast %broadcast_in_dim3A_1659 : f32 to vector<16xf32>
    %swap3A_1661 = arith.constant 0 : i32
    %swap3A_1662 = arith.constant 2 : i32
    %swap3A_1663 = arith.index_cast %swap3A_1661 : i32 to index
    %swap3A_1664 = arith.index_cast %swap3A_1662 : i32 to index
    %swap3A_1665 = arith.constant 608 : index
    %swap3A_1666 = tpu.vector_load %arg3[%swap3A_1663, %swap3A_1664, %swap3A_1665] {strides = array<i32>} : memref<1x4x1024xf32, #tpu.memory_space<vmem>>, vector<1x1x16xf32>,
    %swap3A_1667 = vector.shape_cast %swap3A_1666 : vector<1x1x16xf32> to vector<16xf32>
    %swap3A_1668 = vector.shape_cast %broadcast_in_dim3A_1660 : vector<16xf32> to vector<1x1x16xf32>
    tpu.vector_store %arg3[%swap3A_1663, %swap3A_1664, %swap3A_1665], %swap3A_1668 {strides = array<i32>} : memref<1x4x1024xf32, #tpu.memory_space<vmem>>, vector<1x1x16xf32>,
    %broadcast_in_dim3A_1669 = arith.constant 2.000000e+00 : f32
    %broadcast_in_dim3A_1670 = vector.broadcast %broadcast_in_dim3A_1669 : f32 to vector<16xf32>
    %swap3A_1671 = arith.constant 0 : i32
    %swap3A_1672 = arith.constant 2 : i32
    %swap3A_1673 = arith.index_cast %swap3A_1671 : i32 to index
    %swap3A_1674 = arith.index_cast %swap3A_1672 : i32 to index
    %swap3A_1675 = arith.constant 624 : index
    %swap3A_1676 = tpu.vector_load %arg3[%swap3A_1673, %swap3A_1674, %swap3A_1675] {strides = array<i32>} : memref<1x4x1024xf32, #tpu.memory_space<vmem>>, vector<1x1x16xf32>,
    %swap3A_1677 = vector.shape_cast %swap3A_1676 : vector<1x1x16xf32> to vector<16xf32>
    %swap3A_1678 = vector.shape_cast %broadcast_in_dim3A_1670 : vector<16xf32> to vector<1x1x16xf32>
    tpu.vector_store %arg3[%swap3A_1673, %swap3A_1674, %swap3A_1675], %swap3A_1678 {strides = array<i32>} : memref<1x4x1024xf32, #tpu.memory_space<vmem>>, vector<1x1x16xf32>,
    %broadcast_in_dim3A_1679 = arith.constant 2.000000e+00 : f32
    %broadcast_in_dim3A_1680 = vector.broadcast %broadcast_in_dim3A_1679 : f32 to vector<16xf32>
    %swap3A_1681 = arith.constant 0 : i32
    %swap3A_1682 = arith.constant 2 : i32
    %swap3A_1683 = arith.index_cast %swap3A_1681 : i32 to index
    %swap3A_1684 = arith.index_cast %swap3A_1682 : i32 to index
    %swap3A_1685 = arith.constant 640 : index
    %swap3A_1686 = tpu.vector_load %arg3[%swap3A_1683, %swap3A_1684, %swap3A_1685] {strides = array<i32>} : memref<1x4x1024xf32, #tpu.memory_space<vmem>>, vector<1x1x16xf32>,
    %swap3A_1687 = vector.shape_cast %swap3A_1686 : vector<1x1x16xf32> to vector<16xf32>
    %swap3A_1688 = vector.shape_cast %broadcast_in_dim3A_1680 : vector<16xf32> to vector<1x1x16xf32>
    tpu.vector_store %arg3[%swap3A_1683, %swap3A_1684, %swap3A_1685], %swap3A_1688 {strides = array<i32>} : memref<1x4x1024xf32, #tpu.memory_space<vmem>>, vector<1x1x16xf32>,
    %broadcast_in_dim3A_1689 = arith.constant 2.000000e+00 : f32
    %broadcast_in_dim3A_1690 = vector.broadcast %broadcast_in_dim3A_1689 : f32 to vector<16xf32>
    %swap3A_1691 = arith.constant 0 : i32
    %swap3A_1692 = arith.constant 2 : i32
    %swap3A_1693 = arith.index_cast %swap3A_1691 : i32 to index
    %swap3A_1694 = arith.index_cast %swap3A_1692 : i32 to index
    %swap3A_1695 = arith.constant 656 : index
    %swap3A_1696 = tpu.vector_load %arg3[%swap3A_1693, %swap3A_1694, %swap3A_1695] {strides = array<i32>} : memref<1x4x1024xf32, #tpu.memory_space<vmem>>, vector<1x1x16xf32>,
    %swap3A_1697 = vector.shape_cast %swap3A_1696 : vector<1x1x16xf32> to vector<16xf32>
    %swap3A_1698 = vector.shape_cast %broadcast_in_dim3A_1690 : vector<16xf32> to vector<1x1x16xf32>
    tpu.vector_store %arg3[%swap3A_1693, %swap3A_1694, %swap3A_1695], %swap3A_1698 {strides = array<i32>} : memref<1x4x1024xf32, #tpu.memory_space<vmem>>, vector<1x1x16xf32>,
    %broadcast_in_dim3A_1699 = arith.constant 2.000000e+00 : f32
    %broadcast_in_dim3A_1700 = vector.broadcast %broadcast_in_dim3A_1699 : f32 to vector<16xf32>
    %swap3A_1701 = arith.constant 0 : i32
    %swap3A_1702 = arith.constant 2 : i32
    %swap3A_1703 = arith.index_cast %swap3A_1701 : i32 to index
    %swap3A_1704 = arith.index_cast %swap3A_1702 : i32 to index
    %swap3A_1705 = arith.constant 672 : index
    %swap3A_1706 = tpu.vector_load %arg3[%swap3A_1703, %swap3A_1704, %swap3A_1705] {strides = array<i32>} : memref<1x4x1024xf32, #tpu.memory_space<vmem>>, vector<1x1x16xf32>,
    %swap3A_1707 = vector.shape_cast %swap3A_1706 : vector<1x1x16xf32> to vector<16xf32>
    %swap3A_1708 = vector.shape_cast %broadcast_in_dim3A_1700 : vector<16xf32> to vector<1x1x16xf32>
    tpu.vector_store %arg3[%swap3A_1703, %swap3A_1704, %swap3A_1705], %swap3A_1708 {strides = array<i32>} : memref<1x4x1024xf32, #tpu.memory_space<vmem>>, vector<1x1x16xf32>,
    %broadcast_in_dim3A_1709 = arith.constant 2.000000e+00 : f32
    %broadcast_in_dim3A_1710 = vector.broadcast %broadcast_in_dim3A_1709 : f32 to vector<16xf32>
    %swap3A_1711 = arith.constant 0 : i32
    %swap3A_1712 = arith.constant 2 : i32
    %swap3A_1713 = arith.index_cast %swap3A_1711 : i32 to index
    %swap3A_1714 = arith.index_cast %swap3A_1712 : i32 to index
    %swap3A_1715 = arith.constant 688 : index
    %swap3A_1716 = tpu.vector_load %arg3[%swap3A_1713, %swap3A_1714, %swap3A_1715] {strides = array<i32>} : memref<1x4x1024xf32, #tpu.memory_space<vmem>>, vector<1x1x16xf32>,
    %swap3A_1717 = vector.shape_cast %swap3A_1716 : vector<1x1x16xf32> to vector<16xf32>
    %swap3A_1718 = vector.shape_cast %broadcast_in_dim3A_1710 : vector<16xf32> to vector<1x1x16xf32>
    tpu.vector_store %arg3[%swap3A_1713, %swap3A_1714, %swap3A_1715], %swap3A_1718 {strides = array<i32>} : memref<1x4x1024xf32, #tpu.memory_space<vmem>>, vector<1x1x16xf32>,
    %broadcast_in_dim3A_1719 = arith.constant 2.000000e+00 : f32
    %broadcast_in_dim3A_1720 = vector.broadcast %broadcast_in_dim3A_1719 : f32 to vector<16xf32>
    %swap3A_1721 = arith.constant 0 : i32
    %swap3A_1722 = arith.constant 2 : i32
    %swap3A_1723 = arith.index_cast %swap3A_1721 : i32 to index
    %swap3A_1724 = arith.index_cast %swap3A_1722 : i32 to index
    %swap3A_1725 = arith.constant 704 : index
    %swap3A_1726 = tpu.vector_load %arg3[%swap3A_1723, %swap3A_1724, %swap3A_1725] {strides = array<i32>} : memref<1x4x1024xf32, #tpu.memory_space<vmem>>, vector<1x1x16xf32>,
    %swap3A_1727 = vector.shape_cast %swap3A_1726 : vector<1x1x16xf32> to vector<16xf32>
    %swap3A_1728 = vector.shape_cast %broadcast_in_dim3A_1720 : vector<16xf32> to vector<1x1x16xf32>
    tpu.vector_store %arg3[%swap3A_1723, %swap3A_1724, %swap3A_1725], %swap3A_1728 {strides = array<i32>} : memref<1x4x1024xf32, #tpu.memory_space<vmem>>, vector<1x1x16xf32>,
    %broadcast_in_dim3A_1729 = arith.constant 2.000000e+00 : f32
    %broadcast_in_dim3A_1730 = vector.broadcast %broadcast_in_dim3A_1729 : f32 to vector<16xf32>
    %swap3A_1731 = arith.constant 0 : i32
    %swap3A_1732 = arith.constant 2 : i32
    %swap3A_1733 = arith.index_cast %swap3A_1731 : i32 to index
    %swap3A_1734 = arith.index_cast %swap3A_1732 : i32 to index
    %swap3A_1735 = arith.constant 720 : index
    %swap3A_1736 = tpu.vector_load %arg3[%swap3A_1733, %swap3A_1734, %swap3A_1735] {strides = array<i32>} : memref<1x4x1024xf32, #tpu.memory_space<vmem>>, vector<1x1x16xf32>,
    %swap3A_1737 = vector.shape_cast %swap3A_1736 : vector<1x1x16xf32> to vector<16xf32>
    %swap3A_1738 = vector.shape_cast %broadcast_in_dim3A_1730 : vector<16xf32> to vector<1x1x16xf32>
    tpu.vector_store %arg3[%swap3A_1733, %swap3A_1734, %swap3A_1735], %swap3A_1738 {strides = array<i32>} : memref<1x4x1024xf32, #tpu.memory_space<vmem>>, vector<1x1x16xf32>,
    %broadcast_in_dim3A_1739 = arith.constant 2.000000e+00 : f32
    %broadcast_in_dim3A_1740 = vector.broadcast %broadcast_in_dim3A_1739 : f32 to vector<16xf32>
    %swap3A_1741 = arith.constant 0 : i32
    %swap3A_1742 = arith.constant 2 : i32
    %swap3A_1743 = arith.index_cast %swap3A_1741 : i32 to index
    %swap3A_1744 = arith.index_cast %swap3A_1742 : i32 to index
    %swap3A_1745 = arith.constant 736 : index
    %swap3A_1746 = tpu.vector_load %arg3[%swap3A_1743, %swap3A_1744, %swap3A_1745] {strides = array<i32>} : memref<1x4x1024xf32, #tpu.memory_space<vmem>>, vector<1x1x16xf32>,
    %swap3A_1747 = vector.shape_cast %swap3A_1746 : vector<1x1x16xf32> to vector<16xf32>
    %swap3A_1748 = vector.shape_cast %broadcast_in_dim3A_1740 : vector<16xf32> to vector<1x1x16xf32>
    tpu.vector_store %arg3[%swap3A_1743, %swap3A_1744, %swap3A_1745], %swap3A_1748 {strides = array<i32>} : memref<1x4x1024xf32, #tpu.memory_space<vmem>>, vector<1x1x16xf32>,
    %broadcast_in_dim3A_1749 = arith.constant 2.000000e+00 : f32
    %broadcast_in_dim3A_1750 = vector.broadcast %broadcast_in_dim3A_1749 : f32 to vector<16xf32>
    %swap3A_1751 = arith.constant 0 : i32
    %swap3A_1752 = arith.constant 2 : i32
    %swap3A_1753 = arith.index_cast %swap3A_1751 : i32 to index
    %swap3A_1754 = arith.index_cast %swap3A_1752 : i32 to index
    %swap3A_1755 = arith.constant 752 : index
    %swap3A_1756 = tpu.vector_load %arg3[%swap3A_1753, %swap3A_1754, %swap3A_1755] {strides = array<i32>} : memref<1x4x1024xf32, #tpu.memory_space<vmem>>, vector<1x1x16xf32>,
    %swap3A_1757 = vector.shape_cast %swap3A_1756 : vector<1x1x16xf32> to vector<16xf32>
    %swap3A_1758 = vector.shape_cast %broadcast_in_dim3A_1750 : vector<16xf32> to vector<1x1x16xf32>
    tpu.vector_store %arg3[%swap3A_1753, %swap3A_1754, %swap3A_1755], %swap3A_1758 {strides = array<i32>} : memref<1x4x1024xf32, #tpu.memory_space<vmem>>, vector<1x1x16xf32>,
    %broadcast_in_dim3A_1759 = arith.constant 2.000000e+00 : f32
    %broadcast_in_dim3A_1760 = vector.broadcast %broadcast_in_dim3A_1759 : f32 to vector<16xf32>
    %swap3A_1761 = arith.constant 0 : i32
    %swap3A_1762 = arith.constant 2 : i32
    %swap3A_1763 = arith.index_cast %swap3A_1761 : i32 to index
    %swap3A_1764 = arith.index_cast %swap3A_1762 : i32 to index
    %swap3A_1765 = arith.constant 768 : index
    %swap3A_1766 = tpu.vector_load %arg3[%swap3A_1763, %swap3A_1764, %swap3A_1765] {strides = array<i32>} : memref<1x4x1024xf32, #tpu.memory_space<vmem>>, vector<1x1x16xf32>,
    %swap3A_1767 = vector.shape_cast %swap3A_1766 : vector<1x1x16xf32> to vector<16xf32>
    %swap3A_1768 = vector.shape_cast %broadcast_in_dim3A_1760 : vector<16xf32> to vector<1x1x16xf32>
    tpu.vector_store %arg3[%swap3A_1763, %swap3A_1764, %swap3A_1765], %swap3A_1768 {strides = array<i32>} : memref<1x4x1024xf32, #tpu.memory_space<vmem>>, vector<1x1x16xf32>,
    %broadcast_in_dim3A_1769 = arith.constant 2.000000e+00 : f32
    %broadcast_in_dim3A_1770 = vector.broadcast %broadcast_in_dim3A_1769 : f32 to vector<16xf32>
    %swap3A_1771 = arith.constant 0 : i32
    %swap3A_1772 = arith.constant 2 : i32
    %swap3A_1773 = arith.index_cast %swap3A_1771 : i32 to index
    %swap3A_1774 = arith.index_cast %swap3A_1772 : i32 to index
    %swap3A_1775 = arith.constant 784 : index
    %swap3A_1776 = tpu.vector_load %arg3[%swap3A_1773, %swap3A_1774, %swap3A_1775] {strides = array<i32>} : memref<1x4x1024xf32, #tpu.memory_space<vmem>>, vector<1x1x16xf32>,
    %swap3A_1777 = vector.shape_cast %swap3A_1776 : vector<1x1x16xf32> to vector<16xf32>
    %swap3A_1778 = vector.shape_cast %broadcast_in_dim3A_1770 : vector<16xf32> to vector<1x1x16xf32>
    tpu.vector_store %arg3[%swap3A_1773, %swap3A_1774, %swap3A_1775], %swap3A_1778 {strides = array<i32>} : memref<1x4x1024xf32, #tpu.memory_space<vmem>>, vector<1x1x16xf32>,
    %broadcast_in_dim3A_1779 = arith.constant 2.000000e+00 : f32
    %broadcast_in_dim3A_1780 = vector.broadcast %broadcast_in_dim3A_1779 : f32 to vector<16xf32>
    %swap3A_1781 = arith.constant 0 : i32
    %swap3A_1782 = arith.constant 2 : i32
    %swap3A_1783 = arith.index_cast %swap3A_1781 : i32 to index
    %swap3A_1784 = arith.index_cast %swap3A_1782 : i32 to index
    %swap3A_1785 = arith.constant 800 : index
    %swap3A_1786 = tpu.vector_load %arg3[%swap3A_1783, %swap3A_1784, %swap3A_1785] {strides = array<i32>} : memref<1x4x1024xf32, #tpu.memory_space<vmem>>, vector<1x1x16xf32>,
    %swap3A_1787 = vector.shape_cast %swap3A_1786 : vector<1x1x16xf32> to vector<16xf32>
    %swap3A_1788 = vector.shape_cast %broadcast_in_dim3A_1780 : vector<16xf32> to vector<1x1x16xf32>
    tpu.vector_store %arg3[%swap3A_1783, %swap3A_1784, %swap3A_1785], %swap3A_1788 {strides = array<i32>} : memref<1x4x1024xf32, #tpu.memory_space<vmem>>, vector<1x1x16xf32>,
    %broadcast_in_dim3A_1789 = arith.constant 2.000000e+00 : f32
    %broadcast_in_dim3A_1790 = vector.broadcast %broadcast_in_dim3A_1789 : f32 to vector<16xf32>
    %swap3A_1791 = arith.constant 0 : i32
    %swap3A_1792 = arith.constant 2 : i32
    %swap3A_1793 = arith.index_cast %swap3A_1791 : i32 to index
    %swap3A_1794 = arith.index_cast %swap3A_1792 : i32 to index
    %swap3A_1795 = arith.constant 816 : index
    %swap3A_1796 = tpu.vector_load %arg3[%swap3A_1793, %swap3A_1794, %swap3A_1795] {strides = array<i32>} : memref<1x4x1024xf32, #tpu.memory_space<vmem>>, vector<1x1x16xf32>,
    %swap3A_1797 = vector.shape_cast %swap3A_1796 : vector<1x1x16xf32> to vector<16xf32>
    %swap3A_1798 = vector.shape_cast %broadcast_in_dim3A_1790 : vector<16xf32> to vector<1x1x16xf32>
    tpu.vector_store %arg3[%swap3A_1793, %swap3A_1794, %swap3A_1795], %swap3A_1798 {strides = array<i32>} : memref<1x4x1024xf32, #tpu.memory_space<vmem>>, vector<1x1x16xf32>,
    %broadcast_in_dim3A_1799 = arith.constant 2.000000e+00 : f32
    %broadcast_in_dim3A_1800 = vector.broadcast %broadcast_in_dim3A_1799 : f32 to vector<16xf32>
    %swap3A_1801 = arith.constant 0 : i32
    %swap3A_1802 = arith.constant 2 : i32
    %swap3A_1803 = arith.index_cast %swap3A_1801 : i32 to index
    %swap3A_1804 = arith.index_cast %swap3A_1802 : i32 to index
    %swap3A_1805 = arith.constant 832 : index
    %swap3A_1806 = tpu.vector_load %arg3[%swap3A_1803, %swap3A_1804, %swap3A_1805] {strides = array<i32>} : memref<1x4x1024xf32, #tpu.memory_space<vmem>>, vector<1x1x16xf32>,
    %swap3A_1807 = vector.shape_cast %swap3A_1806 : vector<1x1x16xf32> to vector<16xf32>
    %swap3A_1808 = vector.shape_cast %broadcast_in_dim3A_1800 : vector<16xf32> to vector<1x1x16xf32>
    tpu.vector_store %arg3[%swap3A_1803, %swap3A_1804, %swap3A_1805], %swap3A_1808 {strides = array<i32>} : memref<1x4x1024xf32, #tpu.memory_space<vmem>>, vector<1x1x16xf32>,
    %broadcast_in_dim3A_1809 = arith.constant 2.000000e+00 : f32
    %broadcast_in_dim3A_1810 = vector.broadcast %broadcast_in_dim3A_1809 : f32 to vector<16xf32>
    %swap3A_1811 = arith.constant 0 : i32
    %swap3A_1812 = arith.constant 2 : i32
    %swap3A_1813 = arith.index_cast %swap3A_1811 : i32 to index
    %swap3A_1814 = arith.index_cast %swap3A_1812 : i32 to index
    %swap3A_1815 = arith.constant 848 : index
    %swap3A_1816 = tpu.vector_load %arg3[%swap3A_1813, %swap3A_1814, %swap3A_1815] {strides = array<i32>} : memref<1x4x1024xf32, #tpu.memory_space<vmem>>, vector<1x1x16xf32>,
    %swap3A_1817 = vector.shape_cast %swap3A_1816 : vector<1x1x16xf32> to vector<16xf32>
    %swap3A_1818 = vector.shape_cast %broadcast_in_dim3A_1810 : vector<16xf32> to vector<1x1x16xf32>
    tpu.vector_store %arg3[%swap3A_1813, %swap3A_1814, %swap3A_1815], %swap3A_1818 {strides = array<i32>} : memref<1x4x1024xf32, #tpu.memory_space<vmem>>, vector<1x1x16xf32>,
    %broadcast_in_dim3A_1819 = arith.constant 2.000000e+00 : f32
    %broadcast_in_dim3A_1820 = vector.broadcast %broadcast_in_dim3A_1819 : f32 to vector<16xf32>
    %swap3A_1821 = arith.constant 0 : i32
    %swap3A_1822 = arith.constant 2 : i32
    %swap3A_1823 = arith.index_cast %swap3A_1821 : i32 to index
    %swap3A_1824 = arith.index_cast %swap3A_1822 : i32 to index
    %swap3A_1825 = arith.constant 864 : index
    %swap3A_1826 = tpu.vector_load %arg3[%swap3A_1823, %swap3A_1824, %swap3A_1825] {strides = array<i32>} : memref<1x4x1024xf32, #tpu.memory_space<vmem>>, vector<1x1x16xf32>,
    %swap3A_1827 = vector.shape_cast %swap3A_1826 : vector<1x1x16xf32> to vector<16xf32>
    %swap3A_1828 = vector.shape_cast %broadcast_in_dim3A_1820 : vector<16xf32> to vector<1x1x16xf32>
    tpu.vector_store %arg3[%swap3A_1823, %swap3A_1824, %swap3A_1825], %swap3A_1828 {strides = array<i32>} : memref<1x4x1024xf32, #tpu.memory_space<vmem>>, vector<1x1x16xf32>,
    %broadcast_in_dim3A_1829 = arith.constant 2.000000e+00 : f32
    %broadcast_in_dim3A_1830 = vector.broadcast %broadcast_in_dim3A_1829 : f32 to vector<16xf32>
    %swap3A_1831 = arith.constant 0 : i32
    %swap3A_1832 = arith.constant 2 : i32
    %swap3A_1833 = arith.index_cast %swap3A_1831 : i32 to index
    %swap3A_1834 = arith.index_cast %swap3A_1832 : i32 to index
    %swap3A_1835 = arith.constant 880 : index
    %swap3A_1836 = tpu.vector_load %arg3[%swap3A_1833, %swap3A_1834, %swap3A_1835] {strides = array<i32>} : memref<1x4x1024xf32, #tpu.memory_space<vmem>>, vector<1x1x16xf32>,
    %swap3A_1837 = vector.shape_cast %swap3A_1836 : vector<1x1x16xf32> to vector<16xf32>
    %swap3A_1838 = vector.shape_cast %broadcast_in_dim3A_1830 : vector<16xf32> to vector<1x1x16xf32>
    tpu.vector_store %arg3[%swap3A_1833, %swap3A_1834, %swap3A_1835], %swap3A_1838 {strides = array<i32>} : memref<1x4x1024xf32, #tpu.memory_space<vmem>>, vector<1x1x16xf32>,
    %broadcast_in_dim3A_1839 = arith.constant 2.000000e+00 : f32
    %broadcast_in_dim3A_1840 = vector.broadcast %broadcast_in_dim3A_1839 : f32 to vector<16xf32>
    %swap3A_1841 = arith.constant 0 : i32
    %swap3A_1842 = arith.constant 2 : i32
    %swap3A_1843 = arith.index_cast %swap3A_1841 : i32 to index
    %swap3A_1844 = arith.index_cast %swap3A_1842 : i32 to index
    %swap3A_1845 = arith.constant 896 : index
    %swap3A_1846 = tpu.vector_load %arg3[%swap3A_1843, %swap3A_1844, %swap3A_1845] {strides = array<i32>} : memref<1x4x1024xf32, #tpu.memory_space<vmem>>, vector<1x1x16xf32>,
    %swap3A_1847 = vector.shape_cast %swap3A_1846 : vector<1x1x16xf32> to vector<16xf32>
    %swap3A_1848 = vector.shape_cast %broadcast_in_dim3A_1840 : vector<16xf32> to vector<1x1x16xf32>
    tpu.vector_store %arg3[%swap3A_1843, %swap3A_1844, %swap3A_1845], %swap3A_1848 {strides = array<i32>} : memref<1x4x1024xf32, #tpu.memory_space<vmem>>, vector<1x1x16xf32>,
    %broadcast_in_dim3A_1849 = arith.constant 2.000000e+00 : f32
    %broadcast_in_dim3A_1850 = vector.broadcast %broadcast_in_dim3A_1849 : f32 to vector<16xf32>
    %swap3A_1851 = arith.constant 0 : i32
    %swap3A_1852 = arith.constant 2 : i32
    %swap3A_1853 = arith.index_cast %swap3A_1851 : i32 to index
    %swap3A_1854 = arith.index_cast %swap3A_1852 : i32 to index
    %swap3A_1855 = arith.constant 912 : index
    %swap3A_1856 = tpu.vector_load %arg3[%swap3A_1853, %swap3A_1854, %swap3A_1855] {strides = array<i32>} : memref<1x4x1024xf32, #tpu.memory_space<vmem>>, vector<1x1x16xf32>,
    %swap3A_1857 = vector.shape_cast %swap3A_1856 : vector<1x1x16xf32> to vector<16xf32>
    %swap3A_1858 = vector.shape_cast %broadcast_in_dim3A_1850 : vector<16xf32> to vector<1x1x16xf32>
    tpu.vector_store %arg3[%swap3A_1853, %swap3A_1854, %swap3A_1855], %swap3A_1858 {strides = array<i32>} : memref<1x4x1024xf32, #tpu.memory_space<vmem>>, vector<1x1x16xf32>,
    %broadcast_in_dim3A_1859 = arith.constant 2.000000e+00 : f32
    %broadcast_in_dim3A_1860 = vector.broadcast %broadcast_in_dim3A_1859 : f32 to vector<16xf32>
    %swap3A_1861 = arith.constant 0 : i32
    %swap3A_1862 = arith.constant 2 : i32
    %swap3A_1863 = arith.index_cast %swap3A_1861 : i32 to index
    %swap3A_1864 = arith.index_cast %swap3A_1862 : i32 to index
    %swap3A_1865 = arith.constant 928 : index
    %swap3A_1866 = tpu.vector_load %arg3[%swap3A_1863, %swap3A_1864, %swap3A_1865] {strides = array<i32>} : memref<1x4x1024xf32, #tpu.memory_space<vmem>>, vector<1x1x16xf32>,
    %swap3A_1867 = vector.shape_cast %swap3A_1866 : vector<1x1x16xf32> to vector<16xf32>
    %swap3A_1868 = vector.shape_cast %broadcast_in_dim3A_1860 : vector<16xf32> to vector<1x1x16xf32>
    tpu.vector_store %arg3[%swap3A_1863, %swap3A_1864, %swap3A_1865], %swap3A_1868 {strides = array<i32>} : memref<1x4x1024xf32, #tpu.memory_space<vmem>>, vector<1x1x16xf32>,
    %broadcast_in_dim3A_1869 = arith.constant 2.000000e+00 : f32
    %broadcast_in_dim3A_1870 = vector.broadcast %broadcast_in_dim3A_1869 : f32 to vector<16xf32>
    %swap3A_1871 = arith.constant 0 : i32
    %swap3A_1872 = arith.constant 2 : i32
    %swap3A_1873 = arith.index_cast %swap3A_1871 : i32 to index
    %swap3A_1874 = arith.index_cast %swap3A_1872 : i32 to index
    %swap3A_1875 = arith.constant 944 : index
    %swap3A_1876 = tpu.vector_load %arg3[%swap3A_1873, %swap3A_1874, %swap3A_1875] {strides = array<i32>} : memref<1x4x1024xf32, #tpu.memory_space<vmem>>, vector<1x1x16xf32>,
    %swap3A_1877 = vector.shape_cast %swap3A_1876 : vector<1x1x16xf32> to vector<16xf32>
    %swap3A_1878 = vector.shape_cast %broadcast_in_dim3A_1870 : vector<16xf32> to vector<1x1x16xf32>
    tpu.vector_store %arg3[%swap3A_1873, %swap3A_1874, %swap3A_1875], %swap3A_1878 {strides = array<i32>} : memref<1x4x1024xf32, #tpu.memory_space<vmem>>, vector<1x1x16xf32>,
    %broadcast_in_dim3A_1879 = arith.constant 2.000000e+00 : f32
    %broadcast_in_dim3A_1880 = vector.broadcast %broadcast_in_dim3A_1879 : f32 to vector<16xf32>
    %swap3A_1881 = arith.constant 0 : i32
    %swap3A_1882 = arith.constant 2 : i32
    %swap3A_1883 = arith.index_cast %swap3A_1881 : i32 to index
    %swap3A_1884 = arith.index_cast %swap3A_1882 : i32 to index
    %swap3A_1885 = arith.constant 960 : index
    %swap3A_1886 = tpu.vector_load %arg3[%swap3A_1883, %swap3A_1884, %swap3A_1885] {strides = array<i32>} : memref<1x4x1024xf32, #tpu.memory_space<vmem>>, vector<1x1x16xf32>,
    %swap3A_1887 = vector.shape_cast %swap3A_1886 : vector<1x1x16xf32> to vector<16xf32>
    %swap3A_1888 = vector.shape_cast %broadcast_in_dim3A_1880 : vector<16xf32> to vector<1x1x16xf32>
    tpu.vector_store %arg3[%swap3A_1883, %swap3A_1884, %swap3A_1885], %swap3A_1888 {strides = array<i32>} : memref<1x4x1024xf32, #tpu.memory_space<vmem>>, vector<1x1x16xf32>,
    %broadcast_in_dim3A_1889 = arith.constant 2.000000e+00 : f32
    %broadcast_in_dim3A_1890 = vector.broadcast %broadcast_in_dim3A_1889 : f32 to vector<16xf32>
    %swap3A_1891 = arith.constant 0 : i32
    %swap3A_1892 = arith.constant 2 : i32
    %swap3A_1893 = arith.index_cast %swap3A_1891 : i32 to index
    %swap3A_1894 = arith.index_cast %swap3A_1892 : i32 to index
    %swap3A_1895 = arith.constant 976 : index
    %swap3A_1896 = tpu.vector_load %arg3[%swap3A_1893, %swap3A_1894, %swap3A_1895] {strides = array<i32>} : memref<1x4x1024xf32, #tpu.memory_space<vmem>>, vector<1x1x16xf32>,
    %swap3A_1897 = vector.shape_cast %swap3A_1896 : vector<1x1x16xf32> to vector<16xf32>
    %swap3A_1898 = vector.shape_cast %broadcast_in_dim3A_1890 : vector<16xf32> to vector<1x1x16xf32>
    tpu.vector_store %arg3[%swap3A_1893, %swap3A_1894, %swap3A_1895], %swap3A_1898 {strides = array<i32>} : memref<1x4x1024xf32, #tpu.memory_space<vmem>>, vector<1x1x16xf32>,
    %broadcast_in_dim3A_1899 = arith.constant 2.000000e+00 : f32
    %broadcast_in_dim3A_1900 = vector.broadcast %broadcast_in_dim3A_1899 : f32 to vector<16xf32>
    %swap3A_1901 = arith.constant 0 : i32
    %swap3A_1902 = arith.constant 2 : i32
    %swap3A_1903 = arith.index_cast %swap3A_1901 : i32 to index
    %swap3A_1904 = arith.index_cast %swap3A_1902 : i32 to index
    %swap3A_1905 = arith.constant 992 : index
    %swap3A_1906 = tpu.vector_load %arg3[%swap3A_1903, %swap3A_1904, %swap3A_1905] {strides = array<i32>} : memref<1x4x1024xf32, #tpu.memory_space<vmem>>, vector<1x1x16xf32>,
    %swap3A_1907 = vector.shape_cast %swap3A_1906 : vector<1x1x16xf32> to vector<16xf32>
    %swap3A_1908 = vector.shape_cast %broadcast_in_dim3A_1900 : vector<16xf32> to vector<1x1x16xf32>
    tpu.vector_store %arg3[%swap3A_1903, %swap3A_1904, %swap3A_1905], %swap3A_1908 {strides = array<i32>} : memref<1x4x1024xf32, #tpu.memory_space<vmem>>, vector<1x1x16xf32>,
    %broadcast_in_dim3A_1909 = arith.constant 2.000000e+00 : f32
    %broadcast_in_dim3A_1910 = vector.broadcast %broadcast_in_dim3A_1909 : f32 to vector<16xf32>
    %swap3A_1911 = arith.constant 0 : i32
    %swap3A_1912 = arith.constant 2 : i32
    %swap3A_1913 = arith.index_cast %swap3A_1911 : i32 to index
    %swap3A_1914 = arith.index_cast %swap3A_1912 : i32 to index
    %swap3A_1915 = arith.constant 1008 : index
    %swap3A_1916 = tpu.vector_load %arg3[%swap3A_1913, %swap3A_1914, %swap3A_1915] {strides = array<i32>} : memref<1x4x1024xf32, #tpu.memory_space<vmem>>, vector<1x1x16xf32>,
    %swap3A_1917 = vector.shape_cast %swap3A_1916 : vector<1x1x16xf32> to vector<16xf32>
    %swap3A_1918 = vector.shape_cast %broadcast_in_dim3A_1910 : vector<16xf32> to vector<1x1x16xf32>
    tpu.vector_store %arg3[%swap3A_1913, %swap3A_1914, %swap3A_1915], %swap3A_1918 {strides = array<i32>} : memref<1x4x1024xf32, #tpu.memory_space<vmem>>, vector<1x1x16xf32>,
    %broadcast_in_dim3A_1919 = arith.constant 2.000000e+00 : f32
    %broadcast_in_dim3A_1920 = vector.broadcast %broadcast_in_dim3A_1919 : f32 to vector<16xf32>
    %swap3A_1921 = arith.constant 0 : i32
    %swap3A_1922 = arith.constant 3 : i32
    %swap3A_1923 = arith.index_cast %swap3A_1921 : i32 to index
    %swap3A_1924 = arith.index_cast %swap3A_1922 : i32 to index
    %swap3A_1925 = arith.constant 0 : index
    %swap3A_1926 = tpu.vector_load %arg3[%swap3A_1923, %swap3A_1924, %swap3A_1925] {strides = array<i32>} : memref<1x4x1024xf32, #tpu.memory_space<vmem>>, vector<1x1x16xf32>,
    %swap3A_1927 = vector.shape_cast %swap3A_1926 : vector<1x1x16xf32> to vector<16xf32>
    %swap3A_1928 = vector.shape_cast %broadcast_in_dim3A_1920 : vector<16xf32> to vector<1x1x16xf32>
    tpu.vector_store %arg3[%swap3A_1923, %swap3A_1924, %swap3A_1925], %swap3A_1928 {strides = array<i32>} : memref<1x4x1024xf32, #tpu.memory_space<vmem>>, vector<1x1x16xf32>,
    %broadcast_in_dim3A_1929 = arith.constant 2.000000e+00 : f32
    %broadcast_in_dim3A_1930 = vector.broadcast %broadcast_in_dim3A_1929 : f32 to vector<16xf32>
    %swap3A_1931 = arith.constant 0 : i32
    %swap3A_1932 = arith.constant 3 : i32
    %swap3A_1933 = arith.index_cast %swap3A_1931 : i32 to index
    %swap3A_1934 = arith.index_cast %swap3A_1932 : i32 to index
    %swap3A_1935 = arith.constant 16 : index
    %swap3A_1936 = tpu.vector_load %arg3[%swap3A_1933, %swap3A_1934, %swap3A_1935] {strides = array<i32>} : memref<1x4x1024xf32, #tpu.memory_space<vmem>>, vector<1x1x16xf32>,
    %swap3A_1937 = vector.shape_cast %swap3A_1936 : vector<1x1x16xf32> to vector<16xf32>
    %swap3A_1938 = vector.shape_cast %broadcast_in_dim3A_1930 : vector<16xf32> to vector<1x1x16xf32>
    tpu.vector_store %arg3[%swap3A_1933, %swap3A_1934, %swap3A_1935], %swap3A_1938 {strides = array<i32>} : memref<1x4x1024xf32, #tpu.memory_space<vmem>>, vector<1x1x16xf32>,
    %broadcast_in_dim3A_1939 = arith.constant 2.000000e+00 : f32
    %broadcast_in_dim3A_1940 = vector.broadcast %broadcast_in_dim3A_1939 : f32 to vector<16xf32>
    %swap3A_1941 = arith.constant 0 : i32
    %swap3A_1942 = arith.constant 3 : i32
    %swap3A_1943 = arith.index_cast %swap3A_1941 : i32 to index
    %swap3A_1944 = arith.index_cast %swap3A_1942 : i32 to index
    %swap3A_1945 = arith.constant 32 : index
    %swap3A_1946 = tpu.vector_load %arg3[%swap3A_1943, %swap3A_1944, %swap3A_1945] {strides = array<i32>} : memref<1x4x1024xf32, #tpu.memory_space<vmem>>, vector<1x1x16xf32>,
    %swap3A_1947 = vector.shape_cast %swap3A_1946 : vector<1x1x16xf32> to vector<16xf32>
    %swap3A_1948 = vector.shape_cast %broadcast_in_dim3A_1940 : vector<16xf32> to vector<1x1x16xf32>
    tpu.vector_store %arg3[%swap3A_1943, %swap3A_1944, %swap3A_1945], %swap3A_1948 {strides = array<i32>} : memref<1x4x1024xf32, #tpu.memory_space<vmem>>, vector<1x1x16xf32>,
    %broadcast_in_dim3A_1949 = arith.constant 2.000000e+00 : f32
    %broadcast_in_dim3A_1950 = vector.broadcast %broadcast_in_dim3A_1949 : f32 to vector<16xf32>
    %swap3A_1951 = arith.constant 0 : i32
    %swap3A_1952 = arith.constant 3 : i32
    %swap3A_1953 = arith.index_cast %swap3A_1951 : i32 to index
    %swap3A_1954 = arith.index_cast %swap3A_1952 : i32 to index
    %swap3A_1955 = arith.constant 48 : index
    %swap3A_1956 = tpu.vector_load %arg3[%swap3A_1953, %swap3A_1954, %swap3A_1955] {strides = array<i32>} : memref<1x4x1024xf32, #tpu.memory_space<vmem>>, vector<1x1x16xf32>,
    %swap3A_1957 = vector.shape_cast %swap3A_1956 : vector<1x1x16xf32> to vector<16xf32>
    %swap3A_1958 = vector.shape_cast %broadcast_in_dim3A_1950 : vector<16xf32> to vector<1x1x16xf32>
    tpu.vector_store %arg3[%swap3A_1953, %swap3A_1954, %swap3A_1955], %swap3A_1958 {strides = array<i32>} : memref<1x4x1024xf32, #tpu.memory_space<vmem>>, vector<1x1x16xf32>,
    %broadcast_in_dim3A_1959 = arith.constant 2.000000e+00 : f32
    %broadcast_in_dim3A_1960 = vector.broadcast %broadcast_in_dim3A_1959 : f32 to vector<16xf32>
    %swap3A_1961 = arith.constant 0 : i32
    %swap3A_1962 = arith.constant 3 : i32
    %swap3A_1963 = arith.index_cast %swap3A_1961 : i32 to index
    %swap3A_1964 = arith.index_cast %swap3A_1962 : i32 to index
    %swap3A_1965 = arith.constant 64 : index
    %swap3A_1966 = tpu.vector_load %arg3[%swap3A_1963, %swap3A_1964, %swap3A_1965] {strides = array<i32>} : memref<1x4x1024xf32, #tpu.memory_space<vmem>>, vector<1x1x16xf32>,
    %swap3A_1967 = vector.shape_cast %swap3A_1966 : vector<1x1x16xf32> to vector<16xf32>
    %swap3A_1968 = vector.shape_cast %broadcast_in_dim3A_1960 : vector<16xf32> to vector<1x1x16xf32>
    tpu.vector_store %arg3[%swap3A_1963, %swap3A_1964, %swap3A_1965], %swap3A_1968 {strides = array<i32>} : memref<1x4x1024xf32, #tpu.memory_space<vmem>>, vector<1x1x16xf32>,
    %broadcast_in_dim3A_1969 = arith.constant 2.000000e+00 : f32
    %broadcast_in_dim3A_1970 = vector.broadcast %broadcast_in_dim3A_1969 : f32 to vector<16xf32>
    %swap3A_1971 = arith.constant 0 : i32
    %swap3A_1972 = arith.constant 3 : i32
    %swap3A_1973 = arith.index_cast %swap3A_1971 : i32 to index
    %swap3A_1974 = arith.index_cast %swap3A_1972 : i32 to index
    %swap3A_1975 = arith.constant 80 : index
    %swap3A_1976 = tpu.vector_load %arg3[%swap3A_1973, %swap3A_1974, %swap3A_1975] {strides = array<i32>} : memref<1x4x1024xf32, #tpu.memory_space<vmem>>, vector<1x1x16xf32>,
    %swap3A_1977 = vector.shape_cast %swap3A_1976 : vector<1x1x16xf32> to vector<16xf32>
    %swap3A_1978 = vector.shape_cast %broadcast_in_dim3A_1970 : vector<16xf32> to vector<1x1x16xf32>
    tpu.vector_store %arg3[%swap3A_1973, %swap3A_1974, %swap3A_1975], %swap3A_1978 {strides = array<i32>} : memref<1x4x1024xf32, #tpu.memory_space<vmem>>, vector<1x1x16xf32>,
    %broadcast_in_dim3A_1979 = arith.constant 2.000000e+00 : f32
    %broadcast_in_dim3A_1980 = vector.broadcast %broadcast_in_dim3A_1979 : f32 to vector<16xf32>
    %swap3A_1981 = arith.constant 0 : i32
    %swap3A_1982 = arith.constant 3 : i32
    %swap3A_1983 = arith.index_cast %swap3A_1981 : i32 to index
    %swap3A_1984 = arith.index_cast %swap3A_1982 : i32 to index
    %swap3A_1985 = arith.constant 96 : index
    %swap3A_1986 = tpu.vector_load %arg3[%swap3A_1983, %swap3A_1984, %swap3A_1985] {strides = array<i32>} : memref<1x4x1024xf32, #tpu.memory_space<vmem>>, vector<1x1x16xf32>,
    %swap3A_1987 = vector.shape_cast %swap3A_1986 : vector<1x1x16xf32> to vector<16xf32>
    %swap3A_1988 = vector.shape_cast %broadcast_in_dim3A_1980 : vector<16xf32> to vector<1x1x16xf32>
    tpu.vector_store %arg3[%swap3A_1983, %swap3A_1984, %swap3A_1985], %swap3A_1988 {strides = array<i32>} : memref<1x4x1024xf32, #tpu.memory_space<vmem>>, vector<1x1x16xf32>,
    %broadcast_in_dim3A_1989 = arith.constant 2.000000e+00 : f32
    %broadcast_in_dim3A_1990 = vector.broadcast %broadcast_in_dim3A_1989 : f32 to vector<16xf32>
    %swap3A_1991 = arith.constant 0 : i32
    %swap3A_1992 = arith.constant 3 : i32
    %swap3A_1993 = arith.index_cast %swap3A_1991 : i32 to index
    %swap3A_1994 = arith.index_cast %swap3A_1992 : i32 to index
    %swap3A_1995 = arith.constant 112 : index
    %swap3A_1996 = tpu.vector_load %arg3[%swap3A_1993, %swap3A_1994, %swap3A_1995] {strides = array<i32>} : memref<1x4x1024xf32, #tpu.memory_space<vmem>>, vector<1x1x16xf32>,
    %swap3A_1997 = vector.shape_cast %swap3A_1996 : vector<1x1x16xf32> to vector<16xf32>
    %swap3A_1998 = vector.shape_cast %broadcast_in_dim3A_1990 : vector<16xf32> to vector<1x1x16xf32>
    tpu.vector_store %arg3[%swap3A_1993, %swap3A_1994, %swap3A_1995], %swap3A_1998 {strides = array<i32>} : memref<1x4x1024xf32, #tpu.memory_space<vmem>>, vector<1x1x16xf32>,
    %broadcast_in_dim3A_1999 = arith.constant 2.000000e+00 : f32
    %broadcast_in_dim3A_2000 = vector.broadcast %broadcast_in_dim3A_1999 : f32 to vector<16xf32>
    %swap3A_2001 = arith.constant 0 : i32
    %swap3A_2002 = arith.constant 3 : i32
    %swap3A_2003 = arith.index_cast %swap3A_2001 : i32 to index
    %swap3A_2004 = arith.index_cast %swap3A_2002 : i32 to index
    %swap3A_2005 = arith.constant 128 : index
    %swap3A_2006 = tpu.vector_load %arg3[%swap3A_2003, %swap3A_2004, %swap3A_2005] {strides = array<i32>} : memref<1x4x1024xf32, #tpu.memory_space<vmem>>, vector<1x1x16xf32>,
    %swap3A_2007 = vector.shape_cast %swap3A_2006 : vector<1x1x16xf32> to vector<16xf32>
    %swap3A_2008 = vector.shape_cast %broadcast_in_dim3A_2000 : vector<16xf32> to vector<1x1x16xf32>
    tpu.vector_store %arg3[%swap3A_2003, %swap3A_2004, %swap3A_2005], %swap3A_2008 {strides = array<i32>} : memref<1x4x1024xf32, #tpu.memory_space<vmem>>, vector<1x1x16xf32>,
    %broadcast_in_dim3A_2009 = arith.constant 2.000000e+00 : f32
    %broadcast_in_dim3A_2010 = vector.broadcast %broadcast_in_dim3A_2009 : f32 to vector<16xf32>
    %swap3A_2011 = arith.constant 0 : i32
    %swap3A_2012 = arith.constant 3 : i32
    %swap3A_2013 = arith.index_cast %swap3A_2011 : i32 to index
    %swap3A_2014 = arith.index_cast %swap3A_2012 : i32 to index
    %swap3A_2015 = arith.constant 144 : index
    %swap3A_2016 = tpu.vector_load %arg3[%swap3A_2013, %swap3A_2014, %swap3A_2015] {strides = array<i32>} : memref<1x4x1024xf32, #tpu.memory_space<vmem>>, vector<1x1x16xf32>,
    %swap3A_2017 = vector.shape_cast %swap3A_2016 : vector<1x1x16xf32> to vector<16xf32>
    %swap3A_2018 = vector.shape_cast %broadcast_in_dim3A_2010 : vector<16xf32> to vector<1x1x16xf32>
    tpu.vector_store %arg3[%swap3A_2013, %swap3A_2014, %swap3A_2015], %swap3A_2018 {strides = array<i32>} : memref<1x4x1024xf32, #tpu.memory_space<vmem>>, vector<1x1x16xf32>,
    %broadcast_in_dim3A_2019 = arith.constant 2.000000e+00 : f32
    %broadcast_in_dim3A_2020 = vector.broadcast %broadcast_in_dim3A_2019 : f32 to vector<16xf32>
    %swap3A_2021 = arith.constant 0 : i32
    %swap3A_2022 = arith.constant 3 : i32
    %swap3A_2023 = arith.index_cast %swap3A_2021 : i32 to index
    %swap3A_2024 = arith.index_cast %swap3A_2022 : i32 to index
    %swap3A_2025 = arith.constant 160 : index
    %swap3A_2026 = tpu.vector_load %arg3[%swap3A_2023, %swap3A_2024, %swap3A_2025] {strides = array<i32>} : memref<1x4x1024xf32, #tpu.memory_space<vmem>>, vector<1x1x16xf32>,
    %swap3A_2027 = vector.shape_cast %swap3A_2026 : vector<1x1x16xf32> to vector<16xf32>
    %swap3A_2028 = vector.shape_cast %broadcast_in_dim3A_2020 : vector<16xf32> to vector<1x1x16xf32>
    tpu.vector_store %arg3[%swap3A_2023, %swap3A_2024, %swap3A_2025], %swap3A_2028 {strides = array<i32>} : memref<1x4x1024xf32, #tpu.memory_space<vmem>>, vector<1x1x16xf32>,
    %broadcast_in_dim3A_2029 = arith.constant 2.000000e+00 : f32
    %broadcast_in_dim3A_2030 = vector.broadcast %broadcast_in_dim3A_2029 : f32 to vector<16xf32>
    %swap3A_2031 = arith.constant 0 : i32
    %swap3A_2032 = arith.constant 3 : i32
    %swap3A_2033 = arith.index_cast %swap3A_2031 : i32 to index
    %swap3A_2034 = arith.index_cast %swap3A_2032 : i32 to index
    %swap3A_2035 = arith.constant 176 : index
    %swap3A_2036 = tpu.vector_load %arg3[%swap3A_2033, %swap3A_2034, %swap3A_2035] {strides = array<i32>} : memref<1x4x1024xf32, #tpu.memory_space<vmem>>, vector<1x1x16xf32>,
    %swap3A_2037 = vector.shape_cast %swap3A_2036 : vector<1x1x16xf32> to vector<16xf32>
    %swap3A_2038 = vector.shape_cast %broadcast_in_dim3A_2030 : vector<16xf32> to vector<1x1x16xf32>
    tpu.vector_store %arg3[%swap3A_2033, %swap3A_2034, %swap3A_2035], %swap3A_2038 {strides = array<i32>} : memref<1x4x1024xf32, #tpu.memory_space<vmem>>, vector<1x1x16xf32>,
    %broadcast_in_dim3A_2039 = arith.constant 2.000000e+00 : f32
    %broadcast_in_dim3A_2040 = vector.broadcast %broadcast_in_dim3A_2039 : f32 to vector<16xf32>
    %swap3A_2041 = arith.constant 0 : i32
    %swap3A_2042 = arith.constant 3 : i32
    %swap3A_2043 = arith.index_cast %swap3A_2041 : i32 to index
    %swap3A_2044 = arith.index_cast %swap3A_2042 : i32 to index
    %swap3A_2045 = arith.constant 192 : index
    %swap3A_2046 = tpu.vector_load %arg3[%swap3A_2043, %swap3A_2044, %swap3A_2045] {strides = array<i32>} : memref<1x4x1024xf32, #tpu.memory_space<vmem>>, vector<1x1x16xf32>,
    %swap3A_2047 = vector.shape_cast %swap3A_2046 : vector<1x1x16xf32> to vector<16xf32>
    %swap3A_2048 = vector.shape_cast %broadcast_in_dim3A_2040 : vector<16xf32> to vector<1x1x16xf32>
    tpu.vector_store %arg3[%swap3A_2043, %swap3A_2044, %swap3A_2045], %swap3A_2048 {strides = array<i32>} : memref<1x4x1024xf32, #tpu.memory_space<vmem>>, vector<1x1x16xf32>,
    %broadcast_in_dim3A_2049 = arith.constant 2.000000e+00 : f32
    %broadcast_in_dim3A_2050 = vector.broadcast %broadcast_in_dim3A_2049 : f32 to vector<16xf32>
    %swap3A_2051 = arith.constant 0 : i32
    %swap3A_2052 = arith.constant 3 : i32
    %swap3A_2053 = arith.index_cast %swap3A_2051 : i32 to index
    %swap3A_2054 = arith.index_cast %swap3A_2052 : i32 to index
    %swap3A_2055 = arith.constant 208 : index
    %swap3A_2056 = tpu.vector_load %arg3[%swap3A_2053, %swap3A_2054, %swap3A_2055] {strides = array<i32>} : memref<1x4x1024xf32, #tpu.memory_space<vmem>>, vector<1x1x16xf32>,
    %swap3A_2057 = vector.shape_cast %swap3A_2056 : vector<1x1x16xf32> to vector<16xf32>
    %swap3A_2058 = vector.shape_cast %broadcast_in_dim3A_2050 : vector<16xf32> to vector<1x1x16xf32>
    tpu.vector_store %arg3[%swap3A_2053, %swap3A_2054, %swap3A_2055], %swap3A_2058 {strides = array<i32>} : memref<1x4x1024xf32, #tpu.memory_space<vmem>>, vector<1x1x16xf32>,
    %broadcast_in_dim3A_2059 = arith.constant 2.000000e+00 : f32
    %broadcast_in_dim3A_2060 = vector.broadcast %broadcast_in_dim3A_2059 : f32 to vector<16xf32>
    %swap3A_2061 = arith.constant 0 : i32
    %swap3A_2062 = arith.constant 3 : i32
    %swap3A_2063 = arith.index_cast %swap3A_2061 : i32 to index
    %swap3A_2064 = arith.index_cast %swap3A_2062 : i32 to index
    %swap3A_2065 = arith.constant 224 : index
    %swap3A_2066 = tpu.vector_load %arg3[%swap3A_2063, %swap3A_2064, %swap3A_2065] {strides = array<i32>} : memref<1x4x1024xf32, #tpu.memory_space<vmem>>, vector<1x1x16xf32>,
    %swap3A_2067 = vector.shape_cast %swap3A_2066 : vector<1x1x16xf32> to vector<16xf32>
    %swap3A_2068 = vector.shape_cast %broadcast_in_dim3A_2060 : vector<16xf32> to vector<1x1x16xf32>
    tpu.vector_store %arg3[%swap3A_2063, %swap3A_2064, %swap3A_2065], %swap3A_2068 {strides = array<i32>} : memref<1x4x1024xf32, #tpu.memory_space<vmem>>, vector<1x1x16xf32>,
    %broadcast_in_dim3A_2069 = arith.constant 2.000000e+00 : f32
    %broadcast_in_dim3A_2070 = vector.broadcast %broadcast_in_dim3A_2069 : f32 to vector<16xf32>
    %swap3A_2071 = arith.constant 0 : i32
    %swap3A_2072 = arith.constant 3 : i32
    %swap3A_2073 = arith.index_cast %swap3A_2071 : i32 to index
    %swap3A_2074 = arith.index_cast %swap3A_2072 : i32 to index
    %swap3A_2075 = arith.constant 240 : index
    %swap3A_2076 = tpu.vector_load %arg3[%swap3A_2073, %swap3A_2074, %swap3A_2075] {strides = array<i32>} : memref<1x4x1024xf32, #tpu.memory_space<vmem>>, vector<1x1x16xf32>,
    %swap3A_2077 = vector.shape_cast %swap3A_2076 : vector<1x1x16xf32> to vector<16xf32>
    %swap3A_2078 = vector.shape_cast %broadcast_in_dim3A_2070 : vector<16xf32> to vector<1x1x16xf32>
    tpu.vector_store %arg3[%swap3A_2073, %swap3A_2074, %swap3A_2075], %swap3A_2078 {strides = array<i32>} : memref<1x4x1024xf32, #tpu.memory_space<vmem>>, vector<1x1x16xf32>,
    %broadcast_in_dim3A_2079 = arith.constant 2.000000e+00 : f32
    %broadcast_in_dim3A_2080 = vector.broadcast %broadcast_in_dim3A_2079 : f32 to vector<16xf32>
    %swap3A_2081 = arith.constant 0 : i32
    %swap3A_2082 = arith.constant 3 : i32
    %swap3A_2083 = arith.index_cast %swap3A_2081 : i32 to index
    %swap3A_2084 = arith.index_cast %swap3A_2082 : i32 to index
    %swap3A_2085 = arith.constant 256 : index
    %swap3A_2086 = tpu.vector_load %arg3[%swap3A_2083, %swap3A_2084, %swap3A_2085] {strides = array<i32>} : memref<1x4x1024xf32, #tpu.memory_space<vmem>>, vector<1x1x16xf32>,
    %swap3A_2087 = vector.shape_cast %swap3A_2086 : vector<1x1x16xf32> to vector<16xf32>
    %swap3A_2088 = vector.shape_cast %broadcast_in_dim3A_2080 : vector<16xf32> to vector<1x1x16xf32>
    tpu.vector_store %arg3[%swap3A_2083, %swap3A_2084, %swap3A_2085], %swap3A_2088 {strides = array<i32>} : memref<1x4x1024xf32, #tpu.memory_space<vmem>>, vector<1x1x16xf32>,
    %broadcast_in_dim3A_2089 = arith.constant 2.000000e+00 : f32
    %broadcast_in_dim3A_2090 = vector.broadcast %broadcast_in_dim3A_2089 : f32 to vector<16xf32>
    %swap3A_2091 = arith.constant 0 : i32
    %swap3A_2092 = arith.constant 3 : i32
    %swap3A_2093 = arith.index_cast %swap3A_2091 : i32 to index
    %swap3A_2094 = arith.index_cast %swap3A_2092 : i32 to index
    %swap3A_2095 = arith.constant 272 : index
    %swap3A_2096 = tpu.vector_load %arg3[%swap3A_2093, %swap3A_2094, %swap3A_2095] {strides = array<i32>} : memref<1x4x1024xf32, #tpu.memory_space<vmem>>, vector<1x1x16xf32>,
    %swap3A_2097 = vector.shape_cast %swap3A_2096 : vector<1x1x16xf32> to vector<16xf32>
    %swap3A_2098 = vector.shape_cast %broadcast_in_dim3A_2090 : vector<16xf32> to vector<1x1x16xf32>
    tpu.vector_store %arg3[%swap3A_2093, %swap3A_2094, %swap3A_2095], %swap3A_2098 {strides = array<i32>} : memref<1x4x1024xf32, #tpu.memory_space<vmem>>, vector<1x1x16xf32>,
    %broadcast_in_dim3A_2099 = arith.constant 2.000000e+00 : f32
    %broadcast_in_dim3A_2100 = vector.broadcast %broadcast_in_dim3A_2099 : f32 to vector<16xf32>
    %swap3A_2101 = arith.constant 0 : i32
    %swap3A_2102 = arith.constant 3 : i32
    %swap3A_2103 = arith.index_cast %swap3A_2101 : i32 to index
    %swap3A_2104 = arith.index_cast %swap3A_2102 : i32 to index
    %swap3A_2105 = arith.constant 288 : index
    %swap3A_2106 = tpu.vector_load %arg3[%swap3A_2103, %swap3A_2104, %swap3A_2105] {strides = array<i32>} : memref<1x4x1024xf32, #tpu.memory_space<vmem>>, vector<1x1x16xf32>,
    %swap3A_2107 = vector.shape_cast %swap3A_2106 : vector<1x1x16xf32> to vector<16xf32>
    %swap3A_2108 = vector.shape_cast %broadcast_in_dim3A_2100 : vector<16xf32> to vector<1x1x16xf32>
    tpu.vector_store %arg3[%swap3A_2103, %swap3A_2104, %swap3A_2105], %swap3A_2108 {strides = array<i32>} : memref<1x4x1024xf32, #tpu.memory_space<vmem>>, vector<1x1x16xf32>,
    %broadcast_in_dim3A_2109 = arith.constant 2.000000e+00 : f32
    %broadcast_in_dim3A_2110 = vector.broadcast %broadcast_in_dim3A_2109 : f32 to vector<16xf32>
    %swap3A_2111 = arith.constant 0 : i32
    %swap3A_2112 = arith.constant 3 : i32
    %swap3A_2113 = arith.index_cast %swap3A_2111 : i32 to index
    %swap3A_2114 = arith.index_cast %swap3A_2112 : i32 to index
    %swap3A_2115 = arith.constant 304 : index
    %swap3A_2116 = tpu.vector_load %arg3[%swap3A_2113, %swap3A_2114, %swap3A_2115] {strides = array<i32>} : memref<1x4x1024xf32, #tpu.memory_space<vmem>>, vector<1x1x16xf32>,
    %swap3A_2117 = vector.shape_cast %swap3A_2116 : vector<1x1x16xf32> to vector<16xf32>
    %swap3A_2118 = vector.shape_cast %broadcast_in_dim3A_2110 : vector<16xf32> to vector<1x1x16xf32>
    tpu.vector_store %arg3[%swap3A_2113, %swap3A_2114, %swap3A_2115], %swap3A_2118 {strides = array<i32>} : memref<1x4x1024xf32, #tpu.memory_space<vmem>>, vector<1x1x16xf32>,
    %broadcast_in_dim3A_2119 = arith.constant 2.000000e+00 : f32
    %broadcast_in_dim3A_2120 = vector.broadcast %broadcast_in_dim3A_2119 : f32 to vector<16xf32>
    %swap3A_2121 = arith.constant 0 : i32
    %swap3A_2122 = arith.constant 3 : i32
    %swap3A_2123 = arith.index_cast %swap3A_2121 : i32 to index
    %swap3A_2124 = arith.index_cast %swap3A_2122 : i32 to index
    %swap3A_2125 = arith.constant 320 : index
    %swap3A_2126 = tpu.vector_load %arg3[%swap3A_2123, %swap3A_2124, %swap3A_2125] {strides = array<i32>} : memref<1x4x1024xf32, #tpu.memory_space<vmem>>, vector<1x1x16xf32>,
    %swap3A_2127 = vector.shape_cast %swap3A_2126 : vector<1x1x16xf32> to vector<16xf32>
    %swap3A_2128 = vector.shape_cast %broadcast_in_dim3A_2120 : vector<16xf32> to vector<1x1x16xf32>
    tpu.vector_store %arg3[%swap3A_2123, %swap3A_2124, %swap3A_2125], %swap3A_2128 {strides = array<i32>} : memref<1x4x1024xf32, #tpu.memory_space<vmem>>, vector<1x1x16xf32>,
    %broadcast_in_dim3A_2129 = arith.constant 2.000000e+00 : f32
    %broadcast_in_dim3A_2130 = vector.broadcast %broadcast_in_dim3A_2129 : f32 to vector<16xf32>
    %swap3A_2131 = arith.constant 0 : i32
    %swap3A_2132 = arith.constant 3 : i32
    %swap3A_2133 = arith.index_cast %swap3A_2131 : i32 to index
    %swap3A_2134 = arith.index_cast %swap3A_2132 : i32 to index
    %swap3A_2135 = arith.constant 336 : index
    %swap3A_2136 = tpu.vector_load %arg3[%swap3A_2133, %swap3A_2134, %swap3A_2135] {strides = array<i32>} : memref<1x4x1024xf32, #tpu.memory_space<vmem>>, vector<1x1x16xf32>,
    %swap3A_2137 = vector.shape_cast %swap3A_2136 : vector<1x1x16xf32> to vector<16xf32>
    %swap3A_2138 = vector.shape_cast %broadcast_in_dim3A_2130 : vector<16xf32> to vector<1x1x16xf32>
    tpu.vector_store %arg3[%swap3A_2133, %swap3A_2134, %swap3A_2135], %swap3A_2138 {strides = array<i32>} : memref<1x4x1024xf32, #tpu.memory_space<vmem>>, vector<1x1x16xf32>,
    %broadcast_in_dim3A_2139 = arith.constant 2.000000e+00 : f32
    %broadcast_in_dim3A_2140 = vector.broadcast %broadcast_in_dim3A_2139 : f32 to vector<16xf32>
    %swap3A_2141 = arith.constant 0 : i32
    %swap3A_2142 = arith.constant 3 : i32
    %swap3A_2143 = arith.index_cast %swap3A_2141 : i32 to index
    %swap3A_2144 = arith.index_cast %swap3A_2142 : i32 to index
    %swap3A_2145 = arith.constant 352 : index
    %swap3A_2146 = tpu.vector_load %arg3[%swap3A_2143, %swap3A_2144, %swap3A_2145] {strides = array<i32>} : memref<1x4x1024xf32, #tpu.memory_space<vmem>>, vector<1x1x16xf32>,
    %swap3A_2147 = vector.shape_cast %swap3A_2146 : vector<1x1x16xf32> to vector<16xf32>
    %swap3A_2148 = vector.shape_cast %broadcast_in_dim3A_2140 : vector<16xf32> to vector<1x1x16xf32>
    tpu.vector_store %arg3[%swap3A_2143, %swap3A_2144, %swap3A_2145], %swap3A_2148 {strides = array<i32>} : memref<1x4x1024xf32, #tpu.memory_space<vmem>>, vector<1x1x16xf32>,
    %broadcast_in_dim3A_2149 = arith.constant 2.000000e+00 : f32
    %broadcast_in_dim3A_2150 = vector.broadcast %broadcast_in_dim3A_2149 : f32 to vector<16xf32>
    %swap3A_2151 = arith.constant 0 : i32
    %swap3A_2152 = arith.constant 3 : i32
    %swap3A_2153 = arith.index_cast %swap3A_2151 : i32 to index
    %swap3A_2154 = arith.index_cast %swap3A_2152 : i32 to index
    %swap3A_2155 = arith.constant 368 : index
    %swap3A_2156 = tpu.vector_load %arg3[%swap3A_2153, %swap3A_2154, %swap3A_2155] {strides = array<i32>} : memref<1x4x1024xf32, #tpu.memory_space<vmem>>, vector<1x1x16xf32>,
    %swap3A_2157 = vector.shape_cast %swap3A_2156 : vector<1x1x16xf32> to vector<16xf32>
    %swap3A_2158 = vector.shape_cast %broadcast_in_dim3A_2150 : vector<16xf32> to vector<1x1x16xf32>
    tpu.vector_store %arg3[%swap3A_2153, %swap3A_2154, %swap3A_2155], %swap3A_2158 {strides = array<i32>} : memref<1x4x1024xf32, #tpu.memory_space<vmem>>, vector<1x1x16xf32>,
    %broadcast_in_dim3A_2159 = arith.constant 2.000000e+00 : f32
    %broadcast_in_dim3A_2160 = vector.broadcast %broadcast_in_dim3A_2159 : f32 to vector<16xf32>
    %swap3A_2161 = arith.constant 0 : i32
    %swap3A_2162 = arith.constant 3 : i32
    %swap3A_2163 = arith.index_cast %swap3A_2161 : i32 to index
    %swap3A_2164 = arith.index_cast %swap3A_2162 : i32 to index
    %swap3A_2165 = arith.constant 384 : index
    %swap3A_2166 = tpu.vector_load %arg3[%swap3A_2163, %swap3A_2164, %swap3A_2165] {strides = array<i32>} : memref<1x4x1024xf32, #tpu.memory_space<vmem>>, vector<1x1x16xf32>,
    %swap3A_2167 = vector.shape_cast %swap3A_2166 : vector<1x1x16xf32> to vector<16xf32>
    %swap3A_2168 = vector.shape_cast %broadcast_in_dim3A_2160 : vector<16xf32> to vector<1x1x16xf32>
    tpu.vector_store %arg3[%swap3A_2163, %swap3A_2164, %swap3A_2165], %swap3A_2168 {strides = array<i32>} : memref<1x4x1024xf32, #tpu.memory_space<vmem>>, vector<1x1x16xf32>,
    %broadcast_in_dim3A_2169 = arith.constant 2.000000e+00 : f32
    %broadcast_in_dim3A_2170 = vector.broadcast %broadcast_in_dim3A_2169 : f32 to vector<16xf32>
    %swap3A_2171 = arith.constant 0 : i32
    %swap3A_2172 = arith.constant 3 : i32
    %swap3A_2173 = arith.index_cast %swap3A_2171 : i32 to index
    %swap3A_2174 = arith.index_cast %swap3A_2172 : i32 to index
    %swap3A_2175 = arith.constant 400 : index
    %swap3A_2176 = tpu.vector_load %arg3[%swap3A_2173, %swap3A_2174, %swap3A_2175] {strides = array<i32>} : memref<1x4x1024xf32, #tpu.memory_space<vmem>>, vector<1x1x16xf32>,
    %swap3A_2177 = vector.shape_cast %swap3A_2176 : vector<1x1x16xf32> to vector<16xf32>
    %swap3A_2178 = vector.shape_cast %broadcast_in_dim3A_2170 : vector<16xf32> to vector<1x1x16xf32>
    tpu.vector_store %arg3[%swap3A_2173, %swap3A_2174, %swap3A_2175], %swap3A_2178 {strides = array<i32>} : memref<1x4x1024xf32, #tpu.memory_space<vmem>>, vector<1x1x16xf32>,
    %broadcast_in_dim3A_2179 = arith.constant 2.000000e+00 : f32
    %broadcast_in_dim3A_2180 = vector.broadcast %broadcast_in_dim3A_2179 : f32 to vector<16xf32>
    %swap3A_2181 = arith.constant 0 : i32
    %swap3A_2182 = arith.constant 3 : i32
    %swap3A_2183 = arith.index_cast %swap3A_2181 : i32 to index
    %swap3A_2184 = arith.index_cast %swap3A_2182 : i32 to index
    %swap3A_2185 = arith.constant 416 : index
    %swap3A_2186 = tpu.vector_load %arg3[%swap3A_2183, %swap3A_2184, %swap3A_2185] {strides = array<i32>} : memref<1x4x1024xf32, #tpu.memory_space<vmem>>, vector<1x1x16xf32>,
    %swap3A_2187 = vector.shape_cast %swap3A_2186 : vector<1x1x16xf32> to vector<16xf32>
    %swap3A_2188 = vector.shape_cast %broadcast_in_dim3A_2180 : vector<16xf32> to vector<1x1x16xf32>
    tpu.vector_store %arg3[%swap3A_2183, %swap3A_2184, %swap3A_2185], %swap3A_2188 {strides = array<i32>} : memref<1x4x1024xf32, #tpu.memory_space<vmem>>, vector<1x1x16xf32>,
    %broadcast_in_dim3A_2189 = arith.constant 2.000000e+00 : f32
    %broadcast_in_dim3A_2190 = vector.broadcast %broadcast_in_dim3A_2189 : f32 to vector<16xf32>
    %swap3A_2191 = arith.constant 0 : i32
    %swap3A_2192 = arith.constant 3 : i32
    %swap3A_2193 = arith.index_cast %swap3A_2191 : i32 to index
    %swap3A_2194 = arith.index_cast %swap3A_2192 : i32 to index
    %swap3A_2195 = arith.constant 432 : index
    %swap3A_2196 = tpu.vector_load %arg3[%swap3A_2193, %swap3A_2194, %swap3A_2195] {strides = array<i32>} : memref<1x4x1024xf32, #tpu.memory_space<vmem>>, vector<1x1x16xf32>,
    %swap3A_2197 = vector.shape_cast %swap3A_2196 : vector<1x1x16xf32> to vector<16xf32>
    %swap3A_2198 = vector.shape_cast %broadcast_in_dim3A_2190 : vector<16xf32> to vector<1x1x16xf32>
    tpu.vector_store %arg3[%swap3A_2193, %swap3A_2194, %swap3A_2195], %swap3A_2198 {strides = array<i32>} : memref<1x4x1024xf32, #tpu.memory_space<vmem>>, vector<1x1x16xf32>,
    %broadcast_in_dim3A_2199 = arith.constant 2.000000e+00 : f32
    %broadcast_in_dim3A_2200 = vector.broadcast %broadcast_in_dim3A_2199 : f32 to vector<16xf32>
    %swap3A_2201 = arith.constant 0 : i32
    %swap3A_2202 = arith.constant 3 : i32
    %swap3A_2203 = arith.index_cast %swap3A_2201 : i32 to index
    %swap3A_2204 = arith.index_cast %swap3A_2202 : i32 to index
    %swap3A_2205 = arith.constant 448 : index
    %swap3A_2206 = tpu.vector_load %arg3[%swap3A_2203, %swap3A_2204, %swap3A_2205] {strides = array<i32>} : memref<1x4x1024xf32, #tpu.memory_space<vmem>>, vector<1x1x16xf32>,
    %swap3A_2207 = vector.shape_cast %swap3A_2206 : vector<1x1x16xf32> to vector<16xf32>
    %swap3A_2208 = vector.shape_cast %broadcast_in_dim3A_2200 : vector<16xf32> to vector<1x1x16xf32>
    tpu.vector_store %arg3[%swap3A_2203, %swap3A_2204, %swap3A_2205], %swap3A_2208 {strides = array<i32>} : memref<1x4x1024xf32, #tpu.memory_space<vmem>>, vector<1x1x16xf32>,
    %broadcast_in_dim3A_2209 = arith.constant 2.000000e+00 : f32
    %broadcast_in_dim3A_2210 = vector.broadcast %broadcast_in_dim3A_2209 : f32 to vector<16xf32>
    %swap3A_2211 = arith.constant 0 : i32
    %swap3A_2212 = arith.constant 3 : i32
    %swap3A_2213 = arith.index_cast %swap3A_2211 : i32 to index
    %swap3A_2214 = arith.index_cast %swap3A_2212 : i32 to index
    %swap3A_2215 = arith.constant 464 : index
    %swap3A_2216 = tpu.vector_load %arg3[%swap3A_2213, %swap3A_2214, %swap3A_2215] {strides = array<i32>} : memref<1x4x1024xf32, #tpu.memory_space<vmem>>, vector<1x1x16xf32>,
    %swap3A_2217 = vector.shape_cast %swap3A_2216 : vector<1x1x16xf32> to vector<16xf32>
    %swap3A_2218 = vector.shape_cast %broadcast_in_dim3A_2210 : vector<16xf32> to vector<1x1x16xf32>
    tpu.vector_store %arg3[%swap3A_2213, %swap3A_2214, %swap3A_2215], %swap3A_2218 {strides = array<i32>} : memref<1x4x1024xf32, #tpu.memory_space<vmem>>, vector<1x1x16xf32>,
    %broadcast_in_dim3A_2219 = arith.constant 2.000000e+00 : f32
    %broadcast_in_dim3A_2220 = vector.broadcast %broadcast_in_dim3A_2219 : f32 to vector<16xf32>
    %swap3A_2221 = arith.constant 0 : i32
    %swap3A_2222 = arith.constant 3 : i32
    %swap3A_2223 = arith.index_cast %swap3A_2221 : i32 to index
    %swap3A_2224 = arith.index_cast %swap3A_2222 : i32 to index
    %swap3A_2225 = arith.constant 480 : index
    %swap3A_2226 = tpu.vector_load %arg3[%swap3A_2223, %swap3A_2224, %swap3A_2225] {strides = array<i32>} : memref<1x4x1024xf32, #tpu.memory_space<vmem>>, vector<1x1x16xf32>,
    %swap3A_2227 = vector.shape_cast %swap3A_2226 : vector<1x1x16xf32> to vector<16xf32>
    %swap3A_2228 = vector.shape_cast %broadcast_in_dim3A_2220 : vector<16xf32> to vector<1x1x16xf32>
    tpu.vector_store %arg3[%swap3A_2223, %swap3A_2224, %swap3A_2225], %swap3A_2228 {strides = array<i32>} : memref<1x4x1024xf32, #tpu.memory_space<vmem>>, vector<1x1x16xf32>,
    %broadcast_in_dim3A_2229 = arith.constant 2.000000e+00 : f32
    %broadcast_in_dim3A_2230 = vector.broadcast %broadcast_in_dim3A_2229 : f32 to vector<16xf32>
    %swap3A_2231 = arith.constant 0 : i32
    %swap3A_2232 = arith.constant 3 : i32
    %swap3A_2233 = arith.index_cast %swap3A_2231 : i32 to index
    %swap3A_2234 = arith.index_cast %swap3A_2232 : i32 to index
    %swap3A_2235 = arith.constant 496 : index
    %swap3A_2236 = tpu.vector_load %arg3[%swap3A_2233, %swap3A_2234, %swap3A_2235] {strides = array<i32>} : memref<1x4x1024xf32, #tpu.memory_space<vmem>>, vector<1x1x16xf32>,
    %swap3A_2237 = vector.shape_cast %swap3A_2236 : vector<1x1x16xf32> to vector<16xf32>
    %swap3A_2238 = vector.shape_cast %broadcast_in_dim3A_2230 : vector<16xf32> to vector<1x1x16xf32>
    tpu.vector_store %arg3[%swap3A_2233, %swap3A_2234, %swap3A_2235], %swap3A_2238 {strides = array<i32>} : memref<1x4x1024xf32, #tpu.memory_space<vmem>>, vector<1x1x16xf32>,
    %broadcast_in_dim3A_2239 = arith.constant 2.000000e+00 : f32
    %broadcast_in_dim3A_2240 = vector.broadcast %broadcast_in_dim3A_2239 : f32 to vector<16xf32>
    %swap3A_2241 = arith.constant 0 : i32
    %swap3A_2242 = arith.constant 3 : i32
    %swap3A_2243 = arith.index_cast %swap3A_2241 : i32 to index
    %swap3A_2244 = arith.index_cast %swap3A_2242 : i32 to index
    %swap3A_2245 = arith.constant 512 : index
    %swap3A_2246 = tpu.vector_load %arg3[%swap3A_2243, %swap3A_2244, %swap3A_2245] {strides = array<i32>} : memref<1x4x1024xf32, #tpu.memory_space<vmem>>, vector<1x1x16xf32>,
    %swap3A_2247 = vector.shape_cast %swap3A_2246 : vector<1x1x16xf32> to vector<16xf32>
    %swap3A_2248 = vector.shape_cast %broadcast_in_dim3A_2240 : vector<16xf32> to vector<1x1x16xf32>
    tpu.vector_store %arg3[%swap3A_2243, %swap3A_2244, %swap3A_2245], %swap3A_2248 {strides = array<i32>} : memref<1x4x1024xf32, #tpu.memory_space<vmem>>, vector<1x1x16xf32>,
    %broadcast_in_dim3A_2249 = arith.constant 2.000000e+00 : f32
    %broadcast_in_dim3A_2250 = vector.broadcast %broadcast_in_dim3A_2249 : f32 to vector<16xf32>
    %swap3A_2251 = arith.constant 0 : i32
    %swap3A_2252 = arith.constant 3 : i32
    %swap3A_2253 = arith.index_cast %swap3A_2251 : i32 to index
    %swap3A_2254 = arith.index_cast %swap3A_2252 : i32 to index
    %swap3A_2255 = arith.constant 528 : index
    %swap3A_2256 = tpu.vector_load %arg3[%swap3A_2253, %swap3A_2254, %swap3A_2255] {strides = array<i32>} : memref<1x4x1024xf32, #tpu.memory_space<vmem>>, vector<1x1x16xf32>,
    %swap3A_2257 = vector.shape_cast %swap3A_2256 : vector<1x1x16xf32> to vector<16xf32>
    %swap3A_2258 = vector.shape_cast %broadcast_in_dim3A_2250 : vector<16xf32> to vector<1x1x16xf32>
    tpu.vector_store %arg3[%swap3A_2253, %swap3A_2254, %swap3A_2255], %swap3A_2258 {strides = array<i32>} : memref<1x4x1024xf32, #tpu.memory_space<vmem>>, vector<1x1x16xf32>,
    %broadcast_in_dim3A_2259 = arith.constant 2.000000e+00 : f32
    %broadcast_in_dim3A_2260 = vector.broadcast %broadcast_in_dim3A_2259 : f32 to vector<16xf32>
    %swap3A_2261 = arith.constant 0 : i32
    %swap3A_2262 = arith.constant 3 : i32
    %swap3A_2263 = arith.index_cast %swap3A_2261 : i32 to index
    %swap3A_2264 = arith.index_cast %swap3A_2262 : i32 to index
    %swap3A_2265 = arith.constant 544 : index
    %swap3A_2266 = tpu.vector_load %arg3[%swap3A_2263, %swap3A_2264, %swap3A_2265] {strides = array<i32>} : memref<1x4x1024xf32, #tpu.memory_space<vmem>>, vector<1x1x16xf32>,
    %swap3A_2267 = vector.shape_cast %swap3A_2266 : vector<1x1x16xf32> to vector<16xf32>
    %swap3A_2268 = vector.shape_cast %broadcast_in_dim3A_2260 : vector<16xf32> to vector<1x1x16xf32>
    tpu.vector_store %arg3[%swap3A_2263, %swap3A_2264, %swap3A_2265], %swap3A_2268 {strides = array<i32>} : memref<1x4x1024xf32, #tpu.memory_space<vmem>>, vector<1x1x16xf32>,
    %broadcast_in_dim3A_2269 = arith.constant 2.000000e+00 : f32
    %broadcast_in_dim3A_2270 = vector.broadcast %broadcast_in_dim3A_2269 : f32 to vector<16xf32>
    %swap3A_2271 = arith.constant 0 : i32
    %swap3A_2272 = arith.constant 3 : i32
    %swap3A_2273 = arith.index_cast %swap3A_2271 : i32 to index
    %swap3A_2274 = arith.index_cast %swap3A_2272 : i32 to index
    %swap3A_2275 = arith.constant 560 : index
    %swap3A_2276 = tpu.vector_load %arg3[%swap3A_2273, %swap3A_2274, %swap3A_2275] {strides = array<i32>} : memref<1x4x1024xf32, #tpu.memory_space<vmem>>, vector<1x1x16xf32>,
    %swap3A_2277 = vector.shape_cast %swap3A_2276 : vector<1x1x16xf32> to vector<16xf32>
    %swap3A_2278 = vector.shape_cast %broadcast_in_dim3A_2270 : vector<16xf32> to vector<1x1x16xf32>
    tpu.vector_store %arg3[%swap3A_2273, %swap3A_2274, %swap3A_2275], %swap3A_2278 {strides = array<i32>} : memref<1x4x1024xf32, #tpu.memory_space<vmem>>, vector<1x1x16xf32>,
    %broadcast_in_dim3A_2279 = arith.constant 2.000000e+00 : f32
    %broadcast_in_dim3A_2280 = vector.broadcast %broadcast_in_dim3A_2279 : f32 to vector<16xf32>
    %swap3A_2281 = arith.constant 0 : i32
    %swap3A_2282 = arith.constant 3 : i32
    %swap3A_2283 = arith.index_cast %swap3A_2281 : i32 to index
    %swap3A_2284 = arith.index_cast %swap3A_2282 : i32 to index
    %swap3A_2285 = arith.constant 576 : index
    %swap3A_2286 = tpu.vector_load %arg3[%swap3A_2283, %swap3A_2284, %swap3A_2285] {strides = array<i32>} : memref<1x4x1024xf32, #tpu.memory_space<vmem>>, vector<1x1x16xf32>,
    %swap3A_2287 = vector.shape_cast %swap3A_2286 : vector<1x1x16xf32> to vector<16xf32>
    %swap3A_2288 = vector.shape_cast %broadcast_in_dim3A_2280 : vector<16xf32> to vector<1x1x16xf32>
    tpu.vector_store %arg3[%swap3A_2283, %swap3A_2284, %swap3A_2285], %swap3A_2288 {strides = array<i32>} : memref<1x4x1024xf32, #tpu.memory_space<vmem>>, vector<1x1x16xf32>,
    %broadcast_in_dim3A_2289 = arith.constant 2.000000e+00 : f32
    %broadcast_in_dim3A_2290 = vector.broadcast %broadcast_in_dim3A_2289 : f32 to vector<16xf32>
    %swap3A_2291 = arith.constant 0 : i32
    %swap3A_2292 = arith.constant 3 : i32
    %swap3A_2293 = arith.index_cast %swap3A_2291 : i32 to index
    %swap3A_2294 = arith.index_cast %swap3A_2292 : i32 to index
    %swap3A_2295 = arith.constant 592 : index
    %swap3A_2296 = tpu.vector_load %arg3[%swap3A_2293, %swap3A_2294, %swap3A_2295] {strides = array<i32>} : memref<1x4x1024xf32, #tpu.memory_space<vmem>>, vector<1x1x16xf32>,
    %swap3A_2297 = vector.shape_cast %swap3A_2296 : vector<1x1x16xf32> to vector<16xf32>
    %swap3A_2298 = vector.shape_cast %broadcast_in_dim3A_2290 : vector<16xf32> to vector<1x1x16xf32>
    tpu.vector_store %arg3[%swap3A_2293, %swap3A_2294, %swap3A_2295], %swap3A_2298 {strides = array<i32>} : memref<1x4x1024xf32, #tpu.memory_space<vmem>>, vector<1x1x16xf32>,
    %broadcast_in_dim3A_2299 = arith.constant 2.000000e+00 : f32
    %broadcast_in_dim3A_2300 = vector.broadcast %broadcast_in_dim3A_2299 : f32 to vector<16xf32>
    %swap3A_2301 = arith.constant 0 : i32
    %swap3A_2302 = arith.constant 3 : i32
    %swap3A_2303 = arith.index_cast %swap3A_2301 : i32 to index
    %swap3A_2304 = arith.index_cast %swap3A_2302 : i32 to index
    %swap3A_2305 = arith.constant 608 : index
    %swap3A_2306 = tpu.vector_load %arg3[%swap3A_2303, %swap3A_2304, %swap3A_2305] {strides = array<i32>} : memref<1x4x1024xf32, #tpu.memory_space<vmem>>, vector<1x1x16xf32>,
    %swap3A_2307 = vector.shape_cast %swap3A_2306 : vector<1x1x16xf32> to vector<16xf32>
    %swap3A_2308 = vector.shape_cast %broadcast_in_dim3A_2300 : vector<16xf32> to vector<1x1x16xf32>
    tpu.vector_store %arg3[%swap3A_2303, %swap3A_2304, %swap3A_2305], %swap3A_2308 {strides = array<i32>} : memref<1x4x1024xf32, #tpu.memory_space<vmem>>, vector<1x1x16xf32>,
    %broadcast_in_dim3A_2309 = arith.constant 2.000000e+00 : f32
    %broadcast_in_dim3A_2310 = vector.broadcast %broadcast_in_dim3A_2309 : f32 to vector<16xf32>
    %swap3A_2311 = arith.constant 0 : i32
    %swap3A_2312 = arith.constant 3 : i32
    %swap3A_2313 = arith.index_cast %swap3A_2311 : i32 to index
    %swap3A_2314 = arith.index_cast %swap3A_2312 : i32 to index
    %swap3A_2315 = arith.constant 624 : index
    %swap3A_2316 = tpu.vector_load %arg3[%swap3A_2313, %swap3A_2314, %swap3A_2315] {strides = array<i32>} : memref<1x4x1024xf32, #tpu.memory_space<vmem>>, vector<1x1x16xf32>,
    %swap3A_2317 = vector.shape_cast %swap3A_2316 : vector<1x1x16xf32> to vector<16xf32>
    %swap3A_2318 = vector.shape_cast %broadcast_in_dim3A_2310 : vector<16xf32> to vector<1x1x16xf32>
    tpu.vector_store %arg3[%swap3A_2313, %swap3A_2314, %swap3A_2315], %swap3A_2318 {strides = array<i32>} : memref<1x4x1024xf32, #tpu.memory_space<vmem>>, vector<1x1x16xf32>,
    %broadcast_in_dim3A_2319 = arith.constant 2.000000e+00 : f32
    %broadcast_in_dim3A_2320 = vector.broadcast %broadcast_in_dim3A_2319 : f32 to vector<16xf32>
    %swap3A_2321 = arith.constant 0 : i32
    %swap3A_2322 = arith.constant 3 : i32
    %swap3A_2323 = arith.index_cast %swap3A_2321 : i32 to index
    %swap3A_2324 = arith.index_cast %swap3A_2322 : i32 to index
    %swap3A_2325 = arith.constant 640 : index
    %swap3A_2326 = tpu.vector_load %arg3[%swap3A_2323, %swap3A_2324, %swap3A_2325] {strides = array<i32>} : memref<1x4x1024xf32, #tpu.memory_space<vmem>>, vector<1x1x16xf32>,
    %swap3A_2327 = vector.shape_cast %swap3A_2326 : vector<1x1x16xf32> to vector<16xf32>
    %swap3A_2328 = vector.shape_cast %broadcast_in_dim3A_2320 : vector<16xf32> to vector<1x1x16xf32>
    tpu.vector_store %arg3[%swap3A_2323, %swap3A_2324, %swap3A_2325], %swap3A_2328 {strides = array<i32>} : memref<1x4x1024xf32, #tpu.memory_space<vmem>>, vector<1x1x16xf32>,
    %broadcast_in_dim3A_2329 = arith.constant 2.000000e+00 : f32
    %broadcast_in_dim3A_2330 = vector.broadcast %broadcast_in_dim3A_2329 : f32 to vector<16xf32>
    %swap3A_2331 = arith.constant 0 : i32
    %swap3A_2332 = arith.constant 3 : i32
    %swap3A_2333 = arith.index_cast %swap3A_2331 : i32 to index
    %swap3A_2334 = arith.index_cast %swap3A_2332 : i32 to index
    %swap3A_2335 = arith.constant 656 : index
    %swap3A_2336 = tpu.vector_load %arg3[%swap3A_2333, %swap3A_2334, %swap3A_2335] {strides = array<i32>} : memref<1x4x1024xf32, #tpu.memory_space<vmem>>, vector<1x1x16xf32>,
    %swap3A_2337 = vector.shape_cast %swap3A_2336 : vector<1x1x16xf32> to vector<16xf32>
    %swap3A_2338 = vector.shape_cast %broadcast_in_dim3A_2330 : vector<16xf32> to vector<1x1x16xf32>
    tpu.vector_store %arg3[%swap3A_2333, %swap3A_2334, %swap3A_2335], %swap3A_2338 {strides = array<i32>} : memref<1x4x1024xf32, #tpu.memory_space<vmem>>, vector<1x1x16xf32>,
    %broadcast_in_dim3A_2339 = arith.constant 2.000000e+00 : f32
    %broadcast_in_dim3A_2340 = vector.broadcast %broadcast_in_dim3A_2339 : f32 to vector<16xf32>
    %swap3A_2341 = arith.constant 0 : i32
    %swap3A_2342 = arith.constant 3 : i32
    %swap3A_2343 = arith.index_cast %swap3A_2341 : i32 to index
    %swap3A_2344 = arith.index_cast %swap3A_2342 : i32 to index
    %swap3A_2345 = arith.constant 672 : index
    %swap3A_2346 = tpu.vector_load %arg3[%swap3A_2343, %swap3A_2344, %swap3A_2345] {strides = array<i32>} : memref<1x4x1024xf32, #tpu.memory_space<vmem>>, vector<1x1x16xf32>,
    %swap3A_2347 = vector.shape_cast %swap3A_2346 : vector<1x1x16xf32> to vector<16xf32>
    %swap3A_2348 = vector.shape_cast %broadcast_in_dim3A_2340 : vector<16xf32> to vector<1x1x16xf32>
    tpu.vector_store %arg3[%swap3A_2343, %swap3A_2344, %swap3A_2345], %swap3A_2348 {strides = array<i32>} : memref<1x4x1024xf32, #tpu.memory_space<vmem>>, vector<1x1x16xf32>,
    %broadcast_in_dim3A_2349 = arith.constant 2.000000e+00 : f32
    %broadcast_in_dim3A_2350 = vector.broadcast %broadcast_in_dim3A_2349 : f32 to vector<16xf32>
    %swap3A_2351 = arith.constant 0 : i32
    %swap3A_2352 = arith.constant 3 : i32
    %swap3A_2353 = arith.index_cast %swap3A_2351 : i32 to index
    %swap3A_2354 = arith.index_cast %swap3A_2352 : i32 to index
    %swap3A_2355 = arith.constant 688 : index
    %swap3A_2356 = tpu.vector_load %arg3[%swap3A_2353, %swap3A_2354, %swap3A_2355] {strides = array<i32>} : memref<1x4x1024xf32, #tpu.memory_space<vmem>>, vector<1x1x16xf32>,
    %swap3A_2357 = vector.shape_cast %swap3A_2356 : vector<1x1x16xf32> to vector<16xf32>
    %swap3A_2358 = vector.shape_cast %broadcast_in_dim3A_2350 : vector<16xf32> to vector<1x1x16xf32>
    tpu.vector_store %arg3[%swap3A_2353, %swap3A_2354, %swap3A_2355], %swap3A_2358 {strides = array<i32>} : memref<1x4x1024xf32, #tpu.memory_space<vmem>>, vector<1x1x16xf32>,
    %broadcast_in_dim3A_2359 = arith.constant 2.000000e+00 : f32
    %broadcast_in_dim3A_2360 = vector.broadcast %broadcast_in_dim3A_2359 : f32 to vector<16xf32>
    %swap3A_2361 = arith.constant 0 : i32
    %swap3A_2362 = arith.constant 3 : i32
    %swap3A_2363 = arith.index_cast %swap3A_2361 : i32 to index
    %swap3A_2364 = arith.index_cast %swap3A_2362 : i32 to index
    %swap3A_2365 = arith.constant 704 : index
    %swap3A_2366 = tpu.vector_load %arg3[%swap3A_2363, %swap3A_2364, %swap3A_2365] {strides = array<i32>} : memref<1x4x1024xf32, #tpu.memory_space<vmem>>, vector<1x1x16xf32>,
    %swap3A_2367 = vector.shape_cast %swap3A_2366 : vector<1x1x16xf32> to vector<16xf32>
    %swap3A_2368 = vector.shape_cast %broadcast_in_dim3A_2360 : vector<16xf32> to vector<1x1x16xf32>
    tpu.vector_store %arg3[%swap3A_2363, %swap3A_2364, %swap3A_2365], %swap3A_2368 {strides = array<i32>} : memref<1x4x1024xf32, #tpu.memory_space<vmem>>, vector<1x1x16xf32>,
    %broadcast_in_dim3A_2369 = arith.constant 2.000000e+00 : f32
    %broadcast_in_dim3A_2370 = vector.broadcast %broadcast_in_dim3A_2369 : f32 to vector<16xf32>
    %swap3A_2371 = arith.constant 0 : i32
    %swap3A_2372 = arith.constant 3 : i32
    %swap3A_2373 = arith.index_cast %swap3A_2371 : i32 to index
    %swap3A_2374 = arith.index_cast %swap3A_2372 : i32 to index
    %swap3A_2375 = arith.constant 720 : index
    %swap3A_2376 = tpu.vector_load %arg3[%swap3A_2373, %swap3A_2374, %swap3A_2375] {strides = array<i32>} : memref<1x4x1024xf32, #tpu.memory_space<vmem>>, vector<1x1x16xf32>,
    %swap3A_2377 = vector.shape_cast %swap3A_2376 : vector<1x1x16xf32> to vector<16xf32>
    %swap3A_2378 = vector.shape_cast %broadcast_in_dim3A_2370 : vector<16xf32> to vector<1x1x16xf32>
    tpu.vector_store %arg3[%swap3A_2373, %swap3A_2374, %swap3A_2375], %swap3A_2378 {strides = array<i32>} : memref<1x4x1024xf32, #tpu.memory_space<vmem>>, vector<1x1x16xf32>,
    %broadcast_in_dim3A_2379 = arith.constant 2.000000e+00 : f32
    %broadcast_in_dim3A_2380 = vector.broadcast %broadcast_in_dim3A_2379 : f32 to vector<16xf32>
    %swap3A_2381 = arith.constant 0 : i32
    %swap3A_2382 = arith.constant 3 : i32
    %swap3A_2383 = arith.index_cast %swap3A_2381 : i32 to index
    %swap3A_2384 = arith.index_cast %swap3A_2382 : i32 to index
    %swap3A_2385 = arith.constant 736 : index
    %swap3A_2386 = tpu.vector_load %arg3[%swap3A_2383, %swap3A_2384, %swap3A_2385] {strides = array<i32>} : memref<1x4x1024xf32, #tpu.memory_space<vmem>>, vector<1x1x16xf32>,
    %swap3A_2387 = vector.shape_cast %swap3A_2386 : vector<1x1x16xf32> to vector<16xf32>
    %swap3A_2388 = vector.shape_cast %broadcast_in_dim3A_2380 : vector<16xf32> to vector<1x1x16xf32>
    tpu.vector_store %arg3[%swap3A_2383, %swap3A_2384, %swap3A_2385], %swap3A_2388 {strides = array<i32>} : memref<1x4x1024xf32, #tpu.memory_space<vmem>>, vector<1x1x16xf32>,
    %broadcast_in_dim3A_2389 = arith.constant 2.000000e+00 : f32
    %broadcast_in_dim3A_2390 = vector.broadcast %broadcast_in_dim3A_2389 : f32 to vector<16xf32>
    %swap3A_2391 = arith.constant 0 : i32
    %swap3A_2392 = arith.constant 3 : i32
    %swap3A_2393 = arith.index_cast %swap3A_2391 : i32 to index
    %swap3A_2394 = arith.index_cast %swap3A_2392 : i32 to index
    %swap3A_2395 = arith.constant 752 : index
    %swap3A_2396 = tpu.vector_load %arg3[%swap3A_2393, %swap3A_2394, %swap3A_2395] {strides = array<i32>} : memref<1x4x1024xf32, #tpu.memory_space<vmem>>, vector<1x1x16xf32>,
    %swap3A_2397 = vector.shape_cast %swap3A_2396 : vector<1x1x16xf32> to vector<16xf32>
    %swap3A_2398 = vector.shape_cast %broadcast_in_dim3A_2390 : vector<16xf32> to vector<1x1x16xf32>
    tpu.vector_store %arg3[%swap3A_2393, %swap3A_2394, %swap3A_2395], %swap3A_2398 {strides = array<i32>} : memref<1x4x1024xf32, #tpu.memory_space<vmem>>, vector<1x1x16xf32>,
    %broadcast_in_dim3A_2399 = arith.constant 2.000000e+00 : f32
    %broadcast_in_dim3A_2400 = vector.broadcast %broadcast_in_dim3A_2399 : f32 to vector<16xf32>
    %swap3A_2401 = arith.constant 0 : i32
    %swap3A_2402 = arith.constant 3 : i32
    %swap3A_2403 = arith.index_cast %swap3A_2401 : i32 to index
    %swap3A_2404 = arith.index_cast %swap3A_2402 : i32 to index
    %swap3A_2405 = arith.constant 768 : index
    %swap3A_2406 = tpu.vector_load %arg3[%swap3A_2403, %swap3A_2404, %swap3A_2405] {strides = array<i32>} : memref<1x4x1024xf32, #tpu.memory_space<vmem>>, vector<1x1x16xf32>,
    %swap3A_2407 = vector.shape_cast %swap3A_2406 : vector<1x1x16xf32> to vector<16xf32>
    %swap3A_2408 = vector.shape_cast %broadcast_in_dim3A_2400 : vector<16xf32> to vector<1x1x16xf32>
    tpu.vector_store %arg3[%swap3A_2403, %swap3A_2404, %swap3A_2405], %swap3A_2408 {strides = array<i32>} : memref<1x4x1024xf32, #tpu.memory_space<vmem>>, vector<1x1x16xf32>,
    %broadcast_in_dim3A_2409 = arith.constant 2.000000e+00 : f32
    %broadcast_in_dim3A_2410 = vector.broadcast %broadcast_in_dim3A_2409 : f32 to vector<16xf32>
    %swap3A_2411 = arith.constant 0 : i32
    %swap3A_2412 = arith.constant 3 : i32
    %swap3A_2413 = arith.index_cast %swap3A_2411 : i32 to index
    %swap3A_2414 = arith.index_cast %swap3A_2412 : i32 to index
    %swap3A_2415 = arith.constant 784 : index
    %swap3A_2416 = tpu.vector_load %arg3[%swap3A_2413, %swap3A_2414, %swap3A_2415] {strides = array<i32>} : memref<1x4x1024xf32, #tpu.memory_space<vmem>>, vector<1x1x16xf32>,
    %swap3A_2417 = vector.shape_cast %swap3A_2416 : vector<1x1x16xf32> to vector<16xf32>
    %swap3A_2418 = vector.shape_cast %broadcast_in_dim3A_2410 : vector<16xf32> to vector<1x1x16xf32>
    tpu.vector_store %arg3[%swap3A_2413, %swap3A_2414, %swap3A_2415], %swap3A_2418 {strides = array<i32>} : memref<1x4x1024xf32, #tpu.memory_space<vmem>>, vector<1x1x16xf32>,
    %broadcast_in_dim3A_2419 = arith.constant 2.000000e+00 : f32
    %broadcast_in_dim3A_2420 = vector.broadcast %broadcast_in_dim3A_2419 : f32 to vector<16xf32>
    %swap3A_2421 = arith.constant 0 : i32
    %swap3A_2422 = arith.constant 3 : i32
    %swap3A_2423 = arith.index_cast %swap3A_2421 : i32 to index
    %swap3A_2424 = arith.index_cast %swap3A_2422 : i32 to index
    %swap3A_2425 = arith.constant 800 : index
    %swap3A_2426 = tpu.vector_load %arg3[%swap3A_2423, %swap3A_2424, %swap3A_2425] {strides = array<i32>} : memref<1x4x1024xf32, #tpu.memory_space<vmem>>, vector<1x1x16xf32>,
    %swap3A_2427 = vector.shape_cast %swap3A_2426 : vector<1x1x16xf32> to vector<16xf32>
    %swap3A_2428 = vector.shape_cast %broadcast_in_dim3A_2420 : vector<16xf32> to vector<1x1x16xf32>
    tpu.vector_store %arg3[%swap3A_2423, %swap3A_2424, %swap3A_2425], %swap3A_2428 {strides = array<i32>} : memref<1x4x1024xf32, #tpu.memory_space<vmem>>, vector<1x1x16xf32>,
    %broadcast_in_dim3A_2429 = arith.constant 2.000000e+00 : f32
    %broadcast_in_dim3A_2430 = vector.broadcast %broadcast_in_dim3A_2429 : f32 to vector<16xf32>
    %swap3A_2431 = arith.constant 0 : i32
    %swap3A_2432 = arith.constant 3 : i32
    %swap3A_2433 = arith.index_cast %swap3A_2431 : i32 to index
    %swap3A_2434 = arith.index_cast %swap3A_2432 : i32 to index
    %swap3A_2435 = arith.constant 816 : index
    %swap3A_2436 = tpu.vector_load %arg3[%swap3A_2433, %swap3A_2434, %swap3A_2435] {strides = array<i32>} : memref<1x4x1024xf32, #tpu.memory_space<vmem>>, vector<1x1x16xf32>,
    %swap3A_2437 = vector.shape_cast %swap3A_2436 : vector<1x1x16xf32> to vector<16xf32>
    %swap3A_2438 = vector.shape_cast %broadcast_in_dim3A_2430 : vector<16xf32> to vector<1x1x16xf32>
    tpu.vector_store %arg3[%swap3A_2433, %swap3A_2434, %swap3A_2435], %swap3A_2438 {strides = array<i32>} : memref<1x4x1024xf32, #tpu.memory_space<vmem>>, vector<1x1x16xf32>,
    %broadcast_in_dim3A_2439 = arith.constant 2.000000e+00 : f32
    %broadcast_in_dim3A_2440 = vector.broadcast %broadcast_in_dim3A_2439 : f32 to vector<16xf32>
    %swap3A_2441 = arith.constant 0 : i32
    %swap3A_2442 = arith.constant 3 : i32
    %swap3A_2443 = arith.index_cast %swap3A_2441 : i32 to index
    %swap3A_2444 = arith.index_cast %swap3A_2442 : i32 to index
    %swap3A_2445 = arith.constant 832 : index
    %swap3A_2446 = tpu.vector_load %arg3[%swap3A_2443, %swap3A_2444, %swap3A_2445] {strides = array<i32>} : memref<1x4x1024xf32, #tpu.memory_space<vmem>>, vector<1x1x16xf32>,
    %swap3A_2447 = vector.shape_cast %swap3A_2446 : vector<1x1x16xf32> to vector<16xf32>
    %swap3A_2448 = vector.shape_cast %broadcast_in_dim3A_2440 : vector<16xf32> to vector<1x1x16xf32>
    tpu.vector_store %arg3[%swap3A_2443, %swap3A_2444, %swap3A_2445], %swap3A_2448 {strides = array<i32>} : memref<1x4x1024xf32, #tpu.memory_space<vmem>>, vector<1x1x16xf32>,
    %broadcast_in_dim3A_2449 = arith.constant 2.000000e+00 : f32
    %broadcast_in_dim3A_2450 = vector.broadcast %broadcast_in_dim3A_2449 : f32 to vector<16xf32>
    %swap3A_2451 = arith.constant 0 : i32
    %swap3A_2452 = arith.constant 3 : i32
    %swap3A_2453 = arith.index_cast %swap3A_2451 : i32 to index
    %swap3A_2454 = arith.index_cast %swap3A_2452 : i32 to index
    %swap3A_2455 = arith.constant 848 : index
    %swap3A_2456 = tpu.vector_load %arg3[%swap3A_2453, %swap3A_2454, %swap3A_2455] {strides = array<i32>} : memref<1x4x1024xf32, #tpu.memory_space<vmem>>, vector<1x1x16xf32>,
    %swap3A_2457 = vector.shape_cast %swap3A_2456 : vector<1x1x16xf32> to vector<16xf32>
    %swap3A_2458 = vector.shape_cast %broadcast_in_dim3A_2450 : vector<16xf32> to vector<1x1x16xf32>
    tpu.vector_store %arg3[%swap3A_2453, %swap3A_2454, %swap3A_2455], %swap3A_2458 {strides = array<i32>} : memref<1x4x1024xf32, #tpu.memory_space<vmem>>, vector<1x1x16xf32>,
    %broadcast_in_dim3A_2459 = arith.constant 2.000000e+00 : f32
    %broadcast_in_dim3A_2460 = vector.broadcast %broadcast_in_dim3A_2459 : f32 to vector<16xf32>
    %swap3A_2461 = arith.constant 0 : i32
    %swap3A_2462 = arith.constant 3 : i32
    %swap3A_2463 = arith.index_cast %swap3A_2461 : i32 to index
    %swap3A_2464 = arith.index_cast %swap3A_2462 : i32 to index
    %swap3A_2465 = arith.constant 864 : index
    %swap3A_2466 = tpu.vector_load %arg3[%swap3A_2463, %swap3A_2464, %swap3A_2465] {strides = array<i32>} : memref<1x4x1024xf32, #tpu.memory_space<vmem>>, vector<1x1x16xf32>,
    %swap3A_2467 = vector.shape_cast %swap3A_2466 : vector<1x1x16xf32> to vector<16xf32>
    %swap3A_2468 = vector.shape_cast %broadcast_in_dim3A_2460 : vector<16xf32> to vector<1x1x16xf32>
    tpu.vector_store %arg3[%swap3A_2463, %swap3A_2464, %swap3A_2465], %swap3A_2468 {strides = array<i32>} : memref<1x4x1024xf32, #tpu.memory_space<vmem>>, vector<1x1x16xf32>,
    %broadcast_in_dim3A_2469 = arith.constant 2.000000e+00 : f32
    %broadcast_in_dim3A_2470 = vector.broadcast %broadcast_in_dim3A_2469 : f32 to vector<16xf32>
    %swap3A_2471 = arith.constant 0 : i32
    %swap3A_2472 = arith.constant 3 : i32
    %swap3A_2473 = arith.index_cast %swap3A_2471 : i32 to index
    %swap3A_2474 = arith.index_cast %swap3A_2472 : i32 to index
    %swap3A_2475 = arith.constant 880 : index
    %swap3A_2476 = tpu.vector_load %arg3[%swap3A_2473, %swap3A_2474, %swap3A_2475] {strides = array<i32>} : memref<1x4x1024xf32, #tpu.memory_space<vmem>>, vector<1x1x16xf32>,
    %swap3A_2477 = vector.shape_cast %swap3A_2476 : vector<1x1x16xf32> to vector<16xf32>
    %swap3A_2478 = vector.shape_cast %broadcast_in_dim3A_2470 : vector<16xf32> to vector<1x1x16xf32>
    tpu.vector_store %arg3[%swap3A_2473, %swap3A_2474, %swap3A_2475], %swap3A_2478 {strides = array<i32>} : memref<1x4x1024xf32, #tpu.memory_space<vmem>>, vector<1x1x16xf32>,
    %broadcast_in_dim3A_2479 = arith.constant 2.000000e+00 : f32
    %broadcast_in_dim3A_2480 = vector.broadcast %broadcast_in_dim3A_2479 : f32 to vector<16xf32>
    %swap3A_2481 = arith.constant 0 : i32
    %swap3A_2482 = arith.constant 3 : i32
    %swap3A_2483 = arith.index_cast %swap3A_2481 : i32 to index
    %swap3A_2484 = arith.index_cast %swap3A_2482 : i32 to index
    %swap3A_2485 = arith.constant 896 : index
    %swap3A_2486 = tpu.vector_load %arg3[%swap3A_2483, %swap3A_2484, %swap3A_2485] {strides = array<i32>} : memref<1x4x1024xf32, #tpu.memory_space<vmem>>, vector<1x1x16xf32>,
    %swap3A_2487 = vector.shape_cast %swap3A_2486 : vector<1x1x16xf32> to vector<16xf32>
    %swap3A_2488 = vector.shape_cast %broadcast_in_dim3A_2480 : vector<16xf32> to vector<1x1x16xf32>
    tpu.vector_store %arg3[%swap3A_2483, %swap3A_2484, %swap3A_2485], %swap3A_2488 {strides = array<i32>} : memref<1x4x1024xf32, #tpu.memory_space<vmem>>, vector<1x1x16xf32>,
    %broadcast_in_dim3A_2489 = arith.constant 2.000000e+00 : f32
    %broadcast_in_dim3A_2490 = vector.broadcast %broadcast_in_dim3A_2489 : f32 to vector<16xf32>
    %swap3A_2491 = arith.constant 0 : i32
    %swap3A_2492 = arith.constant 3 : i32
    %swap3A_2493 = arith.index_cast %swap3A_2491 : i32 to index
    %swap3A_2494 = arith.index_cast %swap3A_2492 : i32 to index
    %swap3A_2495 = arith.constant 912 : index
    %swap3A_2496 = tpu.vector_load %arg3[%swap3A_2493, %swap3A_2494, %swap3A_2495] {strides = array<i32>} : memref<1x4x1024xf32, #tpu.memory_space<vmem>>, vector<1x1x16xf32>,
    %swap3A_2497 = vector.shape_cast %swap3A_2496 : vector<1x1x16xf32> to vector<16xf32>
    %swap3A_2498 = vector.shape_cast %broadcast_in_dim3A_2490 : vector<16xf32> to vector<1x1x16xf32>
    tpu.vector_store %arg3[%swap3A_2493, %swap3A_2494, %swap3A_2495], %swap3A_2498 {strides = array<i32>} : memref<1x4x1024xf32, #tpu.memory_space<vmem>>, vector<1x1x16xf32>,
    %broadcast_in_dim3A_2499 = arith.constant 2.000000e+00 : f32
    %broadcast_in_dim3A_2500 = vector.broadcast %broadcast_in_dim3A_2499 : f32 to vector<16xf32>
    %swap3A_2501 = arith.constant 0 : i32
    %swap3A_2502 = arith.constant 3 : i32
    %swap3A_2503 = arith.index_cast %swap3A_2501 : i32 to index
    %swap3A_2504 = arith.index_cast %swap3A_2502 : i32 to index
    %swap3A_2505 = arith.constant 928 : index
    %swap3A_2506 = tpu.vector_load %arg3[%swap3A_2503, %swap3A_2504, %swap3A_2505] {strides = array<i32>} : memref<1x4x1024xf32, #tpu.memory_space<vmem>>, vector<1x1x16xf32>,
    %swap3A_2507 = vector.shape_cast %swap3A_2506 : vector<1x1x16xf32> to vector<16xf32>
    %swap3A_2508 = vector.shape_cast %broadcast_in_dim3A_2500 : vector<16xf32> to vector<1x1x16xf32>
    tpu.vector_store %arg3[%swap3A_2503, %swap3A_2504, %swap3A_2505], %swap3A_2508 {strides = array<i32>} : memref<1x4x1024xf32, #tpu.memory_space<vmem>>, vector<1x1x16xf32>,
    %broadcast_in_dim3A_2509 = arith.constant 2.000000e+00 : f32
    %broadcast_in_dim3A_2510 = vector.broadcast %broadcast_in_dim3A_2509 : f32 to vector<16xf32>
    %swap3A_2511 = arith.constant 0 : i32
    %swap3A_2512 = arith.constant 3 : i32
    %swap3A_2513 = arith.index_cast %swap3A_2511 : i32 to index
    %swap3A_2514 = arith.index_cast %swap3A_2512 : i32 to index
    %swap3A_2515 = arith.constant 944 : index
    %swap3A_2516 = tpu.vector_load %arg3[%swap3A_2513, %swap3A_2514, %swap3A_2515] {strides = array<i32>} : memref<1x4x1024xf32, #tpu.memory_space<vmem>>, vector<1x1x16xf32>,
    %swap3A_2517 = vector.shape_cast %swap3A_2516 : vector<1x1x16xf32> to vector<16xf32>
    %swap3A_2518 = vector.shape_cast %broadcast_in_dim3A_2510 : vector<16xf32> to vector<1x1x16xf32>
    tpu.vector_store %arg3[%swap3A_2513, %swap3A_2514, %swap3A_2515], %swap3A_2518 {strides = array<i32>} : memref<1x4x1024xf32, #tpu.memory_space<vmem>>, vector<1x1x16xf32>,
    %broadcast_in_dim3A_2519 = arith.constant 2.000000e+00 : f32
    %broadcast_in_dim3A_2520 = vector.broadcast %broadcast_in_dim3A_2519 : f32 to vector<16xf32>
    %swap3A_2521 = arith.constant 0 : i32
    %swap3A_2522 = arith.constant 3 : i32
    %swap3A_2523 = arith.index_cast %swap3A_2521 : i32 to index
    %swap3A_2524 = arith.index_cast %swap3A_2522 : i32 to index
    %swap3A_2525 = arith.constant 960 : index
    %swap3A_2526 = tpu.vector_load %arg3[%swap3A_2523, %swap3A_2524, %swap3A_2525] {strides = array<i32>} : memref<1x4x1024xf32, #tpu.memory_space<vmem>>, vector<1x1x16xf32>,
    %swap3A_2527 = vector.shape_cast %swap3A_2526 : vector<1x1x16xf32> to vector<16xf32>
    %swap3A_2528 = vector.shape_cast %broadcast_in_dim3A_2520 : vector<16xf32> to vector<1x1x16xf32>
    tpu.vector_store %arg3[%swap3A_2523, %swap3A_2524, %swap3A_2525], %swap3A_2528 {strides = array<i32>} : memref<1x4x1024xf32, #tpu.memory_space<vmem>>, vector<1x1x16xf32>,
    %broadcast_in_dim3A_2529 = arith.constant 2.000000e+00 : f32
    %broadcast_in_dim3A_2530 = vector.broadcast %broadcast_in_dim3A_2529 : f32 to vector<16xf32>
    %swap3A_2531 = arith.constant 0 : i32
    %swap3A_2532 = arith.constant 3 : i32
    %swap3A_2533 = arith.index_cast %swap3A_2531 : i32 to index
    %swap3A_2534 = arith.index_cast %swap3A_2532 : i32 to index
    %swap3A_2535 = arith.constant 976 : index
    %swap3A_2536 = tpu.vector_load %arg3[%swap3A_2533, %swap3A_2534, %swap3A_2535] {strides = array<i32>} : memref<1x4x1024xf32, #tpu.memory_space<vmem>>, vector<1x1x16xf32>,
    %swap3A_2537 = vector.shape_cast %swap3A_2536 : vector<1x1x16xf32> to vector<16xf32>
    %swap3A_2538 = vector.shape_cast %broadcast_in_dim3A_2530 : vector<16xf32> to vector<1x1x16xf32>
    tpu.vector_store %arg3[%swap3A_2533, %swap3A_2534, %swap3A_2535], %swap3A_2538 {strides = array<i32>} : memref<1x4x1024xf32, #tpu.memory_space<vmem>>, vector<1x1x16xf32>,
    %broadcast_in_dim3A_2539 = arith.constant 2.000000e+00 : f32
    %broadcast_in_dim3A_2540 = vector.broadcast %broadcast_in_dim3A_2539 : f32 to vector<16xf32>
    %swap3A_2541 = arith.constant 0 : i32
    %swap3A_2542 = arith.constant 3 : i32
    %swap3A_2543 = arith.index_cast %swap3A_2541 : i32 to index
    %swap3A_2544 = arith.index_cast %swap3A_2542 : i32 to index
    %swap3A_2545 = arith.constant 992 : index
    %swap3A_2546 = tpu.vector_load %arg3[%swap3A_2543, %swap3A_2544, %swap3A_2545] {strides = array<i32>} : memref<1x4x1024xf32, #tpu.memory_space<vmem>>, vector<1x1x16xf32>,
    %swap3A_2547 = vector.shape_cast %swap3A_2546 : vector<1x1x16xf32> to vector<16xf32>
    %swap3A_2548 = vector.shape_cast %broadcast_in_dim3A_2540 : vector<16xf32> to vector<1x1x16xf32>
    tpu.vector_store %arg3[%swap3A_2543, %swap3A_2544, %swap3A_2545], %swap3A_2548 {strides = array<i32>} : memref<1x4x1024xf32, #tpu.memory_space<vmem>>, vector<1x1x16xf32>,
    %broadcast_in_dim3A_2549 = arith.constant 2.000000e+00 : f32
    %broadcast_in_dim3A_2550 = vector.broadcast %broadcast_in_dim3A_2549 : f32 to vector<16xf32>
    %swap3A_2551 = arith.constant 0 : i32
    %swap3A_2552 = arith.constant 3 : i32
    %swap3A_2553 = arith.index_cast %swap3A_2551 : i32 to index
    %swap3A_2554 = arith.index_cast %swap3A_2552 : i32 to index
    %swap3A_2555 = arith.constant 1008 : index
    %swap3A_2556 = tpu.vector_load %arg3[%swap3A_2553, %swap3A_2554, %swap3A_2555] {strides = array<i32>} : memref<1x4x1024xf32, #tpu.memory_space<vmem>>, vector<1x1x16xf32>,
    %swap3A_2557 = vector.shape_cast %swap3A_2556 : vector<1x1x16xf32> to vector<16xf32>
    %swap3A_2558 = vector.shape_cast %broadcast_in_dim3A_2550 : vector<16xf32> to vector<1x1x16xf32>
    tpu.vector_store %arg3[%swap3A_2553, %swap3A_2554, %swap3A_2555], %swap3A_2558 {strides = array<i32>} : memref<1x4x1024xf32, #tpu.memory_space<vmem>>, vector<1x1x16xf32>,
    %mul3A_2559 = arith.constant 128 : i32
    %mul3A_2560 = arith.muli %add3A, %mul3A_2559 : i32
    %add3A_2561 = arith.constant 0 : i32
    %add3A_2562 = arith.addi %mul3A_2560, %add3A_2561 : i32
    %dma_start3A = arith.constant 0 : i32
    %dma_start3A_2563 = arith.constant 0 : i32
    %dma_start3A_2564 = tpu.memref_slice %arg2[%dma_start3A, %add3A_2562, %dma_start3A_2563] : memref<3x4096x1024xf32, #tpu.memory_space<hbm>> -> memref<1x4x1024xf32, #tpu.memory_space<hbm>>
    %dma_start3A_2565 = arith.constant 0 : i32
    %dma_start3A_2566 = arith.constant 0 : i32
    %dma_start3A_2567 = tpu.memref_slice %arg2[%dma_start3A_2565, %add3A_2562, %dma_start3A_2566] : memref<3x4096x1024xf32, #tpu.memory_space<hbm>> -> memref<1x4x1024xf32, #tpu.memory_space<hbm>>
    tpu.enqueue_dma source(%arg3 : memref<1x4x1024xf32, #tpu.memory_space<vmem>>) target(%dma_start3A_2567 : memref<1x4x1024xf32, #tpu.memory_space<hbm>>) target_semaphore(%arg4 : memref<!tpu.dma_semaphore, #tpu.memory_space<semaphore_mem>>)
    %add3A_2568 = arith.constant 4 : i32
    %add3A_2569 = arith.addi %mul3A_2560, %add3A_2568 : i32
    %dma_start3A_2570 = arith.constant 0 : i32
    %dma_start3A_2571 = arith.constant 0 : i32
    %dma_start3A_2572 = tpu.memref_slice %arg2[%dma_start3A_2570, %add3A_2569, %dma_start3A_2571] : memref<3x4096x1024xf32, #tpu.memory_space<hbm>> -> memref<1x4x1024xf32, #tpu.memory_space<hbm>>
    %dma_start3A_2573 = arith.constant 0 : i32
    %dma_start3A_2574 = arith.constant 0 : i32
    %dma_start3A_2575 = tpu.memref_slice %arg2[%dma_start3A_2573, %add3A_2569, %dma_start3A_2574] : memref<3x4096x1024xf32, #tpu.memory_space<hbm>> -> memref<1x4x1024xf32, #tpu.memory_space<hbm>>
    tpu.enqueue_dma source(%arg3 : memref<1x4x1024xf32, #tpu.memory_space<vmem>>) target(%dma_start3A_2575 : memref<1x4x1024xf32, #tpu.memory_space<hbm>>) target_semaphore(%arg4 : memref<!tpu.dma_semaphore, #tpu.memory_space<semaphore_mem>>)
    %add3A_2576 = arith.constant 8 : i32
    %add3A_2577 = arith.addi %mul3A_2560, %add3A_2576 : i32
    %dma_start3A_2578 = arith.constant 0 : i32
    %dma_start3A_2579 = arith.constant 0 : i32
    %dma_start3A_2580 = tpu.memref_slice %arg2[%dma_start3A_2578, %add3A_2577, %dma_start3A_2579] : memref<3x4096x1024xf32, #tpu.memory_space<hbm>> -> memref<1x4x1024xf32, #tpu.memory_space<hbm>>
    %dma_start3A_2581 = arith.constant 0 : i32
    %dma_start3A_2582 = arith.constant 0 : i32
    %dma_start3A_2583 = tpu.memref_slice %arg2[%dma_start3A_2581, %add3A_2577, %dma_start3A_2582] : memref<3x4096x1024xf32, #tpu.memory_space<hbm>> -> memref<1x4x1024xf32, #tpu.memory_space<hbm>>
    tpu.enqueue_dma source(%arg3 : memref<1x4x1024xf32, #tpu.memory_space<vmem>>) target(%dma_start3A_2583 : memref<1x4x1024xf32, #tpu.memory_space<hbm>>) target_semaphore(%arg4 : memref<!tpu.dma_semaphore, #tpu.memory_space<semaphore_mem>>)
    %add3A_2584 = arith.constant 12 : i32
    %add3A_2585 = arith.addi %mul3A_2560, %add3A_2584 : i32
    %dma_start3A_2586 = arith.constant 0 : i32
    %dma_start3A_2587 = arith.constant 0 : i32
    %dma_start3A_2588 = tpu.memref_slice %arg2[%dma_start3A_2586, %add3A_2585, %dma_start3A_2587] : memref<3x4096x1024xf32, #tpu.memory_space<hbm>> -> memref<1x4x1024xf32, #tpu.memory_space<hbm>>
    %dma_start3A_2589 = arith.constant 0 : i32
    %dma_start3A_2590 = arith.constant 0 : i32
    %dma_start3A_2591 = tpu.memref_slice %arg2[%dma_start3A_2589, %add3A_2585, %dma_start3A_2590] : memref<3x4096x1024xf32, #tpu.memory_space<hbm>> -> memref<1x4x1024xf32, #tpu.memory_space<hbm>>
    tpu.enqueue_dma source(%arg3 : memref<1x4x1024xf32, #tpu.memory_space<vmem>>) target(%dma_start3A_2591 : memref<1x4x1024xf32, #tpu.memory_space<hbm>>) target_semaphore(%arg4 : memref<!tpu.dma_semaphore, #tpu.memory_space<semaphore_mem>>)
    %add3A_2592 = arith.constant 16 : i32
    %add3A_2593 = arith.addi %mul3A_2560, %add3A_2592 : i32
    %dma_start3A_2594 = arith.constant 0 : i32
    %dma_start3A_2595 = arith.constant 0 : i32
    %dma_start3A_2596 = tpu.memref_slice %arg2[%dma_start3A_2594, %add3A_2593, %dma_start3A_2595] : memref<3x4096x1024xf32, #tpu.memory_space<hbm>> -> memref<1x4x1024xf32, #tpu.memory_space<hbm>>
    %dma_start3A_2597 = arith.constant 0 : i32
    %dma_start3A_2598 = arith.constant 0 : i32
    %dma_start3A_2599 = tpu.memref_slice %arg2[%dma_start3A_2597, %add3A_2593, %dma_start3A_2598] : memref<3x4096x1024xf32, #tpu.memory_space<hbm>> -> memref<1x4x1024xf32, #tpu.memory_space<hbm>>
    tpu.enqueue_dma source(%arg3 : memref<1x4x1024xf32, #tpu.memory_space<vmem>>) target(%dma_start3A_2599 : memref<1x4x1024xf32, #tpu.memory_space<hbm>>) target_semaphore(%arg4 : memref<!tpu.dma_semaphore, #tpu.memory_space<semaphore_mem>>)
    %add3A_2600 = arith.constant 20 : i32
    %add3A_2601 = arith.addi %mul3A_2560, %add3A_2600 : i32
    %dma_start3A_2602 = arith.constant 0 : i32
    %dma_start3A_2603 = arith.constant 0 : i32
    %dma_start3A_2604 = tpu.memref_slice %arg2[%dma_start3A_2602, %add3A_2601, %dma_start3A_2603] : memref<3x4096x1024xf32, #tpu.memory_space<hbm>> -> memref<1x4x1024xf32, #tpu.memory_space<hbm>>
    %dma_start3A_2605 = arith.constant 0 : i32
    %dma_start3A_2606 = arith.constant 0 : i32
    %dma_start3A_2607 = tpu.memref_slice %arg2[%dma_start3A_2605, %add3A_2601, %dma_start3A_2606] : memref<3x4096x1024xf32, #tpu.memory_space<hbm>> -> memref<1x4x1024xf32, #tpu.memory_space<hbm>>
    tpu.enqueue_dma source(%arg3 : memref<1x4x1024xf32, #tpu.memory_space<vmem>>) target(%dma_start3A_2607 : memref<1x4x1024xf32, #tpu.memory_space<hbm>>) target_semaphore(%arg4 : memref<!tpu.dma_semaphore, #tpu.memory_space<semaphore_mem>>)
    %add3A_2608 = arith.constant 24 : i32
    %add3A_2609 = arith.addi %mul3A_2560, %add3A_2608 : i32
    %dma_start3A_2610 = arith.constant 0 : i32
    %dma_start3A_2611 = arith.constant 0 : i32
    %dma_start3A_2612 = tpu.memref_slice %arg2[%dma_start3A_2610, %add3A_2609, %dma_start3A_2611] : memref<3x4096x1024xf32, #tpu.memory_space<hbm>> -> memref<1x4x1024xf32, #tpu.memory_space<hbm>>
    %dma_start3A_2613 = arith.constant 0 : i32
    %dma_start3A_2614 = arith.constant 0 : i32
    %dma_start3A_2615 = tpu.memref_slice %arg2[%dma_start3A_2613, %add3A_2609, %dma_start3A_2614] : memref<3x4096x1024xf32, #tpu.memory_space<hbm>> -> memref<1x4x1024xf32, #tpu.memory_space<hbm>>
    tpu.enqueue_dma source(%arg3 : memref<1x4x1024xf32, #tpu.memory_space<vmem>>) target(%dma_start3A_2615 : memref<1x4x1024xf32, #tpu.memory_space<hbm>>) target_semaphore(%arg4 : memref<!tpu.dma_semaphore, #tpu.memory_space<semaphore_mem>>)
    %add3A_2616 = arith.constant 28 : i32
    %add3A_2617 = arith.addi %mul3A_2560, %add3A_2616 : i32
    %dma_start3A_2618 = arith.constant 0 : i32
    %dma_start3A_2619 = arith.constant 0 : i32
    %dma_start3A_2620 = tpu.memref_slice %arg2[%dma_start3A_2618, %add3A_2617, %dma_start3A_2619] : memref<3x4096x1024xf32, #tpu.memory_space<hbm>> -> memref<1x4x1024xf32, #tpu.memory_space<hbm>>
    %dma_start3A_2621 = arith.constant 0 : i32
    %dma_start3A_2622 = arith.constant 0 : i32
    %dma_start3A_2623 = tpu.memref_slice %arg2[%dma_start3A_2621, %add3A_2617, %dma_start3A_2622] : memref<3x4096x1024xf32, #tpu.memory_space<hbm>> -> memref<1x4x1024xf32, #tpu.memory_space<hbm>>
    tpu.enqueue_dma source(%arg3 : memref<1x4x1024xf32, #tpu.memory_space<vmem>>) target(%dma_start3A_2623 : memref<1x4x1024xf32, #tpu.memory_space<hbm>>) target_semaphore(%arg4 : memref<!tpu.dma_semaphore, #tpu.memory_space<semaphore_mem>>)
    %add3A_2624 = arith.constant 32 : i32
    %add3A_2625 = arith.addi %mul3A_2560, %add3A_2624 : i32
    %dma_start3A_2626 = arith.constant 0 : i32
    %dma_start3A_2627 = arith.constant 0 : i32
    %dma_start3A_2628 = tpu.memref_slice %arg2[%dma_start3A_2626, %add3A_2625, %dma_start3A_2627] : memref<3x4096x1024xf32, #tpu.memory_space<hbm>> -> memref<1x4x1024xf32, #tpu.memory_space<hbm>>
    %dma_start3A_2629 = arith.constant 0 : i32
    %dma_start3A_2630 = arith.constant 0 : i32
    %dma_start3A_2631 = tpu.memref_slice %arg2[%dma_start3A_2629, %add3A_2625, %dma_start3A_2630] : memref<3x4096x1024xf32, #tpu.memory_space<hbm>> -> memref<1x4x1024xf32, #tpu.memory_space<hbm>>
    tpu.enqueue_dma source(%arg3 : memref<1x4x1024xf32, #tpu.memory_space<vmem>>) target(%dma_start3A_2631 : memref<1x4x1024xf32, #tpu.memory_space<hbm>>) target_semaphore(%arg4 : memref<!tpu.dma_semaphore, #tpu.memory_space<semaphore_mem>>)
    %add3A_2632 = arith.constant 36 : i32
    %add3A_2633 = arith.addi %mul3A_2560, %add3A_2632 : i32
    %dma_start3A_2634 = arith.constant 0 : i32
    %dma_start3A_2635 = arith.constant 0 : i32
    %dma_start3A_2636 = tpu.memref_slice %arg2[%dma_start3A_2634, %add3A_2633, %dma_start3A_2635] : memref<3x4096x1024xf32, #tpu.memory_space<hbm>> -> memref<1x4x1024xf32, #tpu.memory_space<hbm>>
    %dma_start3A_2637 = arith.constant 0 : i32
    %dma_start3A_2638 = arith.constant 0 : i32
    %dma_start3A_2639 = tpu.memref_slice %arg2[%dma_start3A_2637, %add3A_2633, %dma_start3A_2638] : memref<3x4096x1024xf32, #tpu.memory_space<hbm>> -> memref<1x4x1024xf32, #tpu.memory_space<hbm>>
    tpu.enqueue_dma source(%arg3 : memref<1x4x1024xf32, #tpu.memory_space<vmem>>) target(%dma_start3A_2639 : memref<1x4x1024xf32, #tpu.memory_space<hbm>>) target_semaphore(%arg4 : memref<!tpu.dma_semaphore, #tpu.memory_space<semaphore_mem>>)
    %add3A_2640 = arith.constant 40 : i32
    %add3A_2641 = arith.addi %mul3A_2560, %add3A_2640 : i32
    %dma_start3A_2642 = arith.constant 0 : i32
    %dma_start3A_2643 = arith.constant 0 : i32
    %dma_start3A_2644 = tpu.memref_slice %arg2[%dma_start3A_2642, %add3A_2641, %dma_start3A_2643] : memref<3x4096x1024xf32, #tpu.memory_space<hbm>> -> memref<1x4x1024xf32, #tpu.memory_space<hbm>>
    %dma_start3A_2645 = arith.constant 0 : i32
    %dma_start3A_2646 = arith.constant 0 : i32
    %dma_start3A_2647 = tpu.memref_slice %arg2[%dma_start3A_2645, %add3A_2641, %dma_start3A_2646] : memref<3x4096x1024xf32, #tpu.memory_space<hbm>> -> memref<1x4x1024xf32, #tpu.memory_space<hbm>>
    tpu.enqueue_dma source(%arg3 : memref<1x4x1024xf32, #tpu.memory_space<vmem>>) target(%dma_start3A_2647 : memref<1x4x1024xf32, #tpu.memory_space<hbm>>) target_semaphore(%arg4 : memref<!tpu.dma_semaphore, #tpu.memory_space<semaphore_mem>>)
    %add3A_2648 = arith.constant 44 : i32
    %add3A_2649 = arith.addi %mul3A_2560, %add3A_2648 : i32
    %dma_start3A_2650 = arith.constant 0 : i32
    %dma_start3A_2651 = arith.constant 0 : i32
    %dma_start3A_2652 = tpu.memref_slice %arg2[%dma_start3A_2650, %add3A_2649, %dma_start3A_2651] : memref<3x4096x1024xf32, #tpu.memory_space<hbm>> -> memref<1x4x1024xf32, #tpu.memory_space<hbm>>
    %dma_start3A_2653 = arith.constant 0 : i32
    %dma_start3A_2654 = arith.constant 0 : i32
    %dma_start3A_2655 = tpu.memref_slice %arg2[%dma_start3A_2653, %add3A_2649, %dma_start3A_2654] : memref<3x4096x1024xf32, #tpu.memory_space<hbm>> -> memref<1x4x1024xf32, #tpu.memory_space<hbm>>
    tpu.enqueue_dma source(%arg3 : memref<1x4x1024xf32, #tpu.memory_space<vmem>>) target(%dma_start3A_2655 : memref<1x4x1024xf32, #tpu.memory_space<hbm>>) target_semaphore(%arg4 : memref<!tpu.dma_semaphore, #tpu.memory_space<semaphore_mem>>)
    %add3A_2656 = arith.constant 48 : i32
    %add3A_2657 = arith.addi %mul3A_2560, %add3A_2656 : i32
    %dma_start3A_2658 = arith.constant 0 : i32
    %dma_start3A_2659 = arith.constant 0 : i32
    %dma_start3A_2660 = tpu.memref_slice %arg2[%dma_start3A_2658, %add3A_2657, %dma_start3A_2659] : memref<3x4096x1024xf32, #tpu.memory_space<hbm>> -> memref<1x4x1024xf32, #tpu.memory_space<hbm>>
    %dma_start3A_2661 = arith.constant 0 : i32
    %dma_start3A_2662 = arith.constant 0 : i32
    %dma_start3A_2663 = tpu.memref_slice %arg2[%dma_start3A_2661, %add3A_2657, %dma_start3A_2662] : memref<3x4096x1024xf32, #tpu.memory_space<hbm>> -> memref<1x4x1024xf32, #tpu.memory_space<hbm>>
    tpu.enqueue_dma source(%arg3 : memref<1x4x1024xf32, #tpu.memory_space<vmem>>) target(%dma_start3A_2663 : memref<1x4x1024xf32, #tpu.memory_space<hbm>>) target_semaphore(%arg4 : memref<!tpu.dma_semaphore, #tpu.memory_space<semaphore_mem>>)
    %add3A_2664 = arith.constant 52 : i32
    %add3A_2665 = arith.addi %mul3A_2560, %add3A_2664 : i32
    %dma_start3A_2666 = arith.constant 0 : i32
    %dma_start3A_2667 = arith.constant 0 : i32
    %dma_start3A_2668 = tpu.memref_slice %arg2[%dma_start3A_2666, %add3A_2665, %dma_start3A_2667] : memref<3x4096x1024xf32, #tpu.memory_space<hbm>> -> memref<1x4x1024xf32, #tpu.memory_space<hbm>>
    %dma_start3A_2669 = arith.constant 0 : i32
    %dma_start3A_2670 = arith.constant 0 : i32
    %dma_start3A_2671 = tpu.memref_slice %arg2[%dma_start3A_2669, %add3A_2665, %dma_start3A_2670] : memref<3x4096x1024xf32, #tpu.memory_space<hbm>> -> memref<1x4x1024xf32, #tpu.memory_space<hbm>>
    tpu.enqueue_dma source(%arg3 : memref<1x4x1024xf32, #tpu.memory_space<vmem>>) target(%dma_start3A_2671 : memref<1x4x1024xf32, #tpu.memory_space<hbm>>) target_semaphore(%arg4 : memref<!tpu.dma_semaphore, #tpu.memory_space<semaphore_mem>>)
    %add3A_2672 = arith.constant 56 : i32
    %add3A_2673 = arith.addi %mul3A_2560, %add3A_2672 : i32
    %dma_start3A_2674 = arith.constant 0 : i32
    %dma_start3A_2675 = arith.constant 0 : i32
    %dma_start3A_2676 = tpu.memref_slice %arg2[%dma_start3A_2674, %add3A_2673, %dma_start3A_2675] : memref<3x4096x1024xf32, #tpu.memory_space<hbm>> -> memref<1x4x1024xf32, #tpu.memory_space<hbm>>
    %dma_start3A_2677 = arith.constant 0 : i32
    %dma_start3A_2678 = arith.constant 0 : i32
    %dma_start3A_2679 = tpu.memref_slice %arg2[%dma_start3A_2677, %add3A_2673, %dma_start3A_2678] : memref<3x4096x1024xf32, #tpu.memory_space<hbm>> -> memref<1x4x1024xf32, #tpu.memory_space<hbm>>
    tpu.enqueue_dma source(%arg3 : memref<1x4x1024xf32, #tpu.memory_space<vmem>>) target(%dma_start3A_2679 : memref<1x4x1024xf32, #tpu.memory_space<hbm>>) target_semaphore(%arg4 : memref<!tpu.dma_semaphore, #tpu.memory_space<semaphore_mem>>)
    %add3A_2680 = arith.constant 60 : i32
    %add3A_2681 = arith.addi %mul3A_2560, %add3A_2680 : i32
    %dma_start3A_2682 = arith.constant 0 : i32
    %dma_start3A_2683 = arith.constant 0 : i32
    %dma_start3A_2684 = tpu.memref_slice %arg2[%dma_start3A_2682, %add3A_2681, %dma_start3A_2683] : memref<3x4096x1024xf32, #tpu.memory_space<hbm>> -> memref<1x4x1024xf32, #tpu.memory_space<hbm>>
    %dma_start3A_2685 = arith.constant 0 : i32
    %dma_start3A_2686 = arith.constant 0 : i32
    %dma_start3A_2687 = tpu.memref_slice %arg2[%dma_start3A_2685, %add3A_2681, %dma_start3A_2686] : memref<3x4096x1024xf32, #tpu.memory_space<hbm>> -> memref<1x4x1024xf32, #tpu.memory_space<hbm>>
    tpu.enqueue_dma source(%arg3 : memref<1x4x1024xf32, #tpu.memory_space<vmem>>) target(%dma_start3A_2687 : memref<1x4x1024xf32, #tpu.memory_space<hbm>>) target_semaphore(%arg4 : memref<!tpu.dma_semaphore, #tpu.memory_space<semaphore_mem>>)
    %add3A_2688 = arith.constant 64 : i32
    %add3A_2689 = arith.addi %mul3A_2560, %add3A_2688 : i32
    %dma_start3A_2690 = arith.constant 0 : i32
    %dma_start3A_2691 = arith.constant 0 : i32
    %dma_start3A_2692 = tpu.memref_slice %arg2[%dma_start3A_2690, %add3A_2689, %dma_start3A_2691] : memref<3x4096x1024xf32, #tpu.memory_space<hbm>> -> memref<1x4x1024xf32, #tpu.memory_space<hbm>>
    %dma_start3A_2693 = arith.constant 0 : i32
    %dma_start3A_2694 = arith.constant 0 : i32
    %dma_start3A_2695 = tpu.memref_slice %arg2[%dma_start3A_2693, %add3A_2689, %dma_start3A_2694] : memref<3x4096x1024xf32, #tpu.memory_space<hbm>> -> memref<1x4x1024xf32, #tpu.memory_space<hbm>>
    tpu.enqueue_dma source(%arg3 : memref<1x4x1024xf32, #tpu.memory_space<vmem>>) target(%dma_start3A_2695 : memref<1x4x1024xf32, #tpu.memory_space<hbm>>) target_semaphore(%arg4 : memref<!tpu.dma_semaphore, #tpu.memory_space<semaphore_mem>>)
    %add3A_2696 = arith.constant 68 : i32
    %add3A_2697 = arith.addi %mul3A_2560, %add3A_2696 : i32
    %dma_start3A_2698 = arith.constant 0 : i32
    %dma_start3A_2699 = arith.constant 0 : i32
    %dma_start3A_2700 = tpu.memref_slice %arg2[%dma_start3A_2698, %add3A_2697, %dma_start3A_2699] : memref<3x4096x1024xf32, #tpu.memory_space<hbm>> -> memref<1x4x1024xf32, #tpu.memory_space<hbm>>
    %dma_start3A_2701 = arith.constant 0 : i32
    %dma_start3A_2702 = arith.constant 0 : i32
    %dma_start3A_2703 = tpu.memref_slice %arg2[%dma_start3A_2701, %add3A_2697, %dma_start3A_2702] : memref<3x4096x1024xf32, #tpu.memory_space<hbm>> -> memref<1x4x1024xf32, #tpu.memory_space<hbm>>
    tpu.enqueue_dma source(%arg3 : memref<1x4x1024xf32, #tpu.memory_space<vmem>>) target(%dma_start3A_2703 : memref<1x4x1024xf32, #tpu.memory_space<hbm>>) target_semaphore(%arg4 : memref<!tpu.dma_semaphore, #tpu.memory_space<semaphore_mem>>)
    %add3A_2704 = arith.constant 72 : i32
    %add3A_2705 = arith.addi %mul3A_2560, %add3A_2704 : i32
    %dma_start3A_2706 = arith.constant 0 : i32
    %dma_start3A_2707 = arith.constant 0 : i32
    %dma_start3A_2708 = tpu.memref_slice %arg2[%dma_start3A_2706, %add3A_2705, %dma_start3A_2707] : memref<3x4096x1024xf32, #tpu.memory_space<hbm>> -> memref<1x4x1024xf32, #tpu.memory_space<hbm>>
    %dma_start3A_2709 = arith.constant 0 : i32
    %dma_start3A_2710 = arith.constant 0 : i32
    %dma_start3A_2711 = tpu.memref_slice %arg2[%dma_start3A_2709, %add3A_2705, %dma_start3A_2710] : memref<3x4096x1024xf32, #tpu.memory_space<hbm>> -> memref<1x4x1024xf32, #tpu.memory_space<hbm>>
    tpu.enqueue_dma source(%arg3 : memref<1x4x1024xf32, #tpu.memory_space<vmem>>) target(%dma_start3A_2711 : memref<1x4x1024xf32, #tpu.memory_space<hbm>>) target_semaphore(%arg4 : memref<!tpu.dma_semaphore, #tpu.memory_space<semaphore_mem>>)
    %add3A_2712 = arith.constant 76 : i32
    %add3A_2713 = arith.addi %mul3A_2560, %add3A_2712 : i32
    %dma_start3A_2714 = arith.constant 0 : i32
    %dma_start3A_2715 = arith.constant 0 : i32
    %dma_start3A_2716 = tpu.memref_slice %arg2[%dma_start3A_2714, %add3A_2713, %dma_start3A_2715] : memref<3x4096x1024xf32, #tpu.memory_space<hbm>> -> memref<1x4x1024xf32, #tpu.memory_space<hbm>>
    %dma_start3A_2717 = arith.constant 0 : i32
    %dma_start3A_2718 = arith.constant 0 : i32
    %dma_start3A_2719 = tpu.memref_slice %arg2[%dma_start3A_2717, %add3A_2713, %dma_start3A_2718] : memref<3x4096x1024xf32, #tpu.memory_space<hbm>> -> memref<1x4x1024xf32, #tpu.memory_space<hbm>>
    tpu.enqueue_dma source(%arg3 : memref<1x4x1024xf32, #tpu.memory_space<vmem>>) target(%dma_start3A_2719 : memref<1x4x1024xf32, #tpu.memory_space<hbm>>) target_semaphore(%arg4 : memref<!tpu.dma_semaphore, #tpu.memory_space<semaphore_mem>>)
    %add3A_2720 = arith.constant 80 : i32
    %add3A_2721 = arith.addi %mul3A_2560, %add3A_2720 : i32
    %dma_start3A_2722 = arith.constant 0 : i32
    %dma_start3A_2723 = arith.constant 0 : i32
    %dma_start3A_2724 = tpu.memref_slice %arg2[%dma_start3A_2722, %add3A_2721, %dma_start3A_2723] : memref<3x4096x1024xf32, #tpu.memory_space<hbm>> -> memref<1x4x1024xf32, #tpu.memory_space<hbm>>
    %dma_start3A_2725 = arith.constant 0 : i32
    %dma_start3A_2726 = arith.constant 0 : i32
    %dma_start3A_2727 = tpu.memref_slice %arg2[%dma_start3A_2725, %add3A_2721, %dma_start3A_2726] : memref<3x4096x1024xf32, #tpu.memory_space<hbm>> -> memref<1x4x1024xf32, #tpu.memory_space<hbm>>
    tpu.enqueue_dma source(%arg3 : memref<1x4x1024xf32, #tpu.memory_space<vmem>>) target(%dma_start3A_2727 : memref<1x4x1024xf32, #tpu.memory_space<hbm>>) target_semaphore(%arg4 : memref<!tpu.dma_semaphore, #tpu.memory_space<semaphore_mem>>)
    %add3A_2728 = arith.constant 84 : i32
    %add3A_2729 = arith.addi %mul3A_2560, %add3A_2728 : i32
    %dma_start3A_2730 = arith.constant 0 : i32
    %dma_start3A_2731 = arith.constant 0 : i32
    %dma_start3A_2732 = tpu.memref_slice %arg2[%dma_start3A_2730, %add3A_2729, %dma_start3A_2731] : memref<3x4096x1024xf32, #tpu.memory_space<hbm>> -> memref<1x4x1024xf32, #tpu.memory_space<hbm>>
    %dma_start3A_2733 = arith.constant 0 : i32
    %dma_start3A_2734 = arith.constant 0 : i32
    %dma_start3A_2735 = tpu.memref_slice %arg2[%dma_start3A_2733, %add3A_2729, %dma_start3A_2734] : memref<3x4096x1024xf32, #tpu.memory_space<hbm>> -> memref<1x4x1024xf32, #tpu.memory_space<hbm>>
    tpu.enqueue_dma source(%arg3 : memref<1x4x1024xf32, #tpu.memory_space<vmem>>) target(%dma_start3A_2735 : memref<1x4x1024xf32, #tpu.memory_space<hbm>>) target_semaphore(%arg4 : memref<!tpu.dma_semaphore, #tpu.memory_space<semaphore_mem>>)
    %add3A_2736 = arith.constant 88 : i32
    %add3A_2737 = arith.addi %mul3A_2560, %add3A_2736 : i32
    %dma_start3A_2738 = arith.constant 0 : i32
    %dma_start3A_2739 = arith.constant 0 : i32
    %dma_start3A_2740 = tpu.memref_slice %arg2[%dma_start3A_2738, %add3A_2737, %dma_start3A_2739] : memref<3x4096x1024xf32, #tpu.memory_space<hbm>> -> memref<1x4x1024xf32, #tpu.memory_space<hbm>>
    %dma_start3A_2741 = arith.constant 0 : i32
    %dma_start3A_2742 = arith.constant 0 : i32
    %dma_start3A_2743 = tpu.memref_slice %arg2[%dma_start3A_2741, %add3A_2737, %dma_start3A_2742] : memref<3x4096x1024xf32, #tpu.memory_space<hbm>> -> memref<1x4x1024xf32, #tpu.memory_space<hbm>>
    tpu.enqueue_dma source(%arg3 : memref<1x4x1024xf32, #tpu.memory_space<vmem>>) target(%dma_start3A_2743 : memref<1x4x1024xf32, #tpu.memory_space<hbm>>) target_semaphore(%arg4 : memref<!tpu.dma_semaphore, #tpu.memory_space<semaphore_mem>>)
    %add3A_2744 = arith.constant 92 : i32
    %add3A_2745 = arith.addi %mul3A_2560, %add3A_2744 : i32
    %dma_start3A_2746 = arith.constant 0 : i32
    %dma_start3A_2747 = arith.constant 0 : i32
    %dma_start3A_2748 = tpu.memref_slice %arg2[%dma_start3A_2746, %add3A_2745, %dma_start3A_2747] : memref<3x4096x1024xf32, #tpu.memory_space<hbm>> -> memref<1x4x1024xf32, #tpu.memory_space<hbm>>
    %dma_start3A_2749 = arith.constant 0 : i32
    %dma_start3A_2750 = arith.constant 0 : i32
    %dma_start3A_2751 = tpu.memref_slice %arg2[%dma_start3A_2749, %add3A_2745, %dma_start3A_2750] : memref<3x4096x1024xf32, #tpu.memory_space<hbm>> -> memref<1x4x1024xf32, #tpu.memory_space<hbm>>
    tpu.enqueue_dma source(%arg3 : memref<1x4x1024xf32, #tpu.memory_space<vmem>>) target(%dma_start3A_2751 : memref<1x4x1024xf32, #tpu.memory_space<hbm>>) target_semaphore(%arg4 : memref<!tpu.dma_semaphore, #tpu.memory_space<semaphore_mem>>)
    %add3A_2752 = arith.constant 96 : i32
    %add3A_2753 = arith.addi %mul3A_2560, %add3A_2752 : i32
    %dma_start3A_2754 = arith.constant 0 : i32
    %dma_start3A_2755 = arith.constant 0 : i32
    %dma_start3A_2756 = tpu.memref_slice %arg2[%dma_start3A_2754, %add3A_2753, %dma_start3A_2755] : memref<3x4096x1024xf32, #tpu.memory_space<hbm>> -> memref<1x4x1024xf32, #tpu.memory_space<hbm>>
    %dma_start3A_2757 = arith.constant 0 : i32
    %dma_start3A_2758 = arith.constant 0 : i32
    %dma_start3A_2759 = tpu.memref_slice %arg2[%dma_start3A_2757, %add3A_2753, %dma_start3A_2758] : memref<3x4096x1024xf32, #tpu.memory_space<hbm>> -> memref<1x4x1024xf32, #tpu.memory_space<hbm>>
    tpu.enqueue_dma source(%arg3 : memref<1x4x1024xf32, #tpu.memory_space<vmem>>) target(%dma_start3A_2759 : memref<1x4x1024xf32, #tpu.memory_space<hbm>>) target_semaphore(%arg4 : memref<!tpu.dma_semaphore, #tpu.memory_space<semaphore_mem>>)
    %add3A_2760 = arith.constant 100 : i32
    %add3A_2761 = arith.addi %mul3A_2560, %add3A_2760 : i32
    %dma_start3A_2762 = arith.constant 0 : i32
    %dma_start3A_2763 = arith.constant 0 : i32
    %dma_start3A_2764 = tpu.memref_slice %arg2[%dma_start3A_2762, %add3A_2761, %dma_start3A_2763] : memref<3x4096x1024xf32, #tpu.memory_space<hbm>> -> memref<1x4x1024xf32, #tpu.memory_space<hbm>>
    %dma_start3A_2765 = arith.constant 0 : i32
    %dma_start3A_2766 = arith.constant 0 : i32
    %dma_start3A_2767 = tpu.memref_slice %arg2[%dma_start3A_2765, %add3A_2761, %dma_start3A_2766] : memref<3x4096x1024xf32, #tpu.memory_space<hbm>> -> memref<1x4x1024xf32, #tpu.memory_space<hbm>>
    tpu.enqueue_dma source(%arg3 : memref<1x4x1024xf32, #tpu.memory_space<vmem>>) target(%dma_start3A_2767 : memref<1x4x1024xf32, #tpu.memory_space<hbm>>) target_semaphore(%arg4 : memref<!tpu.dma_semaphore, #tpu.memory_space<semaphore_mem>>)
    %add3A_2768 = arith.constant 104 : i32
    %add3A_2769 = arith.addi %mul3A_2560, %add3A_2768 : i32
    %dma_start3A_2770 = arith.constant 0 : i32
    %dma_start3A_2771 = arith.constant 0 : i32
    %dma_start3A_2772 = tpu.memref_slice %arg2[%dma_start3A_2770, %add3A_2769, %dma_start3A_2771] : memref<3x4096x1024xf32, #tpu.memory_space<hbm>> -> memref<1x4x1024xf32, #tpu.memory_space<hbm>>
    %dma_start3A_2773 = arith.constant 0 : i32
    %dma_start3A_2774 = arith.constant 0 : i32
    %dma_start3A_2775 = tpu.memref_slice %arg2[%dma_start3A_2773, %add3A_2769, %dma_start3A_2774] : memref<3x4096x1024xf32, #tpu.memory_space<hbm>> -> memref<1x4x1024xf32, #tpu.memory_space<hbm>>
    tpu.enqueue_dma source(%arg3 : memref<1x4x1024xf32, #tpu.memory_space<vmem>>) target(%dma_start3A_2775 : memref<1x4x1024xf32, #tpu.memory_space<hbm>>) target_semaphore(%arg4 : memref<!tpu.dma_semaphore, #tpu.memory_space<semaphore_mem>>)
    %add3A_2776 = arith.constant 108 : i32
    %add3A_2777 = arith.addi %mul3A_2560, %add3A_2776 : i32
    %dma_start3A_2778 = arith.constant 0 : i32
    %dma_start3A_2779 = arith.constant 0 : i32
    %dma_start3A_2780 = tpu.memref_slice %arg2[%dma_start3A_2778, %add3A_2777, %dma_start3A_2779] : memref<3x4096x1024xf32, #tpu.memory_space<hbm>> -> memref<1x4x1024xf32, #tpu.memory_space<hbm>>
    %dma_start3A_2781 = arith.constant 0 : i32
    %dma_start3A_2782 = arith.constant 0 : i32
    %dma_start3A_2783 = tpu.memref_slice %arg2[%dma_start3A_2781, %add3A_2777, %dma_start3A_2782] : memref<3x4096x1024xf32, #tpu.memory_space<hbm>> -> memref<1x4x1024xf32, #tpu.memory_space<hbm>>
    tpu.enqueue_dma source(%arg3 : memref<1x4x1024xf32, #tpu.memory_space<vmem>>) target(%dma_start3A_2783 : memref<1x4x1024xf32, #tpu.memory_space<hbm>>) target_semaphore(%arg4 : memref<!tpu.dma_semaphore, #tpu.memory_space<semaphore_mem>>)
    %add3A_2784 = arith.constant 112 : i32
    %add3A_2785 = arith.addi %mul3A_2560, %add3A_2784 : i32
    %dma_start3A_2786 = arith.constant 0 : i32
    %dma_start3A_2787 = arith.constant 0 : i32
    %dma_start3A_2788 = tpu.memref_slice %arg2[%dma_start3A_2786, %add3A_2785, %dma_start3A_2787] : memref<3x4096x1024xf32, #tpu.memory_space<hbm>> -> memref<1x4x1024xf32, #tpu.memory_space<hbm>>
    %dma_start3A_2789 = arith.constant 0 : i32
    %dma_start3A_2790 = arith.constant 0 : i32
    %dma_start3A_2791 = tpu.memref_slice %arg2[%dma_start3A_2789, %add3A_2785, %dma_start3A_2790] : memref<3x4096x1024xf32, #tpu.memory_space<hbm>> -> memref<1x4x1024xf32, #tpu.memory_space<hbm>>
    tpu.enqueue_dma source(%arg3 : memref<1x4x1024xf32, #tpu.memory_space<vmem>>) target(%dma_start3A_2791 : memref<1x4x1024xf32, #tpu.memory_space<hbm>>) target_semaphore(%arg4 : memref<!tpu.dma_semaphore, #tpu.memory_space<semaphore_mem>>)
    %add3A_2792 = arith.constant 116 : i32
    %add3A_2793 = arith.addi %mul3A_2560, %add3A_2792 : i32
    %dma_start3A_2794 = arith.constant 0 : i32
    %dma_start3A_2795 = arith.constant 0 : i32
    %dma_start3A_2796 = tpu.memref_slice %arg2[%dma_start3A_2794, %add3A_2793, %dma_start3A_2795] : memref<3x4096x1024xf32, #tpu.memory_space<hbm>> -> memref<1x4x1024xf32, #tpu.memory_space<hbm>>
    %dma_start3A_2797 = arith.constant 0 : i32
    %dma_start3A_2798 = arith.constant 0 : i32
    %dma_start3A_2799 = tpu.memref_slice %arg2[%dma_start3A_2797, %add3A_2793, %dma_start3A_2798] : memref<3x4096x1024xf32, #tpu.memory_space<hbm>> -> memref<1x4x1024xf32, #tpu.memory_space<hbm>>
    tpu.enqueue_dma source(%arg3 : memref<1x4x1024xf32, #tpu.memory_space<vmem>>) target(%dma_start3A_2799 : memref<1x4x1024xf32, #tpu.memory_space<hbm>>) target_semaphore(%arg4 : memref<!tpu.dma_semaphore, #tpu.memory_space<semaphore_mem>>)
    %add3A_2800 = arith.constant 120 : i32
    %add3A_2801 = arith.addi %mul3A_2560, %add3A_2800 : i32
    %dma_start3A_2802 = arith.constant 0 : i32
    %dma_start3A_2803 = arith.constant 0 : i32
    %dma_start3A_2804 = tpu.memref_slice %arg2[%dma_start3A_2802, %add3A_2801, %dma_start3A_2803] : memref<3x4096x1024xf32, #tpu.memory_space<hbm>> -> memref<1x4x1024xf32, #tpu.memory_space<hbm>>
    %dma_start3A_2805 = arith.constant 0 : i32
    %dma_start3A_2806 = arith.constant 0 : i32
    %dma_start3A_2807 = tpu.memref_slice %arg2[%dma_start3A_2805, %add3A_2801, %dma_start3A_2806] : memref<3x4096x1024xf32, #tpu.memory_space<hbm>> -> memref<1x4x1024xf32, #tpu.memory_space<hbm>>
    tpu.enqueue_dma source(%arg3 : memref<1x4x1024xf32, #tpu.memory_space<vmem>>) target(%dma_start3A_2807 : memref<1x4x1024xf32, #tpu.memory_space<hbm>>) target_semaphore(%arg4 : memref<!tpu.dma_semaphore, #tpu.memory_space<semaphore_mem>>)
    %add3A_2808 = arith.constant 124 : i32
    %add3A_2809 = arith.addi %mul3A_2560, %add3A_2808 : i32
    %dma_start3A_2810 = arith.constant 0 : i32
    %dma_start3A_2811 = arith.constant 0 : i32
    %dma_start3A_2812 = tpu.memref_slice %arg2[%dma_start3A_2810, %add3A_2809, %dma_start3A_2811] : memref<3x4096x1024xf32, #tpu.memory_space<hbm>> -> memref<1x4x1024xf32, #tpu.memory_space<hbm>>
    %dma_start3A_2813 = arith.constant 0 : i32
    %dma_start3A_2814 = arith.constant 0 : i32
    %dma_start3A_2815 = tpu.memref_slice %arg2[%dma_start3A_2813, %add3A_2809, %dma_start3A_2814] : memref<3x4096x1024xf32, #tpu.memory_space<hbm>> -> memref<1x4x1024xf32, #tpu.memory_space<hbm>>
    tpu.enqueue_dma source(%arg3 : memref<1x4x1024xf32, #tpu.memory_space<vmem>>) target(%dma_start3A_2815 : memref<1x4x1024xf32, #tpu.memory_space<hbm>>) target_semaphore(%arg4 : memref<!tpu.dma_semaphore, #tpu.memory_space<semaphore_mem>>)
    %dma_wait3A = arith.constant 0 : i32
    %dma_wait3A_2816 = arith.constant 0 : i32
    %dma_wait3A_2817 = tpu.memref_slice %arg2[%dma_wait3A, %add3A_2562, %dma_wait3A_2816] : memref<3x4096x1024xf32, #tpu.memory_space<hbm>> -> memref<1x4x1024xf32, #tpu.memory_space<hbm>>
    %dma_wait3A_2818 = arith.constant 0 : i32
    %dma_wait3A_2819 = arith.constant 0 : i32
    %dma_wait3A_2820 = tpu.memref_slice %arg2[%dma_wait3A_2818, %add3A_2562, %dma_wait3A_2819] : memref<3x4096x1024xf32, #tpu.memory_space<hbm>> -> memref<1x4x1024xf32, #tpu.memory_space<hbm>>
    tpu.wait_dma2 semaphore(%arg4 : memref<!tpu.dma_semaphore, #tpu.memory_space<semaphore_mem>>) src(%arg3 : memref<1x4x1024xf32, #tpu.memory_space<vmem>>) dst(%dma_wait3A_2820 : memref<1x4x1024xf32, #tpu.memory_space<hbm>>)
    %dma_wait3A_2821 = arith.constant 0 : i32
    %dma_wait3A_2822 = arith.constant 0 : i32
    %dma_wait3A_2823 = tpu.memref_slice %arg2[%dma_wait3A_2821, %add3A_2569, %dma_wait3A_2822] : memref<3x4096x1024xf32, #tpu.memory_space<hbm>> -> memref<1x4x1024xf32, #tpu.memory_space<hbm>>
    %dma_wait3A_2824 = arith.constant 0 : i32
    %dma_wait3A_2825 = arith.constant 0 : i32
    %dma_wait3A_2826 = tpu.memref_slice %arg2[%dma_wait3A_2824, %add3A_2569, %dma_wait3A_2825] : memref<3x4096x1024xf32, #tpu.memory_space<hbm>> -> memref<1x4x1024xf32, #tpu.memory_space<hbm>>
    tpu.wait_dma2 semaphore(%arg4 : memref<!tpu.dma_semaphore, #tpu.memory_space<semaphore_mem>>) src(%arg3 : memref<1x4x1024xf32, #tpu.memory_space<vmem>>) dst(%dma_wait3A_2826 : memref<1x4x1024xf32, #tpu.memory_space<hbm>>)
    %dma_wait3A_2827 = arith.constant 0 : i32
    %dma_wait3A_2828 = arith.constant 0 : i32
    %dma_wait3A_2829 = tpu.memref_slice %arg2[%dma_wait3A_2827, %add3A_2577, %dma_wait3A_2828] : memref<3x4096x1024xf32, #tpu.memory_space<hbm>> -> memref<1x4x1024xf32, #tpu.memory_space<hbm>>
    %dma_wait3A_2830 = arith.constant 0 : i32
    %dma_wait3A_2831 = arith.constant 0 : i32
    %dma_wait3A_2832 = tpu.memref_slice %arg2[%dma_wait3A_2830, %add3A_2577, %dma_wait3A_2831] : memref<3x4096x1024xf32, #tpu.memory_space<hbm>> -> memref<1x4x1024xf32, #tpu.memory_space<hbm>>
    tpu.wait_dma2 semaphore(%arg4 : memref<!tpu.dma_semaphore, #tpu.memory_space<semaphore_mem>>) src(%arg3 : memref<1x4x1024xf32, #tpu.memory_space<vmem>>) dst(%dma_wait3A_2832 : memref<1x4x1024xf32, #tpu.memory_space<hbm>>)
    %dma_wait3A_2833 = arith.constant 0 : i32
    %dma_wait3A_2834 = arith.constant 0 : i32
    %dma_wait3A_2835 = tpu.memref_slice %arg2[%dma_wait3A_2833, %add3A_2585, %dma_wait3A_2834] : memref<3x4096x1024xf32, #tpu.memory_space<hbm>> -> memref<1x4x1024xf32, #tpu.memory_space<hbm>>
    %dma_wait3A_2836 = arith.constant 0 : i32
    %dma_wait3A_2837 = arith.constant 0 : i32
    %dma_wait3A_2838 = tpu.memref_slice %arg2[%dma_wait3A_2836, %add3A_2585, %dma_wait3A_2837] : memref<3x4096x1024xf32, #tpu.memory_space<hbm>> -> memref<1x4x1024xf32, #tpu.memory_space<hbm>>
    tpu.wait_dma2 semaphore(%arg4 : memref<!tpu.dma_semaphore, #tpu.memory_space<semaphore_mem>>) src(%arg3 : memref<1x4x1024xf32, #tpu.memory_space<vmem>>) dst(%dma_wait3A_2838 : memref<1x4x1024xf32, #tpu.memory_space<hbm>>)
    %dma_wait3A_2839 = arith.constant 0 : i32
    %dma_wait3A_2840 = arith.constant 0 : i32
    %dma_wait3A_2841 = tpu.memref_slice %arg2[%dma_wait3A_2839, %add3A_2593, %dma_wait3A_2840] : memref<3x4096x1024xf32, #tpu.memory_space<hbm>> -> memref<1x4x1024xf32, #tpu.memory_space<hbm>>
    %dma_wait3A_2842 = arith.constant 0 : i32
    %dma_wait3A_2843 = arith.constant 0 : i32
    %dma_wait3A_2844 = tpu.memref_slice %arg2[%dma_wait3A_2842, %add3A_2593, %dma_wait3A_2843] : memref<3x4096x1024xf32, #tpu.memory_space<hbm>> -> memref<1x4x1024xf32, #tpu.memory_space<hbm>>
    tpu.wait_dma2 semaphore(%arg4 : memref<!tpu.dma_semaphore, #tpu.memory_space<semaphore_mem>>) src(%arg3 : memref<1x4x1024xf32, #tpu.memory_space<vmem>>) dst(%dma_wait3A_2844 : memref<1x4x1024xf32, #tpu.memory_space<hbm>>)
    %dma_wait3A_2845 = arith.constant 0 : i32
    %dma_wait3A_2846 = arith.constant 0 : i32
    %dma_wait3A_2847 = tpu.memref_slice %arg2[%dma_wait3A_2845, %add3A_2601, %dma_wait3A_2846] : memref<3x4096x1024xf32, #tpu.memory_space<hbm>> -> memref<1x4x1024xf32, #tpu.memory_space<hbm>>
    %dma_wait3A_2848 = arith.constant 0 : i32
    %dma_wait3A_2849 = arith.constant 0 : i32
    %dma_wait3A_2850 = tpu.memref_slice %arg2[%dma_wait3A_2848, %add3A_2601, %dma_wait3A_2849] : memref<3x4096x1024xf32, #tpu.memory_space<hbm>> -> memref<1x4x1024xf32, #tpu.memory_space<hbm>>
    tpu.wait_dma2 semaphore(%arg4 : memref<!tpu.dma_semaphore, #tpu.memory_space<semaphore_mem>>) src(%arg3 : memref<1x4x1024xf32, #tpu.memory_space<vmem>>) dst(%dma_wait3A_2850 : memref<1x4x1024xf32, #tpu.memory_space<hbm>>)
    %dma_wait3A_2851 = arith.constant 0 : i32
    %dma_wait3A_2852 = arith.constant 0 : i32
    %dma_wait3A_2853 = tpu.memref_slice %arg2[%dma_wait3A_2851, %add3A_2609, %dma_wait3A_2852] : memref<3x4096x1024xf32, #tpu.memory_space<hbm>> -> memref<1x4x1024xf32, #tpu.memory_space<hbm>>
    %dma_wait3A_2854 = arith.constant 0 : i32
    %dma_wait3A_2855 = arith.constant 0 : i32
    %dma_wait3A_2856 = tpu.memref_slice %arg2[%dma_wait3A_2854, %add3A_2609, %dma_wait3A_2855] : memref<3x4096x1024xf32, #tpu.memory_space<hbm>> -> memref<1x4x1024xf32, #tpu.memory_space<hbm>>
    tpu.wait_dma2 semaphore(%arg4 : memref<!tpu.dma_semaphore, #tpu.memory_space<semaphore_mem>>) src(%arg3 : memref<1x4x1024xf32, #tpu.memory_space<vmem>>) dst(%dma_wait3A_2856 : memref<1x4x1024xf32, #tpu.memory_space<hbm>>)
    %dma_wait3A_2857 = arith.constant 0 : i32
    %dma_wait3A_2858 = arith.constant 0 : i32
    %dma_wait3A_2859 = tpu.memref_slice %arg2[%dma_wait3A_2857, %add3A_2617, %dma_wait3A_2858] : memref<3x4096x1024xf32, #tpu.memory_space<hbm>> -> memref<1x4x1024xf32, #tpu.memory_space<hbm>>
    %dma_wait3A_2860 = arith.constant 0 : i32
    %dma_wait3A_2861 = arith.constant 0 : i32
    %dma_wait3A_2862 = tpu.memref_slice %arg2[%dma_wait3A_2860, %add3A_2617, %dma_wait3A_2861] : memref<3x4096x1024xf32, #tpu.memory_space<hbm>> -> memref<1x4x1024xf32, #tpu.memory_space<hbm>>
    tpu.wait_dma2 semaphore(%arg4 : memref<!tpu.dma_semaphore, #tpu.memory_space<semaphore_mem>>) src(%arg3 : memref<1x4x1024xf32, #tpu.memory_space<vmem>>) dst(%dma_wait3A_2862 : memref<1x4x1024xf32, #tpu.memory_space<hbm>>)
    %dma_wait3A_2863 = arith.constant 0 : i32
    %dma_wait3A_2864 = arith.constant 0 : i32
    %dma_wait3A_2865 = tpu.memref_slice %arg2[%dma_wait3A_2863, %add3A_2625, %dma_wait3A_2864] : memref<3x4096x1024xf32, #tpu.memory_space<hbm>> -> memref<1x4x1024xf32, #tpu.memory_space<hbm>>
    %dma_wait3A_2866 = arith.constant 0 : i32
    %dma_wait3A_2867 = arith.constant 0 : i32
    %dma_wait3A_2868 = tpu.memref_slice %arg2[%dma_wait3A_2866, %add3A_2625, %dma_wait3A_2867] : memref<3x4096x1024xf32, #tpu.memory_space<hbm>> -> memref<1x4x1024xf32, #tpu.memory_space<hbm>>
    tpu.wait_dma2 semaphore(%arg4 : memref<!tpu.dma_semaphore, #tpu.memory_space<semaphore_mem>>) src(%arg3 : memref<1x4x1024xf32, #tpu.memory_space<vmem>>) dst(%dma_wait3A_2868 : memref<1x4x1024xf32, #tpu.memory_space<hbm>>)
    %dma_wait3A_2869 = arith.constant 0 : i32
    %dma_wait3A_2870 = arith.constant 0 : i32
    %dma_wait3A_2871 = tpu.memref_slice %arg2[%dma_wait3A_2869, %add3A_2633, %dma_wait3A_2870] : memref<3x4096x1024xf32, #tpu.memory_space<hbm>> -> memref<1x4x1024xf32, #tpu.memory_space<hbm>>
    %dma_wait3A_2872 = arith.constant 0 : i32
    %dma_wait3A_2873 = arith.constant 0 : i32
    %dma_wait3A_2874 = tpu.memref_slice %arg2[%dma_wait3A_2872, %add3A_2633, %dma_wait3A_2873] : memref<3x4096x1024xf32, #tpu.memory_space<hbm>> -> memref<1x4x1024xf32, #tpu.memory_space<hbm>>
    tpu.wait_dma2 semaphore(%arg4 : memref<!tpu.dma_semaphore, #tpu.memory_space<semaphore_mem>>) src(%arg3 : memref<1x4x1024xf32, #tpu.memory_space<vmem>>) dst(%dma_wait3A_2874 : memref<1x4x1024xf32, #tpu.memory_space<hbm>>)
    %dma_wait3A_2875 = arith.constant 0 : i32
    %dma_wait3A_2876 = arith.constant 0 : i32
    %dma_wait3A_2877 = tpu.memref_slice %arg2[%dma_wait3A_2875, %add3A_2641, %dma_wait3A_2876] : memref<3x4096x1024xf32, #tpu.memory_space<hbm>> -> memref<1x4x1024xf32, #tpu.memory_space<hbm>>
    %dma_wait3A_2878 = arith.constant 0 : i32
    %dma_wait3A_2879 = arith.constant 0 : i32
    %dma_wait3A_2880 = tpu.memref_slice %arg2[%dma_wait3A_2878, %add3A_2641, %dma_wait3A_2879] : memref<3x4096x1024xf32, #tpu.memory_space<hbm>> -> memref<1x4x1024xf32, #tpu.memory_space<hbm>>
    tpu.wait_dma2 semaphore(%arg4 : memref<!tpu.dma_semaphore, #tpu.memory_space<semaphore_mem>>) src(%arg3 : memref<1x4x1024xf32, #tpu.memory_space<vmem>>) dst(%dma_wait3A_2880 : memref<1x4x1024xf32, #tpu.memory_space<hbm>>)
    %dma_wait3A_2881 = arith.constant 0 : i32
    %dma_wait3A_2882 = arith.constant 0 : i32
    %dma_wait3A_2883 = tpu.memref_slice %arg2[%dma_wait3A_2881, %add3A_2649, %dma_wait3A_2882] : memref<3x4096x1024xf32, #tpu.memory_space<hbm>> -> memref<1x4x1024xf32, #tpu.memory_space<hbm>>
    %dma_wait3A_2884 = arith.constant 0 : i32
    %dma_wait3A_2885 = arith.constant 0 : i32
    %dma_wait3A_2886 = tpu.memref_slice %arg2[%dma_wait3A_2884, %add3A_2649, %dma_wait3A_2885] : memref<3x4096x1024xf32, #tpu.memory_space<hbm>> -> memref<1x4x1024xf32, #tpu.memory_space<hbm>>
    tpu.wait_dma2 semaphore(%arg4 : memref<!tpu.dma_semaphore, #tpu.memory_space<semaphore_mem>>) src(%arg3 : memref<1x4x1024xf32, #tpu.memory_space<vmem>>) dst(%dma_wait3A_2886 : memref<1x4x1024xf32, #tpu.memory_space<hbm>>)
    %dma_wait3A_2887 = arith.constant 0 : i32
    %dma_wait3A_2888 = arith.constant 0 : i32
    %dma_wait3A_2889 = tpu.memref_slice %arg2[%dma_wait3A_2887, %add3A_2657, %dma_wait3A_2888] : memref<3x4096x1024xf32, #tpu.memory_space<hbm>> -> memref<1x4x1024xf32, #tpu.memory_space<hbm>>
    %dma_wait3A_2890 = arith.constant 0 : i32
    %dma_wait3A_2891 = arith.constant 0 : i32
    %dma_wait3A_2892 = tpu.memref_slice %arg2[%dma_wait3A_2890, %add3A_2657, %dma_wait3A_2891] : memref<3x4096x1024xf32, #tpu.memory_space<hbm>> -> memref<1x4x1024xf32, #tpu.memory_space<hbm>>
    tpu.wait_dma2 semaphore(%arg4 : memref<!tpu.dma_semaphore, #tpu.memory_space<semaphore_mem>>) src(%arg3 : memref<1x4x1024xf32, #tpu.memory_space<vmem>>) dst(%dma_wait3A_2892 : memref<1x4x1024xf32, #tpu.memory_space<hbm>>)
    %dma_wait3A_2893 = arith.constant 0 : i32
    %dma_wait3A_2894 = arith.constant 0 : i32
    %dma_wait3A_2895 = tpu.memref_slice %arg2[%dma_wait3A_2893, %add3A_2665, %dma_wait3A_2894] : memref<3x4096x1024xf32, #tpu.memory_space<hbm>> -> memref<1x4x1024xf32, #tpu.memory_space<hbm>>
    %dma_wait3A_2896 = arith.constant 0 : i32
    %dma_wait3A_2897 = arith.constant 0 : i32
    %dma_wait3A_2898 = tpu.memref_slice %arg2[%dma_wait3A_2896, %add3A_2665, %dma_wait3A_2897] : memref<3x4096x1024xf32, #tpu.memory_space<hbm>> -> memref<1x4x1024xf32, #tpu.memory_space<hbm>>
    tpu.wait_dma2 semaphore(%arg4 : memref<!tpu.dma_semaphore, #tpu.memory_space<semaphore_mem>>) src(%arg3 : memref<1x4x1024xf32, #tpu.memory_space<vmem>>) dst(%dma_wait3A_2898 : memref<1x4x1024xf32, #tpu.memory_space<hbm>>)
    %dma_wait3A_2899 = arith.constant 0 : i32
    %dma_wait3A_2900 = arith.constant 0 : i32
    %dma_wait3A_2901 = tpu.memref_slice %arg2[%dma_wait3A_2899, %add3A_2673, %dma_wait3A_2900] : memref<3x4096x1024xf32, #tpu.memory_space<hbm>> -> memref<1x4x1024xf32, #tpu.memory_space<hbm>>
    %dma_wait3A_2902 = arith.constant 0 : i32
    %dma_wait3A_2903 = arith.constant 0 : i32
    %dma_wait3A_2904 = tpu.memref_slice %arg2[%dma_wait3A_2902, %add3A_2673, %dma_wait3A_2903] : memref<3x4096x1024xf32, #tpu.memory_space<hbm>> -> memref<1x4x1024xf32, #tpu.memory_space<hbm>>
    tpu.wait_dma2 semaphore(%arg4 : memref<!tpu.dma_semaphore, #tpu.memory_space<semaphore_mem>>) src(%arg3 : memref<1x4x1024xf32, #tpu.memory_space<vmem>>) dst(%dma_wait3A_2904 : memref<1x4x1024xf32, #tpu.memory_space<hbm>>)
    %dma_wait3A_2905 = arith.constant 0 : i32
    %dma_wait3A_2906 = arith.constant 0 : i32
    %dma_wait3A_2907 = tpu.memref_slice %arg2[%dma_wait3A_2905, %add3A_2681, %dma_wait3A_2906] : memref<3x4096x1024xf32, #tpu.memory_space<hbm>> -> memref<1x4x1024xf32, #tpu.memory_space<hbm>>
    %dma_wait3A_2908 = arith.constant 0 : i32
    %dma_wait3A_2909 = arith.constant 0 : i32
    %dma_wait3A_2910 = tpu.memref_slice %arg2[%dma_wait3A_2908, %add3A_2681, %dma_wait3A_2909] : memref<3x4096x1024xf32, #tpu.memory_space<hbm>> -> memref<1x4x1024xf32, #tpu.memory_space<hbm>>
    tpu.wait_dma2 semaphore(%arg4 : memref<!tpu.dma_semaphore, #tpu.memory_space<semaphore_mem>>) src(%arg3 : memref<1x4x1024xf32, #tpu.memory_space<vmem>>) dst(%dma_wait3A_2910 : memref<1x4x1024xf32, #tpu.memory_space<hbm>>)
    %dma_wait3A_2911 = arith.constant 0 : i32
    %dma_wait3A_2912 = arith.constant 0 : i32
    %dma_wait3A_2913 = tpu.memref_slice %arg2[%dma_wait3A_2911, %add3A_2689, %dma_wait3A_2912] : memref<3x4096x1024xf32, #tpu.memory_space<hbm>> -> memref<1x4x1024xf32, #tpu.memory_space<hbm>>
    %dma_wait3A_2914 = arith.constant 0 : i32
    %dma_wait3A_2915 = arith.constant 0 : i32
    %dma_wait3A_2916 = tpu.memref_slice %arg2[%dma_wait3A_2914, %add3A_2689, %dma_wait3A_2915] : memref<3x4096x1024xf32, #tpu.memory_space<hbm>> -> memref<1x4x1024xf32, #tpu.memory_space<hbm>>
    tpu.wait_dma2 semaphore(%arg4 : memref<!tpu.dma_semaphore, #tpu.memory_space<semaphore_mem>>) src(%arg3 : memref<1x4x1024xf32, #tpu.memory_space<vmem>>) dst(%dma_wait3A_2916 : memref<1x4x1024xf32, #tpu.memory_space<hbm>>)
    %dma_wait3A_2917 = arith.constant 0 : i32
    %dma_wait3A_2918 = arith.constant 0 : i32
    %dma_wait3A_2919 = tpu.memref_slice %arg2[%dma_wait3A_2917, %add3A_2697, %dma_wait3A_2918] : memref<3x4096x1024xf32, #tpu.memory_space<hbm>> -> memref<1x4x1024xf32, #tpu.memory_space<hbm>>
    %dma_wait3A_2920 = arith.constant 0 : i32
    %dma_wait3A_2921 = arith.constant 0 : i32
    %dma_wait3A_2922 = tpu.memref_slice %arg2[%dma_wait3A_2920, %add3A_2697, %dma_wait3A_2921] : memref<3x4096x1024xf32, #tpu.memory_space<hbm>> -> memref<1x4x1024xf32, #tpu.memory_space<hbm>>
    tpu.wait_dma2 semaphore(%arg4 : memref<!tpu.dma_semaphore, #tpu.memory_space<semaphore_mem>>) src(%arg3 : memref<1x4x1024xf32, #tpu.memory_space<vmem>>) dst(%dma_wait3A_2922 : memref<1x4x1024xf32, #tpu.memory_space<hbm>>)
    %dma_wait3A_2923 = arith.constant 0 : i32
    %dma_wait3A_2924 = arith.constant 0 : i32
    %dma_wait3A_2925 = tpu.memref_slice %arg2[%dma_wait3A_2923, %add3A_2705, %dma_wait3A_2924] : memref<3x4096x1024xf32, #tpu.memory_space<hbm>> -> memref<1x4x1024xf32, #tpu.memory_space<hbm>>
    %dma_wait3A_2926 = arith.constant 0 : i32
    %dma_wait3A_2927 = arith.constant 0 : i32
    %dma_wait3A_2928 = tpu.memref_slice %arg2[%dma_wait3A_2926, %add3A_2705, %dma_wait3A_2927] : memref<3x4096x1024xf32, #tpu.memory_space<hbm>> -> memref<1x4x1024xf32, #tpu.memory_space<hbm>>
    tpu.wait_dma2 semaphore(%arg4 : memref<!tpu.dma_semaphore, #tpu.memory_space<semaphore_mem>>) src(%arg3 : memref<1x4x1024xf32, #tpu.memory_space<vmem>>) dst(%dma_wait3A_2928 : memref<1x4x1024xf32, #tpu.memory_space<hbm>>)
    %dma_wait3A_2929 = arith.constant 0 : i32
    %dma_wait3A_2930 = arith.constant 0 : i32
    %dma_wait3A_2931 = tpu.memref_slice %arg2[%dma_wait3A_2929, %add3A_2713, %dma_wait3A_2930] : memref<3x4096x1024xf32, #tpu.memory_space<hbm>> -> memref<1x4x1024xf32, #tpu.memory_space<hbm>>
    %dma_wait3A_2932 = arith.constant 0 : i32
    %dma_wait3A_2933 = arith.constant 0 : i32
    %dma_wait3A_2934 = tpu.memref_slice %arg2[%dma_wait3A_2932, %add3A_2713, %dma_wait3A_2933] : memref<3x4096x1024xf32, #tpu.memory_space<hbm>> -> memref<1x4x1024xf32, #tpu.memory_space<hbm>>
    tpu.wait_dma2 semaphore(%arg4 : memref<!tpu.dma_semaphore, #tpu.memory_space<semaphore_mem>>) src(%arg3 : memref<1x4x1024xf32, #tpu.memory_space<vmem>>) dst(%dma_wait3A_2934 : memref<1x4x1024xf32, #tpu.memory_space<hbm>>)
    %dma_wait3A_2935 = arith.constant 0 : i32
    %dma_wait3A_2936 = arith.constant 0 : i32
    %dma_wait3A_2937 = tpu.memref_slice %arg2[%dma_wait3A_2935, %add3A_2721, %dma_wait3A_2936] : memref<3x4096x1024xf32, #tpu.memory_space<hbm>> -> memref<1x4x1024xf32, #tpu.memory_space<hbm>>
    %dma_wait3A_2938 = arith.constant 0 : i32
    %dma_wait3A_2939 = arith.constant 0 : i32
    %dma_wait3A_2940 = tpu.memref_slice %arg2[%dma_wait3A_2938, %add3A_2721, %dma_wait3A_2939] : memref<3x4096x1024xf32, #tpu.memory_space<hbm>> -> memref<1x4x1024xf32, #tpu.memory_space<hbm>>
    tpu.wait_dma2 semaphore(%arg4 : memref<!tpu.dma_semaphore, #tpu.memory_space<semaphore_mem>>) src(%arg3 : memref<1x4x1024xf32, #tpu.memory_space<vmem>>) dst(%dma_wait3A_2940 : memref<1x4x1024xf32, #tpu.memory_space<hbm>>)
    %dma_wait3A_2941 = arith.constant 0 : i32
    %dma_wait3A_2942 = arith.constant 0 : i32
    %dma_wait3A_2943 = tpu.memref_slice %arg2[%dma_wait3A_2941, %add3A_2729, %dma_wait3A_2942] : memref<3x4096x1024xf32, #tpu.memory_space<hbm>> -> memref<1x4x1024xf32, #tpu.memory_space<hbm>>
    %dma_wait3A_2944 = arith.constant 0 : i32
    %dma_wait3A_2945 = arith.constant 0 : i32
    %dma_wait3A_2946 = tpu.memref_slice %arg2[%dma_wait3A_2944, %add3A_2729, %dma_wait3A_2945] : memref<3x4096x1024xf32, #tpu.memory_space<hbm>> -> memref<1x4x1024xf32, #tpu.memory_space<hbm>>
    tpu.wait_dma2 semaphore(%arg4 : memref<!tpu.dma_semaphore, #tpu.memory_space<semaphore_mem>>) src(%arg3 : memref<1x4x1024xf32, #tpu.memory_space<vmem>>) dst(%dma_wait3A_2946 : memref<1x4x1024xf32, #tpu.memory_space<hbm>>)
    %dma_wait3A_2947 = arith.constant 0 : i32
    %dma_wait3A_2948 = arith.constant 0 : i32
    %dma_wait3A_2949 = tpu.memref_slice %arg2[%dma_wait3A_2947, %add3A_2737, %dma_wait3A_2948] : memref<3x4096x1024xf32, #tpu.memory_space<hbm>> -> memref<1x4x1024xf32, #tpu.memory_space<hbm>>
    %dma_wait3A_2950 = arith.constant 0 : i32
    %dma_wait3A_2951 = arith.constant 0 : i32
    %dma_wait3A_2952 = tpu.memref_slice %arg2[%dma_wait3A_2950, %add3A_2737, %dma_wait3A_2951] : memref<3x4096x1024xf32, #tpu.memory_space<hbm>> -> memref<1x4x1024xf32, #tpu.memory_space<hbm>>
    tpu.wait_dma2 semaphore(%arg4 : memref<!tpu.dma_semaphore, #tpu.memory_space<semaphore_mem>>) src(%arg3 : memref<1x4x1024xf32, #tpu.memory_space<vmem>>) dst(%dma_wait3A_2952 : memref<1x4x1024xf32, #tpu.memory_space<hbm>>)
    %dma_wait3A_2953 = arith.constant 0 : i32
    %dma_wait3A_2954 = arith.constant 0 : i32
    %dma_wait3A_2955 = tpu.memref_slice %arg2[%dma_wait3A_2953, %add3A_2745, %dma_wait3A_2954] : memref<3x4096x1024xf32, #tpu.memory_space<hbm>> -> memref<1x4x1024xf32, #tpu.memory_space<hbm>>
    %dma_wait3A_2956 = arith.constant 0 : i32
    %dma_wait3A_2957 = arith.constant 0 : i32
    %dma_wait3A_2958 = tpu.memref_slice %arg2[%dma_wait3A_2956, %add3A_2745, %dma_wait3A_2957] : memref<3x4096x1024xf32, #tpu.memory_space<hbm>> -> memref<1x4x1024xf32, #tpu.memory_space<hbm>>
    tpu.wait_dma2 semaphore(%arg4 : memref<!tpu.dma_semaphore, #tpu.memory_space<semaphore_mem>>) src(%arg3 : memref<1x4x1024xf32, #tpu.memory_space<vmem>>) dst(%dma_wait3A_2958 : memref<1x4x1024xf32, #tpu.memory_space<hbm>>)
    %dma_wait3A_2959 = arith.constant 0 : i32
    %dma_wait3A_2960 = arith.constant 0 : i32
    %dma_wait3A_2961 = tpu.memref_slice %arg2[%dma_wait3A_2959, %add3A_2753, %dma_wait3A_2960] : memref<3x4096x1024xf32, #tpu.memory_space<hbm>> -> memref<1x4x1024xf32, #tpu.memory_space<hbm>>
    %dma_wait3A_2962 = arith.constant 0 : i32
    %dma_wait3A_2963 = arith.constant 0 : i32
    %dma_wait3A_2964 = tpu.memref_slice %arg2[%dma_wait3A_2962, %add3A_2753, %dma_wait3A_2963] : memref<3x4096x1024xf32, #tpu.memory_space<hbm>> -> memref<1x4x1024xf32, #tpu.memory_space<hbm>>
    tpu.wait_dma2 semaphore(%arg4 : memref<!tpu.dma_semaphore, #tpu.memory_space<semaphore_mem>>) src(%arg3 : memref<1x4x1024xf32, #tpu.memory_space<vmem>>) dst(%dma_wait3A_2964 : memref<1x4x1024xf32, #tpu.memory_space<hbm>>)
    %dma_wait3A_2965 = arith.constant 0 : i32
    %dma_wait3A_2966 = arith.constant 0 : i32
    %dma_wait3A_2967 = tpu.memref_slice %arg2[%dma_wait3A_2965, %add3A_2761, %dma_wait3A_2966] : memref<3x4096x1024xf32, #tpu.memory_space<hbm>> -> memref<1x4x1024xf32, #tpu.memory_space<hbm>>
    %dma_wait3A_2968 = arith.constant 0 : i32
    %dma_wait3A_2969 = arith.constant 0 : i32
    %dma_wait3A_2970 = tpu.memref_slice %arg2[%dma_wait3A_2968, %add3A_2761, %dma_wait3A_2969] : memref<3x4096x1024xf32, #tpu.memory_space<hbm>> -> memref<1x4x1024xf32, #tpu.memory_space<hbm>>
    tpu.wait_dma2 semaphore(%arg4 : memref<!tpu.dma_semaphore, #tpu.memory_space<semaphore_mem>>) src(%arg3 : memref<1x4x1024xf32, #tpu.memory_space<vmem>>) dst(%dma_wait3A_2970 : memref<1x4x1024xf32, #tpu.memory_space<hbm>>)
    %dma_wait3A_2971 = arith.constant 0 : i32
    %dma_wait3A_2972 = arith.constant 0 : i32
    %dma_wait3A_2973 = tpu.memref_slice %arg2[%dma_wait3A_2971, %add3A_2769, %dma_wait3A_2972] : memref<3x4096x1024xf32, #tpu.memory_space<hbm>> -> memref<1x4x1024xf32, #tpu.memory_space<hbm>>
    %dma_wait3A_2974 = arith.constant 0 : i32
    %dma_wait3A_2975 = arith.constant 0 : i32
    %dma_wait3A_2976 = tpu.memref_slice %arg2[%dma_wait3A_2974, %add3A_2769, %dma_wait3A_2975] : memref<3x4096x1024xf32, #tpu.memory_space<hbm>> -> memref<1x4x1024xf32, #tpu.memory_space<hbm>>
    tpu.wait_dma2 semaphore(%arg4 : memref<!tpu.dma_semaphore, #tpu.memory_space<semaphore_mem>>) src(%arg3 : memref<1x4x1024xf32, #tpu.memory_space<vmem>>) dst(%dma_wait3A_2976 : memref<1x4x1024xf32, #tpu.memory_space<hbm>>)
    %dma_wait3A_2977 = arith.constant 0 : i32
    %dma_wait3A_2978 = arith.constant 0 : i32
    %dma_wait3A_2979 = tpu.memref_slice %arg2[%dma_wait3A_2977, %add3A_2777, %dma_wait3A_2978] : memref<3x4096x1024xf32, #tpu.memory_space<hbm>> -> memref<1x4x1024xf32, #tpu.memory_space<hbm>>
    %dma_wait3A_2980 = arith.constant 0 : i32
    %dma_wait3A_2981 = arith.constant 0 : i32
    %dma_wait3A_2982 = tpu.memref_slice %arg2[%dma_wait3A_2980, %add3A_2777, %dma_wait3A_2981] : memref<3x4096x1024xf32, #tpu.memory_space<hbm>> -> memref<1x4x1024xf32, #tpu.memory_space<hbm>>
    tpu.wait_dma2 semaphore(%arg4 : memref<!tpu.dma_semaphore, #tpu.memory_space<semaphore_mem>>) src(%arg3 : memref<1x4x1024xf32, #tpu.memory_space<vmem>>) dst(%dma_wait3A_2982 : memref<1x4x1024xf32, #tpu.memory_space<hbm>>)
    %dma_wait3A_2983 = arith.constant 0 : i32
    %dma_wait3A_2984 = arith.constant 0 : i32
    %dma_wait3A_2985 = tpu.memref_slice %arg2[%dma_wait3A_2983, %add3A_2785, %dma_wait3A_2984] : memref<3x4096x1024xf32, #tpu.memory_space<hbm>> -> memref<1x4x1024xf32, #tpu.memory_space<hbm>>
    %dma_wait3A_2986 = arith.constant 0 : i32
    %dma_wait3A_2987 = arith.constant 0 : i32
    %dma_wait3A_2988 = tpu.memref_slice %arg2[%dma_wait3A_2986, %add3A_2785, %dma_wait3A_2987] : memref<3x4096x1024xf32, #tpu.memory_space<hbm>> -> memref<1x4x1024xf32, #tpu.memory_space<hbm>>
    tpu.wait_dma2 semaphore(%arg4 : memref<!tpu.dma_semaphore, #tpu.memory_space<semaphore_mem>>) src(%arg3 : memref<1x4x1024xf32, #tpu.memory_space<vmem>>) dst(%dma_wait3A_2988 : memref<1x4x1024xf32, #tpu.memory_space<hbm>>)
    %dma_wait3A_2989 = arith.constant 0 : i32
    %dma_wait3A_2990 = arith.constant 0 : i32
    %dma_wait3A_2991 = tpu.memref_slice %arg2[%dma_wait3A_2989, %add3A_2793, %dma_wait3A_2990] : memref<3x4096x1024xf32, #tpu.memory_space<hbm>> -> memref<1x4x1024xf32, #tpu.memory_space<hbm>>
    %dma_wait3A_2992 = arith.constant 0 : i32
    %dma_wait3A_2993 = arith.constant 0 : i32
    %dma_wait3A_2994 = tpu.memref_slice %arg2[%dma_wait3A_2992, %add3A_2793, %dma_wait3A_2993] : memref<3x4096x1024xf32, #tpu.memory_space<hbm>> -> memref<1x4x1024xf32, #tpu.memory_space<hbm>>
    tpu.wait_dma2 semaphore(%arg4 : memref<!tpu.dma_semaphore, #tpu.memory_space<semaphore_mem>>) src(%arg3 : memref<1x4x1024xf32, #tpu.memory_space<vmem>>) dst(%dma_wait3A_2994 : memref<1x4x1024xf32, #tpu.memory_space<hbm>>)
    %dma_wait3A_2995 = arith.constant 0 : i32
    %dma_wait3A_2996 = arith.constant 0 : i32
    %dma_wait3A_2997 = tpu.memref_slice %arg2[%dma_wait3A_2995, %add3A_2801, %dma_wait3A_2996] : memref<3x4096x1024xf32, #tpu.memory_space<hbm>> -> memref<1x4x1024xf32, #tpu.memory_space<hbm>>
    %dma_wait3A_2998 = arith.constant 0 : i32
    %dma_wait3A_2999 = arith.constant 0 : i32
    %dma_wait3A_3000 = tpu.memref_slice %arg2[%dma_wait3A_2998, %add3A_2801, %dma_wait3A_2999] : memref<3x4096x1024xf32, #tpu.memory_space<hbm>> -> memref<1x4x1024xf32, #tpu.memory_space<hbm>>
    tpu.wait_dma2 semaphore(%arg4 : memref<!tpu.dma_semaphore, #tpu.memory_space<semaphore_mem>>) src(%arg3 : memref<1x4x1024xf32, #tpu.memory_space<vmem>>) dst(%dma_wait3A_3000 : memref<1x4x1024xf32, #tpu.memory_space<hbm>>)
    %dma_wait3A_3001 = arith.constant 0 : i32
    %dma_wait3A_3002 = arith.constant 0 : i32
    %dma_wait3A_3003 = tpu.memref_slice %arg2[%dma_wait3A_3001, %add3A_2809, %dma_wait3A_3002] : memref<3x4096x1024xf32, #tpu.memory_space<hbm>> -> memref<1x4x1024xf32, #tpu.memory_space<hbm>>
    %dma_wait3A_3004 = arith.constant 0 : i32
    %dma_wait3A_3005 = arith.constant 0 : i32
    %dma_wait3A_3006 = tpu.memref_slice %arg2[%dma_wait3A_3004, %add3A_2809, %dma_wait3A_3005] : memref<3x4096x1024xf32, #tpu.memory_space<hbm>> -> memref<1x4x1024xf32, #tpu.memory_space<hbm>>
    tpu.wait_dma2 semaphore(%arg4 : memref<!tpu.dma_semaphore, #tpu.memory_space<semaphore_mem>>) src(%arg3 : memref<1x4x1024xf32, #tpu.memory_space<vmem>>) dst(%dma_wait3A_3006 : memref<1x4x1024xf32, #tpu.memory_space<hbm>>)
    return
  }
}

module attributes {stable_mosaic.version = 14 : i64} {
  func.func @_tc_body(%arg0: i32, %arg1: i32, %arg2: memref<1x512x1024xf32, #tpu.memory_space<vmem>>, %arg3: memref<3x4096x1024xf32, #tpu.memory_space<any>>, %arg4: memref<1x512x1024xf32, #tpu.memory_space<vmem>>, %arg5: memref<1x512x1024xf32, #tpu.memory_space<vmem>>) attributes {dimension_semantics = [#tpu.dimension_semantics<arbitrary>, #tpu.dimension_semantics<arbitrary>], iteration_bounds = array<i64: 8, 3>, scalar_prefetch = 0 : i64, scratch_operands = 0 : i64, tpu.core_type = #tpu.core_type<tc>, window_params = [{transform_indices = @transform_0, window_bounds = array<i64: 1, 512, 1024>}, {}, {transform_indices = @transform_2, window_bounds = array<i64: 1, 512, 1024>}, {transform_indices = @transform_3, window_bounds = array<i64: 1, 512, 1024>}]} {
    %get3A = arith.constant 0 : index
    %get3A_0 = arith.constant 0 : index
    %get3A_1 = arith.constant 0 : index
    %get3A_2 = vector.load %arg2[%get3A, %get3A_0, %get3A_1] : memref<1x512x1024xf32, #tpu.memory_space<vmem>>, vector<1x512x1024xf32>
    %swap3A = arith.constant 0 : index
    %swap3A_3 = arith.constant 0 : index
    %swap3A_4 = arith.constant 0 : index
    %swap3A_5 = vector.load %arg4[%swap3A, %swap3A_3, %swap3A_4] : memref<1x512x1024xf32, #tpu.memory_space<vmem>>, vector<1x512x1024xf32>
    tpu.vector_store %arg4[%swap3A, %swap3A_3, %swap3A_4], %get3A_2 {strides = array<i32>} : memref<1x512x1024xf32, #tpu.memory_space<vmem>>, vector<1x512x1024xf32>,
    %ge3A = arith.constant 1 : i32
    %ge3A_6 = arith.cmpi sge, %arg1, %ge3A : i32
    %convert_element_type3A = arith.extui %ge3A_6 : i1 to i32
    %cond3A = arith.constant 0 : i32
    %cond3A_7 = arith.cmpi ne, %convert_element_type3A, %cond3A : i32
    scf.if %cond3A_7 {
      %swap3A_8 = arith.constant 0 : index
      %swap3A_9 = arith.constant 0 : index
      %swap3A_10 = arith.constant 0 : index
      %swap3A_11 = vector.load %arg5[%swap3A_8, %swap3A_9, %swap3A_10] : memref<1x512x1024xf32, #tpu.memory_space<vmem>>, vector<1x512x1024xf32>
      tpu.vector_store %arg5[%swap3A_8, %swap3A_9, %swap3A_10], %get3A_2 {strides = array<i32>} : memref<1x512x1024xf32, #tpu.memory_space<vmem>>, vector<1x512x1024xf32>,
    } else {
    }
    return
  }
  func.func @transform_0(%arg0: i32, %arg1: i32) -> (i32, i32, i32) {
    %c0_i32 = arith.constant 0 : i32
    %c0_i32_0 = arith.constant 0 : i32
    return %arg1, %arg0, %c0_i32 : i32, i32, i32
  }
  func.func @transform_2(%arg0: i32, %arg1: i32) -> (i32, i32, i32) {
    %c0_i32 = arith.constant 0 : i32
    %c0_i32_0 = arith.constant 0 : i32
    return %arg1, %arg0, %c0_i32 : i32, i32, i32
  }
  func.func @transform_3(%arg0: i32, %arg1: i32) -> (i32, i32, i32) {
    %max3A = arith.constant 1 : i32
    %max3A_0 = arith.maxsi %arg1, %max3A : i32
    %c0_i32 = arith.constant 0 : i32
    %c0_i32_1 = arith.constant 0 : i32
    return %max3A_0, %arg0, %c0_i32 : i32, i32, i32
  }
}

</mosaic_0001>

<sc_bundles>
// kernel: kernel.4.cloned.1.call-start
scs
__scs_entry_jumppad:
0x0: {  	(pc) =	sbr.rel $0x88, $3  }
0x1: {  	(tag) =	ssettag $0x0;
	lr =	simm.s32 $0x1  }
0x2: {  	[smem:$0x3FA0] =	sst lr;
	_ =	strace $0xD0000000  }
0x3: {  	_ = 	snop  }
0x4: {  	_ = 	snop  }
0x5: {  	_ = 	snop  }
0x6: {  	_ = 	snop  }
0x7: {  	_ = 	snop  }
__scs_overlays_trampoline_lowered:
0x8: {  	[smem:$0x3FAF] =	sst s0  }
0x9: {  	[smem:$0x3FB0] =	sst s1  }
0xa: {  	[smem:$0x3FB1] =	sst s2  }
0xb: {  	[smem:$0x3FB2] =	sst s3  }
0xc: {  	[smem:$0x3FB3] =	sst s4  }
0xd: {  	[smem:$0x3FB4] =	sst s5  }
0xe: {  	[smem:$0x3FB5] =	sst s6  }
0xf: {  	[smem:$0x3FB6] =	sst s7  }
0x10: {  	[smem:$0x3FB7] =	sst s8  }
0x11: {  	[smem:$0x3FB8] =	sst s9;
	s0 =	simm.s32 @!p0 $0x0  }
0x12: {  	s1 =	sld [smem:$0x3F9E];
	s0 =	simm.s32 @p0 $0x1  }
0x13: {  	[smem:$0x3FB9] =	sst s0;
	s0 =	simm.s32 @!p1 $0x0  }
0x14: {  	s2 =	sld [smem:$0x3F9D];
	s0 =	simm.s32 @p1 $0x1  }
0x15: {  	[smem:$0x3FBA] =	sst s0;
	s0 =	simm.s32 @!p2 $0x0  }
0x16: {  	s3 =	sld [smem:$0x3FDB];
	s0 =	simm.s32 @p2 $0x1  }
0x17: {  	s4 =	simm.s32 $0x1BF5;
	[smem:$0x3FBC] =	sst s0  }
0x18: {  	s0 =	sld [smem:$0x3F9F];
	_ =	swait.ge [sflag:s4], $0x0  }
0x19: {  	s7 =	sld [smem:$0x3FA0]  }
0x1a: {  	s8 =	sadd.s32 $0xFFFFE003, lr  }
0x1b: {  	s9 =	sadd.s32 $0xFFFFFEF7, lr;
	s5 =	simm.s32 $0xFFFFFFFF;
	p2 =	slt.u32 s8, $0xFFFFF086  }
0x1c: {  	p1 =	slt.u32 s9, $0xF7A;
	s5 =	simm.s32 @!p2 $0x0  }
0x1d: {  	s5 =	simm.s32 @p1 $0x1;
	p0 =	seq.s32 s7, s2  }
0x1e: {  	s7 =	smul.u32 @!p0 $0xF7A, s2;
	p2 =	seq.s32 @!p0 s5, $0x0  }
0x1f: {  	s9 =	smul.u32 $0xF7A, s1;
	s8 =	simm.s32 @!p0 $0x1BF5;
	p2 =	por !p2, p0  }
0x20: {  	[sflag:s8] =	ssyncset.s32 @!p0 $0xFFFFF086;
	s6 =	sadd.s32 @!p0 s3, s7;
	s7 =	simm.s32 @!p0 $0x108  }
0x21: {  	s3 =	sadd.s32 s3, s9;
	s6 =	sadd.s32 @!p0 $0x88, s6;
	s7 =	simm.s32 @p2 $0x1082  }
0x22: {  	[simem:s7], [sflag:s8] =	dma.local @!p0 [hbm:s6], $0xF7A  }
0x23: {  	s9 =	sor.u32 $0xD0000000, s2;
	s6 =	simm.s32 $0x108;
	_ =	swait.ge @!p0 [sflag:s8], $0x0  }
0x24: {  	s3 =	sadd.s32 $0x88, s3;
	s6 =	simm.s32 @!p1 $0x1082;
	[sflag:s4] =	ssyncset.s32 $0xFFFFF086  }
0x25: {  	[simem:s6], [sflag:s4] =	dma.local [hbm:s3], $0xF7A  }
0x26: {  	[smem:$0x3FA0] =	sst s1;
	(tag) =	ssettag s2;
	_ =	strace s9  }
0x27: {  	s1 =	sld [smem:$0x3FB0]  }
0x28: {  	s2 =	sld [smem:$0x3FB1]  }
0x29: {  	s4 =	sld [smem:$0x3FB3]  }
0x2a: {  	p0 =	seq.s32 s5, $0x0;
	s5 =	sld [smem:$0x3FB4]  }
0x2b: {  	s6 =	sld [smem:$0x3FB5]  }
0x2c: {  	s7 =	sld [smem:$0x3FB6]  }
0x2d: {  	s3 =	simm.s32 $0x108;
	s8 =	sld [smem:$0x3FB7]  }
0x2e: {  	s3 =	simm.s32 @!p0 $0x1082;
	s9 =	sld [smem:$0x3FB8]  }
0x2f: {  	lr =	sadd.s32 s0, s3;
	s0 =	sld [smem:$0x3FAF]  }
0x30: {  	s3 =	sld [smem:$0x3FB2]  }
0x31: {  	[smem:$0x3FBB] =	sst s10  }
0x32: {  	s10 =	sld [smem:$0x3FB9];
	_ =	sdelay $0x3  }
0x33: {  	p0 =	seq.s32 s10, $0x1;
	s10 =	sld [smem:$0x3FBB];
	_ =	sdelay $0x3  }
0x34: {  	[smem:$0x3FBB] =	sst s10  }
0x35: {  	s10 =	sld [smem:$0x3FBA];
	_ =	sdelay $0x3  }
0x36: {  	p1 =	seq.s32 s10, $0x1;
	s10 =	sld [smem:$0x3FBB];
	_ =	sdelay $0x3  }
0x37: {  	[smem:$0x3FBB] =	sst s10  }
0x38: {  	s10 =	sld [smem:$0x3FBC]  }
0x39: {  	_ = 	snop;
	(pc) =	sbr.ind lr, $3  }
0x3a: {  	_ = 	snop  }
0x3b: {  	_ = 	snop  }
0x3c: {  	p2 =	seq.s32 s10, $0x1;
	s10 =	sld [smem:$0x3FBB]  }
0x3d: {  	_ =	shalt  }
0x3e: {  	_ =	shalt  }
0x3f: {  	_ =	shalt  }
0x40: {  	_ =	shalt  }
0x41: {  	_ =	shalt  }
0x42: {  	_ =	shalt  }
0x43: {  	_ =	shalt  }
0x44: {  	_ =	shalt  }
0x45: {  	_ =	shalt  }
0x46: {  	_ =	shalt  }
0x47: {  	_ =	shalt  }
0x48: {  	_ =	shalt  }
0x49: {  	_ =	shalt  }
0x4a: {  	_ =	shalt  }
0x4b: {  	_ =	shalt  }
0x4c: {  	_ =	shalt  }
0x4d: {  	_ =	shalt  }
0x4e: {  	_ =	shalt  }
0x4f: {  	_ =	shalt  }
0x50: {  	_ =	shalt  }
0x51: {  	_ =	shalt  }
0x52: {  	_ =	shalt  }
0x53: {  	_ =	shalt  }
0x54: {  	_ =	shalt  }
0x55: {  	_ =	shalt  }
0x56: {  	_ =	shalt  }
0x57: {  	_ =	shalt  }
0x58: {  	_ =	shalt  }
0x59: {  	_ =	shalt  }
0x5a: {  	_ =	shalt  }
0x5b: {  	_ =	shalt  }
0x5c: {  	_ =	shalt  }
0x5d: {  	_ =	shalt  }
0x5e: {  	_ =	shalt  }
0x5f: {  	_ =	shalt  }
0x60: {  	_ =	shalt  }
0x61: {  	_ =	shalt  }
0x62: {  	_ =	shalt  }
0x63: {  	_ =	shalt  }
0x64: {  	_ =	shalt  }
0x65: {  	_ =	shalt  }
0x66: {  	_ =	shalt  }
0x67: {  	_ =	shalt  }
0x68: {  	_ =	shalt  }
0x69: {  	_ =	shalt  }
0x6a: {  	_ =	shalt  }
0x6b: {  	_ =	shalt  }
0x6c: {  	_ =	shalt  }
0x6d: {  	_ =	shalt  }
0x6e: {  	_ =	shalt  }
0x6f: {  	_ =	shalt  }
0x70: {  	_ =	shalt  }
0x71: {  	_ =	shalt  }
0x72: {  	_ =	shalt  }
0x73: {  	_ =	shalt  }
0x74: {  	_ =	shalt  }
0x75: {  	_ =	shalt  }
0x76: {  	_ =	shalt  }
0x77: {  	_ =	shalt  }
0x78: {  	_ =	shalt  }
0x79: {  	_ =	shalt  }
0x7a: {  	_ =	shalt  }
0x7b: {  	_ =	shalt  }
0x7c: {  	_ =	shalt  }
0x7d: {  	_ =	shalt  }
0x7e: {  	_ =	shalt  }
0x7f: {  	_ =	shalt  }
0x80: {  	_ =	shalt  }
0x81: {  	_ =	shalt  }
0x82: {  	_ =	shalt  }
0x83: {  	_ =	shalt  }
0x84: {  	_ =	shalt  }
0x85: {  	_ =	shalt  }
0x86: {  	_ =	shalt  }
0x87: {  	_ =	shalt  }
.Lfunc_end0:
.L_simem_size_0:
called_computation_lowered:
.L_overlay_start_0:
0x88: {  	s2 =	sld [smem:$0x3FD9]  }
0x89: {  	s3 =	sld [smem:$0x3FFE];
	_ =	sdelay $0x1  }
0x8a: {  	s1 =	srdreg.scid  }
0x8b: {  	s0 =	sand.u32 $0x1, s1  }
0x8c: {  	s15 =	sshll.u32 s0, $0xA;
	s2 =	sadd.s32 s3, s2  }
0x8d: {  	s2 =	sadd.s32 s2, s15  }
0x8e: {  	[smem:$0x3FC7] =	sst s2  }
0x8f: {  	_ = 	snop  }
0x90: {  	s2 =	sld [smem:$0x3FD0];
	_ =	sdelay $0x2  }
0x91: {  	s16 =	simm.s32 $0xA;
	s4 =	simm.s32 $0x10  }
0x92: {  	[smem:s4], [sflag:s16] =	dma.local [hbm:s2], $0x1  }
0x93: {  	_ =	swait.eq [sflag:s16], $0x1  }
0x94: {  	[sflag:s16] =	ssyncset.done $0x0  }
0x95: {  	[sflag:s16] =	ssyncadd.s32 $0xFFFFFFFF  }
0x96: {  	s17 =	sld [smem:$0x11];
	(tm) =	ssettm $0x1  }
0x97: {  	s18 =	sld [smem:$0x3FFB];
	_ =	sdelay $0x3  }
0x98: {  	_ =	strace s18  }
0x99: {  	s3 =	sld [smem:$0x3FFC];
	_ =	sdelay $0x3  }
0x9a: {  	_ =	strace s3  }
0x9b: {  	s3 =	sld [smem:$0x3FFD];
	_ =	sdelay $0x3  }
0x9c: {  	_ =	strace s3  }
0x9d: {  	_ =	strace $0x8FFFFFFF  }
0x9e: {  	s19 =	sld [smem:$0x3FDB];
	_ =	sdelay $0x1  }
0x9f: {  	s20 =	simm.s32 $_scs_section_size  }
0xa0: {  	s5 =	simm.s32 $_size__tile_overlayer_lowered;
	s6 =	simm.s32 $_tile_overlayer_lowered  }
0xa1: {  	s23 =	simm.s32 $0x1BFF;
	s22 =	sshll.u32 s6, $0x1;
	s3 =	sadd.s32 s20, s19  }
0xa2: {  	s7 =	simm.s32 $0x0;
	s21 =	sshll.u32 s5, $0x1;
	s5 =	sadd.s32 s22, s3  }
0xa3: {  	[timem:s7], [sflag:s23] =	dma.local [hbm:s5], s21  }
0xa4: {  	_ =	swait.ge [sflag:s23], s21  }
0xa5: {  	s4 =	ssub.s32 $0x0, s21;
	[sflag:s23] =	ssyncset.done $0x0  }
0xa6: {  	[sflag:s23] =	ssyncadd.s32 s4;
	_ =	sdelay $0x1  }
0xa7: {  	s24 =	simm.s32 $0x1B8B  }
0xa8: {  	_ =	swait.ge [sflag:s24], $0x1  }
0xa9: {  	[sflag:s24] =	ssyncset.done $0x0  }
0xaa: {  	s25 =	simm.s32 $0x1B8E;
	[sflag:s24] =	ssyncadd.s32 $0xFFFFFFFF  }
0xab: {  	s26 =	simm.s32 $execute0_lowered;
	[smem:$0x3FD2] =	sst s25  }
0xac: {  	s4 =	sshll.u32 s26, $0x1;
	_ =	strace $0x80000046;
	[dreg:$0x1] =	wrdreg $0xFFFFFFFF  }
0xad: {  	s28 =	simm.s32 $_size_execute0_lowered;
	s3 =	sadd.s32 s3, s4;
	[dreg:$0x0] =	wrdreg $0x0  }
0xae: {  	s4 =	sshll.u32 s28, $0x1;
	[dreg:$0x2] =	wrdreg s3  }
0xaf: {  	[dreg:$0x3] =	wrdreg s4  }
0xb0: {  	[dreg:$0x4] =	wrdreg $0xC0  }
0xb1: {  	_ =	task [dreg:s7], $0x5FFFF  }
0xb2: {  	[dreg:$0x1] =	wrdreg $0xFFFFFFFF  }
0xb3: {  	[dreg:$0x0] =	wrdreg $0x60  }
0xb4: {  	[dreg:$0x2] =	wrdreg s17  }
0xb5: {  	[dreg:$0x3] =	wrdreg $0x9  }
0xb6: {  	_ =	task.clear_ibuf [dreg:s7], $0x4FFFF;
	_ =	strace $0x90000046  }
0xb7: {  	s29 =	simm.s32 $0x9;
	_ =	strace $0x80000048  }
0xb8: {  	_ =	swait.ge [sflag:s29], $0x1  }
0xb9: {  	[sflag:s29] =	ssyncadd.s32 $0xFFFFFFFF  }
0xba: {  	_ =	strace $0x90000048  }
0xbb: {  	_ =	sfence  }
0xbc: {  	s30 =	sld [smem:$0x0];
	_ =	sdelay $0x2  }
0xbd: {  	s31 =	sshll.u32 s1, $0xD;
	s1 =	sshrl.u32 s1, $0x2  }
0xbe: {  	s3 =	sand.u32 $0x4000, s31;
	s1 =	sadd.s32 s1, s30  }
0xbf: {  	s0 =	sor.u32 s3, s0;
	s1 =	sshll.u32 s1, $0x11  }
0xc0: {  	s0 =	sor.u32 s1, s0  }
0xc1: {  	s0 =	sadd.s32 $0x8F2B, s0  }
0xc2: {  	[sflag:s0] =	ssyncadd.remote.s32 $0x1  }
0xc3: {  	_ =	sfence.sel $0xFFFF  }
0xc4: {  	[dreg:$0x0] =	wrdreg $0xFFFFFFFF;
	(pc) =	sbr.abs _section_cstart, $3  }
0xc5: {  	[dreg:$0x1] =	wrdreg $0xFFFFFFFF  }
0xc6: {  	_ =	task.clear_ibuf [dreg:s7], $0x2FFFF;
	_ =	strace $0x9FFFFFFF  }
0xc7: {  	(tm) =	ssettm $0x7FFFFFFF  }
tec
execute0_lowered:
.L_overlay_start_1:
0x0: {  	(tag) =	ssettag $0x1  }
0x1: {  	s1 =	simm.s32 $0x0  }
0x2: {  	v0 =	vimm.f32 $2.000000000e+00;
	[smem:$0x7FF] =	sst s1  }
0x3: {  	s0 =	rddreg [dreg:$0x0];
	_ =	strace $0x80000047;
	[tilespmem:$0x20] =	vst v0  }
0x4: {  	[tilespmem:$0x30] =	vst v0  }
0x5: {  	[tilespmem:$0x40] =	vst v0  }
0x6: {  	[tilespmem:$0x50] =	vst v0  }
0x7: {  	[tilespmem:$0x60] =	vst v0  }
0x8: {  	[tilespmem:$0x70] =	vst v0  }
0x9: {  	[tilespmem:$0x0] =	vst v0  }
0xa: {  	[tilespmem:$0xFF0] =	vst v0  }
0xb: {  	[tilespmem:$0xFE0] =	vst v0  }
0xc: {  	[tilespmem:$0xFD0] =	vst v0  }
0xd: {  	[tilespmem:$0xFC0] =	vst v0  }
0xe: {  	[tilespmem:$0xFB0] =	vst v0  }
0xf: {  	[tilespmem:$0xFA0] =	vst v0  }
0x10: {  	[tilespmem:$0xF90] =	vst v0  }
0x11: {  	[tilespmem:$0xF80] =	vst v0  }
0x12: {  	[tilespmem:$0xDF0] =	vst v0  }
0x13: {  	[tilespmem:$0xDE0] =	vst v0  }
0x14: {  	[tilespmem:$0xDD0] =	vst v0  }
0x15: {  	[tilespmem:$0xDC0] =	vst v0  }
0x16: {  	[tilespmem:$0xDB0] =	vst v0  }
0x17: {  	[tilespmem:$0xDA0] =	vst v0  }
0x18: {  	[tilespmem:$0xD90] =	vst v0  }
0x19: {  	[tilespmem:$0xD80] =	vst v0  }
0x1a: {  	[tilespmem:$0xBF0] =	vst v0  }
0x1b: {  	[tilespmem:$0xBE0] =	vst v0  }
0x1c: {  	[tilespmem:$0xBD0] =	vst v0  }
0x1d: {  	[tilespmem:$0xBC0] =	vst v0  }
0x1e: {  	[tilespmem:$0xBB0] =	vst v0  }
0x1f: {  	[tilespmem:$0xBA0] =	vst v0  }
0x20: {  	[tilespmem:$0xB90] =	vst v0  }
0x21: {  	[tilespmem:$0xB80] =	vst v0  }
0x22: {  	[tilespmem:$0x9F0] =	vst v0  }
0x23: {  	[tilespmem:$0x9E0] =	vst v0  }
0x24: {  	[tilespmem:$0x9D0] =	vst v0  }
0x25: {  	[tilespmem:$0x9C0] =	vst v0  }
0x26: {  	[tilespmem:$0x9B0] =	vst v0  }
0x27: {  	[tilespmem:$0x9A0] =	vst v0  }
0x28: {  	[tilespmem:$0x990] =	vst v0  }
0x29: {  	[tilespmem:$0x980] =	vst v0  }
0x2a: {  	[tilespmem:$0x7F0] =	vst v0  }
0x2b: {  	[tilespmem:$0x7E0] =	vst v0  }
0x2c: {  	[tilespmem:$0x7D0] =	vst v0  }
0x2d: {  	[tilespmem:$0x7C0] =	vst v0  }
0x2e: {  	[tilespmem:$0x7B0] =	vst v0  }
0x2f: {  	[tilespmem:$0x7A0] =	vst v0  }
0x30: {  	[tilespmem:$0x790] =	vst v0  }
0x31: {  	[tilespmem:$0x780] =	vst v0  }
0x32: {  	[tilespmem:$0x5F0] =	vst v0  }
0x33: {  	[tilespmem:$0x5E0] =	vst v0  }
0x34: {  	[tilespmem:$0x5D0] =	vst v0  }
0x35: {  	[tilespmem:$0x5C0] =	vst v0  }
0x36: {  	[tilespmem:$0x5B0] =	vst v0  }
0x37: {  	[tilespmem:$0x5A0] =	vst v0  }
0x38: {  	[tilespmem:$0x590] =	vst v0  }
0x39: {  	[tilespmem:$0x580] =	vst v0  }
0x3a: {  	[tilespmem:$0x3F0] =	vst v0  }
0x3b: {  	[tilespmem:$0x3E0] =	vst v0  }
0x3c: {  	[tilespmem:$0x3D0] =	vst v0  }
0x3d: {  	[tilespmem:$0x3C0] =	vst v0  }
0x3e: {  	[tilespmem:$0x3B0] =	vst v0  }
0x3f: {  	[tilespmem:$0x3A0] =	vst v0  }
0x40: {  	[tilespmem:$0x390] =	vst v0  }
0x41: {  	[tilespmem:$0x380] =	vst v0  }
0x42: {  	[tilespmem:$0x1F0] =	vst v0  }
0x43: {  	[tilespmem:$0x1E0] =	vst v0  }
0x44: {  	[tilespmem:$0x1D0] =	vst v0  }
0x45: {  	[tilespmem:$0x1C0] =	vst v0  }
0x46: {  	[tilespmem:$0x1B0] =	vst v0  }
0x47: {  	[tilespmem:$0x1A0] =	vst v0  }
0x48: {  	[tilespmem:$0x190] =	vst v0  }
0x49: {  	[tilespmem:$0x180] =	vst v0  }
0x4a: {  	[tilespmem:$0xF30] =	vst v0  }
0x4b: {  	[tilespmem:$0xF70] =	vst v0  }
0x4c: {  	[tilespmem:$0xF60] =	vst v0  }
0x4d: {  	[tilespmem:$0xF50] =	vst v0  }
0x4e: {  	[tilespmem:$0xF40] =	vst v0  }
0x4f: {  	[tilespmem:$0xF20] =	vst v0  }
0x50: {  	[tilespmem:$0xF10] =	vst v0  }
0x51: {  	[tilespmem:$0xF00] =	vst v0  }
0x52: {  	[tilespmem:$0xD70] =	vst v0  }
0x53: {  	[tilespmem:$0xD60] =	vst v0  }
0x54: {  	[tilespmem:$0xD50] =	vst v0  }
0x55: {  	[tilespmem:$0xD40] =	vst v0  }
0x56: {  	[tilespmem:$0xD30] =	vst v0  }
0x57: {  	[tilespmem:$0xD20] =	vst v0  }
0x58: {  	[tilespmem:$0xD10] =	vst v0  }
0x59: {  	[tilespmem:$0xD00] =	vst v0  }
0x5a: {  	[tilespmem:$0xB70] =	vst v0  }
0x5b: {  	[tilespmem:$0xB60] =	vst v0  }
0x5c: {  	[tilespmem:$0xB50] =	vst v0  }
0x5d: {  	[tilespmem:$0xB40] =	vst v0  }
0x5e: {  	[tilespmem:$0xB30] =	vst v0  }
0x5f: {  	[tilespmem:$0xB20] =	vst v0  }
0x60: {  	[tilespmem:$0xB10] =	vst v0  }
0x61: {  	[tilespmem:$0xB00] =	vst v0  }
0x62: {  	[tilespmem:$0x970] =	vst v0  }
0x63: {  	[tilespmem:$0x960] =	vst v0  }
0x64: {  	[tilespmem:$0x950] =	vst v0  }
0x65: {  	[tilespmem:$0x940] =	vst v0  }
0x66: {  	[tilespmem:$0x930] =	vst v0  }
0x67: {  	[tilespmem:$0x920] =	vst v0  }
0x68: {  	[tilespmem:$0x910] =	vst v0  }
0x69: {  	[tilespmem:$0x900] =	vst v0  }
0x6a: {  	[tilespmem:$0x770] =	vst v0  }
0x6b: {  	[tilespmem:$0x760] =	vst v0  }
0x6c: {  	[tilespmem:$0x750] =	vst v0  }
0x6d: {  	[tilespmem:$0x740] =	vst v0  }
0x6e: {  	[tilespmem:$0x730] =	vst v0  }
0x6f: {  	[tilespmem:$0x720] =	vst v0  }
0x70: {  	[tilespmem:$0x710] =	vst v0  }
0x71: {  	[tilespmem:$0x700] =	vst v0  }
0x72: {  	[tilespmem:$0x570] =	vst v0  }
0x73: {  	[tilespmem:$0x560] =	vst v0  }
0x74: {  	[tilespmem:$0x550] =	vst v0  }
0x75: {  	[tilespmem:$0x540] =	vst v0  }
0x76: {  	[tilespmem:$0x530] =	vst v0  }
0x77: {  	[tilespmem:$0x520] =	vst v0  }
0x78: {  	[tilespmem:$0x510] =	vst v0  }
0x79: {  	[tilespmem:$0x500] =	vst v0  }
0x7a: {  	[tilespmem:$0x370] =	vst v0  }
0x7b: {  	[tilespmem:$0x360] =	vst v0  }
0x7c: {  	[tilespmem:$0x350] =	vst v0  }
0x7d: {  	[tilespmem:$0x340] =	vst v0  }
0x7e: {  	[tilespmem:$0x330] =	vst v0  }
0x7f: {  	[tilespmem:$0x320] =	vst v0  }
0x80: {  	[tilespmem:$0x310] =	vst v0  }
0x81: {  	[tilespmem:$0x300] =	vst v0  }
0x82: {  	[tilespmem:$0x170] =	vst v0  }
0x83: {  	[tilespmem:$0x160] =	vst v0  }
0x84: {  	[tilespmem:$0x150] =	vst v0  }
0x85: {  	[tilespmem:$0x140] =	vst v0  }
0x86: {  	[tilespmem:$0x130] =	vst v0  }
0x87: {  	[tilespmem:$0x120] =	vst v0  }
0x88: {  	[tilespmem:$0x110] =	vst v0  }
0x89: {  	[tilespmem:$0x100] =	vst v0  }
0x8a: {  	[tilespmem:$0xEF0] =	vst v0  }
0x8b: {  	[tilespmem:$0xEE0] =	vst v0  }
0x8c: {  	[tilespmem:$0xED0] =	vst v0  }
0x8d: {  	[tilespmem:$0xEC0] =	vst v0  }
0x8e: {  	[tilespmem:$0xEB0] =	vst v0  }
0x8f: {  	[tilespmem:$0xEA0] =	vst v0  }
0x90: {  	[tilespmem:$0xE90] =	vst v0  }
0x91: {  	[tilespmem:$0xE80] =	vst v0  }
0x92: {  	[tilespmem:$0xCF0] =	vst v0  }
0x93: {  	[tilespmem:$0xCE0] =	vst v0  }
0x94: {  	[tilespmem:$0xCD0] =	vst v0  }
0x95: {  	[tilespmem:$0xCC0] =	vst v0  }
0x96: {  	[tilespmem:$0xCB0] =	vst v0  }
0x97: {  	[tilespmem:$0xCA0] =	vst v0  }
0x98: {  	[tilespmem:$0xC90] =	vst v0  }
0x99: {  	[tilespmem:$0xC80] =	vst v0  }
0x9a: {  	[tilespmem:$0xAF0] =	vst v0  }
0x9b: {  	[tilespmem:$0xAE0] =	vst v0  }
0x9c: {  	[tilespmem:$0xAD0] =	vst v0  }
0x9d: {  	[tilespmem:$0xAC0] =	vst v0  }
0x9e: {  	[tilespmem:$0xAB0] =	vst v0  }
0x9f: {  	[tilespmem:$0xAA0] =	vst v0  }
0xa0: {  	[tilespmem:$0xA90] =	vst v0  }
0xa1: {  	[tilespmem:$0xA80] =	vst v0  }
0xa2: {  	[tilespmem:$0x8F0] =	vst v0  }
0xa3: {  	[tilespmem:$0x8E0] =	vst v0  }
0xa4: {  	[tilespmem:$0x8D0] =	vst v0  }
0xa5: {  	[tilespmem:$0x8C0] =	vst v0  }
0xa6: {  	[tilespmem:$0x8B0] =	vst v0  }
0xa7: {  	[tilespmem:$0x8A0] =	vst v0  }
0xa8: {  	[tilespmem:$0x890] =	vst v0  }
0xa9: {  	[tilespmem:$0x880] =	vst v0  }
0xaa: {  	[tilespmem:$0x6F0] =	vst v0  }
0xab: {  	[tilespmem:$0x6E0] =	vst v0  }
0xac: {  	[tilespmem:$0x6D0] =	vst v0  }
0xad: {  	[tilespmem:$0x6C0] =	vst v0  }
0xae: {  	[tilespmem:$0x6B0] =	vst v0  }
0xaf: {  	[tilespmem:$0x6A0] =	vst v0  }
0xb0: {  	[tilespmem:$0x690] =	vst v0  }
0xb1: {  	[tilespmem:$0x680] =	vst v0  }
0xb2: {  	[tilespmem:$0x4F0] =	vst v0  }
0xb3: {  	[tilespmem:$0x4E0] =	vst v0  }
0xb4: {  	[tilespmem:$0x4D0] =	vst v0  }
0xb5: {  	[tilespmem:$0x4C0] =	vst v0  }
0xb6: {  	[tilespmem:$0x4B0] =	vst v0  }
0xb7: {  	[tilespmem:$0x4A0] =	vst v0  }
0xb8: {  	[tilespmem:$0x490] =	vst v0  }
0xb9: {  	[tilespmem:$0x480] =	vst v0  }
0xba: {  	[tilespmem:$0x2F0] =	vst v0  }
0xbb: {  	[tilespmem:$0x2E0] =	vst v0  }
0xbc: {  	[tilespmem:$0x2D0] =	vst v0  }
0xbd: {  	[tilespmem:$0x2C0] =	vst v0  }
0xbe: {  	[tilespmem:$0x2B0] =	vst v0  }
0xbf: {  	[tilespmem:$0x2A0] =	vst v0  }
0xc0: {  	[tilespmem:$0x290] =	vst v0  }
0xc1: {  	[tilespmem:$0x280] =	vst v0  }
0xc2: {  	[tilespmem:$0xF0] =	vst v0  }
0xc3: {  	[tilespmem:$0xE0] =	vst v0  }
0xc4: {  	[tilespmem:$0xD0] =	vst v0  }
0xc5: {  	[tilespmem:$0xC0] =	vst v0  }
0xc6: {  	[tilespmem:$0xB0] =	vst v0  }
0xc7: {  	[tilespmem:$0xA0] =	vst v0  }
0xc8: {  	[tilespmem:$0x90] =	vst v0  }
0xc9: {  	[tilespmem:$0x80] =	vst v0  }
0xca: {  	[tilespmem:$0xE70] =	vst v0  }
0xcb: {  	[tilespmem:$0xE60] =	vst v0  }
0xcc: {  	[tilespmem:$0xE50] =	vst v0  }
0xcd: {  	[tilespmem:$0xE40] =	vst v0  }
0xce: {  	[tilespmem:$0xE30] =	vst v0  }
0xcf: {  	[tilespmem:$0xE20] =	vst v0  }
0xd0: {  	[tilespmem:$0xE10] =	vst v0  }
0xd1: {  	[tilespmem:$0xE00] =	vst v0  }
0xd2: {  	[tilespmem:$0xC70] =	vst v0  }
0xd3: {  	[tilespmem:$0xC60] =	vst v0  }
0xd4: {  	[tilespmem:$0xC50] =	vst v0  }
0xd5: {  	[tilespmem:$0xC40] =	vst v0  }
0xd6: {  	[tilespmem:$0xC30] =	vst v0  }
0xd7: {  	[tilespmem:$0xC20] =	vst v0  }
0xd8: {  	[tilespmem:$0xC10] =	vst v0  }
0xd9: {  	[tilespmem:$0xC00] =	vst v0  }
0xda: {  	[tilespmem:$0xA70] =	vst v0  }
0xdb: {  	[tilespmem:$0xA60] =	vst v0  }
0xdc: {  	[tilespmem:$0xA50] =	vst v0  }
0xdd: {  	[tilespmem:$0xA40] =	vst v0  }
0xde: {  	[tilespmem:$0xA30] =	vst v0  }
0xdf: {  	[tilespmem:$0xA20] =	vst v0  }
0xe0: {  	[tilespmem:$0xA10] =	vst v0  }
0xe1: {  	[tilespmem:$0xA00] =	vst v0  }
0xe2: {  	[tilespmem:$0x870] =	vst v0  }
0xe3: {  	[tilespmem:$0x860] =	vst v0  }
0xe4: {  	[tilespmem:$0x850] =	vst v0  }
0xe5: {  	[tilespmem:$0x840] =	vst v0  }
0xe6: {  	[tilespmem:$0x830] =	vst v0  }
0xe7: {  	[tilespmem:$0x820] =	vst v0  }
0xe8: {  	[tilespmem:$0x810] =	vst v0  }
0xe9: {  	[tilespmem:$0x800] =	vst v0  }
0xea: {  	[tilespmem:$0x670] =	vst v0  }
0xeb: {  	[tilespmem:$0x660] =	vst v0  }
0xec: {  	[tilespmem:$0x650] =	vst v0  }
0xed: {  	[tilespmem:$0x640] =	vst v0  }
0xee: {  	[tilespmem:$0x630] =	vst v0  }
0xef: {  	[tilespmem:$0x620] =	vst v0  }
0xf0: {  	[tilespmem:$0x610] =	vst v0  }
0xf1: {  	[tilespmem:$0x600] =	vst v0  }
0xf2: {  	[tilespmem:$0x470] =	vst v0  }
0xf3: {  	[tilespmem:$0x460] =	vst v0  }
0xf4: {  	[tilespmem:$0x450] =	vst v0  }
0xf5: {  	[tilespmem:$0x440] =	vst v0  }
0xf6: {  	[tilespmem:$0x430] =	vst v0  }
0xf7: {  	[tilespmem:$0x420] =	vst v0  }
0xf8: {  	[tilespmem:$0x410] =	vst v0  }
0xf9: {  	[tilespmem:$0x400] =	vst v0  }
0xfa: {  	[tilespmem:$0x270] =	vst v0  }
0xfb: {  	[tilespmem:$0x240] =	vst v0  }
0xfc: {  	[tilespmem:$0x220] =	vst v0  }
0xfd: {  	s2 =	srdreg.scid;
	[tilespmem:$0x200] =	vst v0  }
0xfe: {  	s3 =	stileid.u32;
	s2 =	sand.u32 $0x1, s2;
	[tilespmem:$0x210] =	vst v0  }
0xff: {  	s3 =	sshll.u32 s3, $0xF;
	s4 =	sshll.u32 s2, $0xE;
	[tilespmem:$0x230] =	vst v0  }
0x100: {  	[tilespmem:$0x250] =	vst v0;
	s3 =	sor.u32 s4, s3  }
0x101: {  	[tilespmem:$0x260] =	vst v0;
	s3 =	sadd.s32 s0, s3  }
0x102: {  	s5 =	simm.s32 $0x400;
	s4 =	simm.s32 $0x200;
	[tilespmem:$0x10] =	vst v0;
	s0 =	sadd.s32 $0x40, s3  }
0x103: {  	[hbm4b:s3+s4] =	stream.strided.scatter [tilespmem:s1], [sflag:$0x1], $0x1000, s5, s4, $0x38;
	[tilespmem:$0x1000] =	vst v63  }
0x104: {  	s10 =	sadd.s32 $0x400, s3;
	[dreg:$0x2] =	wrdreg s0  }
0x105: {  	s11 =	sadd.s32 $0x440, s3;
	[dreg:$0x3] =	wrdreg s10  }
0x106: {  	s12 =	sadd.s32 $0x800, s3;
	[dreg:$0x4] =	wrdreg s11  }
0x107: {  	s13 =	sadd.s32 $0x840, s3;
	[dreg:$0x5] =	wrdreg s12  }
0x108: {  	s14 =	sadd.s32 $0xC00, s3;
	[dreg:$0x6] =	wrdreg s13  }
0x109: {  	s15 =	sadd.s32 $0xC40, s3;
	[dreg:$0x7] =	wrdreg s14  }
0x10a: {  	[dreg:$0x8] =	wrdreg s15  }
0x10b: {  	s16 =	rddreg [dreg:$0x2]  }
0x10c: {  	[hbm4b:s16+s4] =	stream.strided.scatter [tilespmem:s1], [sflag:$0x1], $0x1000, s5, s4, $0x38;
	[tilespmem:$0x1000] =	vst v63  }
0x10d: {  	s6 =	rddreg [dreg:$0x3]  }
0x10e: {  	[hbm4b:s6+s4] =	stream.strided.scatter [tilespmem:s1], [sflag:$0x1], $0x1000, s5, s4, $0x38;
	[tilespmem:$0x1000] =	vst v63  }
0x10f: {  	s17 =	rddreg [dreg:$0x4]  }
0x110: {  	[hbm4b:s17+s4] =	stream.strided.scatter [tilespmem:s1], [sflag:$0x1], $0x1000, s5, s4, $0x38;
	[tilespmem:$0x1000] =	vst v63  }
0x111: {  	s18 =	rddreg [dreg:$0x5]  }
0x112: {  	[hbm4b:s18+s4] =	stream.strided.scatter [tilespmem:s1], [sflag:$0x1], $0x1000, s5, s4, $0x38;
	[tilespmem:$0x1000] =	vst v63  }
0x113: {  	s19 =	rddreg [dreg:$0x6]  }
0x114: {  	[hbm4b:s19+s4] =	stream.strided.scatter [tilespmem:s1], [sflag:$0x1], $0x1000, s5, s4, $0x38;
	[tilespmem:$0x1000] =	vst v63  }
0x115: {  	s20 =	rddreg [dreg:$0x7]  }
0x116: {  	[hbm4b:s20+s4] =	stream.strided.scatter [tilespmem:s1], [sflag:$0x1], $0x1000, s5, s4, $0x38;
	[tilespmem:$0x1000] =	vst v63  }
0x117: {  	s21 =	rddreg [dreg:$0x8]  }
0x118: {  	[hbm4b:s21+s4] =	stream.strided.scatter [tilespmem:s1], [sflag:$0x1], $0x1000, s5, s4, $0x38;
	[tilespmem:$0x1000] =	vst v63  }
0x119: {  	s22 =	sadd.s32 $0x1000, s3  }
0x11a: {  	[hbm4b:s22+s4] =	stream.strided.scatter [tilespmem:s1], [sflag:$0x1], $0x1000, s5, s4, $0x38;
	[tilespmem:$0x1000] =	vst v63  }
0x11b: {  	s23 =	sadd.s32 $0x1040, s3  }
0x11c: {  	[hbm4b:s23+s4] =	stream.strided.scatter [tilespmem:s1], [sflag:$0x1], $0x1000, s5, s4, $0x38;
	[tilespmem:$0x1000] =	vst v63  }
0x11d: {  	s24 =	sadd.s32 $0x1400, s3  }
0x11e: {  	[hbm4b:s24+s4] =	stream.strided.scatter [tilespmem:s1], [sflag:$0x1], $0x1000, s5, s4, $0x38;
	[tilespmem:$0x1000] =	vst v63  }
0x11f: {  	s25 =	sadd.s32 $0x1440, s3  }
0x120: {  	[hbm4b:s25+s4] =	stream.strided.scatter [tilespmem:s1], [sflag:$0x1], $0x1000, s5, s4, $0x38;
	[tilespmem:$0x1000] =	vst v63  }
0x121: {  	s26 =	sadd.s32 $0x1800, s3  }
0x122: {  	[hbm4b:s26+s4] =	stream.strided.scatter [tilespmem:s1], [sflag:$0x1], $0x1000, s5, s4, $0x38;
	[tilespmem:$0x1000] =	vst v63  }
0x123: {  	s11 =	sadd.s32 $0x1840, s3  }
0x124: {  	[hbm4b:s11+s4] =	stream.strided.scatter [tilespmem:s1], [sflag:$0x1], $0x1000, s5, s4, $0x38;
	[tilespmem:$0x1000] =	vst v63  }
0x125: {  	s12 =	sadd.s32 $0x1C00, s3  }
0x126: {  	[hbm4b:s12+s4] =	stream.strided.scatter [tilespmem:s1], [sflag:$0x1], $0x1000, s5, s4, $0x38;
	[tilespmem:$0x1000] =	vst v63  }
0x127: {  	s13 =	sadd.s32 $0x1C40, s3  }
0x128: {  	[hbm4b:s13+s4] =	stream.strided.scatter [tilespmem:s1], [sflag:$0x1], $0x1000, s5, s4, $0x38;
	[tilespmem:$0x1000] =	vst v63  }
0x129: {  	s14 =	sadd.s32 $0x2000, s3  }
0x12a: {  	[hbm4b:s14+s4] =	stream.strided.scatter [tilespmem:s1], [sflag:$0x1], $0x1000, s5, s4, $0x38;
	[tilespmem:$0x1000] =	vst v63  }
0x12b: {  	s15 =	sadd.s32 $0x2040, s3  }
0x12c: {  	[hbm4b:s15+s4] =	stream.strided.scatter [tilespmem:s1], [sflag:$0x1], $0x1000, s5, s4, $0x38;
	[tilespmem:$0x1000] =	vst v63  }
0x12d: {  	s16 =	sadd.s32 $0x2400, s3  }
0x12e: {  	[hbm4b:s16+s4] =	stream.strided.scatter [tilespmem:s1], [sflag:$0x1], $0x1000, s5, s4, $0x38;
	[tilespmem:$0x1000] =	vst v63  }
0x12f: {  	s17 =	sadd.s32 $0x2440, s3  }
0x130: {  	[hbm4b:s17+s4] =	stream.strided.scatter [tilespmem:s1], [sflag:$0x1], $0x1000, s5, s4, $0x38;
	[tilespmem:$0x1000] =	vst v63  }
0x131: {  	s18 =	sadd.s32 $0x2800, s3  }
0x132: {  	[hbm4b:s18+s4] =	stream.strided.scatter [tilespmem:s1], [sflag:$0x1], $0x1000, s5, s4, $0x38;
	[tilespmem:$0x1000] =	vst v63  }
0x133: {  	s19 =	sadd.s32 $0x2840, s3  }
0x134: {  	[hbm4b:s19+s4] =	stream.strided.scatter [tilespmem:s1], [sflag:$0x1], $0x1000, s5, s4, $0x38;
	[tilespmem:$0x1000] =	vst v63  }
0x135: {  	s20 =	sadd.s32 $0x2C00, s3  }
0x136: {  	[hbm4b:s20+s4] =	stream.strided.scatter [tilespmem:s1], [sflag:$0x1], $0x1000, s5, s4, $0x38;
	[tilespmem:$0x1000] =	vst v63  }
0x137: {  	s21 =	sadd.s32 $0x2C40, s3  }
0x138: {  	[hbm4b:s21+s4] =	stream.strided.scatter [tilespmem:s1], [sflag:$0x1], $0x1000, s5, s4, $0x38;
	[tilespmem:$0x1000] =	vst v63  }
0x139: {  	[dreg:$0x9] =	wrdreg s22;
	s22 =	sadd.s32 $0x3000, s3  }
0x13a: {  	[hbm4b:s22+s4] =	stream.strided.scatter [tilespmem:s1], [sflag:$0x1], $0x1000, s5, s4, $0x38;
	[tilespmem:$0x1000] =	vst v63  }
0x13b: {  	s8 =	smov.u32 s23;
	s23 =	sadd.s32 $0x3040, s3  }
0x13c: {  	[hbm4b:s23+s4] =	stream.strided.scatter [tilespmem:s1], [sflag:$0x1], $0x1000, s5, s4, $0x38;
	[tilespmem:$0x1000] =	vst v63  }
0x13d: {  	s9 =	smov.u32 s24;
	s24 =	sadd.s32 $0x3400, s3  }
0x13e: {  	[hbm4b:s24+s4] =	stream.strided.scatter [tilespmem:s1], [sflag:$0x1], $0x1000, s5, s4, $0x38;
	[tilespmem:$0x1000] =	vst v63  }
0x13f: {  	s10 =	smov.u32 s25;
	s25 =	sadd.s32 $0x3440, s3  }
0x140: {  	[hbm4b:s25+s4] =	stream.strided.scatter [tilespmem:s1], [sflag:$0x1], $0x1000, s5, s4, $0x38;
	[tilespmem:$0x1000] =	vst v63  }
0x141: {  	s7 =	smov.u32 s26;
	s26 =	sadd.s32 $0x3800, s3  }
0x142: {  	[hbm4b:s26+s4] =	stream.strided.scatter [tilespmem:s1], [sflag:$0x1], $0x1000, s5, s4, $0x38;
	[tilespmem:$0x1000] =	vst v63  }
0x143: {  	s28 =	sadd.s32 $0x3840, s3  }
0x144: {  	[hbm4b:s28+s4] =	stream.strided.scatter [tilespmem:s1], [sflag:$0x1], $0x1000, s5, s4, $0x38;
	[tilespmem:$0x1000] =	vst v63  }
0x145: {  	s29 =	sadd.s32 $0x3C00, s3  }
0x146: {  	[hbm4b:s29+s4] =	stream.strided.scatter [tilespmem:s1], [sflag:$0x1], $0x1000, s5, s4, $0x38;
	[tilespmem:$0x1000] =	vst v63  }
0x147: {  	s31 =	simm.s32 $0x1;
	s30 =	sadd.s32 $0x3C40, s3  }
0x148: {  	[hbm4b:s30+s4] =	stream.strided.scatter [tilespmem:s1], [sflag:$0x1], $0x1000, s5, s4, $0x38;
	[tilespmem:$0x1000] =	vst v63  }
0x149: {  	_ =	swait.ge [sflag:s31], $0x1000  }
0x14a: {  	[sflag:s31] =	ssyncset.done $0x0  }
0x14b: {  	[sflag:s31] =	ssyncadd.s32 $0xFFFFF000  }
0x14c: {  	_ =	swait.ge [sflag:s31], $0x1000  }
0x14d: {  	[sflag:s31] =	ssyncset.done $0x0  }
0x14e: {  	[sflag:s31] =	ssyncadd.s32 $0xFFFFF000  }
0x14f: {  	_ =	swait.ge [sflag:s31], $0x1000  }
0x150: {  	[sflag:s31] =	ssyncset.done $0x0  }
0x151: {  	[sflag:s31] =	ssyncadd.s32 $0xFFFFF000  }
0x152: {  	_ =	swait.ge [sflag:s31], $0x1000  }
0x153: {  	[sflag:s31] =	ssyncset.done $0x0  }
0x154: {  	[sflag:s31] =	ssyncadd.s32 $0xFFFFF000  }
0x155: {  	_ =	swait.ge [sflag:s31], $0x1000  }
0x156: {  	[sflag:s31] =	ssyncset.done $0x0  }
0x157: {  	[sflag:s31] =	ssyncadd.s32 $0xFFFFF000  }
0x158: {  	_ =	swait.ge [sflag:s31], $0x1000  }
0x159: {  	[sflag:s31] =	ssyncset.done $0x0  }
0x15a: {  	[sflag:s31] =	ssyncadd.s32 $0xFFFFF000  }
0x15b: {  	_ =	swait.ge [sflag:s31], $0x1000  }
0x15c: {  	[sflag:s31] =	ssyncset.done $0x0  }
0x15d: {  	[sflag:s31] =	ssyncadd.s32 $0xFFFFF000  }
0x15e: {  	_ =	swait.ge [sflag:s31], $0x1000  }
0x15f: {  	[sflag:s31] =	ssyncset.done $0x0  }
0x160: {  	[sflag:s31] =	ssyncadd.s32 $0xFFFFF000  }
0x161: {  	_ =	swait.ge [sflag:s31], $0x1000  }
0x162: {  	[sflag:s31] =	ssyncset.done $0x0  }
0x163: {  	[sflag:s31] =	ssyncadd.s32 $0xFFFFF000  }
0x164: {  	_ =	swait.ge [sflag:s31], $0x1000  }
0x165: {  	[sflag:s31] =	ssyncset.done $0x0  }
0x166: {  	[sflag:s31] =	ssyncadd.s32 $0xFFFFF000  }
0x167: {  	_ =	swait.ge [sflag:s31], $0x1000  }
0x168: {  	[sflag:s31] =	ssyncset.done $0x0  }
0x169: {  	[sflag:s31] =	ssyncadd.s32 $0xFFFFF000  }
0x16a: {  	_ =	swait.ge [sflag:s31], $0x1000  }
0x16b: {  	[sflag:s31] =	ssyncset.done $0x0  }
0x16c: {  	[sflag:s31] =	ssyncadd.s32 $0xFFFFF000  }
0x16d: {  	_ =	swait.ge [sflag:s31], $0x1000  }
0x16e: {  	[sflag:s31] =	ssyncset.done $0x0  }
0x16f: {  	[sflag:s31] =	ssyncadd.s32 $0xFFFFF000  }
0x170: {  	_ =	swait.ge [sflag:s31], $0x1000  }
0x171: {  	[sflag:s31] =	ssyncset.done $0x0  }
0x172: {  	[sflag:s31] =	ssyncadd.s32 $0xFFFFF000  }
0x173: {  	_ =	swait.ge [sflag:s31], $0x1000  }
0x174: {  	[sflag:s31] =	ssyncset.done $0x0  }
0x175: {  	[sflag:s31] =	ssyncadd.s32 $0xFFFFF000  }
0x176: {  	_ =	swait.ge [sflag:s31], $0x1000  }
0x177: {  	[sflag:s31] =	ssyncset.done $0x0  }
0x178: {  	[sflag:s31] =	ssyncadd.s32 $0xFFFFF000  }
0x179: {  	_ =	swait.ge [sflag:s31], $0x1000  }
0x17a: {  	[sflag:s31] =	ssyncset.done $0x0  }
0x17b: {  	[sflag:s31] =	ssyncadd.s32 $0xFFFFF000  }
0x17c: {  	_ =	swait.ge [sflag:s31], $0x1000  }
0x17d: {  	[sflag:s31] =	ssyncset.done $0x0  }
0x17e: {  	[sflag:s31] =	ssyncadd.s32 $0xFFFFF000  }
0x17f: {  	_ =	swait.ge [sflag:s31], $0x1000  }
0x180: {  	[sflag:s31] =	ssyncset.done $0x0  }
0x181: {  	[sflag:s31] =	ssyncadd.s32 $0xFFFFF000  }
0x182: {  	_ =	swait.ge [sflag:s31], $0x1000  }
0x183: {  	[sflag:s31] =	ssyncset.done $0x0  }
0x184: {  	[sflag:s31] =	ssyncadd.s32 $0xFFFFF000  }
0x185: {  	_ =	swait.ge [sflag:s31], $0x1000  }
0x186: {  	[sflag:s31] =	ssyncset.done $0x0  }
0x187: {  	[sflag:s31] =	ssyncadd.s32 $0xFFFFF000  }
0x188: {  	_ =	swait.ge [sflag:s31], $0x1000  }
0x189: {  	[sflag:s31] =	ssyncset.done $0x0  }
0x18a: {  	[sflag:s31] =	ssyncadd.s32 $0xFFFFF000  }
0x18b: {  	_ =	swait.ge [sflag:s31], $0x1000  }
0x18c: {  	[sflag:s31] =	ssyncset.done $0x0  }
0x18d: {  	[sflag:s31] =	ssyncadd.s32 $0xFFFFF000  }
0x18e: {  	_ =	swait.ge [sflag:s31], $0x1000  }
0x18f: {  	[sflag:s31] =	ssyncset.done $0x0  }
0x190: {  	[sflag:s31] =	ssyncadd.s32 $0xFFFFF000  }
0x191: {  	_ =	swait.ge [sflag:s31], $0x1000  }
0x192: {  	[sflag:s31] =	ssyncset.done $0x0  }
0x193: {  	[sflag:s31] =	ssyncadd.s32 $0xFFFFF000  }
0x194: {  	_ =	swait.ge [sflag:s31], $0x1000  }
0x195: {  	[sflag:s31] =	ssyncset.done $0x0  }
0x196: {  	[sflag:s31] =	ssyncadd.s32 $0xFFFFF000  }
0x197: {  	_ =	swait.ge [sflag:s31], $0x1000  }
0x198: {  	[sflag:s31] =	ssyncset.done $0x0  }
0x199: {  	[sflag:s31] =	ssyncadd.s32 $0xFFFFF000  }
0x19a: {  	_ =	swait.ge [sflag:s31], $0x1000  }
0x19b: {  	[sflag:s31] =	ssyncset.done $0x0  }
0x19c: {  	[sflag:s31] =	ssyncadd.s32 $0xFFFFF000  }
0x19d: {  	_ =	swait.ge [sflag:s31], $0x1000  }
0x19e: {  	s6 =	ssub.s32 $0x2, s2;
	[sflag:s31] =	ssyncset.done $0x0  }
0x19f: {  	s2 =	sshrl.u32 s6, $0x1;
	[sflag:s31] =	ssyncadd.s32 $0xFFFFF000  }
0x1a0: {  	s0 =	ssub.s32 s6, s2;
	_ =	swait.ge [sflag:s31], $0x1000  }
0x1a1: {  	s0 =	smax.u32 s0, $0x1;
	[sflag:s31] =	ssyncset.done $0x0  }
0x1a2: {  	p0 =	sne.s32 s0, $0x1;
	[sflag:s31] =	ssyncadd.s32 $0xFFFFF000  }
.Ltmp0:
0x1a3: {  	_ =	swait.ge [sflag:s31], $0x1000;
	(pc) =	sbr.rel @!p0 .LBB2_3-.Ltmp0, $4  }
0x1a4: {  	[sflag:s31] =	ssyncset.done $0x0  }
0x1a5: {  	[sflag:s31] =	ssyncadd.s32 $0xFFFFF000  }
0x1a6: {  	_ =	swait.ge [sflag:s31], $0x1000  }
0x1a7: {  	s0 =	sadd.s32 $0xFFFFFFFF, s0;
	[sflag:s31] =	ssyncset.done $0x0  }
0x1a8: {  	s6 =	smov.u32 s3  }
.LBB2_2:
0x1a9: {  	[sflag:s31] =	ssyncadd.s32 $0xFFFFF000  }
0x1aa: {  	[tilespmem:$0x20] =	vst v0  }
0x1ab: {  	[tilespmem:$0x30] =	vst v0  }
0x1ac: {  	[tilespmem:$0x40] =	vst v0  }
0x1ad: {  	[tilespmem:$0x50] =	vst v0  }
0x1ae: {  	[tilespmem:$0x60] =	vst v0  }
0x1af: {  	[tilespmem:$0x70] =	vst v0  }
0x1b0: {  	[tilespmem:$0x0] =	vst v0  }
0x1b1: {  	[tilespmem:$0xFF0] =	vst v0  }
0x1b2: {  	[tilespmem:$0xFE0] =	vst v0  }
0x1b3: {  	[tilespmem:$0xFD0] =	vst v0  }
0x1b4: {  	[tilespmem:$0xFC0] =	vst v0  }
0x1b5: {  	[tilespmem:$0xFB0] =	vst v0  }
0x1b6: {  	[tilespmem:$0xFA0] =	vst v0  }
0x1b7: {  	[tilespmem:$0xF90] =	vst v0  }
0x1b8: {  	[tilespmem:$0xF80] =	vst v0  }
0x1b9: {  	[tilespmem:$0xDF0] =	vst v0  }
0x1ba: {  	[tilespmem:$0xDE0] =	vst v0  }
0x1bb: {  	[tilespmem:$0xDD0] =	vst v0  }
0x1bc: {  	[tilespmem:$0xDC0] =	vst v0  }
0x1bd: {  	[tilespmem:$0xDB0] =	vst v0  }
0x1be: {  	[tilespmem:$0xDA0] =	vst v0  }
0x1bf: {  	[tilespmem:$0xD90] =	vst v0  }
0x1c0: {  	[tilespmem:$0xD80] =	vst v0  }
0x1c1: {  	[tilespmem:$0xBF0] =	vst v0  }
0x1c2: {  	[tilespmem:$0xBE0] =	vst v0  }
0x1c3: {  	[tilespmem:$0xBD0] =	vst v0  }
0x1c4: {  	[tilespmem:$0xBC0] =	vst v0  }
0x1c5: {  	[tilespmem:$0xBB0] =	vst v0  }
0x1c6: {  	[tilespmem:$0xBA0] =	vst v0  }
0x1c7: {  	[tilespmem:$0xB90] =	vst v0  }
0x1c8: {  	[tilespmem:$0xB80] =	vst v0  }
0x1c9: {  	[tilespmem:$0x9F0] =	vst v0  }
0x1ca: {  	[tilespmem:$0x9E0] =	vst v0  }
0x1cb: {  	[tilespmem:$0x9D0] =	vst v0  }
0x1cc: {  	[tilespmem:$0x9C0] =	vst v0  }
0x1cd: {  	[tilespmem:$0x9B0] =	vst v0  }
0x1ce: {  	[tilespmem:$0x9A0] =	vst v0  }
0x1cf: {  	[tilespmem:$0x990] =	vst v0  }
0x1d0: {  	[tilespmem:$0x980] =	vst v0  }
0x1d1: {  	[tilespmem:$0x7F0] =	vst v0  }
0x1d2: {  	[tilespmem:$0x7E0] =	vst v0  }
0x1d3: {  	[tilespmem:$0x7D0] =	vst v0  }
0x1d4: {  	[tilespmem:$0x7C0] =	vst v0  }
0x1d5: {  	[tilespmem:$0x7B0] =	vst v0  }
0x1d6: {  	[tilespmem:$0x7A0] =	vst v0  }
0x1d7: {  	[tilespmem:$0x790] =	vst v0  }
0x1d8: {  	[tilespmem:$0x780] =	vst v0  }
0x1d9: {  	[tilespmem:$0x5F0] =	vst v0  }
0x1da: {  	[tilespmem:$0x5E0] =	vst v0  }
0x1db: {  	[tilespmem:$0x5D0] =	vst v0  }
0x1dc: {  	[tilespmem:$0x5C0] =	vst v0  }
0x1dd: {  	[tilespmem:$0x5B0] =	vst v0  }
0x1de: {  	[tilespmem:$0x5A0] =	vst v0  }
0x1df: {  	[tilespmem:$0x590] =	vst v0  }
0x1e0: {  	[tilespmem:$0x580] =	vst v0  }
0x1e1: {  	[tilespmem:$0x3F0] =	vst v0  }
0x1e2: {  	[tilespmem:$0x3E0] =	vst v0  }
0x1e3: {  	[tilespmem:$0x3D0] =	vst v0  }
0x1e4: {  	[tilespmem:$0x3C0] =	vst v0  }
0x1e5: {  	[tilespmem:$0x3B0] =	vst v0  }
0x1e6: {  	[tilespmem:$0x3A0] =	vst v0  }
0x1e7: {  	[tilespmem:$0x390] =	vst v0  }
0x1e8: {  	[tilespmem:$0x380] =	vst v0  }
0x1e9: {  	[tilespmem:$0x1F0] =	vst v0  }
0x1ea: {  	[tilespmem:$0x1E0] =	vst v0  }
0x1eb: {  	[tilespmem:$0x1D0] =	vst v0  }
0x1ec: {  	[tilespmem:$0x1C0] =	vst v0  }
0x1ed: {  	[tilespmem:$0x1B0] =	vst v0  }
0x1ee: {  	[tilespmem:$0x1A0] =	vst v0  }
0x1ef: {  	[tilespmem:$0x190] =	vst v0  }
0x1f0: {  	[tilespmem:$0x180] =	vst v0  }
0x1f1: {  	[tilespmem:$0xF30] =	vst v0  }
0x1f2: {  	[tilespmem:$0xF70] =	vst v0  }
0x1f3: {  	[tilespmem:$0xF60] =	vst v0  }
0x1f4: {  	[tilespmem:$0xF50] =	vst v0  }
0x1f5: {  	[tilespmem:$0xF40] =	vst v0  }
0x1f6: {  	[tilespmem:$0xF20] =	vst v0  }
0x1f7: {  	[tilespmem:$0xF10] =	vst v0  }
0x1f8: {  	[tilespmem:$0xF00] =	vst v0  }
0x1f9: {  	[tilespmem:$0xD70] =	vst v0  }
0x1fa: {  	[tilespmem:$0xD60] =	vst v0  }
0x1fb: {  	[tilespmem:$0xD50] =	vst v0  }
0x1fc: {  	[tilespmem:$0xD40] =	vst v0  }
0x1fd: {  	[tilespmem:$0xD30] =	vst v0  }
0x1fe: {  	[tilespmem:$0xD20] =	vst v0  }
0x1ff: {  	[tilespmem:$0xD10] =	vst v0  }
0x200: {  	[tilespmem:$0xD00] =	vst v0  }
0x201: {  	[tilespmem:$0xB70] =	vst v0  }
0x202: {  	[tilespmem:$0xB60] =	vst v0  }
0x203: {  	[tilespmem:$0xB50] =	vst v0  }
0x204: {  	[tilespmem:$0xB40] =	vst v0  }
0x205: {  	[tilespmem:$0xB30] =	vst v0  }
0x206: {  	[tilespmem:$0xB20] =	vst v0  }
0x207: {  	[tilespmem:$0xB10] =	vst v0  }
0x208: {  	[tilespmem:$0xB00] =	vst v0  }
0x209: {  	[tilespmem:$0x970] =	vst v0  }
0x20a: {  	[tilespmem:$0x960] =	vst v0  }
0x20b: {  	[tilespmem:$0x950] =	vst v0  }
0x20c: {  	[tilespmem:$0x940] =	vst v0  }
0x20d: {  	[tilespmem:$0x930] =	vst v0  }
0x20e: {  	[tilespmem:$0x920] =	vst v0  }
0x20f: {  	[tilespmem:$0x910] =	vst v0  }
0x210: {  	[tilespmem:$0x900] =	vst v0  }
0x211: {  	[tilespmem:$0x770] =	vst v0  }
0x212: {  	[tilespmem:$0x760] =	vst v0  }
0x213: {  	[tilespmem:$0x750] =	vst v0  }
0x214: {  	[tilespmem:$0x740] =	vst v0  }
0x215: {  	[tilespmem:$0x730] =	vst v0  }
0x216: {  	[tilespmem:$0x720] =	vst v0  }
0x217: {  	[tilespmem:$0x710] =	vst v0  }
0x218: {  	[tilespmem:$0x700] =	vst v0  }
0x219: {  	[tilespmem:$0x570] =	vst v0  }
0x21a: {  	[tilespmem:$0x560] =	vst v0  }
0x21b: {  	[tilespmem:$0x550] =	vst v0  }
0x21c: {  	[tilespmem:$0x540] =	vst v0  }
0x21d: {  	[tilespmem:$0x530] =	vst v0  }
0x21e: {  	[tilespmem:$0x520] =	vst v0  }
0x21f: {  	[tilespmem:$0x510] =	vst v0  }
0x220: {  	[tilespmem:$0x500] =	vst v0  }
0x221: {  	[tilespmem:$0x370] =	vst v0  }
0x222: {  	[tilespmem:$0x360] =	vst v0  }
0x223: {  	[tilespmem:$0x350] =	vst v0  }
0x224: {  	[tilespmem:$0x340] =	vst v0  }
0x225: {  	[tilespmem:$0x330] =	vst v0  }
0x226: {  	[tilespmem:$0x320] =	vst v0  }
0x227: {  	[tilespmem:$0x310] =	vst v0  }
0x228: {  	[tilespmem:$0x300] =	vst v0  }
0x229: {  	[tilespmem:$0x170] =	vst v0  }
0x22a: {  	[tilespmem:$0x160] =	vst v0  }
0x22b: {  	[tilespmem:$0x150] =	vst v0  }
0x22c: {  	[tilespmem:$0x140] =	vst v0  }
0x22d: {  	[tilespmem:$0x130] =	vst v0  }
0x22e: {  	[tilespmem:$0x120] =	vst v0  }
0x22f: {  	[tilespmem:$0x110] =	vst v0  }
0x230: {  	[tilespmem:$0x100] =	vst v0  }
0x231: {  	[tilespmem:$0xEF0] =	vst v0  }
0x232: {  	[tilespmem:$0xEE0] =	vst v0  }
0x233: {  	[tilespmem:$0xED0] =	vst v0  }
0x234: {  	[tilespmem:$0xEC0] =	vst v0  }
0x235: {  	[tilespmem:$0xEB0] =	vst v0  }
0x236: {  	[tilespmem:$0xEA0] =	vst v0  }
0x237: {  	[tilespmem:$0xE90] =	vst v0  }
0x238: {  	[tilespmem:$0xE80] =	vst v0  }
0x239: {  	[tilespmem:$0xCF0] =	vst v0  }
0x23a: {  	[tilespmem:$0xCE0] =	vst v0  }
0x23b: {  	[tilespmem:$0xCD0] =	vst v0  }
0x23c: {  	[tilespmem:$0xCC0] =	vst v0  }
0x23d: {  	[tilespmem:$0xCB0] =	vst v0  }
0x23e: {  	[tilespmem:$0xCA0] =	vst v0  }
0x23f: {  	[tilespmem:$0xC90] =	vst v0  }
0x240: {  	[tilespmem:$0xC80] =	vst v0  }
0x241: {  	[tilespmem:$0xAF0] =	vst v0  }
0x242: {  	[tilespmem:$0xAE0] =	vst v0  }
0x243: {  	[tilespmem:$0xAD0] =	vst v0  }
0x244: {  	[tilespmem:$0xAC0] =	vst v0  }
0x245: {  	[tilespmem:$0xAB0] =	vst v0  }
0x246: {  	[tilespmem:$0xAA0] =	vst v0  }
0x247: {  	[tilespmem:$0xA90] =	vst v0  }
0x248: {  	[tilespmem:$0xA80] =	vst v0  }
0x249: {  	[tilespmem:$0x8F0] =	vst v0  }
0x24a: {  	[tilespmem:$0x8E0] =	vst v0  }
0x24b: {  	[tilespmem:$0x8D0] =	vst v0  }
0x24c: {  	[tilespmem:$0x8C0] =	vst v0  }
0x24d: {  	[tilespmem:$0x8B0] =	vst v0  }
0x24e: {  	[tilespmem:$0x8A0] =	vst v0  }
0x24f: {  	[tilespmem:$0x890] =	vst v0  }
0x250: {  	[tilespmem:$0x880] =	vst v0  }
0x251: {  	[tilespmem:$0x6F0] =	vst v0  }
0x252: {  	[tilespmem:$0x6E0] =	vst v0  }
0x253: {  	[tilespmem:$0x6D0] =	vst v0  }
0x254: {  	[tilespmem:$0x6C0] =	vst v0  }
0x255: {  	[tilespmem:$0x6B0] =	vst v0  }
0x256: {  	[tilespmem:$0x6A0] =	vst v0  }
0x257: {  	[tilespmem:$0x690] =	vst v0  }
0x258: {  	[tilespmem:$0x680] =	vst v0  }
0x259: {  	[tilespmem:$0x4F0] =	vst v0  }
0x25a: {  	[tilespmem:$0x4E0] =	vst v0  }
0x25b: {  	[tilespmem:$0x4D0] =	vst v0  }
0x25c: {  	[tilespmem:$0x4C0] =	vst v0  }
0x25d: {  	[tilespmem:$0x4B0] =	vst v0  }
0x25e: {  	[tilespmem:$0x4A0] =	vst v0  }
0x25f: {  	[tilespmem:$0x490] =	vst v0  }
0x260: {  	[tilespmem:$0x480] =	vst v0  }
0x261: {  	[tilespmem:$0x2F0] =	vst v0  }
0x262: {  	[tilespmem:$0x2E0] =	vst v0  }
0x263: {  	[tilespmem:$0x2D0] =	vst v0  }
0x264: {  	[tilespmem:$0x2C0] =	vst v0  }
0x265: {  	[tilespmem:$0x2B0] =	vst v0  }
0x266: {  	[tilespmem:$0x2A0] =	vst v0  }
0x267: {  	[tilespmem:$0x290] =	vst v0  }
0x268: {  	[tilespmem:$0x280] =	vst v0  }
0x269: {  	[tilespmem:$0xF0] =	vst v0  }
0x26a: {  	[tilespmem:$0xE0] =	vst v0  }
0x26b: {  	[tilespmem:$0xD0] =	vst v0  }
0x26c: {  	[tilespmem:$0xC0] =	vst v0  }
0x26d: {  	[tilespmem:$0xB0] =	vst v0  }
0x26e: {  	[tilespmem:$0xA0] =	vst v0  }
0x26f: {  	[tilespmem:$0x90] =	vst v0  }
0x270: {  	[tilespmem:$0x80] =	vst v0  }
0x271: {  	[tilespmem:$0xE70] =	vst v0  }
0x272: {  	[tilespmem:$0xE60] =	vst v0  }
0x273: {  	[tilespmem:$0xE50] =	vst v0  }
0x274: {  	[tilespmem:$0xE40] =	vst v0  }
0x275: {  	[tilespmem:$0xE30] =	vst v0  }
0x276: {  	[tilespmem:$0xE20] =	vst v0  }
0x277: {  	[tilespmem:$0xE10] =	vst v0  }
0x278: {  	[tilespmem:$0xE00] =	vst v0  }
0x279: {  	[tilespmem:$0xC70] =	vst v0  }
0x27a: {  	[tilespmem:$0xC60] =	vst v0  }
0x27b: {  	[tilespmem:$0xC50] =	vst v0  }
0x27c: {  	[tilespmem:$0xC40] =	vst v0  }
0x27d: {  	[tilespmem:$0xC30] =	vst v0  }
0x27e: {  	[tilespmem:$0xC20] =	vst v0  }
0x27f: {  	[tilespmem:$0xC10] =	vst v0  }
0x280: {  	[tilespmem:$0xC00] =	vst v0  }
0x281: {  	[tilespmem:$0xA70] =	vst v0  }
0x282: {  	[tilespmem:$0xA60] =	vst v0  }
0x283: {  	[tilespmem:$0xA50] =	vst v0  }
0x284: {  	[tilespmem:$0xA40] =	vst v0  }
0x285: {  	[tilespmem:$0xA30] =	vst v0  }
0x286: {  	[tilespmem:$0xA20] =	vst v0  }
0x287: {  	[tilespmem:$0xA10] =	vst v0  }
0x288: {  	[tilespmem:$0xA00] =	vst v0  }
0x289: {  	[tilespmem:$0x870] =	vst v0  }
0x28a: {  	[tilespmem:$0x860] =	vst v0  }
0x28b: {  	[tilespmem:$0x850] =	vst v0  }
0x28c: {  	[tilespmem:$0x840] =	vst v0  }
0x28d: {  	[tilespmem:$0x830] =	vst v0  }
0x28e: {  	[tilespmem:$0x820] =	vst v0  }
0x28f: {  	[tilespmem:$0x810] =	vst v0  }
0x290: {  	[tilespmem:$0x800] =	vst v0  }
0x291: {  	[tilespmem:$0x670] =	vst v0  }
0x292: {  	[tilespmem:$0x660] =	vst v0  }
0x293: {  	[tilespmem:$0x650] =	vst v0  }
0x294: {  	[tilespmem:$0x640] =	vst v0  }
0x295: {  	[tilespmem:$0x630] =	vst v0  }
0x296: {  	[tilespmem:$0x620] =	vst v0  }
0x297: {  	[tilespmem:$0x610] =	vst v0  }
0x298: {  	[tilespmem:$0x600] =	vst v0  }
0x299: {  	[tilespmem:$0x470] =	vst v0  }
0x29a: {  	[tilespmem:$0x460] =	vst v0  }
0x29b: {  	[tilespmem:$0x450] =	vst v0  }
0x29c: {  	[tilespmem:$0x440] =	vst v0  }
0x29d: {  	[tilespmem:$0x430] =	vst v0  }
0x29e: {  	[tilespmem:$0x420] =	vst v0  }
0x29f: {  	[tilespmem:$0x410] =	vst v0  }
0x2a0: {  	[tilespmem:$0x400] =	vst v0  }
0x2a1: {  	[tilespmem:$0x270] =	vst v0  }
0x2a2: {  	[tilespmem:$0x260] =	vst v0  }
0x2a3: {  	[tilespmem:$0x250] =	vst v0  }
0x2a4: {  	[tilespmem:$0x240] =	vst v0  }
0x2a5: {  	[tilespmem:$0x230] =	vst v0  }
0x2a6: {  	[tilespmem:$0x220] =	vst v0  }
0x2a7: {  	[tilespmem:$0x210] =	vst v0  }
0x2a8: {  	[tilespmem:$0x200] =	vst v0  }
0x2a9: {  	[tilespmem:$0x10] =	vst v0  }
0x2aa: {  	[hbm4b:s6+s4] =	stream.strided.scatter [tilespmem:s1], [sflag:$0x1], $0x1000, s5, s4, $0x38;
	[tilespmem:$0x1000] =	vst v63  }
0x2ab: {  	s2 =	rddreg [dreg:$0x2]  }
0x2ac: {  	[hbm4b:s2+s4] =	stream.strided.scatter [tilespmem:s1], [sflag:$0x1], $0x1000, s5, s4, $0x38;
	[tilespmem:$0x1000] =	vst v63  }
0x2ad: {  	s3 =	rddreg [dreg:$0x3]  }
0x2ae: {  	[hbm4b:s3+s4] =	stream.strided.scatter [tilespmem:s1], [sflag:$0x1], $0x1000, s5, s4, $0x38;
	[tilespmem:$0x1000] =	vst v63  }
0x2af: {  	s2 =	rddreg [dreg:$0x4]  }
0x2b0: {  	[hbm4b:s2+s4] =	stream.strided.scatter [tilespmem:s1], [sflag:$0x1], $0x1000, s5, s4, $0x38;
	[tilespmem:$0x1000] =	vst v63  }
0x2b1: {  	s3 =	rddreg [dreg:$0x5]  }
0x2b2: {  	[hbm4b:s3+s4] =	stream.strided.scatter [tilespmem:s1], [sflag:$0x1], $0x1000, s5, s4, $0x38;
	[tilespmem:$0x1000] =	vst v63  }
0x2b3: {  	s2 =	rddreg [dreg:$0x6]  }
0x2b4: {  	[hbm4b:s2+s4] =	stream.strided.scatter [tilespmem:s1], [sflag:$0x1], $0x1000, s5, s4, $0x38;
	[tilespmem:$0x1000] =	vst v63  }
0x2b5: {  	s3 =	rddreg [dreg:$0x7]  }
0x2b6: {  	[hbm4b:s3+s4] =	stream.strided.scatter [tilespmem:s1], [sflag:$0x1], $0x1000, s5, s4, $0x38;
	[tilespmem:$0x1000] =	vst v63  }
0x2b7: {  	s2 =	rddreg [dreg:$0x8]  }
0x2b8: {  	[hbm4b:s2+s4] =	stream.strided.scatter [tilespmem:s1], [sflag:$0x1], $0x1000, s5, s4, $0x38;
	[tilespmem:$0x1000] =	vst v63  }
0x2b9: {  	s3 =	rddreg [dreg:$0x9]  }
0x2ba: {  	[hbm4b:s3+s4] =	stream.strided.scatter [tilespmem:s1], [sflag:$0x1], $0x1000, s5, s4, $0x38;
	[tilespmem:$0x1000] =	vst v63  }
0x2bb: {  	_ = 	snop  }
0x2bc: {  	[hbm4b:s8+s4] =	stream.strided.scatter [tilespmem:s1], [sflag:$0x1], $0x1000, s5, s4, $0x38;
	[tilespmem:$0x1000] =	vst v63  }
0x2bd: {  	_ = 	snop  }
0x2be: {  	[hbm4b:s9+s4] =	stream.strided.scatter [tilespmem:s1], [sflag:$0x1], $0x1000, s5, s4, $0x38;
	[tilespmem:$0x1000] =	vst v63  }
0x2bf: {  	_ = 	snop  }
0x2c0: {  	[hbm4b:s10+s4] =	stream.strided.scatter [tilespmem:s1], [sflag:$0x1], $0x1000, s5, s4, $0x38;
	[tilespmem:$0x1000] =	vst v63  }
0x2c1: {  	_ = 	snop  }
0x2c2: {  	[hbm4b:s7+s4] =	stream.strided.scatter [tilespmem:s1], [sflag:$0x1], $0x1000, s5, s4, $0x38;
	[tilespmem:$0x1000] =	vst v63  }
0x2c3: {  	_ = 	snop  }
0x2c4: {  	[hbm4b:s11+s4] =	stream.strided.scatter [tilespmem:s1], [sflag:$0x1], $0x1000, s5, s4, $0x38;
	[tilespmem:$0x1000] =	vst v63  }
0x2c5: {  	_ = 	snop  }
0x2c6: {  	[hbm4b:s12+s4] =	stream.strided.scatter [tilespmem:s1], [sflag:$0x1], $0x1000, s5, s4, $0x38;
	[tilespmem:$0x1000] =	vst v63  }
0x2c7: {  	_ = 	snop  }
0x2c8: {  	[hbm4b:s13+s4] =	stream.strided.scatter [tilespmem:s1], [sflag:$0x1], $0x1000, s5, s4, $0x38;
	[tilespmem:$0x1000] =	vst v63  }
0x2c9: {  	_ = 	snop  }
0x2ca: {  	[hbm4b:s14+s4] =	stream.strided.scatter [tilespmem:s1], [sflag:$0x1], $0x1000, s5, s4, $0x38;
	[tilespmem:$0x1000] =	vst v63  }
0x2cb: {  	_ = 	snop  }
0x2cc: {  	[hbm4b:s15+s4] =	stream.strided.scatter [tilespmem:s1], [sflag:$0x1], $0x1000, s5, s4, $0x38;
	[tilespmem:$0x1000] =	vst v63  }
0x2cd: {  	_ = 	snop  }
0x2ce: {  	[hbm4b:s16+s4] =	stream.strided.scatter [tilespmem:s1], [sflag:$0x1], $0x1000, s5, s4, $0x38;
	[tilespmem:$0x1000] =	vst v63  }
0x2cf: {  	_ = 	snop  }
0x2d0: {  	[hbm4b:s17+s4] =	stream.strided.scatter [tilespmem:s1], [sflag:$0x1], $0x1000, s5, s4, $0x38;
	[tilespmem:$0x1000] =	vst v63  }
0x2d1: {  	_ = 	snop  }
0x2d2: {  	[hbm4b:s18+s4] =	stream.strided.scatter [tilespmem:s1], [sflag:$0x1], $0x1000, s5, s4, $0x38;
	[tilespmem:$0x1000] =	vst v63  }
0x2d3: {  	_ = 	snop  }
0x2d4: {  	[hbm4b:s19+s4] =	stream.strided.scatter [tilespmem:s1], [sflag:$0x1], $0x1000, s5, s4, $0x38;
	[tilespmem:$0x1000] =	vst v63  }
0x2d5: {  	_ = 	snop  }
0x2d6: {  	[hbm4b:s20+s4] =	stream.strided.scatter [tilespmem:s1], [sflag:$0x1], $0x1000, s5, s4, $0x38;
	[tilespmem:$0x1000] =	vst v63  }
0x2d7: {  	_ = 	snop  }
0x2d8: {  	[hbm4b:s21+s4] =	stream.strided.scatter [tilespmem:s1], [sflag:$0x1], $0x1000, s5, s4, $0x38;
	[tilespmem:$0x1000] =	vst v63  }
0x2d9: {  	_ = 	snop  }
0x2da: {  	[hbm4b:s22+s4] =	stream.strided.scatter [tilespmem:s1], [sflag:$0x1], $0x1000, s5, s4, $0x38;
	[tilespmem:$0x1000] =	vst v63  }
0x2db: {  	_ = 	snop  }
0x2dc: {  	[hbm4b:s23+s4] =	stream.strided.scatter [tilespmem:s1], [sflag:$0x1], $0x1000, s5, s4, $0x38;
	[tilespmem:$0x1000] =	vst v63  }
0x2dd: {  	_ = 	snop  }
0x2de: {  	[hbm4b:s24+s4] =	stream.strided.scatter [tilespmem:s1], [sflag:$0x1], $0x1000, s5, s4, $0x38;
	[tilespmem:$0x1000] =	vst v63  }
0x2df: {  	_ = 	snop  }
0x2e0: {  	[hbm4b:s25+s4] =	stream.strided.scatter [tilespmem:s1], [sflag:$0x1], $0x1000, s5, s4, $0x38;
	[tilespmem:$0x1000] =	vst v63  }
0x2e1: {  	_ = 	snop  }
0x2e2: {  	[hbm4b:s26+s4] =	stream.strided.scatter [tilespmem:s1], [sflag:$0x1], $0x1000, s5, s4, $0x38;
	[tilespmem:$0x1000] =	vst v63  }
0x2e3: {  	_ = 	snop  }
0x2e4: {  	[hbm4b:s28+s4] =	stream.strided.scatter [tilespmem:s1], [sflag:$0x1], $0x1000, s5, s4, $0x38;
	[tilespmem:$0x1000] =	vst v63  }
0x2e5: {  	_ = 	snop  }
0x2e6: {  	[hbm4b:s29+s4] =	stream.strided.scatter [tilespmem:s1], [sflag:$0x1], $0x1000, s5, s4, $0x38;
	[tilespmem:$0x1000] =	vst v63  }
0x2e7: {  	_ = 	snop  }
0x2e8: {  	[hbm4b:s30+s4] =	stream.strided.scatter [tilespmem:s1], [sflag:$0x1], $0x1000, s5, s4, $0x38;
	[tilespmem:$0x1000] =	vst v63  }
0x2e9: {  	_ =	swait.ge [sflag:s31], $0x1000  }
0x2ea: {  	[sflag:s31] =	ssyncset.done $0x0  }
0x2eb: {  	[sflag:s31] =	ssyncadd.s32 $0xFFFFF000  }
0x2ec: {  	_ =	swait.ge [sflag:s31], $0x1000  }
0x2ed: {  	[sflag:s31] =	ssyncset.done $0x0  }
0x2ee: {  	[sflag:s31] =	ssyncadd.s32 $0xFFFFF000  }
0x2ef: {  	_ =	swait.ge [sflag:s31], $0x1000  }
0x2f0: {  	[sflag:s31] =	ssyncset.done $0x0  }
0x2f1: {  	[sflag:s31] =	ssyncadd.s32 $0xFFFFF000  }
0x2f2: {  	_ =	swait.ge [sflag:s31], $0x1000  }
0x2f3: {  	[sflag:s31] =	ssyncset.done $0x0  }
0x2f4: {  	[sflag:s31] =	ssyncadd.s32 $0xFFFFF000  }
0x2f5: {  	_ =	swait.ge [sflag:s31], $0x1000  }
0x2f6: {  	[sflag:s31] =	ssyncset.done $0x0  }
0x2f7: {  	[sflag:s31] =	ssyncadd.s32 $0xFFFFF000  }
0x2f8: {  	_ =	swait.ge [sflag:s31], $0x1000  }
0x2f9: {  	[sflag:s31] =	ssyncset.done $0x0  }
0x2fa: {  	[sflag:s31] =	ssyncadd.s32 $0xFFFFF000  }
0x2fb: {  	_ =	swait.ge [sflag:s31], $0x1000  }
0x2fc: {  	[sflag:s31] =	ssyncset.done $0x0  }
0x2fd: {  	[sflag:s31] =	ssyncadd.s32 $0xFFFFF000  }
0x2fe: {  	_ =	swait.ge [sflag:s31], $0x1000  }
0x2ff: {  	[sflag:s31] =	ssyncset.done $0x0  }
0x300: {  	[sflag:s31] =	ssyncadd.s32 $0xFFFFF000  }
0x301: {  	_ =	swait.ge [sflag:s31], $0x1000  }
0x302: {  	[sflag:s31] =	ssyncset.done $0x0  }
0x303: {  	[sflag:s31] =	ssyncadd.s32 $0xFFFFF000  }
0x304: {  	_ =	swait.ge [sflag:s31], $0x1000  }
0x305: {  	[sflag:s31] =	ssyncset.done $0x0  }
0x306: {  	[sflag:s31] =	ssyncadd.s32 $0xFFFFF000  }
0x307: {  	_ =	swait.ge [sflag:s31], $0x1000  }
0x308: {  	[sflag:s31] =	ssyncset.done $0x0  }
0x309: {  	[sflag:s31] =	ssyncadd.s32 $0xFFFFF000  }
0x30a: {  	_ =	swait.ge [sflag:s31], $0x1000  }
0x30b: {  	[sflag:s31] =	ssyncset.done $0x0  }
0x30c: {  	[sflag:s31] =	ssyncadd.s32 $0xFFFFF000  }
0x30d: {  	_ =	swait.ge [sflag:s31], $0x1000  }
0x30e: {  	[sflag:s31] =	ssyncset.done $0x0  }
0x30f: {  	[sflag:s31] =	ssyncadd.s32 $0xFFFFF000  }
0x310: {  	_ =	swait.ge [sflag:s31], $0x1000  }
0x311: {  	[sflag:s31] =	ssyncset.done $0x0  }
0x312: {  	[sflag:s31] =	ssyncadd.s32 $0xFFFFF000  }
0x313: {  	_ =	swait.ge [sflag:s31], $0x1000  }
0x314: {  	[sflag:s31] =	ssyncset.done $0x0  }
0x315: {  	[sflag:s31] =	ssyncadd.s32 $0xFFFFF000  }
0x316: {  	_ =	swait.ge [sflag:s31], $0x1000  }
0x317: {  	[sflag:s31] =	ssyncset.done $0x0  }
0x318: {  	[sflag:s31] =	ssyncadd.s32 $0xFFFFF000  }
0x319: {  	_ =	swait.ge [sflag:s31], $0x1000  }
0x31a: {  	[sflag:s31] =	ssyncset.done $0x0  }
0x31b: {  	[sflag:s31] =	ssyncadd.s32 $0xFFFFF000  }
0x31c: {  	_ =	swait.ge [sflag:s31], $0x1000  }
0x31d: {  	[sflag:s31] =	ssyncset.done $0x0  }
0x31e: {  	[sflag:s31] =	ssyncadd.s32 $0xFFFFF000  }
0x31f: {  	_ =	swait.ge [sflag:s31], $0x1000  }
0x320: {  	[sflag:s31] =	ssyncset.done $0x0  }
0x321: {  	[sflag:s31] =	ssyncadd.s32 $0xFFFFF000  }
0x322: {  	_ =	swait.ge [sflag:s31], $0x1000  }
0x323: {  	[sflag:s31] =	ssyncset.done $0x0  }
0x324: {  	[sflag:s31] =	ssyncadd.s32 $0xFFFFF000  }
0x325: {  	_ =	swait.ge [sflag:s31], $0x1000  }
0x326: {  	[sflag:s31] =	ssyncset.done $0x0  }
0x327: {  	[sflag:s31] =	ssyncadd.s32 $0xFFFFF000  }
0x328: {  	_ =	swait.ge [sflag:s31], $0x1000  }
0x329: {  	[sflag:s31] =	ssyncset.done $0x0  }
0x32a: {  	[sflag:s31] =	ssyncadd.s32 $0xFFFFF000  }
0x32b: {  	_ =	swait.ge [sflag:s31], $0x1000  }
0x32c: {  	[sflag:s31] =	ssyncset.done $0x0  }
0x32d: {  	[sflag:s31] =	ssyncadd.s32 $0xFFFFF000  }
0x32e: {  	_ =	swait.ge [sflag:s31], $0x1000  }
0x32f: {  	[sflag:s31] =	ssyncset.done $0x0  }
0x330: {  	[sflag:s31] =	ssyncadd.s32 $0xFFFFF000  }
0x331: {  	_ =	swait.ge [sflag:s31], $0x1000  }
0x332: {  	[sflag:s31] =	ssyncset.done $0x0  }
0x333: {  	[sflag:s31] =	ssyncadd.s32 $0xFFFFF000  }
0x334: {  	_ =	swait.ge [sflag:s31], $0x1000  }
0x335: {  	[sflag:s31] =	ssyncset.done $0x0  }
0x336: {  	[sflag:s31] =	ssyncadd.s32 $0xFFFFF000  }
0x337: {  	_ =	swait.ge [sflag:s31], $0x1000  }
0x338: {  	[sflag:s31] =	ssyncset.done $0x0  }
0x339: {  	[sflag:s31] =	ssyncadd.s32 $0xFFFFF000  }
0x33a: {  	_ =	swait.ge [sflag:s31], $0x1000  }
0x33b: {  	[sflag:s31] =	ssyncset.done $0x0  }
0x33c: {  	[sflag:s31] =	ssyncadd.s32 $0xFFFFF000  }
0x33d: {  	_ =	swait.ge [sflag:s31], $0x1000  }
0x33e: {  	[sflag:s31] =	ssyncset.done $0x0  }
0x33f: {  	[sflag:s31] =	ssyncadd.s32 $0xFFFFF000  }
0x340: {  	_ =	swait.ge [sflag:s31], $0x1000  }
0x341: {  	[sflag:s31] =	ssyncset.done $0x0  }
0x342: {  	p0 =	sne.s32 s0, $0x1;
	[sflag:s31] =	ssyncadd.s32 $0xFFFFF000  }
.Ltmp1:
0x343: {  	_ =	swait.ge [sflag:s31], $0x1000;
	(pc) =	sbr.rel @p0 .LBB2_2-.Ltmp1, $4  }
0x344: {  	[sflag:s31] =	ssyncset.done $0x0  }
0x345: {  	[sflag:s31] =	ssyncadd.s32 $0xFFFFF000  }
0x346: {  	_ =	swait.ge [sflag:s31], $0x1000  }
0x347: {  	s0 =	sadd.s32 $0xFFFFFFFF, s0;
	[sflag:s31] =	ssyncset.done $0x0  }
.LBB2_3:
0x348: {  	[sflag:s31] =	ssyncadd.s32 $0xFFFFF000  }
0x349: {  	_ =	sfence.sel $0x180000  }
0x34a: {  	[bflag:$0x0] =	sbarrier.arrive $0xFFFF  }
0x34b: {  	_ =	strace $0x90000047  }
0x34c: {  	s0 =	stileid.u32;
	[bflag:$0x2] =	sbarrier.arrive $0xFFFF  }
0x34d: {  	p0 =	sne.s32 s0, $0x0;
	s0 =	rddreg [dreg:$0x1]  }
0x34e: {  	s0 =	sadd.s32 @!p0 $0x100000, s0  }
0x34f: {  	[sflag:s0] =	ssyncadd.tile.s32 @!p0 $0x1;
	_ =	shalt  }
.Lfunc_end2:
_tile_overlayer_lowered:
.L_overlay_start_2:
0x350: {  	(tag) =	ssettag $0x2  }
0x351: {  	s0 =	rddreg [dreg:$0x0];
	s2 =	stileid.u32  }
0x352: {  	s1 =	rddreg [dreg:$0x1];
	p0 =	sne.s32 s2, $0x0  }
0x353: {  	s3 =	rddreg [dreg:$0x2];
	[bflag:$0x3] =	sbarrier.arrive $0xFFFF;
	s2 =	simm.s32 @!p0 $0x1C02  }
0x354: {  	[timem:s3], [sflag:s2] =	dma.local @!p0 [hbm:s0], s1  }
0x355: {  	s0 =	simm.s32 @!p0 $0x2  }
0x356: {  	_ =	swait.ge @!p0 [sflag:s0], s1  }
0x357: {  	s1 =	ssub.s32 @!p0 $0x0, s1;
	[sflag:s0] =	ssyncset.done @!p0 $0x0  }
0x358: {  	[sflag:s0] =	ssyncadd.s32 @!p0 s1  }
0x359: {  	[bflag:$0x3] =	sbarrier.arrive $0xFFFF  }
0x35a: {  	_ =	shalt  }

</sc_bundles>
